<compile_context>
chip_gen: v7x
topology: tpu7x:2x2x1
jax: 0.10.2.dev20260603
libtpu: 0.0.44.dev20260713+nightly
codegen_flags: <defaults>
</compile_context>

<pallas_src>
import functools
import math

import jax
import jax.numpy as jnp
from jax import lax
from jax.experimental import pallas as pl
from jax.experimental.pallas import tpu as pltpu
from jax.experimental.pallas import tpu_sc as plsc

D_MODEL = 64
SCALE = math.sqrt(D_MODEL)
LANES = 16
W = 128
NB = 4
NW = 32


def kernel(x, table):
    b, s = x.shape
    v = table.shape[0]
    ib_per_j = b // W
    n_items = ib_per_j * s
    per_tile = n_items // NW
    rounds = per_tile // NB
    mesh = plsc.VectorSubcoreMesh(core_axis_name="core", subcore_axis_name="subcore")

    @functools.partial(
        pl.kernel,
        out_type=jax.ShapeDtypeStruct((s * D_MODEL, b), table.dtype),
        mesh=mesh,
        compiler_params=pltpu.CompilerParams(needs_layout_passes=False),
        scratch_types=(
            [pltpu.VMEM((8, W), jnp.int32) for _ in range(NB)]
            + [pltpu.VMEM((W,), jnp.int32) for _ in range(NB)]
            + [pltpu.VMEM((8, LANES), jnp.int32) for _ in range(NB)]
            + [pltpu.VMEM((W, 2 * D_MODEL), jnp.float32) for _ in range(NB)]
            + [pltpu.VMEM((D_MODEL, W), jnp.float32) for _ in range(NB)]
            + [pltpu.SemaphoreType.DMA for _ in range(3 * NB)]
        ),
    )
    def run(table_hbm, xt_hbm, out_hbm, *scr):
        idxr = scr[:NB]
        idx2 = scr[NB:2 * NB]
        cbas = scr[2 * NB:3 * NB]
        gbuf = scr[3 * NB:4 * NB]
        tbuf = scr[4 * NB:5 * NB]
        isem = scr[5 * NB:6 * NB]
        gsem = scr[6 * NB:7 * NB]
        wsem = scr[7 * NB:8 * NB]
        wid = lax.axis_index("core") * 16 + lax.axis_index("subcore")
        m0 = wid * per_tile

        iota16 = lax.iota(jnp.int32, LANES)
        row_ids = [k * LANES + iota16 for k in range(W // LANES)]
        rot = [(iota16 + s2) & (LANES - 1) for s2 in range(LANES)]

        def decode(m):
            j = m // ib_per_j
            i0 = (m % ib_per_j) * W
            return j, i0

        def idx_start(bf, m):
            j, i0 = decode(m)
            jb = (j // 8) * 8
            pltpu.make_async_copy(
                xt_hbm.at[pl.ds(jb, 8), pl.ds(i0, W)], idxr[bf], isem[bf]).start()

        def idx_finish(bf, m):
            j, i0 = decode(m)
            jb = (j // 8) * 8
            pltpu.make_async_copy(
                xt_hbm.at[pl.ds(jb, 8), pl.ds(i0, W)], idxr[bf], isem[bf]).wait()
            jr = j - jb
            for k in range(W // LANES):
                raw = idxr[bf].at[jr, pl.ds(k * LANES, LANES)][...]
                idx2[bf].at[pl.ds(k * LANES, LANES)][...] = raw >> 1
                cbas[bf].at[k][...] = (raw & 1) * D_MODEL

        def gather_start(bf):
            pltpu.make_async_copy(
                table_hbm.at[idx2[bf]], gbuf[bf], gsem[bf]).start()

        def gather_wait(bf):
            pltpu.make_async_copy(
                table_hbm.at[idx2[bf]], gbuf[bf], gsem[bf]).wait()

        def write_start(bf, m):
            j, i0 = decode(m)
            pltpu.make_async_copy(
                tbuf[bf], out_hbm.at[pl.ds(j * D_MODEL, D_MODEL), pl.ds(i0, W)],
                wsem[bf]).start()

        def write_wait(bf, m):
            j, i0 = decode(m)
            pltpu.make_async_copy(
                tbuf[bf], out_hbm.at[pl.ds(j * D_MODEL, D_MODEL), pl.ds(i0, W)],
                wsem[bf]).wait()

        def transpose_scale(bf):
            src, dst = gbuf[bf], tbuf[bf]

            @pl.loop(0, W // LANES)
            def _(k):
                rowv = k * LANES + iota16
                ck = cbas[bf].at[k][...]

                @plsc.parallel_loop(0, D_MODEL, step=LANES)
                def _(d0):
                    base = ck + d0
                    for s2 in range(LANES):
                        vec = plsc.load_gather(src, [rowv, base + rot[s2]])
                        plsc.store_scatter(dst, [d0 + rot[s2], rowv],
                                           vec * SCALE)

        for bf in range(NB):
            idx_start(bf, m0 + bf)
        for bf in range(NB):
            idx_finish(bf, m0 + bf)
            gather_start(bf)

        @pl.loop(0, rounds)
        def _(r):
            for bf in range(NB):
                m = m0 + r * NB + bf
                gather_wait(bf)

                @pl.when(r + 1 < rounds)
                def _():
                    idx_start(bf, m + NB)

                @pl.when(r > 0)
                def _():
                    write_wait(bf, m - NB)

                transpose_scale(bf)
                write_start(bf, m)

                @pl.when(r + 1 < rounds)
                def _():
                    idx_finish(bf, m + NB)
                    gather_start(bf)

        for bf in range(NB):
            write_wait(bf, m0 + per_tile - NB + bf)

    out2 = run(table.reshape(v // 2, 2 * D_MODEL), x.astype(jnp.int32).T)
    return jnp.transpose(out2.reshape(s, D_MODEL, b), (2, 0, 1))

# --- scband reference (transcript-rebuilt; emitter-appended) ---
"""Pipeline reference for scband-input-embedding-16827681865810 (READ-ONLY COPY).

The authoritative reference and input builder live on the scoring server;
editing this copy changes nothing except your own understanding.
"""

import jax, jax.numpy as jnp
import numpy as np
import math

D_MODEL = 64
VOCAB_SIZE = 1000000

def setup_inputs(seed: int = 0) -> dict:
    key = jax.random.key(seed)
    k1, k2 = jax.random.split(key)
    x = jax.random.randint(k1, (16384, 50), 0, VOCAB_SIZE, dtype=jnp.int64 if jax.config.jax_enable_x64 else jnp.int32)
    table = jax.random.normal(k2, (VOCAB_SIZE, D_MODEL), dtype=jnp.float32)
    return {"x": x, "table": table}

def reference(x, table):
    embedded_input = jnp.take(table, x, axis=0)
    scaled_embedding = embedded_input * math.sqrt(D_MODEL)
    return scaled_embedding

if __name__ == "__main__":
    import jax
    _d = setup_inputs()
    print(jax.jit(kernel)(*tuple(_d.values())))

</pallas_src>

<mosaic_0001>
#map = affine_map<(d0, d1) -> (0, 0)>
module attributes {stable_mosaic.version = 14 : i64} {
  func.func @run(%arg0: i32, %arg1: i32, %arg2: memref<500000x128xf32, #tpu.memory_space<hbm>>, %arg3: memref<50x16384xi32, #tpu.memory_space<hbm>>, %arg4: memref<3200x16384xf32, #tpu.memory_space<hbm>>, %arg5: memref<8x128xi32, #tpu.memory_space<vmem>>, %arg6: memref<8x128xi32, #tpu.memory_space<vmem>>, %arg7: memref<8x128xi32, #tpu.memory_space<vmem>>, %arg8: memref<8x128xi32, #tpu.memory_space<vmem>>, %arg9: memref<128xi32, #tpu.memory_space<vmem>>, %arg10: memref<128xi32, #tpu.memory_space<vmem>>, %arg11: memref<128xi32, #tpu.memory_space<vmem>>, %arg12: memref<128xi32, #tpu.memory_space<vmem>>, %arg13: memref<8x16xi32, #tpu.memory_space<vmem>>, %arg14: memref<8x16xi32, #tpu.memory_space<vmem>>, %arg15: memref<8x16xi32, #tpu.memory_space<vmem>>, %arg16: memref<8x16xi32, #tpu.memory_space<vmem>>, %arg17: memref<128x128xf32, #tpu.memory_space<vmem>>, %arg18: memref<128x128xf32, #tpu.memory_space<vmem>>, %arg19: memref<128x128xf32, #tpu.memory_space<vmem>>, %arg20: memref<128x128xf32, #tpu.memory_space<vmem>>, %arg21: memref<64x128xf32, #tpu.memory_space<vmem>>, %arg22: memref<64x128xf32, #tpu.memory_space<vmem>>, %arg23: memref<64x128xf32, #tpu.memory_space<vmem>>, %arg24: memref<64x128xf32, #tpu.memory_space<vmem>>, %arg25: memref<!tpu.dma_semaphore, #tpu.memory_space<semaphore_mem>>, %arg26: memref<!tpu.dma_semaphore, #tpu.memory_space<semaphore_mem>>, %arg27: memref<!tpu.dma_semaphore, #tpu.memory_space<semaphore_mem>>, %arg28: memref<!tpu.dma_semaphore, #tpu.memory_space<semaphore_mem>>, %arg29: memref<!tpu.dma_semaphore, #tpu.memory_space<semaphore_mem>>, %arg30: memref<!tpu.dma_semaphore, #tpu.memory_space<semaphore_mem>>, %arg31: memref<!tpu.dma_semaphore, #tpu.memory_space<semaphore_mem>>, %arg32: memref<!tpu.dma_semaphore, #tpu.memory_space<semaphore_mem>>, %arg33: memref<!tpu.dma_semaphore, #tpu.memory_space<semaphore_mem>>, %arg34: memref<!tpu.dma_semaphore, #tpu.memory_space<semaphore_mem>>, %arg35: memref<!tpu.dma_semaphore, #tpu.memory_space<semaphore_mem>>, %arg36: memref<!tpu.dma_semaphore, #tpu.memory_space<semaphore_mem>>) attributes {dimension_semantics = [#tpu.dimension_semantics<core_parallel>, #tpu.dimension_semantics<subcore_parallel>], iteration_bounds = array<i64: 2, 16>, scalar_prefetch = 0 : i64, scratch_operands = 32 : i64, tpu.core_type = #tpu.core_type<sc_vector_subcore>, window_params = [{transform_indices = #map}, {transform_indices = #map}, {transform_indices = #map}]} {
    %mul3A = arith.constant 16 : i32
    %mul3A_0 = arith.muli %arg0, %mul3A : i32
    %add3A = arith.addi %mul3A_0, %arg1 : i32
    %mul3A_1 = arith.constant 200 : i32
    %mul3A_2 = arith.muli %add3A, %mul3A_1 : i32
    %iota3A = tpu.iota {dimensions = array<i32: 0>} : vector<16xi32>
    %add3A_3 = arith.constant 0 : i32
    %add3A_4 = vector.broadcast %add3A_3 : i32 to vector<16xi32>
    %add3A_5 = arith.addi %add3A_4, %iota3A : vector<16xi32>
    %add3A_6 = arith.constant 16 : i32
    %add3A_7 = vector.broadcast %add3A_6 : i32 to vector<16xi32>
    %add3A_8 = arith.addi %add3A_7, %iota3A : vector<16xi32>
    %add3A_9 = arith.constant 32 : i32
    %add3A_10 = vector.broadcast %add3A_9 : i32 to vector<16xi32>
    %add3A_11 = arith.addi %add3A_10, %iota3A : vector<16xi32>
    %add3A_12 = arith.constant 48 : i32
    %add3A_13 = vector.broadcast %add3A_12 : i32 to vector<16xi32>
    %add3A_14 = arith.addi %add3A_13, %iota3A : vector<16xi32>
    %add3A_15 = arith.constant 64 : i32
    %add3A_16 = vector.broadcast %add3A_15 : i32 to vector<16xi32>
    %add3A_17 = arith.addi %add3A_16, %iota3A : vector<16xi32>
    %add3A_18 = arith.constant 80 : i32
    %add3A_19 = vector.broadcast %add3A_18 : i32 to vector<16xi32>
    %add3A_20 = arith.addi %add3A_19, %iota3A : vector<16xi32>
    %add3A_21 = arith.constant 96 : i32
    %add3A_22 = vector.broadcast %add3A_21 : i32 to vector<16xi32>
    %add3A_23 = arith.addi %add3A_22, %iota3A : vector<16xi32>
    %add3A_24 = arith.constant 112 : i32
    %add3A_25 = vector.broadcast %add3A_24 : i32 to vector<16xi32>
    %add3A_26 = arith.addi %add3A_25, %iota3A : vector<16xi32>
    %add3A_27 = arith.constant 0 : i32
    %add3A_28 = vector.broadcast %add3A_27 : i32 to vector<16xi32>
    %add3A_29 = arith.addi %iota3A, %add3A_28 : vector<16xi32>
    %and3A = arith.constant 15 : i32
    %and3A_30 = vector.broadcast %and3A : i32 to vector<16xi32>
    %and3A_31 = arith.andi %add3A_29, %and3A_30 : vector<16xi32>
    %add3A_32 = arith.constant 1 : i32
    %add3A_33 = vector.broadcast %add3A_32 : i32 to vector<16xi32>
    %add3A_34 = arith.addi %iota3A, %add3A_33 : vector<16xi32>
    %and3A_35 = arith.constant 15 : i32
    %and3A_36 = vector.broadcast %and3A_35 : i32 to vector<16xi32>
    %and3A_37 = arith.andi %add3A_34, %and3A_36 : vector<16xi32>
    %add3A_38 = arith.constant 2 : i32
    %add3A_39 = vector.broadcast %add3A_38 : i32 to vector<16xi32>
    %add3A_40 = arith.addi %iota3A, %add3A_39 : vector<16xi32>
    %and3A_41 = arith.constant 15 : i32
    %and3A_42 = vector.broadcast %and3A_41 : i32 to vector<16xi32>
    %and3A_43 = arith.andi %add3A_40, %and3A_42 : vector<16xi32>
    %add3A_44 = arith.constant 3 : i32
    %add3A_45 = vector.broadcast %add3A_44 : i32 to vector<16xi32>
    %add3A_46 = arith.addi %iota3A, %add3A_45 : vector<16xi32>
    %and3A_47 = arith.constant 15 : i32
    %and3A_48 = vector.broadcast %and3A_47 : i32 to vector<16xi32>
    %and3A_49 = arith.andi %add3A_46, %and3A_48 : vector<16xi32>
    %add3A_50 = arith.constant 4 : i32
    %add3A_51 = vector.broadcast %add3A_50 : i32 to vector<16xi32>
    %add3A_52 = arith.addi %iota3A, %add3A_51 : vector<16xi32>
    %and3A_53 = arith.constant 15 : i32
    %and3A_54 = vector.broadcast %and3A_53 : i32 to vector<16xi32>
    %and3A_55 = arith.andi %add3A_52, %and3A_54 : vector<16xi32>
    %add3A_56 = arith.constant 5 : i32
    %add3A_57 = vector.broadcast %add3A_56 : i32 to vector<16xi32>
    %add3A_58 = arith.addi %iota3A, %add3A_57 : vector<16xi32>
    %and3A_59 = arith.constant 15 : i32
    %and3A_60 = vector.broadcast %and3A_59 : i32 to vector<16xi32>
    %and3A_61 = arith.andi %add3A_58, %and3A_60 : vector<16xi32>
    %add3A_62 = arith.constant 6 : i32
    %add3A_63 = vector.broadcast %add3A_62 : i32 to vector<16xi32>
    %add3A_64 = arith.addi %iota3A, %add3A_63 : vector<16xi32>
    %and3A_65 = arith.constant 15 : i32
    %and3A_66 = vector.broadcast %and3A_65 : i32 to vector<16xi32>
    %and3A_67 = arith.andi %add3A_64, %and3A_66 : vector<16xi32>
    %add3A_68 = arith.constant 7 : i32
    %add3A_69 = vector.broadcast %add3A_68 : i32 to vector<16xi32>
    %add3A_70 = arith.addi %iota3A, %add3A_69 : vector<16xi32>
    %and3A_71 = arith.constant 15 : i32
    %and3A_72 = vector.broadcast %and3A_71 : i32 to vector<16xi32>
    %and3A_73 = arith.andi %add3A_70, %and3A_72 : vector<16xi32>
    %add3A_74 = arith.constant 8 : i32
    %add3A_75 = vector.broadcast %add3A_74 : i32 to vector<16xi32>
    %add3A_76 = arith.addi %iota3A, %add3A_75 : vector<16xi32>
    %and3A_77 = arith.constant 15 : i32
    %and3A_78 = vector.broadcast %and3A_77 : i32 to vector<16xi32>
    %and3A_79 = arith.andi %add3A_76, %and3A_78 : vector<16xi32>
    %add3A_80 = arith.constant 9 : i32
    %add3A_81 = vector.broadcast %add3A_80 : i32 to vector<16xi32>
    %add3A_82 = arith.addi %iota3A, %add3A_81 : vector<16xi32>
    %and3A_83 = arith.constant 15 : i32
    %and3A_84 = vector.broadcast %and3A_83 : i32 to vector<16xi32>
    %and3A_85 = arith.andi %add3A_82, %and3A_84 : vector<16xi32>
    %add3A_86 = arith.constant 10 : i32
    %add3A_87 = vector.broadcast %add3A_86 : i32 to vector<16xi32>
    %add3A_88 = arith.addi %iota3A, %add3A_87 : vector<16xi32>
    %and3A_89 = arith.constant 15 : i32
    %and3A_90 = vector.broadcast %and3A_89 : i32 to vector<16xi32>
    %and3A_91 = arith.andi %add3A_88, %and3A_90 : vector<16xi32>
    %add3A_92 = arith.constant 11 : i32
    %add3A_93 = vector.broadcast %add3A_92 : i32 to vector<16xi32>
    %add3A_94 = arith.addi %iota3A, %add3A_93 : vector<16xi32>
    %and3A_95 = arith.constant 15 : i32
    %and3A_96 = vector.broadcast %and3A_95 : i32 to vector<16xi32>
    %and3A_97 = arith.andi %add3A_94, %and3A_96 : vector<16xi32>
    %add3A_98 = arith.constant 12 : i32
    %add3A_99 = vector.broadcast %add3A_98 : i32 to vector<16xi32>
    %add3A_100 = arith.addi %iota3A, %add3A_99 : vector<16xi32>
    %and3A_101 = arith.constant 15 : i32
    %and3A_102 = vector.broadcast %and3A_101 : i32 to vector<16xi32>
    %and3A_103 = arith.andi %add3A_100, %and3A_102 : vector<16xi32>
    %add3A_104 = arith.constant 13 : i32
    %add3A_105 = vector.broadcast %add3A_104 : i32 to vector<16xi32>
    %add3A_106 = arith.addi %iota3A, %add3A_105 : vector<16xi32>
    %and3A_107 = arith.constant 15 : i32
    %and3A_108 = vector.broadcast %and3A_107 : i32 to vector<16xi32>
    %and3A_109 = arith.andi %add3A_106, %and3A_108 : vector<16xi32>
    %add3A_110 = arith.constant 14 : i32
    %add3A_111 = vector.broadcast %add3A_110 : i32 to vector<16xi32>
    %add3A_112 = arith.addi %iota3A, %add3A_111 : vector<16xi32>
    %and3A_113 = arith.constant 15 : i32
    %and3A_114 = vector.broadcast %and3A_113 : i32 to vector<16xi32>
    %and3A_115 = arith.andi %add3A_112, %and3A_114 : vector<16xi32>
    %add3A_116 = arith.constant 15 : i32
    %add3A_117 = vector.broadcast %add3A_116 : i32 to vector<16xi32>
    %add3A_118 = arith.addi %iota3A, %add3A_117 : vector<16xi32>
    %and3A_119 = arith.constant 15 : i32
    %and3A_120 = vector.broadcast %and3A_119 : i32 to vector<16xi32>
    %and3A_121 = arith.andi %add3A_118, %and3A_120 : vector<16xi32>
    %add3A_122 = arith.constant 0 : i32
    %add3A_123 = arith.addi %mul3A_2, %add3A_122 : i32
    %jit3A = arith.constant 128 : i32
    %div3A = arith.divsi %add3A_123, %jit3A : i32
    %sign3A = arith.constant 0 : i32
    %sign3A_124 = arith.cmpi sgt, %add3A_123, %sign3A : i32
    %sign3A_125 = arith.extui %sign3A_124 : i1 to i32
    %sign3A_126 = arith.constant 0 : i32
    %sign3A_127 = arith.cmpi slt, %add3A_123, %sign3A_126 : i32
    %sign3A_128 = arith.extui %sign3A_127 : i1 to i32
    %sign3A_129 = arith.subi %sign3A_125, %sign3A_128 : i32
    %sign3A_130 = arith.constant 0 : i32
    %sign3A_131 = arith.cmpi sgt, %jit3A, %sign3A_130 : i32
    %sign3A_132 = arith.extui %sign3A_131 : i1 to i32
    %sign3A_133 = arith.constant 0 : i32
    %sign3A_134 = arith.cmpi slt, %jit3A, %sign3A_133 : i32
    %sign3A_135 = arith.extui %sign3A_134 : i1 to i32
    %sign3A_136 = arith.subi %sign3A_132, %sign3A_135 : i32
    %ne3A = arith.cmpi ne, %sign3A_129, %sign3A_136 : i32
    %rem3A = arith.remsi %add3A_123, %jit3A : i32
    %ne3A_137 = arith.constant 0 : i32
    %ne3A_138 = arith.cmpi ne, %rem3A, %ne3A_137 : i32
    %and3A_139 = arith.andi %ne3A, %ne3A_138 : i1
    %sub3A = arith.constant 1 : i32
    %sub3A_140 = arith.subi %div3A, %sub3A : i32
    %select_n3A = arith.select %and3A_139, %sub3A_140, %div3A : i32
    %jit3A_141 = arith.constant 128 : i32
    %eq3A = arith.constant 0 : i32
    %eq3A_142 = arith.cmpi eq, %jit3A_141, %eq3A : i32
    %jit3A_143 = arith.constant 1 : i32
    %select_n3A_144 = arith.select %eq3A_142, %jit3A_143, %jit3A_141 : i32
    %rem3A_145 = arith.remsi %add3A_123, %select_n3A_144 : i32
    %ne3A_146 = arith.constant 0 : i32
    %ne3A_147 = arith.cmpi ne, %rem3A_145, %ne3A_146 : i32
    %lt3A = arith.constant 0 : i32
    %lt3A_148 = arith.cmpi slt, %rem3A_145, %lt3A : i32
    %lt3A_149 = arith.constant 0 : i32
    %lt3A_150 = arith.cmpi slt, %select_n3A_144, %lt3A_149 : i32
    %ne3A_151 = arith.xori %lt3A_148, %lt3A_150 : i1
    %and3A_152 = arith.andi %ne3A_151, %ne3A_147 : i1
    %add3A_153 = arith.addi %rem3A_145, %select_n3A_144 : i32
    %select_n3A_154 = arith.select %and3A_152, %add3A_153, %rem3A_145 : i32
    %mul3A_155 = arith.constant 128 : i32
    %mul3A_156 = arith.muli %select_n3A_154, %mul3A_155 : i32
    %jit3A_157 = arith.constant 8 : i32
    %div3A_158 = arith.divsi %select_n3A, %jit3A_157 : i32
    %sign3A_159 = arith.constant 0 : i32
    %sign3A_160 = arith.cmpi sgt, %select_n3A, %sign3A_159 : i32
    %sign3A_161 = arith.extui %sign3A_160 : i1 to i32
    %sign3A_162 = arith.constant 0 : i32
    %sign3A_163 = arith.cmpi slt, %select_n3A, %sign3A_162 : i32
    %sign3A_164 = arith.extui %sign3A_163 : i1 to i32
    %sign3A_165 = arith.subi %sign3A_161, %sign3A_164 : i32
    %sign3A_166 = arith.constant 0 : i32
    %sign3A_167 = arith.cmpi sgt, %jit3A_157, %sign3A_166 : i32
    %sign3A_168 = arith.extui %sign3A_167 : i1 to i32
    %sign3A_169 = arith.constant 0 : i32
    %sign3A_170 = arith.cmpi slt, %jit3A_157, %sign3A_169 : i32
    %sign3A_171 = arith.extui %sign3A_170 : i1 to i32
    %sign3A_172 = arith.subi %sign3A_168, %sign3A_171 : i32
    %ne3A_173 = arith.cmpi ne, %sign3A_165, %sign3A_172 : i32
    %rem3A_174 = arith.remsi %select_n3A, %jit3A_157 : i32
    %ne3A_175 = arith.constant 0 : i32
    %ne3A_176 = arith.cmpi ne, %rem3A_174, %ne3A_175 : i32
    %and3A_177 = arith.andi %ne3A_173, %ne3A_176 : i1
    %sub3A_178 = arith.constant 1 : i32
    %sub3A_179 = arith.subi %div3A_158, %sub3A_178 : i32
    %select_n3A_180 = arith.select %and3A_177, %sub3A_179, %div3A_158 : i32
    %mul3A_181 = arith.constant 8 : i32
    %mul3A_182 = arith.muli %select_n3A_180, %mul3A_181 : i32
    %dma_start3A = tpu.memref_slice %arg3[%mul3A_182, %mul3A_156] : memref<50x16384xi32, #tpu.memory_space<hbm>> -> memref<8x128xi32, #tpu.memory_space<hbm>>
    %dma_start3A_183 = tpu.memref_slice %arg3[%mul3A_182, %mul3A_156] : memref<50x16384xi32, #tpu.memory_space<hbm>> -> memref<8x128xi32, #tpu.memory_space<hbm>>
    tpu.enqueue_dma source(%dma_start3A_183 : memref<8x128xi32, #tpu.memory_space<hbm>>) target(%arg5 : memref<8x128xi32, #tpu.memory_space<vmem>>) target_semaphore(%arg25 : memref<!tpu.dma_semaphore, #tpu.memory_space<semaphore_mem>>)
    %add3A_184 = arith.constant 1 : i32
    %add3A_185 = arith.addi %mul3A_2, %add3A_184 : i32
    %jit3A_186 = arith.constant 128 : i32
    %div3A_187 = arith.divsi %add3A_185, %jit3A_186 : i32
    %sign3A_188 = arith.constant 0 : i32
    %sign3A_189 = arith.cmpi sgt, %add3A_185, %sign3A_188 : i32
    %sign3A_190 = arith.extui %sign3A_189 : i1 to i32
    %sign3A_191 = arith.constant 0 : i32
    %sign3A_192 = arith.cmpi slt, %add3A_185, %sign3A_191 : i32
    %sign3A_193 = arith.extui %sign3A_192 : i1 to i32
    %sign3A_194 = arith.subi %sign3A_190, %sign3A_193 : i32
    %sign3A_195 = arith.constant 0 : i32
    %sign3A_196 = arith.cmpi sgt, %jit3A_186, %sign3A_195 : i32
    %sign3A_197 = arith.extui %sign3A_196 : i1 to i32
    %sign3A_198 = arith.constant 0 : i32
    %sign3A_199 = arith.cmpi slt, %jit3A_186, %sign3A_198 : i32
    %sign3A_200 = arith.extui %sign3A_199 : i1 to i32
    %sign3A_201 = arith.subi %sign3A_197, %sign3A_200 : i32
    %ne3A_202 = arith.cmpi ne, %sign3A_194, %sign3A_201 : i32
    %rem3A_203 = arith.remsi %add3A_185, %jit3A_186 : i32
    %ne3A_204 = arith.constant 0 : i32
    %ne3A_205 = arith.cmpi ne, %rem3A_203, %ne3A_204 : i32
    %and3A_206 = arith.andi %ne3A_202, %ne3A_205 : i1
    %sub3A_207 = arith.constant 1 : i32
    %sub3A_208 = arith.subi %div3A_187, %sub3A_207 : i32
    %select_n3A_209 = arith.select %and3A_206, %sub3A_208, %div3A_187 : i32
    %jit3A_210 = arith.constant 128 : i32
    %eq3A_211 = arith.constant 0 : i32
    %eq3A_212 = arith.cmpi eq, %jit3A_210, %eq3A_211 : i32
    %jit3A_213 = arith.constant 1 : i32
    %select_n3A_214 = arith.select %eq3A_212, %jit3A_213, %jit3A_210 : i32
    %rem3A_215 = arith.remsi %add3A_185, %select_n3A_214 : i32
    %ne3A_216 = arith.constant 0 : i32
    %ne3A_217 = arith.cmpi ne, %rem3A_215, %ne3A_216 : i32
    %lt3A_218 = arith.constant 0 : i32
    %lt3A_219 = arith.cmpi slt, %rem3A_215, %lt3A_218 : i32
    %lt3A_220 = arith.constant 0 : i32
    %lt3A_221 = arith.cmpi slt, %select_n3A_214, %lt3A_220 : i32
    %ne3A_222 = arith.xori %lt3A_219, %lt3A_221 : i1
    %and3A_223 = arith.andi %ne3A_222, %ne3A_217 : i1
    %add3A_224 = arith.addi %rem3A_215, %select_n3A_214 : i32
    %select_n3A_225 = arith.select %and3A_223, %add3A_224, %rem3A_215 : i32
    %mul3A_226 = arith.constant 128 : i32
    %mul3A_227 = arith.muli %select_n3A_225, %mul3A_226 : i32
    %jit3A_228 = arith.constant 8 : i32
    %div3A_229 = arith.divsi %select_n3A_209, %jit3A_228 : i32
    %sign3A_230 = arith.constant 0 : i32
    %sign3A_231 = arith.cmpi sgt, %select_n3A_209, %sign3A_230 : i32
    %sign3A_232 = arith.extui %sign3A_231 : i1 to i32
    %sign3A_233 = arith.constant 0 : i32
    %sign3A_234 = arith.cmpi slt, %select_n3A_209, %sign3A_233 : i32
    %sign3A_235 = arith.extui %sign3A_234 : i1 to i32
    %sign3A_236 = arith.subi %sign3A_232, %sign3A_235 : i32
    %sign3A_237 = arith.constant 0 : i32
    %sign3A_238 = arith.cmpi sgt, %jit3A_228, %sign3A_237 : i32
    %sign3A_239 = arith.extui %sign3A_238 : i1 to i32
    %sign3A_240 = arith.constant 0 : i32
    %sign3A_241 = arith.cmpi slt, %jit3A_228, %sign3A_240 : i32
    %sign3A_242 = arith.extui %sign3A_241 : i1 to i32
    %sign3A_243 = arith.subi %sign3A_239, %sign3A_242 : i32
    %ne3A_244 = arith.cmpi ne, %sign3A_236, %sign3A_243 : i32
    %rem3A_245 = arith.remsi %select_n3A_209, %jit3A_228 : i32
    %ne3A_246 = arith.constant 0 : i32
    %ne3A_247 = arith.cmpi ne, %rem3A_245, %ne3A_246 : i32
    %and3A_248 = arith.andi %ne3A_244, %ne3A_247 : i1
    %sub3A_249 = arith.constant 1 : i32
    %sub3A_250 = arith.subi %div3A_229, %sub3A_249 : i32
    %select_n3A_251 = arith.select %and3A_248, %sub3A_250, %div3A_229 : i32
    %mul3A_252 = arith.constant 8 : i32
    %mul3A_253 = arith.muli %select_n3A_251, %mul3A_252 : i32
    %dma_start3A_254 = tpu.memref_slice %arg3[%mul3A_253, %mul3A_227] : memref<50x16384xi32, #tpu.memory_space<hbm>> -> memref<8x128xi32, #tpu.memory_space<hbm>>
    %dma_start3A_255 = tpu.memref_slice %arg3[%mul3A_253, %mul3A_227] : memref<50x16384xi32, #tpu.memory_space<hbm>> -> memref<8x128xi32, #tpu.memory_space<hbm>>
    tpu.enqueue_dma source(%dma_start3A_255 : memref<8x128xi32, #tpu.memory_space<hbm>>) target(%arg6 : memref<8x128xi32, #tpu.memory_space<vmem>>) target_semaphore(%arg26 : memref<!tpu.dma_semaphore, #tpu.memory_space<semaphore_mem>>)
    %add3A_256 = arith.constant 2 : i32
    %add3A_257 = arith.addi %mul3A_2, %add3A_256 : i32
    %jit3A_258 = arith.constant 128 : i32
    %div3A_259 = arith.divsi %add3A_257, %jit3A_258 : i32
    %sign3A_260 = arith.constant 0 : i32
    %sign3A_261 = arith.cmpi sgt, %add3A_257, %sign3A_260 : i32
    %sign3A_262 = arith.extui %sign3A_261 : i1 to i32
    %sign3A_263 = arith.constant 0 : i32
    %sign3A_264 = arith.cmpi slt, %add3A_257, %sign3A_263 : i32
    %sign3A_265 = arith.extui %sign3A_264 : i1 to i32
    %sign3A_266 = arith.subi %sign3A_262, %sign3A_265 : i32
    %sign3A_267 = arith.constant 0 : i32
    %sign3A_268 = arith.cmpi sgt, %jit3A_258, %sign3A_267 : i32
    %sign3A_269 = arith.extui %sign3A_268 : i1 to i32
    %sign3A_270 = arith.constant 0 : i32
    %sign3A_271 = arith.cmpi slt, %jit3A_258, %sign3A_270 : i32
    %sign3A_272 = arith.extui %sign3A_271 : i1 to i32
    %sign3A_273 = arith.subi %sign3A_269, %sign3A_272 : i32
    %ne3A_274 = arith.cmpi ne, %sign3A_266, %sign3A_273 : i32
    %rem3A_275 = arith.remsi %add3A_257, %jit3A_258 : i32
    %ne3A_276 = arith.constant 0 : i32
    %ne3A_277 = arith.cmpi ne, %rem3A_275, %ne3A_276 : i32
    %and3A_278 = arith.andi %ne3A_274, %ne3A_277 : i1
    %sub3A_279 = arith.constant 1 : i32
    %sub3A_280 = arith.subi %div3A_259, %sub3A_279 : i32
    %select_n3A_281 = arith.select %and3A_278, %sub3A_280, %div3A_259 : i32
    %jit3A_282 = arith.constant 128 : i32
    %eq3A_283 = arith.constant 0 : i32
    %eq3A_284 = arith.cmpi eq, %jit3A_282, %eq3A_283 : i32
    %jit3A_285 = arith.constant 1 : i32
    %select_n3A_286 = arith.select %eq3A_284, %jit3A_285, %jit3A_282 : i32
    %rem3A_287 = arith.remsi %add3A_257, %select_n3A_286 : i32
    %ne3A_288 = arith.constant 0 : i32
    %ne3A_289 = arith.cmpi ne, %rem3A_287, %ne3A_288 : i32
    %lt3A_290 = arith.constant 0 : i32
    %lt3A_291 = arith.cmpi slt, %rem3A_287, %lt3A_290 : i32
    %lt3A_292 = arith.constant 0 : i32
    %lt3A_293 = arith.cmpi slt, %select_n3A_286, %lt3A_292 : i32
    %ne3A_294 = arith.xori %lt3A_291, %lt3A_293 : i1
    %and3A_295 = arith.andi %ne3A_294, %ne3A_289 : i1
    %add3A_296 = arith.addi %rem3A_287, %select_n3A_286 : i32
    %select_n3A_297 = arith.select %and3A_295, %add3A_296, %rem3A_287 : i32
    %mul3A_298 = arith.constant 128 : i32
    %mul3A_299 = arith.muli %select_n3A_297, %mul3A_298 : i32
    %jit3A_300 = arith.constant 8 : i32
    %div3A_301 = arith.divsi %select_n3A_281, %jit3A_300 : i32
    %sign3A_302 = arith.constant 0 : i32
    %sign3A_303 = arith.cmpi sgt, %select_n3A_281, %sign3A_302 : i32
    %sign3A_304 = arith.extui %sign3A_303 : i1 to i32
    %sign3A_305 = arith.constant 0 : i32
    %sign3A_306 = arith.cmpi slt, %select_n3A_281, %sign3A_305 : i32
    %sign3A_307 = arith.extui %sign3A_306 : i1 to i32
    %sign3A_308 = arith.subi %sign3A_304, %sign3A_307 : i32
    %sign3A_309 = arith.constant 0 : i32
    %sign3A_310 = arith.cmpi sgt, %jit3A_300, %sign3A_309 : i32
    %sign3A_311 = arith.extui %sign3A_310 : i1 to i32
    %sign3A_312 = arith.constant 0 : i32
    %sign3A_313 = arith.cmpi slt, %jit3A_300, %sign3A_312 : i32
    %sign3A_314 = arith.extui %sign3A_313 : i1 to i32
    %sign3A_315 = arith.subi %sign3A_311, %sign3A_314 : i32
    %ne3A_316 = arith.cmpi ne, %sign3A_308, %sign3A_315 : i32
    %rem3A_317 = arith.remsi %select_n3A_281, %jit3A_300 : i32
    %ne3A_318 = arith.constant 0 : i32
    %ne3A_319 = arith.cmpi ne, %rem3A_317, %ne3A_318 : i32
    %and3A_320 = arith.andi %ne3A_316, %ne3A_319 : i1
    %sub3A_321 = arith.constant 1 : i32
    %sub3A_322 = arith.subi %div3A_301, %sub3A_321 : i32
    %select_n3A_323 = arith.select %and3A_320, %sub3A_322, %div3A_301 : i32
    %mul3A_324 = arith.constant 8 : i32
    %mul3A_325 = arith.muli %select_n3A_323, %mul3A_324 : i32
    %dma_start3A_326 = tpu.memref_slice %arg3[%mul3A_325, %mul3A_299] : memref<50x16384xi32, #tpu.memory_space<hbm>> -> memref<8x128xi32, #tpu.memory_space<hbm>>
    %dma_start3A_327 = tpu.memref_slice %arg3[%mul3A_325, %mul3A_299] : memref<50x16384xi32, #tpu.memory_space<hbm>> -> memref<8x128xi32, #tpu.memory_space<hbm>>
    tpu.enqueue_dma source(%dma_start3A_327 : memref<8x128xi32, #tpu.memory_space<hbm>>) target(%arg7 : memref<8x128xi32, #tpu.memory_space<vmem>>) target_semaphore(%arg27 : memref<!tpu.dma_semaphore, #tpu.memory_space<semaphore_mem>>)
    %add3A_328 = arith.constant 3 : i32
    %add3A_329 = arith.addi %mul3A_2, %add3A_328 : i32
    %jit3A_330 = arith.constant 128 : i32
    %div3A_331 = arith.divsi %add3A_329, %jit3A_330 : i32
    %sign3A_332 = arith.constant 0 : i32
    %sign3A_333 = arith.cmpi sgt, %add3A_329, %sign3A_332 : i32
    %sign3A_334 = arith.extui %sign3A_333 : i1 to i32
    %sign3A_335 = arith.constant 0 : i32
    %sign3A_336 = arith.cmpi slt, %add3A_329, %sign3A_335 : i32
    %sign3A_337 = arith.extui %sign3A_336 : i1 to i32
    %sign3A_338 = arith.subi %sign3A_334, %sign3A_337 : i32
    %sign3A_339 = arith.constant 0 : i32
    %sign3A_340 = arith.cmpi sgt, %jit3A_330, %sign3A_339 : i32
    %sign3A_341 = arith.extui %sign3A_340 : i1 to i32
    %sign3A_342 = arith.constant 0 : i32
    %sign3A_343 = arith.cmpi slt, %jit3A_330, %sign3A_342 : i32
    %sign3A_344 = arith.extui %sign3A_343 : i1 to i32
    %sign3A_345 = arith.subi %sign3A_341, %sign3A_344 : i32
    %ne3A_346 = arith.cmpi ne, %sign3A_338, %sign3A_345 : i32
    %rem3A_347 = arith.remsi %add3A_329, %jit3A_330 : i32
    %ne3A_348 = arith.constant 0 : i32
    %ne3A_349 = arith.cmpi ne, %rem3A_347, %ne3A_348 : i32
    %and3A_350 = arith.andi %ne3A_346, %ne3A_349 : i1
    %sub3A_351 = arith.constant 1 : i32
    %sub3A_352 = arith.subi %div3A_331, %sub3A_351 : i32
    %select_n3A_353 = arith.select %and3A_350, %sub3A_352, %div3A_331 : i32
    %jit3A_354 = arith.constant 128 : i32
    %eq3A_355 = arith.constant 0 : i32
    %eq3A_356 = arith.cmpi eq, %jit3A_354, %eq3A_355 : i32
    %jit3A_357 = arith.constant 1 : i32
    %select_n3A_358 = arith.select %eq3A_356, %jit3A_357, %jit3A_354 : i32
    %rem3A_359 = arith.remsi %add3A_329, %select_n3A_358 : i32
    %ne3A_360 = arith.constant 0 : i32
    %ne3A_361 = arith.cmpi ne, %rem3A_359, %ne3A_360 : i32
    %lt3A_362 = arith.constant 0 : i32
    %lt3A_363 = arith.cmpi slt, %rem3A_359, %lt3A_362 : i32
    %lt3A_364 = arith.constant 0 : i32
    %lt3A_365 = arith.cmpi slt, %select_n3A_358, %lt3A_364 : i32
    %ne3A_366 = arith.xori %lt3A_363, %lt3A_365 : i1
    %and3A_367 = arith.andi %ne3A_366, %ne3A_361 : i1
    %add3A_368 = arith.addi %rem3A_359, %select_n3A_358 : i32
    %select_n3A_369 = arith.select %and3A_367, %add3A_368, %rem3A_359 : i32
    %mul3A_370 = arith.constant 128 : i32
    %mul3A_371 = arith.muli %select_n3A_369, %mul3A_370 : i32
    %jit3A_372 = arith.constant 8 : i32
    %div3A_373 = arith.divsi %select_n3A_353, %jit3A_372 : i32
    %sign3A_374 = arith.constant 0 : i32
    %sign3A_375 = arith.cmpi sgt, %select_n3A_353, %sign3A_374 : i32
    %sign3A_376 = arith.extui %sign3A_375 : i1 to i32
    %sign3A_377 = arith.constant 0 : i32
    %sign3A_378 = arith.cmpi slt, %select_n3A_353, %sign3A_377 : i32
    %sign3A_379 = arith.extui %sign3A_378 : i1 to i32
    %sign3A_380 = arith.subi %sign3A_376, %sign3A_379 : i32
    %sign3A_381 = arith.constant 0 : i32
    %sign3A_382 = arith.cmpi sgt, %jit3A_372, %sign3A_381 : i32
    %sign3A_383 = arith.extui %sign3A_382 : i1 to i32
    %sign3A_384 = arith.constant 0 : i32
    %sign3A_385 = arith.cmpi slt, %jit3A_372, %sign3A_384 : i32
    %sign3A_386 = arith.extui %sign3A_385 : i1 to i32
    %sign3A_387 = arith.subi %sign3A_383, %sign3A_386 : i32
    %ne3A_388 = arith.cmpi ne, %sign3A_380, %sign3A_387 : i32
    %rem3A_389 = arith.remsi %select_n3A_353, %jit3A_372 : i32
    %ne3A_390 = arith.constant 0 : i32
    %ne3A_391 = arith.cmpi ne, %rem3A_389, %ne3A_390 : i32
    %and3A_392 = arith.andi %ne3A_388, %ne3A_391 : i1
    %sub3A_393 = arith.constant 1 : i32
    %sub3A_394 = arith.subi %div3A_373, %sub3A_393 : i32
    %select_n3A_395 = arith.select %and3A_392, %sub3A_394, %div3A_373 : i32
    %mul3A_396 = arith.constant 8 : i32
    %mul3A_397 = arith.muli %select_n3A_395, %mul3A_396 : i32
    %dma_start3A_398 = tpu.memref_slice %arg3[%mul3A_397, %mul3A_371] : memref<50x16384xi32, #tpu.memory_space<hbm>> -> memref<8x128xi32, #tpu.memory_space<hbm>>
    %dma_start3A_399 = tpu.memref_slice %arg3[%mul3A_397, %mul3A_371] : memref<50x16384xi32, #tpu.memory_space<hbm>> -> memref<8x128xi32, #tpu.memory_space<hbm>>
    tpu.enqueue_dma source(%dma_start3A_399 : memref<8x128xi32, #tpu.memory_space<hbm>>) target(%arg8 : memref<8x128xi32, #tpu.memory_space<vmem>>) target_semaphore(%arg28 : memref<!tpu.dma_semaphore, #tpu.memory_space<semaphore_mem>>)
    %add3A_400 = arith.constant 0 : i32
    %add3A_401 = arith.addi %mul3A_2, %add3A_400 : i32
    %jit3A_402 = arith.constant 128 : i32
    %div3A_403 = arith.divsi %add3A_401, %jit3A_402 : i32
    %sign3A_404 = arith.constant 0 : i32
    %sign3A_405 = arith.cmpi sgt, %add3A_401, %sign3A_404 : i32
    %sign3A_406 = arith.extui %sign3A_405 : i1 to i32
    %sign3A_407 = arith.constant 0 : i32
    %sign3A_408 = arith.cmpi slt, %add3A_401, %sign3A_407 : i32
    %sign3A_409 = arith.extui %sign3A_408 : i1 to i32
    %sign3A_410 = arith.subi %sign3A_406, %sign3A_409 : i32
    %sign3A_411 = arith.constant 0 : i32
    %sign3A_412 = arith.cmpi sgt, %jit3A_402, %sign3A_411 : i32
    %sign3A_413 = arith.extui %sign3A_412 : i1 to i32
    %sign3A_414 = arith.constant 0 : i32
    %sign3A_415 = arith.cmpi slt, %jit3A_402, %sign3A_414 : i32
    %sign3A_416 = arith.extui %sign3A_415 : i1 to i32
    %sign3A_417 = arith.subi %sign3A_413, %sign3A_416 : i32
    %ne3A_418 = arith.cmpi ne, %sign3A_410, %sign3A_417 : i32
    %rem3A_419 = arith.remsi %add3A_401, %jit3A_402 : i32
    %ne3A_420 = arith.constant 0 : i32
    %ne3A_421 = arith.cmpi ne, %rem3A_419, %ne3A_420 : i32
    %and3A_422 = arith.andi %ne3A_418, %ne3A_421 : i1
    %sub3A_423 = arith.constant 1 : i32
    %sub3A_424 = arith.subi %div3A_403, %sub3A_423 : i32
    %select_n3A_425 = arith.select %and3A_422, %sub3A_424, %div3A_403 : i32
    %jit3A_426 = arith.constant 128 : i32
    %eq3A_427 = arith.constant 0 : i32
    %eq3A_428 = arith.cmpi eq, %jit3A_426, %eq3A_427 : i32
    %jit3A_429 = arith.constant 1 : i32
    %select_n3A_430 = arith.select %eq3A_428, %jit3A_429, %jit3A_426 : i32
    %rem3A_431 = arith.remsi %add3A_401, %select_n3A_430 : i32
    %ne3A_432 = arith.constant 0 : i32
    %ne3A_433 = arith.cmpi ne, %rem3A_431, %ne3A_432 : i32
    %lt3A_434 = arith.constant 0 : i32
    %lt3A_435 = arith.cmpi slt, %rem3A_431, %lt3A_434 : i32
    %lt3A_436 = arith.constant 0 : i32
    %lt3A_437 = arith.cmpi slt, %select_n3A_430, %lt3A_436 : i32
    %ne3A_438 = arith.xori %lt3A_435, %lt3A_437 : i1
    %and3A_439 = arith.andi %ne3A_438, %ne3A_433 : i1
    %add3A_440 = arith.addi %rem3A_431, %select_n3A_430 : i32
    %select_n3A_441 = arith.select %and3A_439, %add3A_440, %rem3A_431 : i32
    %mul3A_442 = arith.constant 128 : i32
    %mul3A_443 = arith.muli %select_n3A_441, %mul3A_442 : i32
    %jit3A_444 = arith.constant 8 : i32
    %div3A_445 = arith.divsi %select_n3A_425, %jit3A_444 : i32
    %sign3A_446 = arith.constant 0 : i32
    %sign3A_447 = arith.cmpi sgt, %select_n3A_425, %sign3A_446 : i32
    %sign3A_448 = arith.extui %sign3A_447 : i1 to i32
    %sign3A_449 = arith.constant 0 : i32
    %sign3A_450 = arith.cmpi slt, %select_n3A_425, %sign3A_449 : i32
    %sign3A_451 = arith.extui %sign3A_450 : i1 to i32
    %sign3A_452 = arith.subi %sign3A_448, %sign3A_451 : i32
    %sign3A_453 = arith.constant 0 : i32
    %sign3A_454 = arith.cmpi sgt, %jit3A_444, %sign3A_453 : i32
    %sign3A_455 = arith.extui %sign3A_454 : i1 to i32
    %sign3A_456 = arith.constant 0 : i32
    %sign3A_457 = arith.cmpi slt, %jit3A_444, %sign3A_456 : i32
    %sign3A_458 = arith.extui %sign3A_457 : i1 to i32
    %sign3A_459 = arith.subi %sign3A_455, %sign3A_458 : i32
    %ne3A_460 = arith.cmpi ne, %sign3A_452, %sign3A_459 : i32
    %rem3A_461 = arith.remsi %select_n3A_425, %jit3A_444 : i32
    %ne3A_462 = arith.constant 0 : i32
    %ne3A_463 = arith.cmpi ne, %rem3A_461, %ne3A_462 : i32
    %and3A_464 = arith.andi %ne3A_460, %ne3A_463 : i1
    %sub3A_465 = arith.constant 1 : i32
    %sub3A_466 = arith.subi %div3A_445, %sub3A_465 : i32
    %select_n3A_467 = arith.select %and3A_464, %sub3A_466, %div3A_445 : i32
    %mul3A_468 = arith.constant 8 : i32
    %mul3A_469 = arith.muli %select_n3A_467, %mul3A_468 : i32
    %dma_wait3A = tpu.memref_slice %arg3[%mul3A_469, %mul3A_443] : memref<50x16384xi32, #tpu.memory_space<hbm>> -> memref<8x128xi32, #tpu.memory_space<hbm>>
    %dma_wait3A_470 = tpu.memref_slice %arg3[%mul3A_469, %mul3A_443] : memref<50x16384xi32, #tpu.memory_space<hbm>> -> memref<8x128xi32, #tpu.memory_space<hbm>>
    tpu.wait_dma2 semaphore(%arg25 : memref<!tpu.dma_semaphore, #tpu.memory_space<semaphore_mem>>) src(%dma_wait3A_470 : memref<8x128xi32, #tpu.memory_space<hbm>>) dst(%arg5 : memref<8x128xi32, #tpu.memory_space<vmem>>)
    %sub3A_471 = arith.subi %select_n3A_425, %mul3A_469 : i32
    %get3A = arith.index_cast %sub3A_471 : i32 to index
    %get3A_472 = arith.constant 0 : index
    %get3A_473 = tpu.vector_load %arg5[%get3A, %get3A_472] {strides = array<i32>} : memref<8x128xi32, #tpu.memory_space<vmem>>, vector<16xi32>,
    %shift_right_arithmetic3A = arith.constant 1 : i32
    %shift_right_arithmetic3A_474 = vector.broadcast %shift_right_arithmetic3A : i32 to vector<16xi32>
    %shift_right_arithmetic3A_475 = arith.shrsi %get3A_473, %shift_right_arithmetic3A_474 : vector<16xi32>
    %swap3A = arith.constant 0 : index
    %swap3A_476 = tpu.vector_load %arg9[%swap3A] {strides = array<i32>} : memref<128xi32, #tpu.memory_space<vmem>>, vector<16xi32>,
    tpu.vector_store %arg9[%swap3A], %shift_right_arithmetic3A_475 {strides = array<i32>} : memref<128xi32, #tpu.memory_space<vmem>>, vector<16xi32>,
    %and3A_477 = arith.constant 1 : i32
    %and3A_478 = vector.broadcast %and3A_477 : i32 to vector<16xi32>
    %and3A_479 = arith.andi %get3A_473, %and3A_478 : vector<16xi32>
    %mul3A_480 = arith.constant 64 : i32
    %mul3A_481 = vector.broadcast %mul3A_480 : i32 to vector<16xi32>
    %mul3A_482 = arith.muli %and3A_479, %mul3A_481 : vector<16xi32>
    %swap3A_483 = arith.constant 0 : i32
    %swap3A_484 = arith.index_cast %swap3A_483 : i32 to index
    %swap3A_485 = arith.constant 0 : index
    %swap3A_486 = tpu.vector_load %arg13[%swap3A_484, %swap3A_485] {strides = array<i32>} : memref<8x16xi32, #tpu.memory_space<vmem>>, vector<16xi32>,
    tpu.vector_store %arg13[%swap3A_484, %swap3A_485], %mul3A_482 {strides = array<i32>} : memref<8x16xi32, #tpu.memory_space<vmem>>, vector<16xi32>,
    %get3A_487 = arith.index_cast %sub3A_471 : i32 to index
    %get3A_488 = arith.constant 16 : index
    %get3A_489 = tpu.vector_load %arg5[%get3A_487, %get3A_488] {strides = array<i32>} : memref<8x128xi32, #tpu.memory_space<vmem>>, vector<16xi32>,
    %shift_right_arithmetic3A_490 = arith.constant 1 : i32
    %shift_right_arithmetic3A_491 = vector.broadcast %shift_right_arithmetic3A_490 : i32 to vector<16xi32>
    %shift_right_arithmetic3A_492 = arith.shrsi %get3A_489, %shift_right_arithmetic3A_491 : vector<16xi32>
    %swap3A_493 = arith.constant 16 : index
    %swap3A_494 = tpu.vector_load %arg9[%swap3A_493] {strides = array<i32>} : memref<128xi32, #tpu.memory_space<vmem>>, vector<16xi32>,
    tpu.vector_store %arg9[%swap3A_493], %shift_right_arithmetic3A_492 {strides = array<i32>} : memref<128xi32, #tpu.memory_space<vmem>>, vector<16xi32>,
    %and3A_495 = arith.constant 1 : i32
    %and3A_496 = vector.broadcast %and3A_495 : i32 to vector<16xi32>
    %and3A_497 = arith.andi %get3A_489, %and3A_496 : vector<16xi32>
    %mul3A_498 = arith.constant 64 : i32
    %mul3A_499 = vector.broadcast %mul3A_498 : i32 to vector<16xi32>
    %mul3A_500 = arith.muli %and3A_497, %mul3A_499 : vector<16xi32>
    %swap3A_501 = arith.constant 1 : i32
    %swap3A_502 = arith.index_cast %swap3A_501 : i32 to index
    %swap3A_503 = arith.constant 0 : index
    %swap3A_504 = tpu.vector_load %arg13[%swap3A_502, %swap3A_503] {strides = array<i32>} : memref<8x16xi32, #tpu.memory_space<vmem>>, vector<16xi32>,
    tpu.vector_store %arg13[%swap3A_502, %swap3A_503], %mul3A_500 {strides = array<i32>} : memref<8x16xi32, #tpu.memory_space<vmem>>, vector<16xi32>,
    %get3A_505 = arith.index_cast %sub3A_471 : i32 to index
    %get3A_506 = arith.constant 32 : index
    %get3A_507 = tpu.vector_load %arg5[%get3A_505, %get3A_506] {strides = array<i32>} : memref<8x128xi32, #tpu.memory_space<vmem>>, vector<16xi32>,
    %shift_right_arithmetic3A_508 = arith.constant 1 : i32
    %shift_right_arithmetic3A_509 = vector.broadcast %shift_right_arithmetic3A_508 : i32 to vector<16xi32>
    %shift_right_arithmetic3A_510 = arith.shrsi %get3A_507, %shift_right_arithmetic3A_509 : vector<16xi32>
    %swap3A_511 = arith.constant 32 : index
    %swap3A_512 = tpu.vector_load %arg9[%swap3A_511] {strides = array<i32>} : memref<128xi32, #tpu.memory_space<vmem>>, vector<16xi32>,
    tpu.vector_store %arg9[%swap3A_511], %shift_right_arithmetic3A_510 {strides = array<i32>} : memref<128xi32, #tpu.memory_space<vmem>>, vector<16xi32>,
    %and3A_513 = arith.constant 1 : i32
    %and3A_514 = vector.broadcast %and3A_513 : i32 to vector<16xi32>
    %and3A_515 = arith.andi %get3A_507, %and3A_514 : vector<16xi32>
    %mul3A_516 = arith.constant 64 : i32
    %mul3A_517 = vector.broadcast %mul3A_516 : i32 to vector<16xi32>
    %mul3A_518 = arith.muli %and3A_515, %mul3A_517 : vector<16xi32>
    %swap3A_519 = arith.constant 2 : i32
    %swap3A_520 = arith.index_cast %swap3A_519 : i32 to index
    %swap3A_521 = arith.constant 0 : index
    %swap3A_522 = tpu.vector_load %arg13[%swap3A_520, %swap3A_521] {strides = array<i32>} : memref<8x16xi32, #tpu.memory_space<vmem>>, vector<16xi32>,
    tpu.vector_store %arg13[%swap3A_520, %swap3A_521], %mul3A_518 {strides = array<i32>} : memref<8x16xi32, #tpu.memory_space<vmem>>, vector<16xi32>,
    %get3A_523 = arith.index_cast %sub3A_471 : i32 to index
    %get3A_524 = arith.constant 48 : index
    %get3A_525 = tpu.vector_load %arg5[%get3A_523, %get3A_524] {strides = array<i32>} : memref<8x128xi32, #tpu.memory_space<vmem>>, vector<16xi32>,
    %shift_right_arithmetic3A_526 = arith.constant 1 : i32
    %shift_right_arithmetic3A_527 = vector.broadcast %shift_right_arithmetic3A_526 : i32 to vector<16xi32>
    %shift_right_arithmetic3A_528 = arith.shrsi %get3A_525, %shift_right_arithmetic3A_527 : vector<16xi32>
    %swap3A_529 = arith.constant 48 : index
    %swap3A_530 = tpu.vector_load %arg9[%swap3A_529] {strides = array<i32>} : memref<128xi32, #tpu.memory_space<vmem>>, vector<16xi32>,
    tpu.vector_store %arg9[%swap3A_529], %shift_right_arithmetic3A_528 {strides = array<i32>} : memref<128xi32, #tpu.memory_space<vmem>>, vector<16xi32>,
    %and3A_531 = arith.constant 1 : i32
    %and3A_532 = vector.broadcast %and3A_531 : i32 to vector<16xi32>
    %and3A_533 = arith.andi %get3A_525, %and3A_532 : vector<16xi32>
    %mul3A_534 = arith.constant 64 : i32
    %mul3A_535 = vector.broadcast %mul3A_534 : i32 to vector<16xi32>
    %mul3A_536 = arith.muli %and3A_533, %mul3A_535 : vector<16xi32>
    %swap3A_537 = arith.constant 3 : i32
    %swap3A_538 = arith.index_cast %swap3A_537 : i32 to index
    %swap3A_539 = arith.constant 0 : index
    %swap3A_540 = tpu.vector_load %arg13[%swap3A_538, %swap3A_539] {strides = array<i32>} : memref<8x16xi32, #tpu.memory_space<vmem>>, vector<16xi32>,
    tpu.vector_store %arg13[%swap3A_538, %swap3A_539], %mul3A_536 {strides = array<i32>} : memref<8x16xi32, #tpu.memory_space<vmem>>, vector<16xi32>,
    %get3A_541 = arith.index_cast %sub3A_471 : i32 to index
    %get3A_542 = arith.constant 64 : index
    %get3A_543 = tpu.vector_load %arg5[%get3A_541, %get3A_542] {strides = array<i32>} : memref<8x128xi32, #tpu.memory_space<vmem>>, vector<16xi32>,
    %shift_right_arithmetic3A_544 = arith.constant 1 : i32
    %shift_right_arithmetic3A_545 = vector.broadcast %shift_right_arithmetic3A_544 : i32 to vector<16xi32>
    %shift_right_arithmetic3A_546 = arith.shrsi %get3A_543, %shift_right_arithmetic3A_545 : vector<16xi32>
    %swap3A_547 = arith.constant 64 : index
    %swap3A_548 = tpu.vector_load %arg9[%swap3A_547] {strides = array<i32>} : memref<128xi32, #tpu.memory_space<vmem>>, vector<16xi32>,
    tpu.vector_store %arg9[%swap3A_547], %shift_right_arithmetic3A_546 {strides = array<i32>} : memref<128xi32, #tpu.memory_space<vmem>>, vector<16xi32>,
    %and3A_549 = arith.constant 1 : i32
    %and3A_550 = vector.broadcast %and3A_549 : i32 to vector<16xi32>
    %and3A_551 = arith.andi %get3A_543, %and3A_550 : vector<16xi32>
    %mul3A_552 = arith.constant 64 : i32
    %mul3A_553 = vector.broadcast %mul3A_552 : i32 to vector<16xi32>
    %mul3A_554 = arith.muli %and3A_551, %mul3A_553 : vector<16xi32>
    %swap3A_555 = arith.constant 4 : i32
    %swap3A_556 = arith.index_cast %swap3A_555 : i32 to index
    %swap3A_557 = arith.constant 0 : index
    %swap3A_558 = tpu.vector_load %arg13[%swap3A_556, %swap3A_557] {strides = array<i32>} : memref<8x16xi32, #tpu.memory_space<vmem>>, vector<16xi32>,
    tpu.vector_store %arg13[%swap3A_556, %swap3A_557], %mul3A_554 {strides = array<i32>} : memref<8x16xi32, #tpu.memory_space<vmem>>, vector<16xi32>,
    %get3A_559 = arith.index_cast %sub3A_471 : i32 to index
    %get3A_560 = arith.constant 80 : index
    %get3A_561 = tpu.vector_load %arg5[%get3A_559, %get3A_560] {strides = array<i32>} : memref<8x128xi32, #tpu.memory_space<vmem>>, vector<16xi32>,
    %shift_right_arithmetic3A_562 = arith.constant 1 : i32
    %shift_right_arithmetic3A_563 = vector.broadcast %shift_right_arithmetic3A_562 : i32 to vector<16xi32>
    %shift_right_arithmetic3A_564 = arith.shrsi %get3A_561, %shift_right_arithmetic3A_563 : vector<16xi32>
    %swap3A_565 = arith.constant 80 : index
    %swap3A_566 = tpu.vector_load %arg9[%swap3A_565] {strides = array<i32>} : memref<128xi32, #tpu.memory_space<vmem>>, vector<16xi32>,
    tpu.vector_store %arg9[%swap3A_565], %shift_right_arithmetic3A_564 {strides = array<i32>} : memref<128xi32, #tpu.memory_space<vmem>>, vector<16xi32>,
    %and3A_567 = arith.constant 1 : i32
    %and3A_568 = vector.broadcast %and3A_567 : i32 to vector<16xi32>
    %and3A_569 = arith.andi %get3A_561, %and3A_568 : vector<16xi32>
    %mul3A_570 = arith.constant 64 : i32
    %mul3A_571 = vector.broadcast %mul3A_570 : i32 to vector<16xi32>
    %mul3A_572 = arith.muli %and3A_569, %mul3A_571 : vector<16xi32>
    %swap3A_573 = arith.constant 5 : i32
    %swap3A_574 = arith.index_cast %swap3A_573 : i32 to index
    %swap3A_575 = arith.constant 0 : index
    %swap3A_576 = tpu.vector_load %arg13[%swap3A_574, %swap3A_575] {strides = array<i32>} : memref<8x16xi32, #tpu.memory_space<vmem>>, vector<16xi32>,
    tpu.vector_store %arg13[%swap3A_574, %swap3A_575], %mul3A_572 {strides = array<i32>} : memref<8x16xi32, #tpu.memory_space<vmem>>, vector<16xi32>,
    %get3A_577 = arith.index_cast %sub3A_471 : i32 to index
    %get3A_578 = arith.constant 96 : index
    %get3A_579 = tpu.vector_load %arg5[%get3A_577, %get3A_578] {strides = array<i32>} : memref<8x128xi32, #tpu.memory_space<vmem>>, vector<16xi32>,
    %shift_right_arithmetic3A_580 = arith.constant 1 : i32
    %shift_right_arithmetic3A_581 = vector.broadcast %shift_right_arithmetic3A_580 : i32 to vector<16xi32>
    %shift_right_arithmetic3A_582 = arith.shrsi %get3A_579, %shift_right_arithmetic3A_581 : vector<16xi32>
    %swap3A_583 = arith.constant 96 : index
    %swap3A_584 = tpu.vector_load %arg9[%swap3A_583] {strides = array<i32>} : memref<128xi32, #tpu.memory_space<vmem>>, vector<16xi32>,
    tpu.vector_store %arg9[%swap3A_583], %shift_right_arithmetic3A_582 {strides = array<i32>} : memref<128xi32, #tpu.memory_space<vmem>>, vector<16xi32>,
    %and3A_585 = arith.constant 1 : i32
    %and3A_586 = vector.broadcast %and3A_585 : i32 to vector<16xi32>
    %and3A_587 = arith.andi %get3A_579, %and3A_586 : vector<16xi32>
    %mul3A_588 = arith.constant 64 : i32
    %mul3A_589 = vector.broadcast %mul3A_588 : i32 to vector<16xi32>
    %mul3A_590 = arith.muli %and3A_587, %mul3A_589 : vector<16xi32>
    %swap3A_591 = arith.constant 6 : i32
    %swap3A_592 = arith.index_cast %swap3A_591 : i32 to index
    %swap3A_593 = arith.constant 0 : index
    %swap3A_594 = tpu.vector_load %arg13[%swap3A_592, %swap3A_593] {strides = array<i32>} : memref<8x16xi32, #tpu.memory_space<vmem>>, vector<16xi32>,
    tpu.vector_store %arg13[%swap3A_592, %swap3A_593], %mul3A_590 {strides = array<i32>} : memref<8x16xi32, #tpu.memory_space<vmem>>, vector<16xi32>,
    %get3A_595 = arith.index_cast %sub3A_471 : i32 to index
    %get3A_596 = arith.constant 112 : index
    %get3A_597 = tpu.vector_load %arg5[%get3A_595, %get3A_596] {strides = array<i32>} : memref<8x128xi32, #tpu.memory_space<vmem>>, vector<16xi32>,
    %shift_right_arithmetic3A_598 = arith.constant 1 : i32
    %shift_right_arithmetic3A_599 = vector.broadcast %shift_right_arithmetic3A_598 : i32 to vector<16xi32>
    %shift_right_arithmetic3A_600 = arith.shrsi %get3A_597, %shift_right_arithmetic3A_599 : vector<16xi32>
    %swap3A_601 = arith.constant 112 : index
    %swap3A_602 = tpu.vector_load %arg9[%swap3A_601] {strides = array<i32>} : memref<128xi32, #tpu.memory_space<vmem>>, vector<16xi32>,
    tpu.vector_store %arg9[%swap3A_601], %shift_right_arithmetic3A_600 {strides = array<i32>} : memref<128xi32, #tpu.memory_space<vmem>>, vector<16xi32>,
    %and3A_603 = arith.constant 1 : i32
    %and3A_604 = vector.broadcast %and3A_603 : i32 to vector<16xi32>
    %and3A_605 = arith.andi %get3A_597, %and3A_604 : vector<16xi32>
    %mul3A_606 = arith.constant 64 : i32
    %mul3A_607 = vector.broadcast %mul3A_606 : i32 to vector<16xi32>
    %mul3A_608 = arith.muli %and3A_605, %mul3A_607 : vector<16xi32>
    %swap3A_609 = arith.constant 7 : i32
    %swap3A_610 = arith.index_cast %swap3A_609 : i32 to index
    %swap3A_611 = arith.constant 0 : index
    %swap3A_612 = tpu.vector_load %arg13[%swap3A_610, %swap3A_611] {strides = array<i32>} : memref<8x16xi32, #tpu.memory_space<vmem>>, vector<16xi32>,
    tpu.vector_store %arg13[%swap3A_610, %swap3A_611], %mul3A_608 {strides = array<i32>} : memref<8x16xi32, #tpu.memory_space<vmem>>, vector<16xi32>,
    %dma_start3A_613 = arith.constant 0 : i32
    %dma_start3A_614 = arith.constant 0 : i32
    %dma_start3A_615 = tpu.memref_slice %arg2[%dma_start3A_613, %dma_start3A_614] : memref<500000x128xf32, #tpu.memory_space<hbm>> -> memref<500000x128xf32, #tpu.memory_space<hbm>>
    tpu.enqueue_indirect_dma source(%dma_start3A_615 : memref<500000x128xf32, #tpu.memory_space<hbm>>) target(%arg17 : memref<128x128xf32, #tpu.memory_space<vmem>>) offsets(%arg9 : memref<128xi32, #tpu.memory_space<vmem>>) semaphore(%arg29 : memref<!tpu.dma_semaphore, #tpu.memory_space<semaphore_mem>>)
    %add3A_616 = arith.constant 1 : i32
    %add3A_617 = arith.addi %mul3A_2, %add3A_616 : i32
    %jit3A_618 = arith.constant 128 : i32
    %div3A_619 = arith.divsi %add3A_617, %jit3A_618 : i32
    %sign3A_620 = arith.constant 0 : i32
    %sign3A_621 = arith.cmpi sgt, %add3A_617, %sign3A_620 : i32
    %sign3A_622 = arith.extui %sign3A_621 : i1 to i32
    %sign3A_623 = arith.constant 0 : i32
    %sign3A_624 = arith.cmpi slt, %add3A_617, %sign3A_623 : i32
    %sign3A_625 = arith.extui %sign3A_624 : i1 to i32
    %sign3A_626 = arith.subi %sign3A_622, %sign3A_625 : i32
    %sign3A_627 = arith.constant 0 : i32
    %sign3A_628 = arith.cmpi sgt, %jit3A_618, %sign3A_627 : i32
    %sign3A_629 = arith.extui %sign3A_628 : i1 to i32
    %sign3A_630 = arith.constant 0 : i32
    %sign3A_631 = arith.cmpi slt, %jit3A_618, %sign3A_630 : i32
    %sign3A_632 = arith.extui %sign3A_631 : i1 to i32
    %sign3A_633 = arith.subi %sign3A_629, %sign3A_632 : i32
    %ne3A_634 = arith.cmpi ne, %sign3A_626, %sign3A_633 : i32
    %rem3A_635 = arith.remsi %add3A_617, %jit3A_618 : i32
    %ne3A_636 = arith.constant 0 : i32
    %ne3A_637 = arith.cmpi ne, %rem3A_635, %ne3A_636 : i32
    %and3A_638 = arith.andi %ne3A_634, %ne3A_637 : i1
    %sub3A_639 = arith.constant 1 : i32
    %sub3A_640 = arith.subi %div3A_619, %sub3A_639 : i32
    %select_n3A_641 = arith.select %and3A_638, %sub3A_640, %div3A_619 : i32
    %jit3A_642 = arith.constant 128 : i32
    %eq3A_643 = arith.constant 0 : i32
    %eq3A_644 = arith.cmpi eq, %jit3A_642, %eq3A_643 : i32
    %jit3A_645 = arith.constant 1 : i32
    %select_n3A_646 = arith.select %eq3A_644, %jit3A_645, %jit3A_642 : i32
    %rem3A_647 = arith.remsi %add3A_617, %select_n3A_646 : i32
    %ne3A_648 = arith.constant 0 : i32
    %ne3A_649 = arith.cmpi ne, %rem3A_647, %ne3A_648 : i32
    %lt3A_650 = arith.constant 0 : i32
    %lt3A_651 = arith.cmpi slt, %rem3A_647, %lt3A_650 : i32
    %lt3A_652 = arith.constant 0 : i32
    %lt3A_653 = arith.cmpi slt, %select_n3A_646, %lt3A_652 : i32
    %ne3A_654 = arith.xori %lt3A_651, %lt3A_653 : i1
    %and3A_655 = arith.andi %ne3A_654, %ne3A_649 : i1
    %add3A_656 = arith.addi %rem3A_647, %select_n3A_646 : i32
    %select_n3A_657 = arith.select %and3A_655, %add3A_656, %rem3A_647 : i32
    %mul3A_658 = arith.constant 128 : i32
    %mul3A_659 = arith.muli %select_n3A_657, %mul3A_658 : i32
    %jit3A_660 = arith.constant 8 : i32
    %div3A_661 = arith.divsi %select_n3A_641, %jit3A_660 : i32
    %sign3A_662 = arith.constant 0 : i32
    %sign3A_663 = arith.cmpi sgt, %select_n3A_641, %sign3A_662 : i32
    %sign3A_664 = arith.extui %sign3A_663 : i1 to i32
    %sign3A_665 = arith.constant 0 : i32
    %sign3A_666 = arith.cmpi slt, %select_n3A_641, %sign3A_665 : i32
    %sign3A_667 = arith.extui %sign3A_666 : i1 to i32
    %sign3A_668 = arith.subi %sign3A_664, %sign3A_667 : i32
    %sign3A_669 = arith.constant 0 : i32
    %sign3A_670 = arith.cmpi sgt, %jit3A_660, %sign3A_669 : i32
    %sign3A_671 = arith.extui %sign3A_670 : i1 to i32
    %sign3A_672 = arith.constant 0 : i32
    %sign3A_673 = arith.cmpi slt, %jit3A_660, %sign3A_672 : i32
    %sign3A_674 = arith.extui %sign3A_673 : i1 to i32
    %sign3A_675 = arith.subi %sign3A_671, %sign3A_674 : i32
    %ne3A_676 = arith.cmpi ne, %sign3A_668, %sign3A_675 : i32
    %rem3A_677 = arith.remsi %select_n3A_641, %jit3A_660 : i32
    %ne3A_678 = arith.constant 0 : i32
    %ne3A_679 = arith.cmpi ne, %rem3A_677, %ne3A_678 : i32
    %and3A_680 = arith.andi %ne3A_676, %ne3A_679 : i1
    %sub3A_681 = arith.constant 1 : i32
    %sub3A_682 = arith.subi %div3A_661, %sub3A_681 : i32
    %select_n3A_683 = arith.select %and3A_680, %sub3A_682, %div3A_661 : i32
    %mul3A_684 = arith.constant 8 : i32
    %mul3A_685 = arith.muli %select_n3A_683, %mul3A_684 : i32
    %dma_wait3A_686 = tpu.memref_slice %arg3[%mul3A_685, %mul3A_659] : memref<50x16384xi32, #tpu.memory_space<hbm>> -> memref<8x128xi32, #tpu.memory_space<hbm>>
    %dma_wait3A_687 = tpu.memref_slice %arg3[%mul3A_685, %mul3A_659] : memref<50x16384xi32, #tpu.memory_space<hbm>> -> memref<8x128xi32, #tpu.memory_space<hbm>>
    tpu.wait_dma2 semaphore(%arg26 : memref<!tpu.dma_semaphore, #tpu.memory_space<semaphore_mem>>) src(%dma_wait3A_687 : memref<8x128xi32, #tpu.memory_space<hbm>>) dst(%arg6 : memref<8x128xi32, #tpu.memory_space<vmem>>)
    %sub3A_688 = arith.subi %select_n3A_641, %mul3A_685 : i32
    %get3A_689 = arith.index_cast %sub3A_688 : i32 to index
    %get3A_690 = arith.constant 0 : index
    %get3A_691 = tpu.vector_load %arg6[%get3A_689, %get3A_690] {strides = array<i32>} : memref<8x128xi32, #tpu.memory_space<vmem>>, vector<16xi32>,
    %shift_right_arithmetic3A_692 = arith.constant 1 : i32
    %shift_right_arithmetic3A_693 = vector.broadcast %shift_right_arithmetic3A_692 : i32 to vector<16xi32>
    %shift_right_arithmetic3A_694 = arith.shrsi %get3A_691, %shift_right_arithmetic3A_693 : vector<16xi32>
    %swap3A_695 = arith.constant 0 : index
    %swap3A_696 = tpu.vector_load %arg10[%swap3A_695] {strides = array<i32>} : memref<128xi32, #tpu.memory_space<vmem>>, vector<16xi32>,
    tpu.vector_store %arg10[%swap3A_695], %shift_right_arithmetic3A_694 {strides = array<i32>} : memref<128xi32, #tpu.memory_space<vmem>>, vector<16xi32>,
    %and3A_697 = arith.constant 1 : i32
    %and3A_698 = vector.broadcast %and3A_697 : i32 to vector<16xi32>
    %and3A_699 = arith.andi %get3A_691, %and3A_698 : vector<16xi32>
    %mul3A_700 = arith.constant 64 : i32
    %mul3A_701 = vector.broadcast %mul3A_700 : i32 to vector<16xi32>
    %mul3A_702 = arith.muli %and3A_699, %mul3A_701 : vector<16xi32>
    %swap3A_703 = arith.constant 0 : i32
    %swap3A_704 = arith.index_cast %swap3A_703 : i32 to index
    %swap3A_705 = arith.constant 0 : index
    %swap3A_706 = tpu.vector_load %arg14[%swap3A_704, %swap3A_705] {strides = array<i32>} : memref<8x16xi32, #tpu.memory_space<vmem>>, vector<16xi32>,
    tpu.vector_store %arg14[%swap3A_704, %swap3A_705], %mul3A_702 {strides = array<i32>} : memref<8x16xi32, #tpu.memory_space<vmem>>, vector<16xi32>,
    %get3A_707 = arith.index_cast %sub3A_688 : i32 to index
    %get3A_708 = arith.constant 16 : index
    %get3A_709 = tpu.vector_load %arg6[%get3A_707, %get3A_708] {strides = array<i32>} : memref<8x128xi32, #tpu.memory_space<vmem>>, vector<16xi32>,
    %shift_right_arithmetic3A_710 = arith.constant 1 : i32
    %shift_right_arithmetic3A_711 = vector.broadcast %shift_right_arithmetic3A_710 : i32 to vector<16xi32>
    %shift_right_arithmetic3A_712 = arith.shrsi %get3A_709, %shift_right_arithmetic3A_711 : vector<16xi32>
    %swap3A_713 = arith.constant 16 : index
    %swap3A_714 = tpu.vector_load %arg10[%swap3A_713] {strides = array<i32>} : memref<128xi32, #tpu.memory_space<vmem>>, vector<16xi32>,
    tpu.vector_store %arg10[%swap3A_713], %shift_right_arithmetic3A_712 {strides = array<i32>} : memref<128xi32, #tpu.memory_space<vmem>>, vector<16xi32>,
    %and3A_715 = arith.constant 1 : i32
    %and3A_716 = vector.broadcast %and3A_715 : i32 to vector<16xi32>
    %and3A_717 = arith.andi %get3A_709, %and3A_716 : vector<16xi32>
    %mul3A_718 = arith.constant 64 : i32
    %mul3A_719 = vector.broadcast %mul3A_718 : i32 to vector<16xi32>
    %mul3A_720 = arith.muli %and3A_717, %mul3A_719 : vector<16xi32>
    %swap3A_721 = arith.constant 1 : i32
    %swap3A_722 = arith.index_cast %swap3A_721 : i32 to index
    %swap3A_723 = arith.constant 0 : index
    %swap3A_724 = tpu.vector_load %arg14[%swap3A_722, %swap3A_723] {strides = array<i32>} : memref<8x16xi32, #tpu.memory_space<vmem>>, vector<16xi32>,
    tpu.vector_store %arg14[%swap3A_722, %swap3A_723], %mul3A_720 {strides = array<i32>} : memref<8x16xi32, #tpu.memory_space<vmem>>, vector<16xi32>,
    %get3A_725 = arith.index_cast %sub3A_688 : i32 to index
    %get3A_726 = arith.constant 32 : index
    %get3A_727 = tpu.vector_load %arg6[%get3A_725, %get3A_726] {strides = array<i32>} : memref<8x128xi32, #tpu.memory_space<vmem>>, vector<16xi32>,
    %shift_right_arithmetic3A_728 = arith.constant 1 : i32
    %shift_right_arithmetic3A_729 = vector.broadcast %shift_right_arithmetic3A_728 : i32 to vector<16xi32>
    %shift_right_arithmetic3A_730 = arith.shrsi %get3A_727, %shift_right_arithmetic3A_729 : vector<16xi32>
    %swap3A_731 = arith.constant 32 : index
    %swap3A_732 = tpu.vector_load %arg10[%swap3A_731] {strides = array<i32>} : memref<128xi32, #tpu.memory_space<vmem>>, vector<16xi32>,
    tpu.vector_store %arg10[%swap3A_731], %shift_right_arithmetic3A_730 {strides = array<i32>} : memref<128xi32, #tpu.memory_space<vmem>>, vector<16xi32>,
    %and3A_733 = arith.constant 1 : i32
    %and3A_734 = vector.broadcast %and3A_733 : i32 to vector<16xi32>
    %and3A_735 = arith.andi %get3A_727, %and3A_734 : vector<16xi32>
    %mul3A_736 = arith.constant 64 : i32
    %mul3A_737 = vector.broadcast %mul3A_736 : i32 to vector<16xi32>
    %mul3A_738 = arith.muli %and3A_735, %mul3A_737 : vector<16xi32>
    %swap3A_739 = arith.constant 2 : i32
    %swap3A_740 = arith.index_cast %swap3A_739 : i32 to index
    %swap3A_741 = arith.constant 0 : index
    %swap3A_742 = tpu.vector_load %arg14[%swap3A_740, %swap3A_741] {strides = array<i32>} : memref<8x16xi32, #tpu.memory_space<vmem>>, vector<16xi32>,
    tpu.vector_store %arg14[%swap3A_740, %swap3A_741], %mul3A_738 {strides = array<i32>} : memref<8x16xi32, #tpu.memory_space<vmem>>, vector<16xi32>,
    %get3A_743 = arith.index_cast %sub3A_688 : i32 to index
    %get3A_744 = arith.constant 48 : index
    %get3A_745 = tpu.vector_load %arg6[%get3A_743, %get3A_744] {strides = array<i32>} : memref<8x128xi32, #tpu.memory_space<vmem>>, vector<16xi32>,
    %shift_right_arithmetic3A_746 = arith.constant 1 : i32
    %shift_right_arithmetic3A_747 = vector.broadcast %shift_right_arithmetic3A_746 : i32 to vector<16xi32>
    %shift_right_arithmetic3A_748 = arith.shrsi %get3A_745, %shift_right_arithmetic3A_747 : vector<16xi32>
    %swap3A_749 = arith.constant 48 : index
    %swap3A_750 = tpu.vector_load %arg10[%swap3A_749] {strides = array<i32>} : memref<128xi32, #tpu.memory_space<vmem>>, vector<16xi32>,
    tpu.vector_store %arg10[%swap3A_749], %shift_right_arithmetic3A_748 {strides = array<i32>} : memref<128xi32, #tpu.memory_space<vmem>>, vector<16xi32>,
    %and3A_751 = arith.constant 1 : i32
    %and3A_752 = vector.broadcast %and3A_751 : i32 to vector<16xi32>
    %and3A_753 = arith.andi %get3A_745, %and3A_752 : vector<16xi32>
    %mul3A_754 = arith.constant 64 : i32
    %mul3A_755 = vector.broadcast %mul3A_754 : i32 to vector<16xi32>
    %mul3A_756 = arith.muli %and3A_753, %mul3A_755 : vector<16xi32>
    %swap3A_757 = arith.constant 3 : i32
    %swap3A_758 = arith.index_cast %swap3A_757 : i32 to index
    %swap3A_759 = arith.constant 0 : index
    %swap3A_760 = tpu.vector_load %arg14[%swap3A_758, %swap3A_759] {strides = array<i32>} : memref<8x16xi32, #tpu.memory_space<vmem>>, vector<16xi32>,
    tpu.vector_store %arg14[%swap3A_758, %swap3A_759], %mul3A_756 {strides = array<i32>} : memref<8x16xi32, #tpu.memory_space<vmem>>, vector<16xi32>,
    %get3A_761 = arith.index_cast %sub3A_688 : i32 to index
    %get3A_762 = arith.constant 64 : index
    %get3A_763 = tpu.vector_load %arg6[%get3A_761, %get3A_762] {strides = array<i32>} : memref<8x128xi32, #tpu.memory_space<vmem>>, vector<16xi32>,
    %shift_right_arithmetic3A_764 = arith.constant 1 : i32
    %shift_right_arithmetic3A_765 = vector.broadcast %shift_right_arithmetic3A_764 : i32 to vector<16xi32>
    %shift_right_arithmetic3A_766 = arith.shrsi %get3A_763, %shift_right_arithmetic3A_765 : vector<16xi32>
    %swap3A_767 = arith.constant 64 : index
    %swap3A_768 = tpu.vector_load %arg10[%swap3A_767] {strides = array<i32>} : memref<128xi32, #tpu.memory_space<vmem>>, vector<16xi32>,
    tpu.vector_store %arg10[%swap3A_767], %shift_right_arithmetic3A_766 {strides = array<i32>} : memref<128xi32, #tpu.memory_space<vmem>>, vector<16xi32>,
    %and3A_769 = arith.constant 1 : i32
    %and3A_770 = vector.broadcast %and3A_769 : i32 to vector<16xi32>
    %and3A_771 = arith.andi %get3A_763, %and3A_770 : vector<16xi32>
    %mul3A_772 = arith.constant 64 : i32
    %mul3A_773 = vector.broadcast %mul3A_772 : i32 to vector<16xi32>
    %mul3A_774 = arith.muli %and3A_771, %mul3A_773 : vector<16xi32>
    %swap3A_775 = arith.constant 4 : i32
    %swap3A_776 = arith.index_cast %swap3A_775 : i32 to index
    %swap3A_777 = arith.constant 0 : index
    %swap3A_778 = tpu.vector_load %arg14[%swap3A_776, %swap3A_777] {strides = array<i32>} : memref<8x16xi32, #tpu.memory_space<vmem>>, vector<16xi32>,
    tpu.vector_store %arg14[%swap3A_776, %swap3A_777], %mul3A_774 {strides = array<i32>} : memref<8x16xi32, #tpu.memory_space<vmem>>, vector<16xi32>,
    %get3A_779 = arith.index_cast %sub3A_688 : i32 to index
    %get3A_780 = arith.constant 80 : index
    %get3A_781 = tpu.vector_load %arg6[%get3A_779, %get3A_780] {strides = array<i32>} : memref<8x128xi32, #tpu.memory_space<vmem>>, vector<16xi32>,
    %shift_right_arithmetic3A_782 = arith.constant 1 : i32
    %shift_right_arithmetic3A_783 = vector.broadcast %shift_right_arithmetic3A_782 : i32 to vector<16xi32>
    %shift_right_arithmetic3A_784 = arith.shrsi %get3A_781, %shift_right_arithmetic3A_783 : vector<16xi32>
    %swap3A_785 = arith.constant 80 : index
    %swap3A_786 = tpu.vector_load %arg10[%swap3A_785] {strides = array<i32>} : memref<128xi32, #tpu.memory_space<vmem>>, vector<16xi32>,
    tpu.vector_store %arg10[%swap3A_785], %shift_right_arithmetic3A_784 {strides = array<i32>} : memref<128xi32, #tpu.memory_space<vmem>>, vector<16xi32>,
    %and3A_787 = arith.constant 1 : i32
    %and3A_788 = vector.broadcast %and3A_787 : i32 to vector<16xi32>
    %and3A_789 = arith.andi %get3A_781, %and3A_788 : vector<16xi32>
    %mul3A_790 = arith.constant 64 : i32
    %mul3A_791 = vector.broadcast %mul3A_790 : i32 to vector<16xi32>
    %mul3A_792 = arith.muli %and3A_789, %mul3A_791 : vector<16xi32>
    %swap3A_793 = arith.constant 5 : i32
    %swap3A_794 = arith.index_cast %swap3A_793 : i32 to index
    %swap3A_795 = arith.constant 0 : index
    %swap3A_796 = tpu.vector_load %arg14[%swap3A_794, %swap3A_795] {strides = array<i32>} : memref<8x16xi32, #tpu.memory_space<vmem>>, vector<16xi32>,
    tpu.vector_store %arg14[%swap3A_794, %swap3A_795], %mul3A_792 {strides = array<i32>} : memref<8x16xi32, #tpu.memory_space<vmem>>, vector<16xi32>,
    %get3A_797 = arith.index_cast %sub3A_688 : i32 to index
    %get3A_798 = arith.constant 96 : index
    %get3A_799 = tpu.vector_load %arg6[%get3A_797, %get3A_798] {strides = array<i32>} : memref<8x128xi32, #tpu.memory_space<vmem>>, vector<16xi32>,
    %shift_right_arithmetic3A_800 = arith.constant 1 : i32
    %shift_right_arithmetic3A_801 = vector.broadcast %shift_right_arithmetic3A_800 : i32 to vector<16xi32>
    %shift_right_arithmetic3A_802 = arith.shrsi %get3A_799, %shift_right_arithmetic3A_801 : vector<16xi32>
    %swap3A_803 = arith.constant 96 : index
    %swap3A_804 = tpu.vector_load %arg10[%swap3A_803] {strides = array<i32>} : memref<128xi32, #tpu.memory_space<vmem>>, vector<16xi32>,
    tpu.vector_store %arg10[%swap3A_803], %shift_right_arithmetic3A_802 {strides = array<i32>} : memref<128xi32, #tpu.memory_space<vmem>>, vector<16xi32>,
    %and3A_805 = arith.constant 1 : i32
    %and3A_806 = vector.broadcast %and3A_805 : i32 to vector<16xi32>
    %and3A_807 = arith.andi %get3A_799, %and3A_806 : vector<16xi32>
    %mul3A_808 = arith.constant 64 : i32
    %mul3A_809 = vector.broadcast %mul3A_808 : i32 to vector<16xi32>
    %mul3A_810 = arith.muli %and3A_807, %mul3A_809 : vector<16xi32>
    %swap3A_811 = arith.constant 6 : i32
    %swap3A_812 = arith.index_cast %swap3A_811 : i32 to index
    %swap3A_813 = arith.constant 0 : index
    %swap3A_814 = tpu.vector_load %arg14[%swap3A_812, %swap3A_813] {strides = array<i32>} : memref<8x16xi32, #tpu.memory_space<vmem>>, vector<16xi32>,
    tpu.vector_store %arg14[%swap3A_812, %swap3A_813], %mul3A_810 {strides = array<i32>} : memref<8x16xi32, #tpu.memory_space<vmem>>, vector<16xi32>,
    %get3A_815 = arith.index_cast %sub3A_688 : i32 to index
    %get3A_816 = arith.constant 112 : index
    %get3A_817 = tpu.vector_load %arg6[%get3A_815, %get3A_816] {strides = array<i32>} : memref<8x128xi32, #tpu.memory_space<vmem>>, vector<16xi32>,
    %shift_right_arithmetic3A_818 = arith.constant 1 : i32
    %shift_right_arithmetic3A_819 = vector.broadcast %shift_right_arithmetic3A_818 : i32 to vector<16xi32>
    %shift_right_arithmetic3A_820 = arith.shrsi %get3A_817, %shift_right_arithmetic3A_819 : vector<16xi32>
    %swap3A_821 = arith.constant 112 : index
    %swap3A_822 = tpu.vector_load %arg10[%swap3A_821] {strides = array<i32>} : memref<128xi32, #tpu.memory_space<vmem>>, vector<16xi32>,
    tpu.vector_store %arg10[%swap3A_821], %shift_right_arithmetic3A_820 {strides = array<i32>} : memref<128xi32, #tpu.memory_space<vmem>>, vector<16xi32>,
    %and3A_823 = arith.constant 1 : i32
    %and3A_824 = vector.broadcast %and3A_823 : i32 to vector<16xi32>
    %and3A_825 = arith.andi %get3A_817, %and3A_824 : vector<16xi32>
    %mul3A_826 = arith.constant 64 : i32
    %mul3A_827 = vector.broadcast %mul3A_826 : i32 to vector<16xi32>
    %mul3A_828 = arith.muli %and3A_825, %mul3A_827 : vector<16xi32>
    %swap3A_829 = arith.constant 7 : i32
    %swap3A_830 = arith.index_cast %swap3A_829 : i32 to index
    %swap3A_831 = arith.constant 0 : index
    %swap3A_832 = tpu.vector_load %arg14[%swap3A_830, %swap3A_831] {strides = array<i32>} : memref<8x16xi32, #tpu.memory_space<vmem>>, vector<16xi32>,
    tpu.vector_store %arg14[%swap3A_830, %swap3A_831], %mul3A_828 {strides = array<i32>} : memref<8x16xi32, #tpu.memory_space<vmem>>, vector<16xi32>,
    %dma_start3A_833 = arith.constant 0 : i32
    %dma_start3A_834 = arith.constant 0 : i32
    %dma_start3A_835 = tpu.memref_slice %arg2[%dma_start3A_833, %dma_start3A_834] : memref<500000x128xf32, #tpu.memory_space<hbm>> -> memref<500000x128xf32, #tpu.memory_space<hbm>>
    tpu.enqueue_indirect_dma source(%dma_start3A_835 : memref<500000x128xf32, #tpu.memory_space<hbm>>) target(%arg18 : memref<128x128xf32, #tpu.memory_space<vmem>>) offsets(%arg10 : memref<128xi32, #tpu.memory_space<vmem>>) semaphore(%arg30 : memref<!tpu.dma_semaphore, #tpu.memory_space<semaphore_mem>>)
    %add3A_836 = arith.constant 2 : i32
    %add3A_837 = arith.addi %mul3A_2, %add3A_836 : i32
    %jit3A_838 = arith.constant 128 : i32
    %div3A_839 = arith.divsi %add3A_837, %jit3A_838 : i32
    %sign3A_840 = arith.constant 0 : i32
    %sign3A_841 = arith.cmpi sgt, %add3A_837, %sign3A_840 : i32
    %sign3A_842 = arith.extui %sign3A_841 : i1 to i32
    %sign3A_843 = arith.constant 0 : i32
    %sign3A_844 = arith.cmpi slt, %add3A_837, %sign3A_843 : i32
    %sign3A_845 = arith.extui %sign3A_844 : i1 to i32
    %sign3A_846 = arith.subi %sign3A_842, %sign3A_845 : i32
    %sign3A_847 = arith.constant 0 : i32
    %sign3A_848 = arith.cmpi sgt, %jit3A_838, %sign3A_847 : i32
    %sign3A_849 = arith.extui %sign3A_848 : i1 to i32
    %sign3A_850 = arith.constant 0 : i32
    %sign3A_851 = arith.cmpi slt, %jit3A_838, %sign3A_850 : i32
    %sign3A_852 = arith.extui %sign3A_851 : i1 to i32
    %sign3A_853 = arith.subi %sign3A_849, %sign3A_852 : i32
    %ne3A_854 = arith.cmpi ne, %sign3A_846, %sign3A_853 : i32
    %rem3A_855 = arith.remsi %add3A_837, %jit3A_838 : i32
    %ne3A_856 = arith.constant 0 : i32
    %ne3A_857 = arith.cmpi ne, %rem3A_855, %ne3A_856 : i32
    %and3A_858 = arith.andi %ne3A_854, %ne3A_857 : i1
    %sub3A_859 = arith.constant 1 : i32
    %sub3A_860 = arith.subi %div3A_839, %sub3A_859 : i32
    %select_n3A_861 = arith.select %and3A_858, %sub3A_860, %div3A_839 : i32
    %jit3A_862 = arith.constant 128 : i32
    %eq3A_863 = arith.constant 0 : i32
    %eq3A_864 = arith.cmpi eq, %jit3A_862, %eq3A_863 : i32
    %jit3A_865 = arith.constant 1 : i32
    %select_n3A_866 = arith.select %eq3A_864, %jit3A_865, %jit3A_862 : i32
    %rem3A_867 = arith.remsi %add3A_837, %select_n3A_866 : i32
    %ne3A_868 = arith.constant 0 : i32
    %ne3A_869 = arith.cmpi ne, %rem3A_867, %ne3A_868 : i32
    %lt3A_870 = arith.constant 0 : i32
    %lt3A_871 = arith.cmpi slt, %rem3A_867, %lt3A_870 : i32
    %lt3A_872 = arith.constant 0 : i32
    %lt3A_873 = arith.cmpi slt, %select_n3A_866, %lt3A_872 : i32
    %ne3A_874 = arith.xori %lt3A_871, %lt3A_873 : i1
    %and3A_875 = arith.andi %ne3A_874, %ne3A_869 : i1
    %add3A_876 = arith.addi %rem3A_867, %select_n3A_866 : i32
    %select_n3A_877 = arith.select %and3A_875, %add3A_876, %rem3A_867 : i32
    %mul3A_878 = arith.constant 128 : i32
    %mul3A_879 = arith.muli %select_n3A_877, %mul3A_878 : i32
    %jit3A_880 = arith.constant 8 : i32
    %div3A_881 = arith.divsi %select_n3A_861, %jit3A_880 : i32
    %sign3A_882 = arith.constant 0 : i32
    %sign3A_883 = arith.cmpi sgt, %select_n3A_861, %sign3A_882 : i32
    %sign3A_884 = arith.extui %sign3A_883 : i1 to i32
    %sign3A_885 = arith.constant 0 : i32
    %sign3A_886 = arith.cmpi slt, %select_n3A_861, %sign3A_885 : i32
    %sign3A_887 = arith.extui %sign3A_886 : i1 to i32
    %sign3A_888 = arith.subi %sign3A_884, %sign3A_887 : i32
    %sign3A_889 = arith.constant 0 : i32
    %sign3A_890 = arith.cmpi sgt, %jit3A_880, %sign3A_889 : i32
    %sign3A_891 = arith.extui %sign3A_890 : i1 to i32
    %sign3A_892 = arith.constant 0 : i32
    %sign3A_893 = arith.cmpi slt, %jit3A_880, %sign3A_892 : i32
    %sign3A_894 = arith.extui %sign3A_893 : i1 to i32
    %sign3A_895 = arith.subi %sign3A_891, %sign3A_894 : i32
    %ne3A_896 = arith.cmpi ne, %sign3A_888, %sign3A_895 : i32
    %rem3A_897 = arith.remsi %select_n3A_861, %jit3A_880 : i32
    %ne3A_898 = arith.constant 0 : i32
    %ne3A_899 = arith.cmpi ne, %rem3A_897, %ne3A_898 : i32
    %and3A_900 = arith.andi %ne3A_896, %ne3A_899 : i1
    %sub3A_901 = arith.constant 1 : i32
    %sub3A_902 = arith.subi %div3A_881, %sub3A_901 : i32
    %select_n3A_903 = arith.select %and3A_900, %sub3A_902, %div3A_881 : i32
    %mul3A_904 = arith.constant 8 : i32
    %mul3A_905 = arith.muli %select_n3A_903, %mul3A_904 : i32
    %dma_wait3A_906 = tpu.memref_slice %arg3[%mul3A_905, %mul3A_879] : memref<50x16384xi32, #tpu.memory_space<hbm>> -> memref<8x128xi32, #tpu.memory_space<hbm>>
    %dma_wait3A_907 = tpu.memref_slice %arg3[%mul3A_905, %mul3A_879] : memref<50x16384xi32, #tpu.memory_space<hbm>> -> memref<8x128xi32, #tpu.memory_space<hbm>>
    tpu.wait_dma2 semaphore(%arg27 : memref<!tpu.dma_semaphore, #tpu.memory_space<semaphore_mem>>) src(%dma_wait3A_907 : memref<8x128xi32, #tpu.memory_space<hbm>>) dst(%arg7 : memref<8x128xi32, #tpu.memory_space<vmem>>)
    %sub3A_908 = arith.subi %select_n3A_861, %mul3A_905 : i32
    %get3A_909 = arith.index_cast %sub3A_908 : i32 to index
    %get3A_910 = arith.constant 0 : index
    %get3A_911 = tpu.vector_load %arg7[%get3A_909, %get3A_910] {strides = array<i32>} : memref<8x128xi32, #tpu.memory_space<vmem>>, vector<16xi32>,
    %shift_right_arithmetic3A_912 = arith.constant 1 : i32
    %shift_right_arithmetic3A_913 = vector.broadcast %shift_right_arithmetic3A_912 : i32 to vector<16xi32>
    %shift_right_arithmetic3A_914 = arith.shrsi %get3A_911, %shift_right_arithmetic3A_913 : vector<16xi32>
    %swap3A_915 = arith.constant 0 : index
    %swap3A_916 = tpu.vector_load %arg11[%swap3A_915] {strides = array<i32>} : memref<128xi32, #tpu.memory_space<vmem>>, vector<16xi32>,
    tpu.vector_store %arg11[%swap3A_915], %shift_right_arithmetic3A_914 {strides = array<i32>} : memref<128xi32, #tpu.memory_space<vmem>>, vector<16xi32>,
    %and3A_917 = arith.constant 1 : i32
    %and3A_918 = vector.broadcast %and3A_917 : i32 to vector<16xi32>
    %and3A_919 = arith.andi %get3A_911, %and3A_918 : vector<16xi32>
    %mul3A_920 = arith.constant 64 : i32
    %mul3A_921 = vector.broadcast %mul3A_920 : i32 to vector<16xi32>
    %mul3A_922 = arith.muli %and3A_919, %mul3A_921 : vector<16xi32>
    %swap3A_923 = arith.constant 0 : i32
    %swap3A_924 = arith.index_cast %swap3A_923 : i32 to index
    %swap3A_925 = arith.constant 0 : index
    %swap3A_926 = tpu.vector_load %arg15[%swap3A_924, %swap3A_925] {strides = array<i32>} : memref<8x16xi32, #tpu.memory_space<vmem>>, vector<16xi32>,
    tpu.vector_store %arg15[%swap3A_924, %swap3A_925], %mul3A_922 {strides = array<i32>} : memref<8x16xi32, #tpu.memory_space<vmem>>, vector<16xi32>,
    %get3A_927 = arith.index_cast %sub3A_908 : i32 to index
    %get3A_928 = arith.constant 16 : index
    %get3A_929 = tpu.vector_load %arg7[%get3A_927, %get3A_928] {strides = array<i32>} : memref<8x128xi32, #tpu.memory_space<vmem>>, vector<16xi32>,
    %shift_right_arithmetic3A_930 = arith.constant 1 : i32
    %shift_right_arithmetic3A_931 = vector.broadcast %shift_right_arithmetic3A_930 : i32 to vector<16xi32>
    %shift_right_arithmetic3A_932 = arith.shrsi %get3A_929, %shift_right_arithmetic3A_931 : vector<16xi32>
    %swap3A_933 = arith.constant 16 : index
    %swap3A_934 = tpu.vector_load %arg11[%swap3A_933] {strides = array<i32>} : memref<128xi32, #tpu.memory_space<vmem>>, vector<16xi32>,
    tpu.vector_store %arg11[%swap3A_933], %shift_right_arithmetic3A_932 {strides = array<i32>} : memref<128xi32, #tpu.memory_space<vmem>>, vector<16xi32>,
    %and3A_935 = arith.constant 1 : i32
    %and3A_936 = vector.broadcast %and3A_935 : i32 to vector<16xi32>
    %and3A_937 = arith.andi %get3A_929, %and3A_936 : vector<16xi32>
    %mul3A_938 = arith.constant 64 : i32
    %mul3A_939 = vector.broadcast %mul3A_938 : i32 to vector<16xi32>
    %mul3A_940 = arith.muli %and3A_937, %mul3A_939 : vector<16xi32>
    %swap3A_941 = arith.constant 1 : i32
    %swap3A_942 = arith.index_cast %swap3A_941 : i32 to index
    %swap3A_943 = arith.constant 0 : index
    %swap3A_944 = tpu.vector_load %arg15[%swap3A_942, %swap3A_943] {strides = array<i32>} : memref<8x16xi32, #tpu.memory_space<vmem>>, vector<16xi32>,
    tpu.vector_store %arg15[%swap3A_942, %swap3A_943], %mul3A_940 {strides = array<i32>} : memref<8x16xi32, #tpu.memory_space<vmem>>, vector<16xi32>,
    %get3A_945 = arith.index_cast %sub3A_908 : i32 to index
    %get3A_946 = arith.constant 32 : index
    %get3A_947 = tpu.vector_load %arg7[%get3A_945, %get3A_946] {strides = array<i32>} : memref<8x128xi32, #tpu.memory_space<vmem>>, vector<16xi32>,
    %shift_right_arithmetic3A_948 = arith.constant 1 : i32
    %shift_right_arithmetic3A_949 = vector.broadcast %shift_right_arithmetic3A_948 : i32 to vector<16xi32>
    %shift_right_arithmetic3A_950 = arith.shrsi %get3A_947, %shift_right_arithmetic3A_949 : vector<16xi32>
    %swap3A_951 = arith.constant 32 : index
    %swap3A_952 = tpu.vector_load %arg11[%swap3A_951] {strides = array<i32>} : memref<128xi32, #tpu.memory_space<vmem>>, vector<16xi32>,
    tpu.vector_store %arg11[%swap3A_951], %shift_right_arithmetic3A_950 {strides = array<i32>} : memref<128xi32, #tpu.memory_space<vmem>>, vector<16xi32>,
    %and3A_953 = arith.constant 1 : i32
    %and3A_954 = vector.broadcast %and3A_953 : i32 to vector<16xi32>
    %and3A_955 = arith.andi %get3A_947, %and3A_954 : vector<16xi32>
    %mul3A_956 = arith.constant 64 : i32
    %mul3A_957 = vector.broadcast %mul3A_956 : i32 to vector<16xi32>
    %mul3A_958 = arith.muli %and3A_955, %mul3A_957 : vector<16xi32>
    %swap3A_959 = arith.constant 2 : i32
    %swap3A_960 = arith.index_cast %swap3A_959 : i32 to index
    %swap3A_961 = arith.constant 0 : index
    %swap3A_962 = tpu.vector_load %arg15[%swap3A_960, %swap3A_961] {strides = array<i32>} : memref<8x16xi32, #tpu.memory_space<vmem>>, vector<16xi32>,
    tpu.vector_store %arg15[%swap3A_960, %swap3A_961], %mul3A_958 {strides = array<i32>} : memref<8x16xi32, #tpu.memory_space<vmem>>, vector<16xi32>,
    %get3A_963 = arith.index_cast %sub3A_908 : i32 to index
    %get3A_964 = arith.constant 48 : index
    %get3A_965 = tpu.vector_load %arg7[%get3A_963, %get3A_964] {strides = array<i32>} : memref<8x128xi32, #tpu.memory_space<vmem>>, vector<16xi32>,
    %shift_right_arithmetic3A_966 = arith.constant 1 : i32
    %shift_right_arithmetic3A_967 = vector.broadcast %shift_right_arithmetic3A_966 : i32 to vector<16xi32>
    %shift_right_arithmetic3A_968 = arith.shrsi %get3A_965, %shift_right_arithmetic3A_967 : vector<16xi32>
    %swap3A_969 = arith.constant 48 : index
    %swap3A_970 = tpu.vector_load %arg11[%swap3A_969] {strides = array<i32>} : memref<128xi32, #tpu.memory_space<vmem>>, vector<16xi32>,
    tpu.vector_store %arg11[%swap3A_969], %shift_right_arithmetic3A_968 {strides = array<i32>} : memref<128xi32, #tpu.memory_space<vmem>>, vector<16xi32>,
    %and3A_971 = arith.constant 1 : i32
    %and3A_972 = vector.broadcast %and3A_971 : i32 to vector<16xi32>
    %and3A_973 = arith.andi %get3A_965, %and3A_972 : vector<16xi32>
    %mul3A_974 = arith.constant 64 : i32
    %mul3A_975 = vector.broadcast %mul3A_974 : i32 to vector<16xi32>
    %mul3A_976 = arith.muli %and3A_973, %mul3A_975 : vector<16xi32>
    %swap3A_977 = arith.constant 3 : i32
    %swap3A_978 = arith.index_cast %swap3A_977 : i32 to index
    %swap3A_979 = arith.constant 0 : index
    %swap3A_980 = tpu.vector_load %arg15[%swap3A_978, %swap3A_979] {strides = array<i32>} : memref<8x16xi32, #tpu.memory_space<vmem>>, vector<16xi32>,
    tpu.vector_store %arg15[%swap3A_978, %swap3A_979], %mul3A_976 {strides = array<i32>} : memref<8x16xi32, #tpu.memory_space<vmem>>, vector<16xi32>,
    %get3A_981 = arith.index_cast %sub3A_908 : i32 to index
    %get3A_982 = arith.constant 64 : index
    %get3A_983 = tpu.vector_load %arg7[%get3A_981, %get3A_982] {strides = array<i32>} : memref<8x128xi32, #tpu.memory_space<vmem>>, vector<16xi32>,
    %shift_right_arithmetic3A_984 = arith.constant 1 : i32
    %shift_right_arithmetic3A_985 = vector.broadcast %shift_right_arithmetic3A_984 : i32 to vector<16xi32>
    %shift_right_arithmetic3A_986 = arith.shrsi %get3A_983, %shift_right_arithmetic3A_985 : vector<16xi32>
    %swap3A_987 = arith.constant 64 : index
    %swap3A_988 = tpu.vector_load %arg11[%swap3A_987] {strides = array<i32>} : memref<128xi32, #tpu.memory_space<vmem>>, vector<16xi32>,
    tpu.vector_store %arg11[%swap3A_987], %shift_right_arithmetic3A_986 {strides = array<i32>} : memref<128xi32, #tpu.memory_space<vmem>>, vector<16xi32>,
    %and3A_989 = arith.constant 1 : i32
    %and3A_990 = vector.broadcast %and3A_989 : i32 to vector<16xi32>
    %and3A_991 = arith.andi %get3A_983, %and3A_990 : vector<16xi32>
    %mul3A_992 = arith.constant 64 : i32
    %mul3A_993 = vector.broadcast %mul3A_992 : i32 to vector<16xi32>
    %mul3A_994 = arith.muli %and3A_991, %mul3A_993 : vector<16xi32>
    %swap3A_995 = arith.constant 4 : i32
    %swap3A_996 = arith.index_cast %swap3A_995 : i32 to index
    %swap3A_997 = arith.constant 0 : index
    %swap3A_998 = tpu.vector_load %arg15[%swap3A_996, %swap3A_997] {strides = array<i32>} : memref<8x16xi32, #tpu.memory_space<vmem>>, vector<16xi32>,
    tpu.vector_store %arg15[%swap3A_996, %swap3A_997], %mul3A_994 {strides = array<i32>} : memref<8x16xi32, #tpu.memory_space<vmem>>, vector<16xi32>,
    %get3A_999 = arith.index_cast %sub3A_908 : i32 to index
    %get3A_1000 = arith.constant 80 : index
    %get3A_1001 = tpu.vector_load %arg7[%get3A_999, %get3A_1000] {strides = array<i32>} : memref<8x128xi32, #tpu.memory_space<vmem>>, vector<16xi32>,
    %shift_right_arithmetic3A_1002 = arith.constant 1 : i32
    %shift_right_arithmetic3A_1003 = vector.broadcast %shift_right_arithmetic3A_1002 : i32 to vector<16xi32>
    %shift_right_arithmetic3A_1004 = arith.shrsi %get3A_1001, %shift_right_arithmetic3A_1003 : vector<16xi32>
    %swap3A_1005 = arith.constant 80 : index
    %swap3A_1006 = tpu.vector_load %arg11[%swap3A_1005] {strides = array<i32>} : memref<128xi32, #tpu.memory_space<vmem>>, vector<16xi32>,
    tpu.vector_store %arg11[%swap3A_1005], %shift_right_arithmetic3A_1004 {strides = array<i32>} : memref<128xi32, #tpu.memory_space<vmem>>, vector<16xi32>,
    %and3A_1007 = arith.constant 1 : i32
    %and3A_1008 = vector.broadcast %and3A_1007 : i32 to vector<16xi32>
    %and3A_1009 = arith.andi %get3A_1001, %and3A_1008 : vector<16xi32>
    %mul3A_1010 = arith.constant 64 : i32
    %mul3A_1011 = vector.broadcast %mul3A_1010 : i32 to vector<16xi32>
    %mul3A_1012 = arith.muli %and3A_1009, %mul3A_1011 : vector<16xi32>
    %swap3A_1013 = arith.constant 5 : i32
    %swap3A_1014 = arith.index_cast %swap3A_1013 : i32 to index
    %swap3A_1015 = arith.constant 0 : index
    %swap3A_1016 = tpu.vector_load %arg15[%swap3A_1014, %swap3A_1015] {strides = array<i32>} : memref<8x16xi32, #tpu.memory_space<vmem>>, vector<16xi32>,
    tpu.vector_store %arg15[%swap3A_1014, %swap3A_1015], %mul3A_1012 {strides = array<i32>} : memref<8x16xi32, #tpu.memory_space<vmem>>, vector<16xi32>,
    %get3A_1017 = arith.index_cast %sub3A_908 : i32 to index
    %get3A_1018 = arith.constant 96 : index
    %get3A_1019 = tpu.vector_load %arg7[%get3A_1017, %get3A_1018] {strides = array<i32>} : memref<8x128xi32, #tpu.memory_space<vmem>>, vector<16xi32>,
    %shift_right_arithmetic3A_1020 = arith.constant 1 : i32
    %shift_right_arithmetic3A_1021 = vector.broadcast %shift_right_arithmetic3A_1020 : i32 to vector<16xi32>
    %shift_right_arithmetic3A_1022 = arith.shrsi %get3A_1019, %shift_right_arithmetic3A_1021 : vector<16xi32>
    %swap3A_1023 = arith.constant 96 : index
    %swap3A_1024 = tpu.vector_load %arg11[%swap3A_1023] {strides = array<i32>} : memref<128xi32, #tpu.memory_space<vmem>>, vector<16xi32>,
    tpu.vector_store %arg11[%swap3A_1023], %shift_right_arithmetic3A_1022 {strides = array<i32>} : memref<128xi32, #tpu.memory_space<vmem>>, vector<16xi32>,
    %and3A_1025 = arith.constant 1 : i32
    %and3A_1026 = vector.broadcast %and3A_1025 : i32 to vector<16xi32>
    %and3A_1027 = arith.andi %get3A_1019, %and3A_1026 : vector<16xi32>
    %mul3A_1028 = arith.constant 64 : i32
    %mul3A_1029 = vector.broadcast %mul3A_1028 : i32 to vector<16xi32>
    %mul3A_1030 = arith.muli %and3A_1027, %mul3A_1029 : vector<16xi32>
    %swap3A_1031 = arith.constant 6 : i32
    %swap3A_1032 = arith.index_cast %swap3A_1031 : i32 to index
    %swap3A_1033 = arith.constant 0 : index
    %swap3A_1034 = tpu.vector_load %arg15[%swap3A_1032, %swap3A_1033] {strides = array<i32>} : memref<8x16xi32, #tpu.memory_space<vmem>>, vector<16xi32>,
    tpu.vector_store %arg15[%swap3A_1032, %swap3A_1033], %mul3A_1030 {strides = array<i32>} : memref<8x16xi32, #tpu.memory_space<vmem>>, vector<16xi32>,
    %get3A_1035 = arith.index_cast %sub3A_908 : i32 to index
    %get3A_1036 = arith.constant 112 : index
    %get3A_1037 = tpu.vector_load %arg7[%get3A_1035, %get3A_1036] {strides = array<i32>} : memref<8x128xi32, #tpu.memory_space<vmem>>, vector<16xi32>,
    %shift_right_arithmetic3A_1038 = arith.constant 1 : i32
    %shift_right_arithmetic3A_1039 = vector.broadcast %shift_right_arithmetic3A_1038 : i32 to vector<16xi32>
    %shift_right_arithmetic3A_1040 = arith.shrsi %get3A_1037, %shift_right_arithmetic3A_1039 : vector<16xi32>
    %swap3A_1041 = arith.constant 112 : index
    %swap3A_1042 = tpu.vector_load %arg11[%swap3A_1041] {strides = array<i32>} : memref<128xi32, #tpu.memory_space<vmem>>, vector<16xi32>,
    tpu.vector_store %arg11[%swap3A_1041], %shift_right_arithmetic3A_1040 {strides = array<i32>} : memref<128xi32, #tpu.memory_space<vmem>>, vector<16xi32>,
    %and3A_1043 = arith.constant 1 : i32
    %and3A_1044 = vector.broadcast %and3A_1043 : i32 to vector<16xi32>
    %and3A_1045 = arith.andi %get3A_1037, %and3A_1044 : vector<16xi32>
    %mul3A_1046 = arith.constant 64 : i32
    %mul3A_1047 = vector.broadcast %mul3A_1046 : i32 to vector<16xi32>
    %mul3A_1048 = arith.muli %and3A_1045, %mul3A_1047 : vector<16xi32>
    %swap3A_1049 = arith.constant 7 : i32
    %swap3A_1050 = arith.index_cast %swap3A_1049 : i32 to index
    %swap3A_1051 = arith.constant 0 : index
    %swap3A_1052 = tpu.vector_load %arg15[%swap3A_1050, %swap3A_1051] {strides = array<i32>} : memref<8x16xi32, #tpu.memory_space<vmem>>, vector<16xi32>,
    tpu.vector_store %arg15[%swap3A_1050, %swap3A_1051], %mul3A_1048 {strides = array<i32>} : memref<8x16xi32, #tpu.memory_space<vmem>>, vector<16xi32>,
    %dma_start3A_1053 = arith.constant 0 : i32
    %dma_start3A_1054 = arith.constant 0 : i32
    %dma_start3A_1055 = tpu.memref_slice %arg2[%dma_start3A_1053, %dma_start3A_1054] : memref<500000x128xf32, #tpu.memory_space<hbm>> -> memref<500000x128xf32, #tpu.memory_space<hbm>>
    tpu.enqueue_indirect_dma source(%dma_start3A_1055 : memref<500000x128xf32, #tpu.memory_space<hbm>>) target(%arg19 : memref<128x128xf32, #tpu.memory_space<vmem>>) offsets(%arg11 : memref<128xi32, #tpu.memory_space<vmem>>) semaphore(%arg31 : memref<!tpu.dma_semaphore, #tpu.memory_space<semaphore_mem>>)
    %add3A_1056 = arith.constant 3 : i32
    %add3A_1057 = arith.addi %mul3A_2, %add3A_1056 : i32
    %jit3A_1058 = arith.constant 128 : i32
    %div3A_1059 = arith.divsi %add3A_1057, %jit3A_1058 : i32
    %sign3A_1060 = arith.constant 0 : i32
    %sign3A_1061 = arith.cmpi sgt, %add3A_1057, %sign3A_1060 : i32
    %sign3A_1062 = arith.extui %sign3A_1061 : i1 to i32
    %sign3A_1063 = arith.constant 0 : i32
    %sign3A_1064 = arith.cmpi slt, %add3A_1057, %sign3A_1063 : i32
    %sign3A_1065 = arith.extui %sign3A_1064 : i1 to i32
    %sign3A_1066 = arith.subi %sign3A_1062, %sign3A_1065 : i32
    %sign3A_1067 = arith.constant 0 : i32
    %sign3A_1068 = arith.cmpi sgt, %jit3A_1058, %sign3A_1067 : i32
    %sign3A_1069 = arith.extui %sign3A_1068 : i1 to i32
    %sign3A_1070 = arith.constant 0 : i32
    %sign3A_1071 = arith.cmpi slt, %jit3A_1058, %sign3A_1070 : i32
    %sign3A_1072 = arith.extui %sign3A_1071 : i1 to i32
    %sign3A_1073 = arith.subi %sign3A_1069, %sign3A_1072 : i32
    %ne3A_1074 = arith.cmpi ne, %sign3A_1066, %sign3A_1073 : i32
    %rem3A_1075 = arith.remsi %add3A_1057, %jit3A_1058 : i32
    %ne3A_1076 = arith.constant 0 : i32
    %ne3A_1077 = arith.cmpi ne, %rem3A_1075, %ne3A_1076 : i32
    %and3A_1078 = arith.andi %ne3A_1074, %ne3A_1077 : i1
    %sub3A_1079 = arith.constant 1 : i32
    %sub3A_1080 = arith.subi %div3A_1059, %sub3A_1079 : i32
    %select_n3A_1081 = arith.select %and3A_1078, %sub3A_1080, %div3A_1059 : i32
    %jit3A_1082 = arith.constant 128 : i32
    %eq3A_1083 = arith.constant 0 : i32
    %eq3A_1084 = arith.cmpi eq, %jit3A_1082, %eq3A_1083 : i32
    %jit3A_1085 = arith.constant 1 : i32
    %select_n3A_1086 = arith.select %eq3A_1084, %jit3A_1085, %jit3A_1082 : i32
    %rem3A_1087 = arith.remsi %add3A_1057, %select_n3A_1086 : i32
    %ne3A_1088 = arith.constant 0 : i32
    %ne3A_1089 = arith.cmpi ne, %rem3A_1087, %ne3A_1088 : i32
    %lt3A_1090 = arith.constant 0 : i32
    %lt3A_1091 = arith.cmpi slt, %rem3A_1087, %lt3A_1090 : i32
    %lt3A_1092 = arith.constant 0 : i32
    %lt3A_1093 = arith.cmpi slt, %select_n3A_1086, %lt3A_1092 : i32
    %ne3A_1094 = arith.xori %lt3A_1091, %lt3A_1093 : i1
    %and3A_1095 = arith.andi %ne3A_1094, %ne3A_1089 : i1
    %add3A_1096 = arith.addi %rem3A_1087, %select_n3A_1086 : i32
    %select_n3A_1097 = arith.select %and3A_1095, %add3A_1096, %rem3A_1087 : i32
    %mul3A_1098 = arith.constant 128 : i32
    %mul3A_1099 = arith.muli %select_n3A_1097, %mul3A_1098 : i32
    %jit3A_1100 = arith.constant 8 : i32
    %div3A_1101 = arith.divsi %select_n3A_1081, %jit3A_1100 : i32
    %sign3A_1102 = arith.constant 0 : i32
    %sign3A_1103 = arith.cmpi sgt, %select_n3A_1081, %sign3A_1102 : i32
    %sign3A_1104 = arith.extui %sign3A_1103 : i1 to i32
    %sign3A_1105 = arith.constant 0 : i32
    %sign3A_1106 = arith.cmpi slt, %select_n3A_1081, %sign3A_1105 : i32
    %sign3A_1107 = arith.extui %sign3A_1106 : i1 to i32
    %sign3A_1108 = arith.subi %sign3A_1104, %sign3A_1107 : i32
    %sign3A_1109 = arith.constant 0 : i32
    %sign3A_1110 = arith.cmpi sgt, %jit3A_1100, %sign3A_1109 : i32
    %sign3A_1111 = arith.extui %sign3A_1110 : i1 to i32
    %sign3A_1112 = arith.constant 0 : i32
    %sign3A_1113 = arith.cmpi slt, %jit3A_1100, %sign3A_1112 : i32
    %sign3A_1114 = arith.extui %sign3A_1113 : i1 to i32
    %sign3A_1115 = arith.subi %sign3A_1111, %sign3A_1114 : i32
    %ne3A_1116 = arith.cmpi ne, %sign3A_1108, %sign3A_1115 : i32
    %rem3A_1117 = arith.remsi %select_n3A_1081, %jit3A_1100 : i32
    %ne3A_1118 = arith.constant 0 : i32
    %ne3A_1119 = arith.cmpi ne, %rem3A_1117, %ne3A_1118 : i32
    %and3A_1120 = arith.andi %ne3A_1116, %ne3A_1119 : i1
    %sub3A_1121 = arith.constant 1 : i32
    %sub3A_1122 = arith.subi %div3A_1101, %sub3A_1121 : i32
    %select_n3A_1123 = arith.select %and3A_1120, %sub3A_1122, %div3A_1101 : i32
    %mul3A_1124 = arith.constant 8 : i32
    %mul3A_1125 = arith.muli %select_n3A_1123, %mul3A_1124 : i32
    %dma_wait3A_1126 = tpu.memref_slice %arg3[%mul3A_1125, %mul3A_1099] : memref<50x16384xi32, #tpu.memory_space<hbm>> -> memref<8x128xi32, #tpu.memory_space<hbm>>
    %dma_wait3A_1127 = tpu.memref_slice %arg3[%mul3A_1125, %mul3A_1099] : memref<50x16384xi32, #tpu.memory_space<hbm>> -> memref<8x128xi32, #tpu.memory_space<hbm>>
    tpu.wait_dma2 semaphore(%arg28 : memref<!tpu.dma_semaphore, #tpu.memory_space<semaphore_mem>>) src(%dma_wait3A_1127 : memref<8x128xi32, #tpu.memory_space<hbm>>) dst(%arg8 : memref<8x128xi32, #tpu.memory_space<vmem>>)
    %sub3A_1128 = arith.subi %select_n3A_1081, %mul3A_1125 : i32
    %get3A_1129 = arith.index_cast %sub3A_1128 : i32 to index
    %get3A_1130 = arith.constant 0 : index
    %get3A_1131 = tpu.vector_load %arg8[%get3A_1129, %get3A_1130] {strides = array<i32>} : memref<8x128xi32, #tpu.memory_space<vmem>>, vector<16xi32>,
    %shift_right_arithmetic3A_1132 = arith.constant 1 : i32
    %shift_right_arithmetic3A_1133 = vector.broadcast %shift_right_arithmetic3A_1132 : i32 to vector<16xi32>
    %shift_right_arithmetic3A_1134 = arith.shrsi %get3A_1131, %shift_right_arithmetic3A_1133 : vector<16xi32>
    %swap3A_1135 = arith.constant 0 : index
    %swap3A_1136 = tpu.vector_load %arg12[%swap3A_1135] {strides = array<i32>} : memref<128xi32, #tpu.memory_space<vmem>>, vector<16xi32>,
    tpu.vector_store %arg12[%swap3A_1135], %shift_right_arithmetic3A_1134 {strides = array<i32>} : memref<128xi32, #tpu.memory_space<vmem>>, vector<16xi32>,
    %and3A_1137 = arith.constant 1 : i32
    %and3A_1138 = vector.broadcast %and3A_1137 : i32 to vector<16xi32>
    %and3A_1139 = arith.andi %get3A_1131, %and3A_1138 : vector<16xi32>
    %mul3A_1140 = arith.constant 64 : i32
    %mul3A_1141 = vector.broadcast %mul3A_1140 : i32 to vector<16xi32>
    %mul3A_1142 = arith.muli %and3A_1139, %mul3A_1141 : vector<16xi32>
    %swap3A_1143 = arith.constant 0 : i32
    %swap3A_1144 = arith.index_cast %swap3A_1143 : i32 to index
    %swap3A_1145 = arith.constant 0 : index
    %swap3A_1146 = tpu.vector_load %arg16[%swap3A_1144, %swap3A_1145] {strides = array<i32>} : memref<8x16xi32, #tpu.memory_space<vmem>>, vector<16xi32>,
    tpu.vector_store %arg16[%swap3A_1144, %swap3A_1145], %mul3A_1142 {strides = array<i32>} : memref<8x16xi32, #tpu.memory_space<vmem>>, vector<16xi32>,
    %get3A_1147 = arith.index_cast %sub3A_1128 : i32 to index
    %get3A_1148 = arith.constant 16 : index
    %get3A_1149 = tpu.vector_load %arg8[%get3A_1147, %get3A_1148] {strides = array<i32>} : memref<8x128xi32, #tpu.memory_space<vmem>>, vector<16xi32>,
    %shift_right_arithmetic3A_1150 = arith.constant 1 : i32
    %shift_right_arithmetic3A_1151 = vector.broadcast %shift_right_arithmetic3A_1150 : i32 to vector<16xi32>
    %shift_right_arithmetic3A_1152 = arith.shrsi %get3A_1149, %shift_right_arithmetic3A_1151 : vector<16xi32>
    %swap3A_1153 = arith.constant 16 : index
    %swap3A_1154 = tpu.vector_load %arg12[%swap3A_1153] {strides = array<i32>} : memref<128xi32, #tpu.memory_space<vmem>>, vector<16xi32>,
    tpu.vector_store %arg12[%swap3A_1153], %shift_right_arithmetic3A_1152 {strides = array<i32>} : memref<128xi32, #tpu.memory_space<vmem>>, vector<16xi32>,
    %and3A_1155 = arith.constant 1 : i32
    %and3A_1156 = vector.broadcast %and3A_1155 : i32 to vector<16xi32>
    %and3A_1157 = arith.andi %get3A_1149, %and3A_1156 : vector<16xi32>
    %mul3A_1158 = arith.constant 64 : i32
    %mul3A_1159 = vector.broadcast %mul3A_1158 : i32 to vector<16xi32>
    %mul3A_1160 = arith.muli %and3A_1157, %mul3A_1159 : vector<16xi32>
    %swap3A_1161 = arith.constant 1 : i32
    %swap3A_1162 = arith.index_cast %swap3A_1161 : i32 to index
    %swap3A_1163 = arith.constant 0 : index
    %swap3A_1164 = tpu.vector_load %arg16[%swap3A_1162, %swap3A_1163] {strides = array<i32>} : memref<8x16xi32, #tpu.memory_space<vmem>>, vector<16xi32>,
    tpu.vector_store %arg16[%swap3A_1162, %swap3A_1163], %mul3A_1160 {strides = array<i32>} : memref<8x16xi32, #tpu.memory_space<vmem>>, vector<16xi32>,
    %get3A_1165 = arith.index_cast %sub3A_1128 : i32 to index
    %get3A_1166 = arith.constant 32 : index
    %get3A_1167 = tpu.vector_load %arg8[%get3A_1165, %get3A_1166] {strides = array<i32>} : memref<8x128xi32, #tpu.memory_space<vmem>>, vector<16xi32>,
    %shift_right_arithmetic3A_1168 = arith.constant 1 : i32
    %shift_right_arithmetic3A_1169 = vector.broadcast %shift_right_arithmetic3A_1168 : i32 to vector<16xi32>
    %shift_right_arithmetic3A_1170 = arith.shrsi %get3A_1167, %shift_right_arithmetic3A_1169 : vector<16xi32>
    %swap3A_1171 = arith.constant 32 : index
    %swap3A_1172 = tpu.vector_load %arg12[%swap3A_1171] {strides = array<i32>} : memref<128xi32, #tpu.memory_space<vmem>>, vector<16xi32>,
    tpu.vector_store %arg12[%swap3A_1171], %shift_right_arithmetic3A_1170 {strides = array<i32>} : memref<128xi32, #tpu.memory_space<vmem>>, vector<16xi32>,
    %and3A_1173 = arith.constant 1 : i32
    %and3A_1174 = vector.broadcast %and3A_1173 : i32 to vector<16xi32>
    %and3A_1175 = arith.andi %get3A_1167, %and3A_1174 : vector<16xi32>
    %mul3A_1176 = arith.constant 64 : i32
    %mul3A_1177 = vector.broadcast %mul3A_1176 : i32 to vector<16xi32>
    %mul3A_1178 = arith.muli %and3A_1175, %mul3A_1177 : vector<16xi32>
    %swap3A_1179 = arith.constant 2 : i32
    %swap3A_1180 = arith.index_cast %swap3A_1179 : i32 to index
    %swap3A_1181 = arith.constant 0 : index
    %swap3A_1182 = tpu.vector_load %arg16[%swap3A_1180, %swap3A_1181] {strides = array<i32>} : memref<8x16xi32, #tpu.memory_space<vmem>>, vector<16xi32>,
    tpu.vector_store %arg16[%swap3A_1180, %swap3A_1181], %mul3A_1178 {strides = array<i32>} : memref<8x16xi32, #tpu.memory_space<vmem>>, vector<16xi32>,
    %get3A_1183 = arith.index_cast %sub3A_1128 : i32 to index
    %get3A_1184 = arith.constant 48 : index
    %get3A_1185 = tpu.vector_load %arg8[%get3A_1183, %get3A_1184] {strides = array<i32>} : memref<8x128xi32, #tpu.memory_space<vmem>>, vector<16xi32>,
    %shift_right_arithmetic3A_1186 = arith.constant 1 : i32
    %shift_right_arithmetic3A_1187 = vector.broadcast %shift_right_arithmetic3A_1186 : i32 to vector<16xi32>
    %shift_right_arithmetic3A_1188 = arith.shrsi %get3A_1185, %shift_right_arithmetic3A_1187 : vector<16xi32>
    %swap3A_1189 = arith.constant 48 : index
    %swap3A_1190 = tpu.vector_load %arg12[%swap3A_1189] {strides = array<i32>} : memref<128xi32, #tpu.memory_space<vmem>>, vector<16xi32>,
    tpu.vector_store %arg12[%swap3A_1189], %shift_right_arithmetic3A_1188 {strides = array<i32>} : memref<128xi32, #tpu.memory_space<vmem>>, vector<16xi32>,
    %and3A_1191 = arith.constant 1 : i32
    %and3A_1192 = vector.broadcast %and3A_1191 : i32 to vector<16xi32>
    %and3A_1193 = arith.andi %get3A_1185, %and3A_1192 : vector<16xi32>
    %mul3A_1194 = arith.constant 64 : i32
    %mul3A_1195 = vector.broadcast %mul3A_1194 : i32 to vector<16xi32>
    %mul3A_1196 = arith.muli %and3A_1193, %mul3A_1195 : vector<16xi32>
    %swap3A_1197 = arith.constant 3 : i32
    %swap3A_1198 = arith.index_cast %swap3A_1197 : i32 to index
    %swap3A_1199 = arith.constant 0 : index
    %swap3A_1200 = tpu.vector_load %arg16[%swap3A_1198, %swap3A_1199] {strides = array<i32>} : memref<8x16xi32, #tpu.memory_space<vmem>>, vector<16xi32>,
    tpu.vector_store %arg16[%swap3A_1198, %swap3A_1199], %mul3A_1196 {strides = array<i32>} : memref<8x16xi32, #tpu.memory_space<vmem>>, vector<16xi32>,
    %get3A_1201 = arith.index_cast %sub3A_1128 : i32 to index
    %get3A_1202 = arith.constant 64 : index
    %get3A_1203 = tpu.vector_load %arg8[%get3A_1201, %get3A_1202] {strides = array<i32>} : memref<8x128xi32, #tpu.memory_space<vmem>>, vector<16xi32>,
    %shift_right_arithmetic3A_1204 = arith.constant 1 : i32
    %shift_right_arithmetic3A_1205 = vector.broadcast %shift_right_arithmetic3A_1204 : i32 to vector<16xi32>
    %shift_right_arithmetic3A_1206 = arith.shrsi %get3A_1203, %shift_right_arithmetic3A_1205 : vector<16xi32>
    %swap3A_1207 = arith.constant 64 : index
    %swap3A_1208 = tpu.vector_load %arg12[%swap3A_1207] {strides = array<i32>} : memref<128xi32, #tpu.memory_space<vmem>>, vector<16xi32>,
    tpu.vector_store %arg12[%swap3A_1207], %shift_right_arithmetic3A_1206 {strides = array<i32>} : memref<128xi32, #tpu.memory_space<vmem>>, vector<16xi32>,
    %and3A_1209 = arith.constant 1 : i32
    %and3A_1210 = vector.broadcast %and3A_1209 : i32 to vector<16xi32>
    %and3A_1211 = arith.andi %get3A_1203, %and3A_1210 : vector<16xi32>
    %mul3A_1212 = arith.constant 64 : i32
    %mul3A_1213 = vector.broadcast %mul3A_1212 : i32 to vector<16xi32>
    %mul3A_1214 = arith.muli %and3A_1211, %mul3A_1213 : vector<16xi32>
    %swap3A_1215 = arith.constant 4 : i32
    %swap3A_1216 = arith.index_cast %swap3A_1215 : i32 to index
    %swap3A_1217 = arith.constant 0 : index
    %swap3A_1218 = tpu.vector_load %arg16[%swap3A_1216, %swap3A_1217] {strides = array<i32>} : memref<8x16xi32, #tpu.memory_space<vmem>>, vector<16xi32>,
    tpu.vector_store %arg16[%swap3A_1216, %swap3A_1217], %mul3A_1214 {strides = array<i32>} : memref<8x16xi32, #tpu.memory_space<vmem>>, vector<16xi32>,
    %get3A_1219 = arith.index_cast %sub3A_1128 : i32 to index
    %get3A_1220 = arith.constant 80 : index
    %get3A_1221 = tpu.vector_load %arg8[%get3A_1219, %get3A_1220] {strides = array<i32>} : memref<8x128xi32, #tpu.memory_space<vmem>>, vector<16xi32>,
    %shift_right_arithmetic3A_1222 = arith.constant 1 : i32
    %shift_right_arithmetic3A_1223 = vector.broadcast %shift_right_arithmetic3A_1222 : i32 to vector<16xi32>
    %shift_right_arithmetic3A_1224 = arith.shrsi %get3A_1221, %shift_right_arithmetic3A_1223 : vector<16xi32>
    %swap3A_1225 = arith.constant 80 : index
    %swap3A_1226 = tpu.vector_load %arg12[%swap3A_1225] {strides = array<i32>} : memref<128xi32, #tpu.memory_space<vmem>>, vector<16xi32>,
    tpu.vector_store %arg12[%swap3A_1225], %shift_right_arithmetic3A_1224 {strides = array<i32>} : memref<128xi32, #tpu.memory_space<vmem>>, vector<16xi32>,
    %and3A_1227 = arith.constant 1 : i32
    %and3A_1228 = vector.broadcast %and3A_1227 : i32 to vector<16xi32>
    %and3A_1229 = arith.andi %get3A_1221, %and3A_1228 : vector<16xi32>
    %mul3A_1230 = arith.constant 64 : i32
    %mul3A_1231 = vector.broadcast %mul3A_1230 : i32 to vector<16xi32>
    %mul3A_1232 = arith.muli %and3A_1229, %mul3A_1231 : vector<16xi32>
    %swap3A_1233 = arith.constant 5 : i32
    %swap3A_1234 = arith.index_cast %swap3A_1233 : i32 to index
    %swap3A_1235 = arith.constant 0 : index
    %swap3A_1236 = tpu.vector_load %arg16[%swap3A_1234, %swap3A_1235] {strides = array<i32>} : memref<8x16xi32, #tpu.memory_space<vmem>>, vector<16xi32>,
    tpu.vector_store %arg16[%swap3A_1234, %swap3A_1235], %mul3A_1232 {strides = array<i32>} : memref<8x16xi32, #tpu.memory_space<vmem>>, vector<16xi32>,
    %get3A_1237 = arith.index_cast %sub3A_1128 : i32 to index
    %get3A_1238 = arith.constant 96 : index
    %get3A_1239 = tpu.vector_load %arg8[%get3A_1237, %get3A_1238] {strides = array<i32>} : memref<8x128xi32, #tpu.memory_space<vmem>>, vector<16xi32>,
    %shift_right_arithmetic3A_1240 = arith.constant 1 : i32
    %shift_right_arithmetic3A_1241 = vector.broadcast %shift_right_arithmetic3A_1240 : i32 to vector<16xi32>
    %shift_right_arithmetic3A_1242 = arith.shrsi %get3A_1239, %shift_right_arithmetic3A_1241 : vector<16xi32>
    %swap3A_1243 = arith.constant 96 : index
    %swap3A_1244 = tpu.vector_load %arg12[%swap3A_1243] {strides = array<i32>} : memref<128xi32, #tpu.memory_space<vmem>>, vector<16xi32>,
    tpu.vector_store %arg12[%swap3A_1243], %shift_right_arithmetic3A_1242 {strides = array<i32>} : memref<128xi32, #tpu.memory_space<vmem>>, vector<16xi32>,
    %and3A_1245 = arith.constant 1 : i32
    %and3A_1246 = vector.broadcast %and3A_1245 : i32 to vector<16xi32>
    %and3A_1247 = arith.andi %get3A_1239, %and3A_1246 : vector<16xi32>
    %mul3A_1248 = arith.constant 64 : i32
    %mul3A_1249 = vector.broadcast %mul3A_1248 : i32 to vector<16xi32>
    %mul3A_1250 = arith.muli %and3A_1247, %mul3A_1249 : vector<16xi32>
    %swap3A_1251 = arith.constant 6 : i32
    %swap3A_1252 = arith.index_cast %swap3A_1251 : i32 to index
    %swap3A_1253 = arith.constant 0 : index
    %swap3A_1254 = tpu.vector_load %arg16[%swap3A_1252, %swap3A_1253] {strides = array<i32>} : memref<8x16xi32, #tpu.memory_space<vmem>>, vector<16xi32>,
    tpu.vector_store %arg16[%swap3A_1252, %swap3A_1253], %mul3A_1250 {strides = array<i32>} : memref<8x16xi32, #tpu.memory_space<vmem>>, vector<16xi32>,
    %get3A_1255 = arith.index_cast %sub3A_1128 : i32 to index
    %get3A_1256 = arith.constant 112 : index
    %get3A_1257 = tpu.vector_load %arg8[%get3A_1255, %get3A_1256] {strides = array<i32>} : memref<8x128xi32, #tpu.memory_space<vmem>>, vector<16xi32>,
    %shift_right_arithmetic3A_1258 = arith.constant 1 : i32
    %shift_right_arithmetic3A_1259 = vector.broadcast %shift_right_arithmetic3A_1258 : i32 to vector<16xi32>
    %shift_right_arithmetic3A_1260 = arith.shrsi %get3A_1257, %shift_right_arithmetic3A_1259 : vector<16xi32>
    %swap3A_1261 = arith.constant 112 : index
    %swap3A_1262 = tpu.vector_load %arg12[%swap3A_1261] {strides = array<i32>} : memref<128xi32, #tpu.memory_space<vmem>>, vector<16xi32>,
    tpu.vector_store %arg12[%swap3A_1261], %shift_right_arithmetic3A_1260 {strides = array<i32>} : memref<128xi32, #tpu.memory_space<vmem>>, vector<16xi32>,
    %and3A_1263 = arith.constant 1 : i32
    %and3A_1264 = vector.broadcast %and3A_1263 : i32 to vector<16xi32>
    %and3A_1265 = arith.andi %get3A_1257, %and3A_1264 : vector<16xi32>
    %mul3A_1266 = arith.constant 64 : i32
    %mul3A_1267 = vector.broadcast %mul3A_1266 : i32 to vector<16xi32>
    %mul3A_1268 = arith.muli %and3A_1265, %mul3A_1267 : vector<16xi32>
    %swap3A_1269 = arith.constant 7 : i32
    %swap3A_1270 = arith.index_cast %swap3A_1269 : i32 to index
    %swap3A_1271 = arith.constant 0 : index
    %swap3A_1272 = tpu.vector_load %arg16[%swap3A_1270, %swap3A_1271] {strides = array<i32>} : memref<8x16xi32, #tpu.memory_space<vmem>>, vector<16xi32>,
    tpu.vector_store %arg16[%swap3A_1270, %swap3A_1271], %mul3A_1268 {strides = array<i32>} : memref<8x16xi32, #tpu.memory_space<vmem>>, vector<16xi32>,
    %dma_start3A_1273 = arith.constant 0 : i32
    %dma_start3A_1274 = arith.constant 0 : i32
    %dma_start3A_1275 = tpu.memref_slice %arg2[%dma_start3A_1273, %dma_start3A_1274] : memref<500000x128xf32, #tpu.memory_space<hbm>> -> memref<500000x128xf32, #tpu.memory_space<hbm>>
    tpu.enqueue_indirect_dma source(%dma_start3A_1275 : memref<500000x128xf32, #tpu.memory_space<hbm>>) target(%arg20 : memref<128x128xf32, #tpu.memory_space<vmem>>) offsets(%arg12 : memref<128xi32, #tpu.memory_space<vmem>>) semaphore(%arg32 : memref<!tpu.dma_semaphore, #tpu.memory_space<semaphore_mem>>)
    %scan3A = arith.constant 0 : i32
    %scan3A_1276 = arith.constant 50 : i32
    %scan3A_1277 = arith.addi %scan3A, %scan3A_1276 : i32
    %scan3A_1278 = arith.constant 1 : i32
    scf.for %scan3A_1488 = %scan3A to %scan3A_1277 step %scan3A_1278  : i32 {
      %mul3A_1489 = arith.constant 1 : i32
      %mul3A_1490 = arith.muli %scan3A_1488, %mul3A_1489 : i32
      %add3A_1491 = arith.constant 0 : i32
      %add3A_1492 = arith.addi %add3A_1491, %mul3A_1490 : i32
      %mul3A_1493 = arith.constant 4 : i32
      %mul3A_1494 = arith.muli %add3A_1492, %mul3A_1493 : i32
      %add3A_1495 = arith.addi %mul3A_2, %mul3A_1494 : i32
      %add3A_1496 = arith.constant 0 : i32
      %add3A_1497 = arith.addi %add3A_1495, %add3A_1496 : i32
      %dma_wait3A_1498 = arith.constant 0 : i32
      %dma_wait3A_1499 = arith.constant 0 : i32
      %dma_wait3A_1500 = tpu.memref_slice %arg2[%dma_wait3A_1498, %dma_wait3A_1499] : memref<500000x128xf32, #tpu.memory_space<hbm>> -> memref<500000x128xf32, #tpu.memory_space<hbm>>
      tpu.wait_indirect_dma semaphore(%arg29 : memref<!tpu.dma_semaphore, #tpu.memory_space<semaphore_mem>>) src(%dma_wait3A_1500 : memref<500000x128xf32, #tpu.memory_space<hbm>>) dst(%arg17 : memref<128x128xf32, #tpu.memory_space<vmem>>)
      %add3A_1501 = arith.constant 1 : i32
      %add3A_1502 = arith.addi %add3A_1492, %add3A_1501 : i32
      %lt3A_1503 = arith.constant 50 : i32
      %lt3A_1504 = arith.cmpi slt, %add3A_1502, %lt3A_1503 : i32
      %convert_element_type3A = arith.extui %lt3A_1504 : i1 to i32
      %cond3A = arith.constant 0 : i32
      %cond3A_1505 = arith.cmpi ne, %convert_element_type3A, %cond3A : i32
      scf.if %cond3A_1505 {
        %add3A_1802 = arith.constant 4 : i32
        %add3A_1803 = arith.addi %add3A_1497, %add3A_1802 : i32
        %jit3A_1804 = arith.constant 128 : i32
        %div3A_1805 = arith.divsi %add3A_1803, %jit3A_1804 : i32
        %sign3A_1806 = arith.constant 0 : i32
        %sign3A_1807 = arith.cmpi sgt, %add3A_1803, %sign3A_1806 : i32
        %sign3A_1808 = arith.extui %sign3A_1807 : i1 to i32
        %sign3A_1809 = arith.constant 0 : i32
        %sign3A_1810 = arith.cmpi slt, %add3A_1803, %sign3A_1809 : i32
        %sign3A_1811 = arith.extui %sign3A_1810 : i1 to i32
        %sign3A_1812 = arith.subi %sign3A_1808, %sign3A_1811 : i32
        %sign3A_1813 = arith.constant 0 : i32
        %sign3A_1814 = arith.cmpi sgt, %jit3A_1804, %sign3A_1813 : i32
        %sign3A_1815 = arith.extui %sign3A_1814 : i1 to i32
        %sign3A_1816 = arith.constant 0 : i32
        %sign3A_1817 = arith.cmpi slt, %jit3A_1804, %sign3A_1816 : i32
        %sign3A_1818 = arith.extui %sign3A_1817 : i1 to i32
        %sign3A_1819 = arith.subi %sign3A_1815, %sign3A_1818 : i32
        %ne3A_1820 = arith.cmpi ne, %sign3A_1812, %sign3A_1819 : i32
        %rem3A_1821 = arith.remsi %add3A_1803, %jit3A_1804 : i32
        %ne3A_1822 = arith.constant 0 : i32
        %ne3A_1823 = arith.cmpi ne, %rem3A_1821, %ne3A_1822 : i32
        %and3A_1824 = arith.andi %ne3A_1820, %ne3A_1823 : i1
        %sub3A_1825 = arith.constant 1 : i32
        %sub3A_1826 = arith.subi %div3A_1805, %sub3A_1825 : i32
        %select_n3A_1827 = arith.select %and3A_1824, %sub3A_1826, %div3A_1805 : i32
        %jit3A_1828 = arith.constant 128 : i32
        %eq3A_1829 = arith.constant 0 : i32
        %eq3A_1830 = arith.cmpi eq, %jit3A_1828, %eq3A_1829 : i32
        %jit3A_1831 = arith.constant 1 : i32
        %select_n3A_1832 = arith.select %eq3A_1830, %jit3A_1831, %jit3A_1828 : i32
        %rem3A_1833 = arith.remsi %add3A_1803, %select_n3A_1832 : i32
        %ne3A_1834 = arith.constant 0 : i32
        %ne3A_1835 = arith.cmpi ne, %rem3A_1833, %ne3A_1834 : i32
        %lt3A_1836 = arith.constant 0 : i32
        %lt3A_1837 = arith.cmpi slt, %rem3A_1833, %lt3A_1836 : i32
        %lt3A_1838 = arith.constant 0 : i32
        %lt3A_1839 = arith.cmpi slt, %select_n3A_1832, %lt3A_1838 : i32
        %ne3A_1840 = arith.xori %lt3A_1837, %lt3A_1839 : i1
        %and3A_1841 = arith.andi %ne3A_1840, %ne3A_1835 : i1
        %add3A_1842 = arith.addi %rem3A_1833, %select_n3A_1832 : i32
        %select_n3A_1843 = arith.select %and3A_1841, %add3A_1842, %rem3A_1833 : i32
        %mul3A_1844 = arith.constant 128 : i32
        %mul3A_1845 = arith.muli %select_n3A_1843, %mul3A_1844 : i32
        %jit3A_1846 = arith.constant 8 : i32
        %div3A_1847 = arith.divsi %select_n3A_1827, %jit3A_1846 : i32
        %sign3A_1848 = arith.constant 0 : i32
        %sign3A_1849 = arith.cmpi sgt, %select_n3A_1827, %sign3A_1848 : i32
        %sign3A_1850 = arith.extui %sign3A_1849 : i1 to i32
        %sign3A_1851 = arith.constant 0 : i32
        %sign3A_1852 = arith.cmpi slt, %select_n3A_1827, %sign3A_1851 : i32
        %sign3A_1853 = arith.extui %sign3A_1852 : i1 to i32
        %sign3A_1854 = arith.subi %sign3A_1850, %sign3A_1853 : i32
        %sign3A_1855 = arith.constant 0 : i32
        %sign3A_1856 = arith.cmpi sgt, %jit3A_1846, %sign3A_1855 : i32
        %sign3A_1857 = arith.extui %sign3A_1856 : i1 to i32
        %sign3A_1858 = arith.constant 0 : i32
        %sign3A_1859 = arith.cmpi slt, %jit3A_1846, %sign3A_1858 : i32
        %sign3A_1860 = arith.extui %sign3A_1859 : i1 to i32
        %sign3A_1861 = arith.subi %sign3A_1857, %sign3A_1860 : i32
        %ne3A_1862 = arith.cmpi ne, %sign3A_1854, %sign3A_1861 : i32
        %rem3A_1863 = arith.remsi %select_n3A_1827, %jit3A_1846 : i32
        %ne3A_1864 = arith.constant 0 : i32
        %ne3A_1865 = arith.cmpi ne, %rem3A_1863, %ne3A_1864 : i32
        %and3A_1866 = arith.andi %ne3A_1862, %ne3A_1865 : i1
        %sub3A_1867 = arith.constant 1 : i32
        %sub3A_1868 = arith.subi %div3A_1847, %sub3A_1867 : i32
        %select_n3A_1869 = arith.select %and3A_1866, %sub3A_1868, %div3A_1847 : i32
        %mul3A_1870 = arith.constant 8 : i32
        %mul3A_1871 = arith.muli %select_n3A_1869, %mul3A_1870 : i32
        %dma_start3A_1872 = tpu.memref_slice %arg3[%mul3A_1871, %mul3A_1845] : memref<50x16384xi32, #tpu.memory_space<hbm>> -> memref<8x128xi32, #tpu.memory_space<hbm>>
        %dma_start3A_1873 = tpu.memref_slice %arg3[%mul3A_1871, %mul3A_1845] : memref<50x16384xi32, #tpu.memory_space<hbm>> -> memref<8x128xi32, #tpu.memory_space<hbm>>
        tpu.enqueue_dma source(%dma_start3A_1873 : memref<8x128xi32, #tpu.memory_space<hbm>>) target(%arg5 : memref<8x128xi32, #tpu.memory_space<vmem>>) target_semaphore(%arg25 : memref<!tpu.dma_semaphore, #tpu.memory_space<semaphore_mem>>)
      } else {
      }
      %gt3A = arith.constant 0 : i32
      %gt3A_1506 = arith.cmpi sgt, %add3A_1492, %gt3A : i32
      %convert_element_type3A_1507 = arith.extui %gt3A_1506 : i1 to i32
      %cond3A_1508 = arith.constant 0 : i32
      %cond3A_1509 = arith.cmpi ne, %convert_element_type3A_1507, %cond3A_1508 : i32
      scf.if %cond3A_1509 {
        %sub3A_1802 = arith.constant 4 : i32
        %sub3A_1803 = arith.subi %add3A_1497, %sub3A_1802 : i32
        %jit3A_1804 = arith.constant 128 : i32
        %div3A_1805 = arith.divsi %sub3A_1803, %jit3A_1804 : i32
        %sign3A_1806 = arith.constant 0 : i32
        %sign3A_1807 = arith.cmpi sgt, %sub3A_1803, %sign3A_1806 : i32
        %sign3A_1808 = arith.extui %sign3A_1807 : i1 to i32
        %sign3A_1809 = arith.constant 0 : i32
        %sign3A_1810 = arith.cmpi slt, %sub3A_1803, %sign3A_1809 : i32
        %sign3A_1811 = arith.extui %sign3A_1810 : i1 to i32
        %sign3A_1812 = arith.subi %sign3A_1808, %sign3A_1811 : i32
        %sign3A_1813 = arith.constant 0 : i32
        %sign3A_1814 = arith.cmpi sgt, %jit3A_1804, %sign3A_1813 : i32
        %sign3A_1815 = arith.extui %sign3A_1814 : i1 to i32
        %sign3A_1816 = arith.constant 0 : i32
        %sign3A_1817 = arith.cmpi slt, %jit3A_1804, %sign3A_1816 : i32
        %sign3A_1818 = arith.extui %sign3A_1817 : i1 to i32
        %sign3A_1819 = arith.subi %sign3A_1815, %sign3A_1818 : i32
        %ne3A_1820 = arith.cmpi ne, %sign3A_1812, %sign3A_1819 : i32
        %rem3A_1821 = arith.remsi %sub3A_1803, %jit3A_1804 : i32
        %ne3A_1822 = arith.constant 0 : i32
        %ne3A_1823 = arith.cmpi ne, %rem3A_1821, %ne3A_1822 : i32
        %and3A_1824 = arith.andi %ne3A_1820, %ne3A_1823 : i1
        %sub3A_1825 = arith.constant 1 : i32
        %sub3A_1826 = arith.subi %div3A_1805, %sub3A_1825 : i32
        %select_n3A_1827 = arith.select %and3A_1824, %sub3A_1826, %div3A_1805 : i32
        %jit3A_1828 = arith.constant 128 : i32
        %eq3A_1829 = arith.constant 0 : i32
        %eq3A_1830 = arith.cmpi eq, %jit3A_1828, %eq3A_1829 : i32
        %jit3A_1831 = arith.constant 1 : i32
        %select_n3A_1832 = arith.select %eq3A_1830, %jit3A_1831, %jit3A_1828 : i32
        %rem3A_1833 = arith.remsi %sub3A_1803, %select_n3A_1832 : i32
        %ne3A_1834 = arith.constant 0 : i32
        %ne3A_1835 = arith.cmpi ne, %rem3A_1833, %ne3A_1834 : i32
        %lt3A_1836 = arith.constant 0 : i32
        %lt3A_1837 = arith.cmpi slt, %rem3A_1833, %lt3A_1836 : i32
        %lt3A_1838 = arith.constant 0 : i32
        %lt3A_1839 = arith.cmpi slt, %select_n3A_1832, %lt3A_1838 : i32
        %ne3A_1840 = arith.xori %lt3A_1837, %lt3A_1839 : i1
        %and3A_1841 = arith.andi %ne3A_1840, %ne3A_1835 : i1
        %add3A_1842 = arith.addi %rem3A_1833, %select_n3A_1832 : i32
        %select_n3A_1843 = arith.select %and3A_1841, %add3A_1842, %rem3A_1833 : i32
        %mul3A_1844 = arith.constant 128 : i32
        %mul3A_1845 = arith.muli %select_n3A_1843, %mul3A_1844 : i32
        %mul3A_1846 = arith.constant 64 : i32
        %mul3A_1847 = arith.muli %select_n3A_1827, %mul3A_1846 : i32
        %dma_wait3A_1848 = tpu.memref_slice %arg4[%mul3A_1847, %mul3A_1845] : memref<3200x16384xf32, #tpu.memory_space<hbm>> -> memref<64x128xf32, #tpu.memory_space<hbm>>
        %dma_wait3A_1849 = tpu.memref_slice %arg4[%mul3A_1847, %mul3A_1845] : memref<3200x16384xf32, #tpu.memory_space<hbm>> -> memref<64x128xf32, #tpu.memory_space<hbm>>
        tpu.wait_dma2 semaphore(%arg33 : memref<!tpu.dma_semaphore, #tpu.memory_space<semaphore_mem>>) src(%arg21 : memref<64x128xf32, #tpu.memory_space<vmem>>) dst(%dma_wait3A_1849 : memref<64x128xf32, #tpu.memory_space<hbm>>)
      } else {
      }
      %scan3A_1510 = arith.constant 0 : i32
      %scan3A_1511 = arith.constant 8 : i32
      %scan3A_1512 = arith.addi %scan3A_1510, %scan3A_1511 : i32
      %scan3A_1513 = arith.constant 1 : i32
      scf.for %scan3A_1802 = %scan3A_1510 to %scan3A_1512 step %scan3A_1513  : i32 {
        %mul3A_1803 = arith.constant 1 : i32
        %mul3A_1804 = arith.muli %scan3A_1802, %mul3A_1803 : i32
        %add3A_1805 = arith.constant 0 : i32
        %add3A_1806 = arith.addi %add3A_1805, %mul3A_1804 : i32
        %mul3A_1807 = arith.constant 16 : i32
        %mul3A_1808 = arith.muli %add3A_1806, %mul3A_1807 : i32
        %add3A_1809 = vector.broadcast %mul3A_1808 : i32 to vector<16xi32>
        %add3A_1810 = arith.addi %add3A_1809, %iota3A : vector<16xi32>
        %get3A_1811 = arith.index_cast %add3A_1806 : i32 to index
        %get3A_1812 = arith.constant 0 : index
        %get3A_1813 = tpu.vector_load %arg13[%get3A_1811, %get3A_1812] {strides = array<i32>} : memref<8x16xi32, #tpu.memory_space<vmem>>, vector<16xi32>,
        %parallel_loop3A = arith.constant 0 : i32
        %parallel_loop3A_1814 = arith.constant 64 : i32
        %parallel_loop3A_1815 = arith.constant 16 : i32
        scf.for %parallel_loop3A_1816 = %parallel_loop3A to %parallel_loop3A_1814 step %parallel_loop3A_1815  : i32 {
          %parallel_loop3A_1817 = vector.broadcast %parallel_loop3A_1816 : i32 to vector<16xi32>
          %parallel_loop3A_1818 = arith.addi %get3A_1813, %parallel_loop3A_1817 : vector<16xi32>
          %parallel_loop3A_1819 = arith.addi %parallel_loop3A_1818, %and3A_31 : vector<16xi32>
          %parallel_loop3A_1820 = tpu.vector_load_idx %arg17[%add3A_1810, %parallel_loop3A_1819] : memref<128x128xf32, #tpu.memory_space<vmem>>[vector<16xi32>, vector<16xi32>], vector<16xf32>,
          %parallel_loop3A_1821 = vector.broadcast %parallel_loop3A_1816 : i32 to vector<16xi32>
          %parallel_loop3A_1822 = arith.addi %parallel_loop3A_1821, %and3A_31 : vector<16xi32>
          %parallel_loop3A_1823 = arith.constant 8.000000e+00 : f32
          %parallel_loop3A_1824 = vector.broadcast %parallel_loop3A_1823 : f32 to vector<16xf32>
          %parallel_loop3A_1825 = arith.mulf %parallel_loop3A_1820, %parallel_loop3A_1824 : vector<16xf32>
          tpu.vector_store_idx %arg21[%parallel_loop3A_1822, %add3A_1810], %parallel_loop3A_1825 : memref<64x128xf32, #tpu.memory_space<vmem>>[vector<16xi32>, vector<16xi32>], vector<16xf32>,
          %parallel_loop3A_1826 = arith.addi %parallel_loop3A_1818, %and3A_37 : vector<16xi32>
          %parallel_loop3A_1827 = tpu.vector_load_idx %arg17[%add3A_1810, %parallel_loop3A_1826] : memref<128x128xf32, #tpu.memory_space<vmem>>[vector<16xi32>, vector<16xi32>], vector<16xf32>,
          %parallel_loop3A_1828 = vector.broadcast %parallel_loop3A_1816 : i32 to vector<16xi32>
          %parallel_loop3A_1829 = arith.addi %parallel_loop3A_1828, %and3A_37 : vector<16xi32>
          %parallel_loop3A_1830 = arith.constant 8.000000e+00 : f32
          %parallel_loop3A_1831 = vector.broadcast %parallel_loop3A_1830 : f32 to vector<16xf32>
          %parallel_loop3A_1832 = arith.mulf %parallel_loop3A_1827, %parallel_loop3A_1831 : vector<16xf32>
          tpu.vector_store_idx %arg21[%parallel_loop3A_1829, %add3A_1810], %parallel_loop3A_1832 : memref<64x128xf32, #tpu.memory_space<vmem>>[vector<16xi32>, vector<16xi32>], vector<16xf32>,
          %parallel_loop3A_1833 = arith.addi %parallel_loop3A_1818, %and3A_43 : vector<16xi32>
          %parallel_loop3A_1834 = tpu.vector_load_idx %arg17[%add3A_1810, %parallel_loop3A_1833] : memref<128x128xf32, #tpu.memory_space<vmem>>[vector<16xi32>, vector<16xi32>], vector<16xf32>,
          %parallel_loop3A_1835 = vector.broadcast %parallel_loop3A_1816 : i32 to vector<16xi32>
          %parallel_loop3A_1836 = arith.addi %parallel_loop3A_1835, %and3A_43 : vector<16xi32>
          %parallel_loop3A_1837 = arith.constant 8.000000e+00 : f32
          %parallel_loop3A_1838 = vector.broadcast %parallel_loop3A_1837 : f32 to vector<16xf32>
          %parallel_loop3A_1839 = arith.mulf %parallel_loop3A_1834, %parallel_loop3A_1838 : vector<16xf32>
          tpu.vector_store_idx %arg21[%parallel_loop3A_1836, %add3A_1810], %parallel_loop3A_1839 : memref<64x128xf32, #tpu.memory_space<vmem>>[vector<16xi32>, vector<16xi32>], vector<16xf32>,
          %parallel_loop3A_1840 = arith.addi %parallel_loop3A_1818, %and3A_49 : vector<16xi32>
          %parallel_loop3A_1841 = tpu.vector_load_idx %arg17[%add3A_1810, %parallel_loop3A_1840] : memref<128x128xf32, #tpu.memory_space<vmem>>[vector<16xi32>, vector<16xi32>], vector<16xf32>,
          %parallel_loop3A_1842 = vector.broadcast %parallel_loop3A_1816 : i32 to vector<16xi32>
          %parallel_loop3A_1843 = arith.addi %parallel_loop3A_1842, %and3A_49 : vector<16xi32>
          %parallel_loop3A_1844 = arith.constant 8.000000e+00 : f32
          %parallel_loop3A_1845 = vector.broadcast %parallel_loop3A_1844 : f32 to vector<16xf32>
          %parallel_loop3A_1846 = arith.mulf %parallel_loop3A_1841, %parallel_loop3A_1845 : vector<16xf32>
          tpu.vector_store_idx %arg21[%parallel_loop3A_1843, %add3A_1810], %parallel_loop3A_1846 : memref<64x128xf32, #tpu.memory_space<vmem>>[vector<16xi32>, vector<16xi32>], vector<16xf32>,
          %parallel_loop3A_1847 = arith.addi %parallel_loop3A_1818, %and3A_55 : vector<16xi32>
          %parallel_loop3A_1848 = tpu.vector_load_idx %arg17[%add3A_1810, %parallel_loop3A_1847] : memref<128x128xf32, #tpu.memory_space<vmem>>[vector<16xi32>, vector<16xi32>], vector<16xf32>,
          %parallel_loop3A_1849 = vector.broadcast %parallel_loop3A_1816 : i32 to vector<16xi32>
          %parallel_loop3A_1850 = arith.addi %parallel_loop3A_1849, %and3A_55 : vector<16xi32>
          %parallel_loop3A_1851 = arith.constant 8.000000e+00 : f32
          %parallel_loop3A_1852 = vector.broadcast %parallel_loop3A_1851 : f32 to vector<16xf32>
          %parallel_loop3A_1853 = arith.mulf %parallel_loop3A_1848, %parallel_loop3A_1852 : vector<16xf32>
          tpu.vector_store_idx %arg21[%parallel_loop3A_1850, %add3A_1810], %parallel_loop3A_1853 : memref<64x128xf32, #tpu.memory_space<vmem>>[vector<16xi32>, vector<16xi32>], vector<16xf32>,
          %parallel_loop3A_1854 = arith.addi %parallel_loop3A_1818, %and3A_61 : vector<16xi32>
          %parallel_loop3A_1855 = tpu.vector_load_idx %arg17[%add3A_1810, %parallel_loop3A_1854] : memref<128x128xf32, #tpu.memory_space<vmem>>[vector<16xi32>, vector<16xi32>], vector<16xf32>,
          %parallel_loop3A_1856 = vector.broadcast %parallel_loop3A_1816 : i32 to vector<16xi32>
          %parallel_loop3A_1857 = arith.addi %parallel_loop3A_1856, %and3A_61 : vector<16xi32>
          %parallel_loop3A_1858 = arith.constant 8.000000e+00 : f32
          %parallel_loop3A_1859 = vector.broadcast %parallel_loop3A_1858 : f32 to vector<16xf32>
          %parallel_loop3A_1860 = arith.mulf %parallel_loop3A_1855, %parallel_loop3A_1859 : vector<16xf32>
          tpu.vector_store_idx %arg21[%parallel_loop3A_1857, %add3A_1810], %parallel_loop3A_1860 : memref<64x128xf32, #tpu.memory_space<vmem>>[vector<16xi32>, vector<16xi32>], vector<16xf32>,
          %parallel_loop3A_1861 = arith.addi %parallel_loop3A_1818, %and3A_67 : vector<16xi32>
          %parallel_loop3A_1862 = tpu.vector_load_idx %arg17[%add3A_1810, %parallel_loop3A_1861] : memref<128x128xf32, #tpu.memory_space<vmem>>[vector<16xi32>, vector<16xi32>], vector<16xf32>,
          %parallel_loop3A_1863 = vector.broadcast %parallel_loop3A_1816 : i32 to vector<16xi32>
          %parallel_loop3A_1864 = arith.addi %parallel_loop3A_1863, %and3A_67 : vector<16xi32>
          %parallel_loop3A_1865 = arith.constant 8.000000e+00 : f32
          %parallel_loop3A_1866 = vector.broadcast %parallel_loop3A_1865 : f32 to vector<16xf32>
          %parallel_loop3A_1867 = arith.mulf %parallel_loop3A_1862, %parallel_loop3A_1866 : vector<16xf32>
          tpu.vector_store_idx %arg21[%parallel_loop3A_1864, %add3A_1810], %parallel_loop3A_1867 : memref<64x128xf32, #tpu.memory_space<vmem>>[vector<16xi32>, vector<16xi32>], vector<16xf32>,
          %parallel_loop3A_1868 = arith.addi %parallel_loop3A_1818, %and3A_73 : vector<16xi32>
          %parallel_loop3A_1869 = tpu.vector_load_idx %arg17[%add3A_1810, %parallel_loop3A_1868] : memref<128x128xf32, #tpu.memory_space<vmem>>[vector<16xi32>, vector<16xi32>], vector<16xf32>,
          %parallel_loop3A_1870 = vector.broadcast %parallel_loop3A_1816 : i32 to vector<16xi32>
          %parallel_loop3A_1871 = arith.addi %parallel_loop3A_1870, %and3A_73 : vector<16xi32>
          %parallel_loop3A_1872 = arith.constant 8.000000e+00 : f32
          %parallel_loop3A_1873 = vector.broadcast %parallel_loop3A_1872 : f32 to vector<16xf32>
          %parallel_loop3A_1874 = arith.mulf %parallel_loop3A_1869, %parallel_loop3A_1873 : vector<16xf32>
          tpu.vector_store_idx %arg21[%parallel_loop3A_1871, %add3A_1810], %parallel_loop3A_1874 : memref<64x128xf32, #tpu.memory_space<vmem>>[vector<16xi32>, vector<16xi32>], vector<16xf32>,
          %parallel_loop3A_1875 = arith.addi %parallel_loop3A_1818, %and3A_79 : vector<16xi32>
          %parallel_loop3A_1876 = tpu.vector_load_idx %arg17[%add3A_1810, %parallel_loop3A_1875] : memref<128x128xf32, #tpu.memory_space<vmem>>[vector<16xi32>, vector<16xi32>], vector<16xf32>,
          %parallel_loop3A_1877 = vector.broadcast %parallel_loop3A_1816 : i32 to vector<16xi32>
          %parallel_loop3A_1878 = arith.addi %parallel_loop3A_1877, %and3A_79 : vector<16xi32>
          %parallel_loop3A_1879 = arith.constant 8.000000e+00 : f32
          %parallel_loop3A_1880 = vector.broadcast %parallel_loop3A_1879 : f32 to vector<16xf32>
          %parallel_loop3A_1881 = arith.mulf %parallel_loop3A_1876, %parallel_loop3A_1880 : vector<16xf32>
          tpu.vector_store_idx %arg21[%parallel_loop3A_1878, %add3A_1810], %parallel_loop3A_1881 : memref<64x128xf32, #tpu.memory_space<vmem>>[vector<16xi32>, vector<16xi32>], vector<16xf32>,
          %parallel_loop3A_1882 = arith.addi %parallel_loop3A_1818, %and3A_85 : vector<16xi32>
          %parallel_loop3A_1883 = tpu.vector_load_idx %arg17[%add3A_1810, %parallel_loop3A_1882] : memref<128x128xf32, #tpu.memory_space<vmem>>[vector<16xi32>, vector<16xi32>], vector<16xf32>,
          %parallel_loop3A_1884 = vector.broadcast %parallel_loop3A_1816 : i32 to vector<16xi32>
          %parallel_loop3A_1885 = arith.addi %parallel_loop3A_1884, %and3A_85 : vector<16xi32>
          %parallel_loop3A_1886 = arith.constant 8.000000e+00 : f32
          %parallel_loop3A_1887 = vector.broadcast %parallel_loop3A_1886 : f32 to vector<16xf32>
          %parallel_loop3A_1888 = arith.mulf %parallel_loop3A_1883, %parallel_loop3A_1887 : vector<16xf32>
          tpu.vector_store_idx %arg21[%parallel_loop3A_1885, %add3A_1810], %parallel_loop3A_1888 : memref<64x128xf32, #tpu.memory_space<vmem>>[vector<16xi32>, vector<16xi32>], vector<16xf32>,
          %parallel_loop3A_1889 = arith.addi %parallel_loop3A_1818, %and3A_91 : vector<16xi32>
          %parallel_loop3A_1890 = tpu.vector_load_idx %arg17[%add3A_1810, %parallel_loop3A_1889] : memref<128x128xf32, #tpu.memory_space<vmem>>[vector<16xi32>, vector<16xi32>], vector<16xf32>,
          %parallel_loop3A_1891 = vector.broadcast %parallel_loop3A_1816 : i32 to vector<16xi32>
          %parallel_loop3A_1892 = arith.addi %parallel_loop3A_1891, %and3A_91 : vector<16xi32>
          %parallel_loop3A_1893 = arith.constant 8.000000e+00 : f32
          %parallel_loop3A_1894 = vector.broadcast %parallel_loop3A_1893 : f32 to vector<16xf32>
          %parallel_loop3A_1895 = arith.mulf %parallel_loop3A_1890, %parallel_loop3A_1894 : vector<16xf32>
          tpu.vector_store_idx %arg21[%parallel_loop3A_1892, %add3A_1810], %parallel_loop3A_1895 : memref<64x128xf32, #tpu.memory_space<vmem>>[vector<16xi32>, vector<16xi32>], vector<16xf32>,
          %parallel_loop3A_1896 = arith.addi %parallel_loop3A_1818, %and3A_97 : vector<16xi32>
          %parallel_loop3A_1897 = tpu.vector_load_idx %arg17[%add3A_1810, %parallel_loop3A_1896] : memref<128x128xf32, #tpu.memory_space<vmem>>[vector<16xi32>, vector<16xi32>], vector<16xf32>,
          %parallel_loop3A_1898 = vector.broadcast %parallel_loop3A_1816 : i32 to vector<16xi32>
          %parallel_loop3A_1899 = arith.addi %parallel_loop3A_1898, %and3A_97 : vector<16xi32>
          %parallel_loop3A_1900 = arith.constant 8.000000e+00 : f32
          %parallel_loop3A_1901 = vector.broadcast %parallel_loop3A_1900 : f32 to vector<16xf32>
          %parallel_loop3A_1902 = arith.mulf %parallel_loop3A_1897, %parallel_loop3A_1901 : vector<16xf32>
          tpu.vector_store_idx %arg21[%parallel_loop3A_1899, %add3A_1810], %parallel_loop3A_1902 : memref<64x128xf32, #tpu.memory_space<vmem>>[vector<16xi32>, vector<16xi32>], vector<16xf32>,
          %parallel_loop3A_1903 = arith.addi %parallel_loop3A_1818, %and3A_103 : vector<16xi32>
          %parallel_loop3A_1904 = tpu.vector_load_idx %arg17[%add3A_1810, %parallel_loop3A_1903] : memref<128x128xf32, #tpu.memory_space<vmem>>[vector<16xi32>, vector<16xi32>], vector<16xf32>,
          %parallel_loop3A_1905 = vector.broadcast %parallel_loop3A_1816 : i32 to vector<16xi32>
          %parallel_loop3A_1906 = arith.addi %parallel_loop3A_1905, %and3A_103 : vector<16xi32>
          %parallel_loop3A_1907 = arith.constant 8.000000e+00 : f32
          %parallel_loop3A_1908 = vector.broadcast %parallel_loop3A_1907 : f32 to vector<16xf32>
          %parallel_loop3A_1909 = arith.mulf %parallel_loop3A_1904, %parallel_loop3A_1908 : vector<16xf32>
          tpu.vector_store_idx %arg21[%parallel_loop3A_1906, %add3A_1810], %parallel_loop3A_1909 : memref<64x128xf32, #tpu.memory_space<vmem>>[vector<16xi32>, vector<16xi32>], vector<16xf32>,
          %parallel_loop3A_1910 = arith.addi %parallel_loop3A_1818, %and3A_109 : vector<16xi32>
          %parallel_loop3A_1911 = tpu.vector_load_idx %arg17[%add3A_1810, %parallel_loop3A_1910] : memref<128x128xf32, #tpu.memory_space<vmem>>[vector<16xi32>, vector<16xi32>], vector<16xf32>,
          %parallel_loop3A_1912 = vector.broadcast %parallel_loop3A_1816 : i32 to vector<16xi32>
          %parallel_loop3A_1913 = arith.addi %parallel_loop3A_1912, %and3A_109 : vector<16xi32>
          %parallel_loop3A_1914 = arith.constant 8.000000e+00 : f32
          %parallel_loop3A_1915 = vector.broadcast %parallel_loop3A_1914 : f32 to vector<16xf32>
          %parallel_loop3A_1916 = arith.mulf %parallel_loop3A_1911, %parallel_loop3A_1915 : vector<16xf32>
          tpu.vector_store_idx %arg21[%parallel_loop3A_1913, %add3A_1810], %parallel_loop3A_1916 : memref<64x128xf32, #tpu.memory_space<vmem>>[vector<16xi32>, vector<16xi32>], vector<16xf32>,
          %parallel_loop3A_1917 = arith.addi %parallel_loop3A_1818, %and3A_115 : vector<16xi32>
          %parallel_loop3A_1918 = tpu.vector_load_idx %arg17[%add3A_1810, %parallel_loop3A_1917] : memref<128x128xf32, #tpu.memory_space<vmem>>[vector<16xi32>, vector<16xi32>], vector<16xf32>,
          %parallel_loop3A_1919 = vector.broadcast %parallel_loop3A_1816 : i32 to vector<16xi32>
          %parallel_loop3A_1920 = arith.addi %parallel_loop3A_1919, %and3A_115 : vector<16xi32>
          %parallel_loop3A_1921 = arith.constant 8.000000e+00 : f32
          %parallel_loop3A_1922 = vector.broadcast %parallel_loop3A_1921 : f32 to vector<16xf32>
          %parallel_loop3A_1923 = arith.mulf %parallel_loop3A_1918, %parallel_loop3A_1922 : vector<16xf32>
          tpu.vector_store_idx %arg21[%parallel_loop3A_1920, %add3A_1810], %parallel_loop3A_1923 : memref<64x128xf32, #tpu.memory_space<vmem>>[vector<16xi32>, vector<16xi32>], vector<16xf32>,
          %parallel_loop3A_1924 = arith.addi %parallel_loop3A_1818, %and3A_121 : vector<16xi32>
          %parallel_loop3A_1925 = tpu.vector_load_idx %arg17[%add3A_1810, %parallel_loop3A_1924] : memref<128x128xf32, #tpu.memory_space<vmem>>[vector<16xi32>, vector<16xi32>], vector<16xf32>,
          %parallel_loop3A_1926 = vector.broadcast %parallel_loop3A_1816 : i32 to vector<16xi32>
          %parallel_loop3A_1927 = arith.addi %parallel_loop3A_1926, %and3A_121 : vector<16xi32>
          %parallel_loop3A_1928 = arith.constant 8.000000e+00 : f32
          %parallel_loop3A_1929 = vector.broadcast %parallel_loop3A_1928 : f32 to vector<16xf32>
          %parallel_loop3A_1930 = arith.mulf %parallel_loop3A_1925, %parallel_loop3A_1929 : vector<16xf32>
          tpu.vector_store_idx %arg21[%parallel_loop3A_1927, %add3A_1810], %parallel_loop3A_1930 : memref<64x128xf32, #tpu.memory_space<vmem>>[vector<16xi32>, vector<16xi32>], vector<16xf32>,
        } {sc.loop_unroll_factor = 1 : i64, sc.parallel_access}
      }
      %scan3A_1514 = arith.constant 8 : i32
      %jit3A_1515 = arith.constant 128 : i32
      %div3A_1516 = arith.divsi %add3A_1497, %jit3A_1515 : i32
      %sign3A_1517 = arith.constant 0 : i32
      %sign3A_1518 = arith.cmpi sgt, %add3A_1497, %sign3A_1517 : i32
      %sign3A_1519 = arith.extui %sign3A_1518 : i1 to i32
      %sign3A_1520 = arith.constant 0 : i32
      %sign3A_1521 = arith.cmpi slt, %add3A_1497, %sign3A_1520 : i32
      %sign3A_1522 = arith.extui %sign3A_1521 : i1 to i32
      %sign3A_1523 = arith.subi %sign3A_1519, %sign3A_1522 : i32
      %sign3A_1524 = arith.constant 0 : i32
      %sign3A_1525 = arith.cmpi sgt, %jit3A_1515, %sign3A_1524 : i32
      %sign3A_1526 = arith.extui %sign3A_1525 : i1 to i32
      %sign3A_1527 = arith.constant 0 : i32
      %sign3A_1528 = arith.cmpi slt, %jit3A_1515, %sign3A_1527 : i32
      %sign3A_1529 = arith.extui %sign3A_1528 : i1 to i32
      %sign3A_1530 = arith.subi %sign3A_1526, %sign3A_1529 : i32
      %ne3A_1531 = arith.cmpi ne, %sign3A_1523, %sign3A_1530 : i32
      %rem3A_1532 = arith.remsi %add3A_1497, %jit3A_1515 : i32
      %ne3A_1533 = arith.constant 0 : i32
      %ne3A_1534 = arith.cmpi ne, %rem3A_1532, %ne3A_1533 : i32
      %and3A_1535 = arith.andi %ne3A_1531, %ne3A_1534 : i1
      %sub3A_1536 = arith.constant 1 : i32
      %sub3A_1537 = arith.subi %div3A_1516, %sub3A_1536 : i32
      %select_n3A_1538 = arith.select %and3A_1535, %sub3A_1537, %div3A_1516 : i32
      %jit3A_1539 = arith.constant 128 : i32
      %eq3A_1540 = arith.constant 0 : i32
      %eq3A_1541 = arith.cmpi eq, %jit3A_1539, %eq3A_1540 : i32
      %jit3A_1542 = arith.constant 1 : i32
      %select_n3A_1543 = arith.select %eq3A_1541, %jit3A_1542, %jit3A_1539 : i32
      %rem3A_1544 = arith.remsi %add3A_1497, %select_n3A_1543 : i32
      %ne3A_1545 = arith.constant 0 : i32
      %ne3A_1546 = arith.cmpi ne, %rem3A_1544, %ne3A_1545 : i32
      %lt3A_1547 = arith.constant 0 : i32
      %lt3A_1548 = arith.cmpi slt, %rem3A_1544, %lt3A_1547 : i32
      %lt3A_1549 = arith.constant 0 : i32
      %lt3A_1550 = arith.cmpi slt, %select_n3A_1543, %lt3A_1549 : i32
      %ne3A_1551 = arith.xori %lt3A_1548, %lt3A_1550 : i1
      %and3A_1552 = arith.andi %ne3A_1551, %ne3A_1546 : i1
      %add3A_1553 = arith.addi %rem3A_1544, %select_n3A_1543 : i32
      %select_n3A_1554 = arith.select %and3A_1552, %add3A_1553, %rem3A_1544 : i32
      %mul3A_1555 = arith.constant 128 : i32
      %mul3A_1556 = arith.muli %select_n3A_1554, %mul3A_1555 : i32
      %mul3A_1557 = arith.constant 64 : i32
      %mul3A_1558 = arith.muli %select_n3A_1538, %mul3A_1557 : i32
      %dma_start3A_1559 = tpu.memref_slice %arg4[%mul3A_1558, %mul3A_1556] : memref<3200x16384xf32, #tpu.memory_space<hbm>> -> memref<64x128xf32, #tpu.memory_space<hbm>>
      %dma_start3A_1560 = tpu.memref_slice %arg4[%mul3A_1558, %mul3A_1556] : memref<3200x16384xf32, #tpu.memory_space<hbm>> -> memref<64x128xf32, #tpu.memory_space<hbm>>
      tpu.enqueue_dma source(%arg21 : memref<64x128xf32, #tpu.memory_space<vmem>>) target(%dma_start3A_1560 : memref<64x128xf32, #tpu.memory_space<hbm>>) target_semaphore(%arg33 : memref<!tpu.dma_semaphore, #tpu.memory_space<semaphore_mem>>)
      %add3A_1561 = arith.constant 1 : i32
      %add3A_1562 = arith.addi %add3A_1492, %add3A_1561 : i32
      %lt3A_1563 = arith.constant 50 : i32
      %lt3A_1564 = arith.cmpi slt, %add3A_1562, %lt3A_1563 : i32
      %convert_element_type3A_1565 = arith.extui %lt3A_1564 : i1 to i32
      %cond3A_1566 = arith.constant 0 : i32
      %cond3A_1567 = arith.cmpi ne, %convert_element_type3A_1565, %cond3A_1566 : i32
      scf.if %cond3A_1567 {
        %add3A_1802 = arith.constant 4 : i32
        %add3A_1803 = arith.addi %add3A_1497, %add3A_1802 : i32
        %jit3A_1804 = arith.constant 128 : i32
        %div3A_1805 = arith.divsi %add3A_1803, %jit3A_1804 : i32
        %sign3A_1806 = arith.constant 0 : i32
        %sign3A_1807 = arith.cmpi sgt, %add3A_1803, %sign3A_1806 : i32
        %sign3A_1808 = arith.extui %sign3A_1807 : i1 to i32
        %sign3A_1809 = arith.constant 0 : i32
        %sign3A_1810 = arith.cmpi slt, %add3A_1803, %sign3A_1809 : i32
        %sign3A_1811 = arith.extui %sign3A_1810 : i1 to i32
        %sign3A_1812 = arith.subi %sign3A_1808, %sign3A_1811 : i32
        %sign3A_1813 = arith.constant 0 : i32
        %sign3A_1814 = arith.cmpi sgt, %jit3A_1804, %sign3A_1813 : i32
        %sign3A_1815 = arith.extui %sign3A_1814 : i1 to i32
        %sign3A_1816 = arith.constant 0 : i32
        %sign3A_1817 = arith.cmpi slt, %jit3A_1804, %sign3A_1816 : i32
        %sign3A_1818 = arith.extui %sign3A_1817 : i1 to i32
        %sign3A_1819 = arith.subi %sign3A_1815, %sign3A_1818 : i32
        %ne3A_1820 = arith.cmpi ne, %sign3A_1812, %sign3A_1819 : i32
        %rem3A_1821 = arith.remsi %add3A_1803, %jit3A_1804 : i32
        %ne3A_1822 = arith.constant 0 : i32
        %ne3A_1823 = arith.cmpi ne, %rem3A_1821, %ne3A_1822 : i32
        %and3A_1824 = arith.andi %ne3A_1820, %ne3A_1823 : i1
        %sub3A_1825 = arith.constant 1 : i32
        %sub3A_1826 = arith.subi %div3A_1805, %sub3A_1825 : i32
        %select_n3A_1827 = arith.select %and3A_1824, %sub3A_1826, %div3A_1805 : i32
        %jit3A_1828 = arith.constant 128 : i32
        %eq3A_1829 = arith.constant 0 : i32
        %eq3A_1830 = arith.cmpi eq, %jit3A_1828, %eq3A_1829 : i32
        %jit3A_1831 = arith.constant 1 : i32
        %select_n3A_1832 = arith.select %eq3A_1830, %jit3A_1831, %jit3A_1828 : i32
        %rem3A_1833 = arith.remsi %add3A_1803, %select_n3A_1832 : i32
        %ne3A_1834 = arith.constant 0 : i32
        %ne3A_1835 = arith.cmpi ne, %rem3A_1833, %ne3A_1834 : i32
        %lt3A_1836 = arith.constant 0 : i32
        %lt3A_1837 = arith.cmpi slt, %rem3A_1833, %lt3A_1836 : i32
        %lt3A_1838 = arith.constant 0 : i32
        %lt3A_1839 = arith.cmpi slt, %select_n3A_1832, %lt3A_1838 : i32
        %ne3A_1840 = arith.xori %lt3A_1837, %lt3A_1839 : i1
        %and3A_1841 = arith.andi %ne3A_1840, %ne3A_1835 : i1
        %add3A_1842 = arith.addi %rem3A_1833, %select_n3A_1832 : i32
        %select_n3A_1843 = arith.select %and3A_1841, %add3A_1842, %rem3A_1833 : i32
        %mul3A_1844 = arith.constant 128 : i32
        %mul3A_1845 = arith.muli %select_n3A_1843, %mul3A_1844 : i32
        %jit3A_1846 = arith.constant 8 : i32
        %div3A_1847 = arith.divsi %select_n3A_1827, %jit3A_1846 : i32
        %sign3A_1848 = arith.constant 0 : i32
        %sign3A_1849 = arith.cmpi sgt, %select_n3A_1827, %sign3A_1848 : i32
        %sign3A_1850 = arith.extui %sign3A_1849 : i1 to i32
        %sign3A_1851 = arith.constant 0 : i32
        %sign3A_1852 = arith.cmpi slt, %select_n3A_1827, %sign3A_1851 : i32
        %sign3A_1853 = arith.extui %sign3A_1852 : i1 to i32
        %sign3A_1854 = arith.subi %sign3A_1850, %sign3A_1853 : i32
        %sign3A_1855 = arith.constant 0 : i32
        %sign3A_1856 = arith.cmpi sgt, %jit3A_1846, %sign3A_1855 : i32
        %sign3A_1857 = arith.extui %sign3A_1856 : i1 to i32
        %sign3A_1858 = arith.constant 0 : i32
        %sign3A_1859 = arith.cmpi slt, %jit3A_1846, %sign3A_1858 : i32
        %sign3A_1860 = arith.extui %sign3A_1859 : i1 to i32
        %sign3A_1861 = arith.subi %sign3A_1857, %sign3A_1860 : i32
        %ne3A_1862 = arith.cmpi ne, %sign3A_1854, %sign3A_1861 : i32
        %rem3A_1863 = arith.remsi %select_n3A_1827, %jit3A_1846 : i32
        %ne3A_1864 = arith.constant 0 : i32
        %ne3A_1865 = arith.cmpi ne, %rem3A_1863, %ne3A_1864 : i32
        %and3A_1866 = arith.andi %ne3A_1862, %ne3A_1865 : i1
        %sub3A_1867 = arith.constant 1 : i32
        %sub3A_1868 = arith.subi %div3A_1847, %sub3A_1867 : i32
        %select_n3A_1869 = arith.select %and3A_1866, %sub3A_1868, %div3A_1847 : i32
        %mul3A_1870 = arith.constant 8 : i32
        %mul3A_1871 = arith.muli %select_n3A_1869, %mul3A_1870 : i32
        %dma_wait3A_1872 = tpu.memref_slice %arg3[%mul3A_1871, %mul3A_1845] : memref<50x16384xi32, #tpu.memory_space<hbm>> -> memref<8x128xi32, #tpu.memory_space<hbm>>
        %dma_wait3A_1873 = tpu.memref_slice %arg3[%mul3A_1871, %mul3A_1845] : memref<50x16384xi32, #tpu.memory_space<hbm>> -> memref<8x128xi32, #tpu.memory_space<hbm>>
        tpu.wait_dma2 semaphore(%arg25 : memref<!tpu.dma_semaphore, #tpu.memory_space<semaphore_mem>>) src(%dma_wait3A_1873 : memref<8x128xi32, #tpu.memory_space<hbm>>) dst(%arg5 : memref<8x128xi32, #tpu.memory_space<vmem>>)
        %sub3A_1874 = arith.subi %select_n3A_1827, %mul3A_1871 : i32
        %get3A_1875 = arith.index_cast %sub3A_1874 : i32 to index
        %get3A_1876 = arith.constant 0 : index
        %get3A_1877 = tpu.vector_load %arg5[%get3A_1875, %get3A_1876] {strides = array<i32>} : memref<8x128xi32, #tpu.memory_space<vmem>>, vector<16xi32>,
        %shift_right_arithmetic3A_1878 = arith.constant 1 : i32
        %shift_right_arithmetic3A_1879 = vector.broadcast %shift_right_arithmetic3A_1878 : i32 to vector<16xi32>
        %shift_right_arithmetic3A_1880 = arith.shrsi %get3A_1877, %shift_right_arithmetic3A_1879 : vector<16xi32>
        %swap3A_1881 = arith.constant 0 : index
        %swap3A_1882 = tpu.vector_load %arg9[%swap3A_1881] {strides = array<i32>} : memref<128xi32, #tpu.memory_space<vmem>>, vector<16xi32>,
        tpu.vector_store %arg9[%swap3A_1881], %shift_right_arithmetic3A_1880 {strides = array<i32>} : memref<128xi32, #tpu.memory_space<vmem>>, vector<16xi32>,
        %and3A_1883 = arith.constant 1 : i32
        %and3A_1884 = vector.broadcast %and3A_1883 : i32 to vector<16xi32>
        %and3A_1885 = arith.andi %get3A_1877, %and3A_1884 : vector<16xi32>
        %mul3A_1886 = arith.constant 64 : i32
        %mul3A_1887 = vector.broadcast %mul3A_1886 : i32 to vector<16xi32>
        %mul3A_1888 = arith.muli %and3A_1885, %mul3A_1887 : vector<16xi32>
        %swap3A_1889 = arith.constant 0 : i32
        %swap3A_1890 = arith.index_cast %swap3A_1889 : i32 to index
        %swap3A_1891 = arith.constant 0 : index
        %swap3A_1892 = tpu.vector_load %arg13[%swap3A_1890, %swap3A_1891] {strides = array<i32>} : memref<8x16xi32, #tpu.memory_space<vmem>>, vector<16xi32>,
        tpu.vector_store %arg13[%swap3A_1890, %swap3A_1891], %mul3A_1888 {strides = array<i32>} : memref<8x16xi32, #tpu.memory_space<vmem>>, vector<16xi32>,
        %get3A_1893 = arith.index_cast %sub3A_1874 : i32 to index
        %get3A_1894 = arith.constant 16 : index
        %get3A_1895 = tpu.vector_load %arg5[%get3A_1893, %get3A_1894] {strides = array<i32>} : memref<8x128xi32, #tpu.memory_space<vmem>>, vector<16xi32>,
        %shift_right_arithmetic3A_1896 = arith.constant 1 : i32
        %shift_right_arithmetic3A_1897 = vector.broadcast %shift_right_arithmetic3A_1896 : i32 to vector<16xi32>
        %shift_right_arithmetic3A_1898 = arith.shrsi %get3A_1895, %shift_right_arithmetic3A_1897 : vector<16xi32>
        %swap3A_1899 = arith.constant 16 : index
        %swap3A_1900 = tpu.vector_load %arg9[%swap3A_1899] {strides = array<i32>} : memref<128xi32, #tpu.memory_space<vmem>>, vector<16xi32>,
        tpu.vector_store %arg9[%swap3A_1899], %shift_right_arithmetic3A_1898 {strides = array<i32>} : memref<128xi32, #tpu.memory_space<vmem>>, vector<16xi32>,
        %and3A_1901 = arith.constant 1 : i32
        %and3A_1902 = vector.broadcast %and3A_1901 : i32 to vector<16xi32>
        %and3A_1903 = arith.andi %get3A_1895, %and3A_1902 : vector<16xi32>
        %mul3A_1904 = arith.constant 64 : i32
        %mul3A_1905 = vector.broadcast %mul3A_1904 : i32 to vector<16xi32>
        %mul3A_1906 = arith.muli %and3A_1903, %mul3A_1905 : vector<16xi32>
        %swap3A_1907 = arith.constant 1 : i32
        %swap3A_1908 = arith.index_cast %swap3A_1907 : i32 to index
        %swap3A_1909 = arith.constant 0 : index
        %swap3A_1910 = tpu.vector_load %arg13[%swap3A_1908, %swap3A_1909] {strides = array<i32>} : memref<8x16xi32, #tpu.memory_space<vmem>>, vector<16xi32>,
        tpu.vector_store %arg13[%swap3A_1908, %swap3A_1909], %mul3A_1906 {strides = array<i32>} : memref<8x16xi32, #tpu.memory_space<vmem>>, vector<16xi32>,
        %get3A_1911 = arith.index_cast %sub3A_1874 : i32 to index
        %get3A_1912 = arith.constant 32 : index
        %get3A_1913 = tpu.vector_load %arg5[%get3A_1911, %get3A_1912] {strides = array<i32>} : memref<8x128xi32, #tpu.memory_space<vmem>>, vector<16xi32>,
        %shift_right_arithmetic3A_1914 = arith.constant 1 : i32
        %shift_right_arithmetic3A_1915 = vector.broadcast %shift_right_arithmetic3A_1914 : i32 to vector<16xi32>
        %shift_right_arithmetic3A_1916 = arith.shrsi %get3A_1913, %shift_right_arithmetic3A_1915 : vector<16xi32>
        %swap3A_1917 = arith.constant 32 : index
        %swap3A_1918 = tpu.vector_load %arg9[%swap3A_1917] {strides = array<i32>} : memref<128xi32, #tpu.memory_space<vmem>>, vector<16xi32>,
        tpu.vector_store %arg9[%swap3A_1917], %shift_right_arithmetic3A_1916 {strides = array<i32>} : memref<128xi32, #tpu.memory_space<vmem>>, vector<16xi32>,
        %and3A_1919 = arith.constant 1 : i32
        %and3A_1920 = vector.broadcast %and3A_1919 : i32 to vector<16xi32>
        %and3A_1921 = arith.andi %get3A_1913, %and3A_1920 : vector<16xi32>
        %mul3A_1922 = arith.constant 64 : i32
        %mul3A_1923 = vector.broadcast %mul3A_1922 : i32 to vector<16xi32>
        %mul3A_1924 = arith.muli %and3A_1921, %mul3A_1923 : vector<16xi32>
        %swap3A_1925 = arith.constant 2 : i32
        %swap3A_1926 = arith.index_cast %swap3A_1925 : i32 to index
        %swap3A_1927 = arith.constant 0 : index
        %swap3A_1928 = tpu.vector_load %arg13[%swap3A_1926, %swap3A_1927] {strides = array<i32>} : memref<8x16xi32, #tpu.memory_space<vmem>>, vector<16xi32>,
        tpu.vector_store %arg13[%swap3A_1926, %swap3A_1927], %mul3A_1924 {strides = array<i32>} : memref<8x16xi32, #tpu.memory_space<vmem>>, vector<16xi32>,
        %get3A_1929 = arith.index_cast %sub3A_1874 : i32 to index
        %get3A_1930 = arith.constant 48 : index
        %get3A_1931 = tpu.vector_load %arg5[%get3A_1929, %get3A_1930] {strides = array<i32>} : memref<8x128xi32, #tpu.memory_space<vmem>>, vector<16xi32>,
        %shift_right_arithmetic3A_1932 = arith.constant 1 : i32
        %shift_right_arithmetic3A_1933 = vector.broadcast %shift_right_arithmetic3A_1932 : i32 to vector<16xi32>
        %shift_right_arithmetic3A_1934 = arith.shrsi %get3A_1931, %shift_right_arithmetic3A_1933 : vector<16xi32>
        %swap3A_1935 = arith.constant 48 : index
        %swap3A_1936 = tpu.vector_load %arg9[%swap3A_1935] {strides = array<i32>} : memref<128xi32, #tpu.memory_space<vmem>>, vector<16xi32>,
        tpu.vector_store %arg9[%swap3A_1935], %shift_right_arithmetic3A_1934 {strides = array<i32>} : memref<128xi32, #tpu.memory_space<vmem>>, vector<16xi32>,
        %and3A_1937 = arith.constant 1 : i32
        %and3A_1938 = vector.broadcast %and3A_1937 : i32 to vector<16xi32>
        %and3A_1939 = arith.andi %get3A_1931, %and3A_1938 : vector<16xi32>
        %mul3A_1940 = arith.constant 64 : i32
        %mul3A_1941 = vector.broadcast %mul3A_1940 : i32 to vector<16xi32>
        %mul3A_1942 = arith.muli %and3A_1939, %mul3A_1941 : vector<16xi32>
        %swap3A_1943 = arith.constant 3 : i32
        %swap3A_1944 = arith.index_cast %swap3A_1943 : i32 to index
        %swap3A_1945 = arith.constant 0 : index
        %swap3A_1946 = tpu.vector_load %arg13[%swap3A_1944, %swap3A_1945] {strides = array<i32>} : memref<8x16xi32, #tpu.memory_space<vmem>>, vector<16xi32>,
        tpu.vector_store %arg13[%swap3A_1944, %swap3A_1945], %mul3A_1942 {strides = array<i32>} : memref<8x16xi32, #tpu.memory_space<vmem>>, vector<16xi32>,
        %get3A_1947 = arith.index_cast %sub3A_1874 : i32 to index
        %get3A_1948 = arith.constant 64 : index
        %get3A_1949 = tpu.vector_load %arg5[%get3A_1947, %get3A_1948] {strides = array<i32>} : memref<8x128xi32, #tpu.memory_space<vmem>>, vector<16xi32>,
        %shift_right_arithmetic3A_1950 = arith.constant 1 : i32
        %shift_right_arithmetic3A_1951 = vector.broadcast %shift_right_arithmetic3A_1950 : i32 to vector<16xi32>
        %shift_right_arithmetic3A_1952 = arith.shrsi %get3A_1949, %shift_right_arithmetic3A_1951 : vector<16xi32>
        %swap3A_1953 = arith.constant 64 : index
        %swap3A_1954 = tpu.vector_load %arg9[%swap3A_1953] {strides = array<i32>} : memref<128xi32, #tpu.memory_space<vmem>>, vector<16xi32>,
        tpu.vector_store %arg9[%swap3A_1953], %shift_right_arithmetic3A_1952 {strides = array<i32>} : memref<128xi32, #tpu.memory_space<vmem>>, vector<16xi32>,
        %and3A_1955 = arith.constant 1 : i32
        %and3A_1956 = vector.broadcast %and3A_1955 : i32 to vector<16xi32>
        %and3A_1957 = arith.andi %get3A_1949, %and3A_1956 : vector<16xi32>
        %mul3A_1958 = arith.constant 64 : i32
        %mul3A_1959 = vector.broadcast %mul3A_1958 : i32 to vector<16xi32>
        %mul3A_1960 = arith.muli %and3A_1957, %mul3A_1959 : vector<16xi32>
        %swap3A_1961 = arith.constant 4 : i32
        %swap3A_1962 = arith.index_cast %swap3A_1961 : i32 to index
        %swap3A_1963 = arith.constant 0 : index
        %swap3A_1964 = tpu.vector_load %arg13[%swap3A_1962, %swap3A_1963] {strides = array<i32>} : memref<8x16xi32, #tpu.memory_space<vmem>>, vector<16xi32>,
        tpu.vector_store %arg13[%swap3A_1962, %swap3A_1963], %mul3A_1960 {strides = array<i32>} : memref<8x16xi32, #tpu.memory_space<vmem>>, vector<16xi32>,
        %get3A_1965 = arith.index_cast %sub3A_1874 : i32 to index
        %get3A_1966 = arith.constant 80 : index
        %get3A_1967 = tpu.vector_load %arg5[%get3A_1965, %get3A_1966] {strides = array<i32>} : memref<8x128xi32, #tpu.memory_space<vmem>>, vector<16xi32>,
        %shift_right_arithmetic3A_1968 = arith.constant 1 : i32
        %shift_right_arithmetic3A_1969 = vector.broadcast %shift_right_arithmetic3A_1968 : i32 to vector<16xi32>
        %shift_right_arithmetic3A_1970 = arith.shrsi %get3A_1967, %shift_right_arithmetic3A_1969 : vector<16xi32>
        %swap3A_1971 = arith.constant 80 : index
        %swap3A_1972 = tpu.vector_load %arg9[%swap3A_1971] {strides = array<i32>} : memref<128xi32, #tpu.memory_space<vmem>>, vector<16xi32>,
        tpu.vector_store %arg9[%swap3A_1971], %shift_right_arithmetic3A_1970 {strides = array<i32>} : memref<128xi32, #tpu.memory_space<vmem>>, vector<16xi32>,
        %and3A_1973 = arith.constant 1 : i32
        %and3A_1974 = vector.broadcast %and3A_1973 : i32 to vector<16xi32>
        %and3A_1975 = arith.andi %get3A_1967, %and3A_1974 : vector<16xi32>
        %mul3A_1976 = arith.constant 64 : i32
        %mul3A_1977 = vector.broadcast %mul3A_1976 : i32 to vector<16xi32>
        %mul3A_1978 = arith.muli %and3A_1975, %mul3A_1977 : vector<16xi32>
        %swap3A_1979 = arith.constant 5 : i32
        %swap3A_1980 = arith.index_cast %swap3A_1979 : i32 to index
        %swap3A_1981 = arith.constant 0 : index
        %swap3A_1982 = tpu.vector_load %arg13[%swap3A_1980, %swap3A_1981] {strides = array<i32>} : memref<8x16xi32, #tpu.memory_space<vmem>>, vector<16xi32>,
        tpu.vector_store %arg13[%swap3A_1980, %swap3A_1981], %mul3A_1978 {strides = array<i32>} : memref<8x16xi32, #tpu.memory_space<vmem>>, vector<16xi32>,
        %get3A_1983 = arith.index_cast %sub3A_1874 : i32 to index
        %get3A_1984 = arith.constant 96 : index
        %get3A_1985 = tpu.vector_load %arg5[%get3A_1983, %get3A_1984] {strides = array<i32>} : memref<8x128xi32, #tpu.memory_space<vmem>>, vector<16xi32>,
        %shift_right_arithmetic3A_1986 = arith.constant 1 : i32
        %shift_right_arithmetic3A_1987 = vector.broadcast %shift_right_arithmetic3A_1986 : i32 to vector<16xi32>
        %shift_right_arithmetic3A_1988 = arith.shrsi %get3A_1985, %shift_right_arithmetic3A_1987 : vector<16xi32>
        %swap3A_1989 = arith.constant 96 : index
        %swap3A_1990 = tpu.vector_load %arg9[%swap3A_1989] {strides = array<i32>} : memref<128xi32, #tpu.memory_space<vmem>>, vector<16xi32>,
        tpu.vector_store %arg9[%swap3A_1989], %shift_right_arithmetic3A_1988 {strides = array<i32>} : memref<128xi32, #tpu.memory_space<vmem>>, vector<16xi32>,
        %and3A_1991 = arith.constant 1 : i32
        %and3A_1992 = vector.broadcast %and3A_1991 : i32 to vector<16xi32>
        %and3A_1993 = arith.andi %get3A_1985, %and3A_1992 : vector<16xi32>
        %mul3A_1994 = arith.constant 64 : i32
        %mul3A_1995 = vector.broadcast %mul3A_1994 : i32 to vector<16xi32>
        %mul3A_1996 = arith.muli %and3A_1993, %mul3A_1995 : vector<16xi32>
        %swap3A_1997 = arith.constant 6 : i32
        %swap3A_1998 = arith.index_cast %swap3A_1997 : i32 to index
        %swap3A_1999 = arith.constant 0 : index
        %swap3A_2000 = tpu.vector_load %arg13[%swap3A_1998, %swap3A_1999] {strides = array<i32>} : memref<8x16xi32, #tpu.memory_space<vmem>>, vector<16xi32>,
        tpu.vector_store %arg13[%swap3A_1998, %swap3A_1999], %mul3A_1996 {strides = array<i32>} : memref<8x16xi32, #tpu.memory_space<vmem>>, vector<16xi32>,
        %get3A_2001 = arith.index_cast %sub3A_1874 : i32 to index
        %get3A_2002 = arith.constant 112 : index
        %get3A_2003 = tpu.vector_load %arg5[%get3A_2001, %get3A_2002] {strides = array<i32>} : memref<8x128xi32, #tpu.memory_space<vmem>>, vector<16xi32>,
        %shift_right_arithmetic3A_2004 = arith.constant 1 : i32
        %shift_right_arithmetic3A_2005 = vector.broadcast %shift_right_arithmetic3A_2004 : i32 to vector<16xi32>
        %shift_right_arithmetic3A_2006 = arith.shrsi %get3A_2003, %shift_right_arithmetic3A_2005 : vector<16xi32>
        %swap3A_2007 = arith.constant 112 : index
        %swap3A_2008 = tpu.vector_load %arg9[%swap3A_2007] {strides = array<i32>} : memref<128xi32, #tpu.memory_space<vmem>>, vector<16xi32>,
        tpu.vector_store %arg9[%swap3A_2007], %shift_right_arithmetic3A_2006 {strides = array<i32>} : memref<128xi32, #tpu.memory_space<vmem>>, vector<16xi32>,
        %and3A_2009 = arith.constant 1 : i32
        %and3A_2010 = vector.broadcast %and3A_2009 : i32 to vector<16xi32>
        %and3A_2011 = arith.andi %get3A_2003, %and3A_2010 : vector<16xi32>
        %mul3A_2012 = arith.constant 64 : i32
        %mul3A_2013 = vector.broadcast %mul3A_2012 : i32 to vector<16xi32>
        %mul3A_2014 = arith.muli %and3A_2011, %mul3A_2013 : vector<16xi32>
        %swap3A_2015 = arith.constant 7 : i32
        %swap3A_2016 = arith.index_cast %swap3A_2015 : i32 to index
        %swap3A_2017 = arith.constant 0 : index
        %swap3A_2018 = tpu.vector_load %arg13[%swap3A_2016, %swap3A_2017] {strides = array<i32>} : memref<8x16xi32, #tpu.memory_space<vmem>>, vector<16xi32>,
        tpu.vector_store %arg13[%swap3A_2016, %swap3A_2017], %mul3A_2014 {strides = array<i32>} : memref<8x16xi32, #tpu.memory_space<vmem>>, vector<16xi32>,
        %dma_start3A_2019 = arith.constant 0 : i32
        %dma_start3A_2020 = arith.constant 0 : i32
        %dma_start3A_2021 = tpu.memref_slice %arg2[%dma_start3A_2019, %dma_start3A_2020] : memref<500000x128xf32, #tpu.memory_space<hbm>> -> memref<500000x128xf32, #tpu.memory_space<hbm>>
        tpu.enqueue_indirect_dma source(%dma_start3A_2021 : memref<500000x128xf32, #tpu.memory_space<hbm>>) target(%arg17 : memref<128x128xf32, #tpu.memory_space<vmem>>) offsets(%arg9 : memref<128xi32, #tpu.memory_space<vmem>>) semaphore(%arg29 : memref<!tpu.dma_semaphore, #tpu.memory_space<semaphore_mem>>)
      } else {
      }
      %mul3A_1568 = arith.constant 4 : i32
      %mul3A_1569 = arith.muli %add3A_1492, %mul3A_1568 : i32
      %add3A_1570 = arith.addi %mul3A_2, %mul3A_1569 : i32
      %add3A_1571 = arith.constant 1 : i32
      %add3A_1572 = arith.addi %add3A_1570, %add3A_1571 : i32
      %dma_wait3A_1573 = arith.constant 0 : i32
      %dma_wait3A_1574 = arith.constant 0 : i32
      %dma_wait3A_1575 = tpu.memref_slice %arg2[%dma_wait3A_1573, %dma_wait3A_1574] : memref<500000x128xf32, #tpu.memory_space<hbm>> -> memref<500000x128xf32, #tpu.memory_space<hbm>>
      tpu.wait_indirect_dma semaphore(%arg30 : memref<!tpu.dma_semaphore, #tpu.memory_space<semaphore_mem>>) src(%dma_wait3A_1575 : memref<500000x128xf32, #tpu.memory_space<hbm>>) dst(%arg18 : memref<128x128xf32, #tpu.memory_space<vmem>>)
      %add3A_1576 = arith.constant 1 : i32
      %add3A_1577 = arith.addi %add3A_1492, %add3A_1576 : i32
      %lt3A_1578 = arith.constant 50 : i32
      %lt3A_1579 = arith.cmpi slt, %add3A_1577, %lt3A_1578 : i32
      %convert_element_type3A_1580 = arith.extui %lt3A_1579 : i1 to i32
      %cond3A_1581 = arith.constant 0 : i32
      %cond3A_1582 = arith.cmpi ne, %convert_element_type3A_1580, %cond3A_1581 : i32
      scf.if %cond3A_1582 {
        %add3A_1802 = arith.constant 4 : i32
        %add3A_1803 = arith.addi %add3A_1572, %add3A_1802 : i32
        %jit3A_1804 = arith.constant 128 : i32
        %div3A_1805 = arith.divsi %add3A_1803, %jit3A_1804 : i32
        %sign3A_1806 = arith.constant 0 : i32
        %sign3A_1807 = arith.cmpi sgt, %add3A_1803, %sign3A_1806 : i32
        %sign3A_1808 = arith.extui %sign3A_1807 : i1 to i32
        %sign3A_1809 = arith.constant 0 : i32
        %sign3A_1810 = arith.cmpi slt, %add3A_1803, %sign3A_1809 : i32
        %sign3A_1811 = arith.extui %sign3A_1810 : i1 to i32
        %sign3A_1812 = arith.subi %sign3A_1808, %sign3A_1811 : i32
        %sign3A_1813 = arith.constant 0 : i32
        %sign3A_1814 = arith.cmpi sgt, %jit3A_1804, %sign3A_1813 : i32
        %sign3A_1815 = arith.extui %sign3A_1814 : i1 to i32
        %sign3A_1816 = arith.constant 0 : i32
        %sign3A_1817 = arith.cmpi slt, %jit3A_1804, %sign3A_1816 : i32
        %sign3A_1818 = arith.extui %sign3A_1817 : i1 to i32
        %sign3A_1819 = arith.subi %sign3A_1815, %sign3A_1818 : i32
        %ne3A_1820 = arith.cmpi ne, %sign3A_1812, %sign3A_1819 : i32
        %rem3A_1821 = arith.remsi %add3A_1803, %jit3A_1804 : i32
        %ne3A_1822 = arith.constant 0 : i32
        %ne3A_1823 = arith.cmpi ne, %rem3A_1821, %ne3A_1822 : i32
        %and3A_1824 = arith.andi %ne3A_1820, %ne3A_1823 : i1
        %sub3A_1825 = arith.constant 1 : i32
        %sub3A_1826 = arith.subi %div3A_1805, %sub3A_1825 : i32
        %select_n3A_1827 = arith.select %and3A_1824, %sub3A_1826, %div3A_1805 : i32
        %jit3A_1828 = arith.constant 128 : i32
        %eq3A_1829 = arith.constant 0 : i32
        %eq3A_1830 = arith.cmpi eq, %jit3A_1828, %eq3A_1829 : i32
        %jit3A_1831 = arith.constant 1 : i32
        %select_n3A_1832 = arith.select %eq3A_1830, %jit3A_1831, %jit3A_1828 : i32
        %rem3A_1833 = arith.remsi %add3A_1803, %select_n3A_1832 : i32
        %ne3A_1834 = arith.constant 0 : i32
        %ne3A_1835 = arith.cmpi ne, %rem3A_1833, %ne3A_1834 : i32
        %lt3A_1836 = arith.constant 0 : i32
        %lt3A_1837 = arith.cmpi slt, %rem3A_1833, %lt3A_1836 : i32
        %lt3A_1838 = arith.constant 0 : i32
        %lt3A_1839 = arith.cmpi slt, %select_n3A_1832, %lt3A_1838 : i32
        %ne3A_1840 = arith.xori %lt3A_1837, %lt3A_1839 : i1
        %and3A_1841 = arith.andi %ne3A_1840, %ne3A_1835 : i1
        %add3A_1842 = arith.addi %rem3A_1833, %select_n3A_1832 : i32
        %select_n3A_1843 = arith.select %and3A_1841, %add3A_1842, %rem3A_1833 : i32
        %mul3A_1844 = arith.constant 128 : i32
        %mul3A_1845 = arith.muli %select_n3A_1843, %mul3A_1844 : i32
        %jit3A_1846 = arith.constant 8 : i32
        %div3A_1847 = arith.divsi %select_n3A_1827, %jit3A_1846 : i32
        %sign3A_1848 = arith.constant 0 : i32
        %sign3A_1849 = arith.cmpi sgt, %select_n3A_1827, %sign3A_1848 : i32
        %sign3A_1850 = arith.extui %sign3A_1849 : i1 to i32
        %sign3A_1851 = arith.constant 0 : i32
        %sign3A_1852 = arith.cmpi slt, %select_n3A_1827, %sign3A_1851 : i32
        %sign3A_1853 = arith.extui %sign3A_1852 : i1 to i32
        %sign3A_1854 = arith.subi %sign3A_1850, %sign3A_1853 : i32
        %sign3A_1855 = arith.constant 0 : i32
        %sign3A_1856 = arith.cmpi sgt, %jit3A_1846, %sign3A_1855 : i32
        %sign3A_1857 = arith.extui %sign3A_1856 : i1 to i32
        %sign3A_1858 = arith.constant 0 : i32
        %sign3A_1859 = arith.cmpi slt, %jit3A_1846, %sign3A_1858 : i32
        %sign3A_1860 = arith.extui %sign3A_1859 : i1 to i32
        %sign3A_1861 = arith.subi %sign3A_1857, %sign3A_1860 : i32
        %ne3A_1862 = arith.cmpi ne, %sign3A_1854, %sign3A_1861 : i32
        %rem3A_1863 = arith.remsi %select_n3A_1827, %jit3A_1846 : i32
        %ne3A_1864 = arith.constant 0 : i32
        %ne3A_1865 = arith.cmpi ne, %rem3A_1863, %ne3A_1864 : i32
        %and3A_1866 = arith.andi %ne3A_1862, %ne3A_1865 : i1
        %sub3A_1867 = arith.constant 1 : i32
        %sub3A_1868 = arith.subi %div3A_1847, %sub3A_1867 : i32
        %select_n3A_1869 = arith.select %and3A_1866, %sub3A_1868, %div3A_1847 : i32
        %mul3A_1870 = arith.constant 8 : i32
        %mul3A_1871 = arith.muli %select_n3A_1869, %mul3A_1870 : i32
        %dma_start3A_1872 = tpu.memref_slice %arg3[%mul3A_1871, %mul3A_1845] : memref<50x16384xi32, #tpu.memory_space<hbm>> -> memref<8x128xi32, #tpu.memory_space<hbm>>
        %dma_start3A_1873 = tpu.memref_slice %arg3[%mul3A_1871, %mul3A_1845] : memref<50x16384xi32, #tpu.memory_space<hbm>> -> memref<8x128xi32, #tpu.memory_space<hbm>>
        tpu.enqueue_dma source(%dma_start3A_1873 : memref<8x128xi32, #tpu.memory_space<hbm>>) target(%arg6 : memref<8x128xi32, #tpu.memory_space<vmem>>) target_semaphore(%arg26 : memref<!tpu.dma_semaphore, #tpu.memory_space<semaphore_mem>>)
      } else {
      }
      %gt3A_1583 = arith.constant 0 : i32
      %gt3A_1584 = arith.cmpi sgt, %add3A_1492, %gt3A_1583 : i32
      %convert_element_type3A_1585 = arith.extui %gt3A_1584 : i1 to i32
      %cond3A_1586 = arith.constant 0 : i32
      %cond3A_1587 = arith.cmpi ne, %convert_element_type3A_1585, %cond3A_1586 : i32
      scf.if %cond3A_1587 {
        %sub3A_1802 = arith.constant 4 : i32
        %sub3A_1803 = arith.subi %add3A_1572, %sub3A_1802 : i32
        %jit3A_1804 = arith.constant 128 : i32
        %div3A_1805 = arith.divsi %sub3A_1803, %jit3A_1804 : i32
        %sign3A_1806 = arith.constant 0 : i32
        %sign3A_1807 = arith.cmpi sgt, %sub3A_1803, %sign3A_1806 : i32
        %sign3A_1808 = arith.extui %sign3A_1807 : i1 to i32
        %sign3A_1809 = arith.constant 0 : i32
        %sign3A_1810 = arith.cmpi slt, %sub3A_1803, %sign3A_1809 : i32
        %sign3A_1811 = arith.extui %sign3A_1810 : i1 to i32
        %sign3A_1812 = arith.subi %sign3A_1808, %sign3A_1811 : i32
        %sign3A_1813 = arith.constant 0 : i32
        %sign3A_1814 = arith.cmpi sgt, %jit3A_1804, %sign3A_1813 : i32
        %sign3A_1815 = arith.extui %sign3A_1814 : i1 to i32
        %sign3A_1816 = arith.constant 0 : i32
        %sign3A_1817 = arith.cmpi slt, %jit3A_1804, %sign3A_1816 : i32
        %sign3A_1818 = arith.extui %sign3A_1817 : i1 to i32
        %sign3A_1819 = arith.subi %sign3A_1815, %sign3A_1818 : i32
        %ne3A_1820 = arith.cmpi ne, %sign3A_1812, %sign3A_1819 : i32
        %rem3A_1821 = arith.remsi %sub3A_1803, %jit3A_1804 : i32
        %ne3A_1822 = arith.constant 0 : i32
        %ne3A_1823 = arith.cmpi ne, %rem3A_1821, %ne3A_1822 : i32
        %and3A_1824 = arith.andi %ne3A_1820, %ne3A_1823 : i1
        %sub3A_1825 = arith.constant 1 : i32
        %sub3A_1826 = arith.subi %div3A_1805, %sub3A_1825 : i32
        %select_n3A_1827 = arith.select %and3A_1824, %sub3A_1826, %div3A_1805 : i32
        %jit3A_1828 = arith.constant 128 : i32
        %eq3A_1829 = arith.constant 0 : i32
        %eq3A_1830 = arith.cmpi eq, %jit3A_1828, %eq3A_1829 : i32
        %jit3A_1831 = arith.constant 1 : i32
        %select_n3A_1832 = arith.select %eq3A_1830, %jit3A_1831, %jit3A_1828 : i32
        %rem3A_1833 = arith.remsi %sub3A_1803, %select_n3A_1832 : i32
        %ne3A_1834 = arith.constant 0 : i32
        %ne3A_1835 = arith.cmpi ne, %rem3A_1833, %ne3A_1834 : i32
        %lt3A_1836 = arith.constant 0 : i32
        %lt3A_1837 = arith.cmpi slt, %rem3A_1833, %lt3A_1836 : i32
        %lt3A_1838 = arith.constant 0 : i32
        %lt3A_1839 = arith.cmpi slt, %select_n3A_1832, %lt3A_1838 : i32
        %ne3A_1840 = arith.xori %lt3A_1837, %lt3A_1839 : i1
        %and3A_1841 = arith.andi %ne3A_1840, %ne3A_1835 : i1
        %add3A_1842 = arith.addi %rem3A_1833, %select_n3A_1832 : i32
        %select_n3A_1843 = arith.select %and3A_1841, %add3A_1842, %rem3A_1833 : i32
        %mul3A_1844 = arith.constant 128 : i32
        %mul3A_1845 = arith.muli %select_n3A_1843, %mul3A_1844 : i32
        %mul3A_1846 = arith.constant 64 : i32
        %mul3A_1847 = arith.muli %select_n3A_1827, %mul3A_1846 : i32
        %dma_wait3A_1848 = tpu.memref_slice %arg4[%mul3A_1847, %mul3A_1845] : memref<3200x16384xf32, #tpu.memory_space<hbm>> -> memref<64x128xf32, #tpu.memory_space<hbm>>
        %dma_wait3A_1849 = tpu.memref_slice %arg4[%mul3A_1847, %mul3A_1845] : memref<3200x16384xf32, #tpu.memory_space<hbm>> -> memref<64x128xf32, #tpu.memory_space<hbm>>
        tpu.wait_dma2 semaphore(%arg34 : memref<!tpu.dma_semaphore, #tpu.memory_space<semaphore_mem>>) src(%arg22 : memref<64x128xf32, #tpu.memory_space<vmem>>) dst(%dma_wait3A_1849 : memref<64x128xf32, #tpu.memory_space<hbm>>)
      } else {
      }
      %scan3A_1588 = arith.constant 0 : i32
      %scan3A_1589 = arith.constant 8 : i32
      %scan3A_1590 = arith.addi %scan3A_1588, %scan3A_1589 : i32
      %scan3A_1591 = arith.constant 1 : i32
      scf.for %scan3A_1802 = %scan3A_1588 to %scan3A_1590 step %scan3A_1591  : i32 {
        %mul3A_1803 = arith.constant 1 : i32
        %mul3A_1804 = arith.muli %scan3A_1802, %mul3A_1803 : i32
        %add3A_1805 = arith.constant 0 : i32
        %add3A_1806 = arith.addi %add3A_1805, %mul3A_1804 : i32
        %mul3A_1807 = arith.constant 16 : i32
        %mul3A_1808 = arith.muli %add3A_1806, %mul3A_1807 : i32
        %add3A_1809 = vector.broadcast %mul3A_1808 : i32 to vector<16xi32>
        %add3A_1810 = arith.addi %add3A_1809, %iota3A : vector<16xi32>
        %get3A_1811 = arith.index_cast %add3A_1806 : i32 to index
        %get3A_1812 = arith.constant 0 : index
        %get3A_1813 = tpu.vector_load %arg14[%get3A_1811, %get3A_1812] {strides = array<i32>} : memref<8x16xi32, #tpu.memory_space<vmem>>, vector<16xi32>,
        %parallel_loop3A = arith.constant 0 : i32
        %parallel_loop3A_1814 = arith.constant 64 : i32
        %parallel_loop3A_1815 = arith.constant 16 : i32
        scf.for %parallel_loop3A_1816 = %parallel_loop3A to %parallel_loop3A_1814 step %parallel_loop3A_1815  : i32 {
          %parallel_loop3A_1817 = vector.broadcast %parallel_loop3A_1816 : i32 to vector<16xi32>
          %parallel_loop3A_1818 = arith.addi %get3A_1813, %parallel_loop3A_1817 : vector<16xi32>
          %parallel_loop3A_1819 = arith.addi %parallel_loop3A_1818, %and3A_31 : vector<16xi32>
          %parallel_loop3A_1820 = tpu.vector_load_idx %arg18[%add3A_1810, %parallel_loop3A_1819] : memref<128x128xf32, #tpu.memory_space<vmem>>[vector<16xi32>, vector<16xi32>], vector<16xf32>,
          %parallel_loop3A_1821 = vector.broadcast %parallel_loop3A_1816 : i32 to vector<16xi32>
          %parallel_loop3A_1822 = arith.addi %parallel_loop3A_1821, %and3A_31 : vector<16xi32>
          %parallel_loop3A_1823 = arith.constant 8.000000e+00 : f32
          %parallel_loop3A_1824 = vector.broadcast %parallel_loop3A_1823 : f32 to vector<16xf32>
          %parallel_loop3A_1825 = arith.mulf %parallel_loop3A_1820, %parallel_loop3A_1824 : vector<16xf32>
          tpu.vector_store_idx %arg22[%parallel_loop3A_1822, %add3A_1810], %parallel_loop3A_1825 : memref<64x128xf32, #tpu.memory_space<vmem>>[vector<16xi32>, vector<16xi32>], vector<16xf32>,
          %parallel_loop3A_1826 = arith.addi %parallel_loop3A_1818, %and3A_37 : vector<16xi32>
          %parallel_loop3A_1827 = tpu.vector_load_idx %arg18[%add3A_1810, %parallel_loop3A_1826] : memref<128x128xf32, #tpu.memory_space<vmem>>[vector<16xi32>, vector<16xi32>], vector<16xf32>,
          %parallel_loop3A_1828 = vector.broadcast %parallel_loop3A_1816 : i32 to vector<16xi32>
          %parallel_loop3A_1829 = arith.addi %parallel_loop3A_1828, %and3A_37 : vector<16xi32>
          %parallel_loop3A_1830 = arith.constant 8.000000e+00 : f32
          %parallel_loop3A_1831 = vector.broadcast %parallel_loop3A_1830 : f32 to vector<16xf32>
          %parallel_loop3A_1832 = arith.mulf %parallel_loop3A_1827, %parallel_loop3A_1831 : vector<16xf32>
          tpu.vector_store_idx %arg22[%parallel_loop3A_1829, %add3A_1810], %parallel_loop3A_1832 : memref<64x128xf32, #tpu.memory_space<vmem>>[vector<16xi32>, vector<16xi32>], vector<16xf32>,
          %parallel_loop3A_1833 = arith.addi %parallel_loop3A_1818, %and3A_43 : vector<16xi32>
          %parallel_loop3A_1834 = tpu.vector_load_idx %arg18[%add3A_1810, %parallel_loop3A_1833] : memref<128x128xf32, #tpu.memory_space<vmem>>[vector<16xi32>, vector<16xi32>], vector<16xf32>,
          %parallel_loop3A_1835 = vector.broadcast %parallel_loop3A_1816 : i32 to vector<16xi32>
          %parallel_loop3A_1836 = arith.addi %parallel_loop3A_1835, %and3A_43 : vector<16xi32>
          %parallel_loop3A_1837 = arith.constant 8.000000e+00 : f32
          %parallel_loop3A_1838 = vector.broadcast %parallel_loop3A_1837 : f32 to vector<16xf32>
          %parallel_loop3A_1839 = arith.mulf %parallel_loop3A_1834, %parallel_loop3A_1838 : vector<16xf32>
          tpu.vector_store_idx %arg22[%parallel_loop3A_1836, %add3A_1810], %parallel_loop3A_1839 : memref<64x128xf32, #tpu.memory_space<vmem>>[vector<16xi32>, vector<16xi32>], vector<16xf32>,
          %parallel_loop3A_1840 = arith.addi %parallel_loop3A_1818, %and3A_49 : vector<16xi32>
          %parallel_loop3A_1841 = tpu.vector_load_idx %arg18[%add3A_1810, %parallel_loop3A_1840] : memref<128x128xf32, #tpu.memory_space<vmem>>[vector<16xi32>, vector<16xi32>], vector<16xf32>,
          %parallel_loop3A_1842 = vector.broadcast %parallel_loop3A_1816 : i32 to vector<16xi32>
          %parallel_loop3A_1843 = arith.addi %parallel_loop3A_1842, %and3A_49 : vector<16xi32>
          %parallel_loop3A_1844 = arith.constant 8.000000e+00 : f32
          %parallel_loop3A_1845 = vector.broadcast %parallel_loop3A_1844 : f32 to vector<16xf32>
          %parallel_loop3A_1846 = arith.mulf %parallel_loop3A_1841, %parallel_loop3A_1845 : vector<16xf32>
          tpu.vector_store_idx %arg22[%parallel_loop3A_1843, %add3A_1810], %parallel_loop3A_1846 : memref<64x128xf32, #tpu.memory_space<vmem>>[vector<16xi32>, vector<16xi32>], vector<16xf32>,
          %parallel_loop3A_1847 = arith.addi %parallel_loop3A_1818, %and3A_55 : vector<16xi32>
          %parallel_loop3A_1848 = tpu.vector_load_idx %arg18[%add3A_1810, %parallel_loop3A_1847] : memref<128x128xf32, #tpu.memory_space<vmem>>[vector<16xi32>, vector<16xi32>], vector<16xf32>,
          %parallel_loop3A_1849 = vector.broadcast %parallel_loop3A_1816 : i32 to vector<16xi32>
          %parallel_loop3A_1850 = arith.addi %parallel_loop3A_1849, %and3A_55 : vector<16xi32>
          %parallel_loop3A_1851 = arith.constant 8.000000e+00 : f32
          %parallel_loop3A_1852 = vector.broadcast %parallel_loop3A_1851 : f32 to vector<16xf32>
          %parallel_loop3A_1853 = arith.mulf %parallel_loop3A_1848, %parallel_loop3A_1852 : vector<16xf32>
          tpu.vector_store_idx %arg22[%parallel_loop3A_1850, %add3A_1810], %parallel_loop3A_1853 : memref<64x128xf32, #tpu.memory_space<vmem>>[vector<16xi32>, vector<16xi32>], vector<16xf32>,
          %parallel_loop3A_1854 = arith.addi %parallel_loop3A_1818, %and3A_61 : vector<16xi32>
          %parallel_loop3A_1855 = tpu.vector_load_idx %arg18[%add3A_1810, %parallel_loop3A_1854] : memref<128x128xf32, #tpu.memory_space<vmem>>[vector<16xi32>, vector<16xi32>], vector<16xf32>,
          %parallel_loop3A_1856 = vector.broadcast %parallel_loop3A_1816 : i32 to vector<16xi32>
          %parallel_loop3A_1857 = arith.addi %parallel_loop3A_1856, %and3A_61 : vector<16xi32>
          %parallel_loop3A_1858 = arith.constant 8.000000e+00 : f32
          %parallel_loop3A_1859 = vector.broadcast %parallel_loop3A_1858 : f32 to vector<16xf32>
          %parallel_loop3A_1860 = arith.mulf %parallel_loop3A_1855, %parallel_loop3A_1859 : vector<16xf32>
          tpu.vector_store_idx %arg22[%parallel_loop3A_1857, %add3A_1810], %parallel_loop3A_1860 : memref<64x128xf32, #tpu.memory_space<vmem>>[vector<16xi32>, vector<16xi32>], vector<16xf32>,
          %parallel_loop3A_1861 = arith.addi %parallel_loop3A_1818, %and3A_67 : vector<16xi32>
          %parallel_loop3A_1862 = tpu.vector_load_idx %arg18[%add3A_1810, %parallel_loop3A_1861] : memref<128x128xf32, #tpu.memory_space<vmem>>[vector<16xi32>, vector<16xi32>], vector<16xf32>,
          %parallel_loop3A_1863 = vector.broadcast %parallel_loop3A_1816 : i32 to vector<16xi32>
          %parallel_loop3A_1864 = arith.addi %parallel_loop3A_1863, %and3A_67 : vector<16xi32>
          %parallel_loop3A_1865 = arith.constant 8.000000e+00 : f32
          %parallel_loop3A_1866 = vector.broadcast %parallel_loop3A_1865 : f32 to vector<16xf32>
          %parallel_loop3A_1867 = arith.mulf %parallel_loop3A_1862, %parallel_loop3A_1866 : vector<16xf32>
          tpu.vector_store_idx %arg22[%parallel_loop3A_1864, %add3A_1810], %parallel_loop3A_1867 : memref<64x128xf32, #tpu.memory_space<vmem>>[vector<16xi32>, vector<16xi32>], vector<16xf32>,
          %parallel_loop3A_1868 = arith.addi %parallel_loop3A_1818, %and3A_73 : vector<16xi32>
          %parallel_loop3A_1869 = tpu.vector_load_idx %arg18[%add3A_1810, %parallel_loop3A_1868] : memref<128x128xf32, #tpu.memory_space<vmem>>[vector<16xi32>, vector<16xi32>], vector<16xf32>,
          %parallel_loop3A_1870 = vector.broadcast %parallel_loop3A_1816 : i32 to vector<16xi32>
          %parallel_loop3A_1871 = arith.addi %parallel_loop3A_1870, %and3A_73 : vector<16xi32>
          %parallel_loop3A_1872 = arith.constant 8.000000e+00 : f32
          %parallel_loop3A_1873 = vector.broadcast %parallel_loop3A_1872 : f32 to vector<16xf32>
          %parallel_loop3A_1874 = arith.mulf %parallel_loop3A_1869, %parallel_loop3A_1873 : vector<16xf32>
          tpu.vector_store_idx %arg22[%parallel_loop3A_1871, %add3A_1810], %parallel_loop3A_1874 : memref<64x128xf32, #tpu.memory_space<vmem>>[vector<16xi32>, vector<16xi32>], vector<16xf32>,
          %parallel_loop3A_1875 = arith.addi %parallel_loop3A_1818, %and3A_79 : vector<16xi32>
          %parallel_loop3A_1876 = tpu.vector_load_idx %arg18[%add3A_1810, %parallel_loop3A_1875] : memref<128x128xf32, #tpu.memory_space<vmem>>[vector<16xi32>, vector<16xi32>], vector<16xf32>,
          %parallel_loop3A_1877 = vector.broadcast %parallel_loop3A_1816 : i32 to vector<16xi32>
          %parallel_loop3A_1878 = arith.addi %parallel_loop3A_1877, %and3A_79 : vector<16xi32>
          %parallel_loop3A_1879 = arith.constant 8.000000e+00 : f32
          %parallel_loop3A_1880 = vector.broadcast %parallel_loop3A_1879 : f32 to vector<16xf32>
          %parallel_loop3A_1881 = arith.mulf %parallel_loop3A_1876, %parallel_loop3A_1880 : vector<16xf32>
          tpu.vector_store_idx %arg22[%parallel_loop3A_1878, %add3A_1810], %parallel_loop3A_1881 : memref<64x128xf32, #tpu.memory_space<vmem>>[vector<16xi32>, vector<16xi32>], vector<16xf32>,
          %parallel_loop3A_1882 = arith.addi %parallel_loop3A_1818, %and3A_85 : vector<16xi32>
          %parallel_loop3A_1883 = tpu.vector_load_idx %arg18[%add3A_1810, %parallel_loop3A_1882] : memref<128x128xf32, #tpu.memory_space<vmem>>[vector<16xi32>, vector<16xi32>], vector<16xf32>,
          %parallel_loop3A_1884 = vector.broadcast %parallel_loop3A_1816 : i32 to vector<16xi32>
          %parallel_loop3A_1885 = arith.addi %parallel_loop3A_1884, %and3A_85 : vector<16xi32>
          %parallel_loop3A_1886 = arith.constant 8.000000e+00 : f32
          %parallel_loop3A_1887 = vector.broadcast %parallel_loop3A_1886 : f32 to vector<16xf32>
          %parallel_loop3A_1888 = arith.mulf %parallel_loop3A_1883, %parallel_loop3A_1887 : vector<16xf32>
          tpu.vector_store_idx %arg22[%parallel_loop3A_1885, %add3A_1810], %parallel_loop3A_1888 : memref<64x128xf32, #tpu.memory_space<vmem>>[vector<16xi32>, vector<16xi32>], vector<16xf32>,
          %parallel_loop3A_1889 = arith.addi %parallel_loop3A_1818, %and3A_91 : vector<16xi32>
          %parallel_loop3A_1890 = tpu.vector_load_idx %arg18[%add3A_1810, %parallel_loop3A_1889] : memref<128x128xf32, #tpu.memory_space<vmem>>[vector<16xi32>, vector<16xi32>], vector<16xf32>,
          %parallel_loop3A_1891 = vector.broadcast %parallel_loop3A_1816 : i32 to vector<16xi32>
          %parallel_loop3A_1892 = arith.addi %parallel_loop3A_1891, %and3A_91 : vector<16xi32>
          %parallel_loop3A_1893 = arith.constant 8.000000e+00 : f32
          %parallel_loop3A_1894 = vector.broadcast %parallel_loop3A_1893 : f32 to vector<16xf32>
          %parallel_loop3A_1895 = arith.mulf %parallel_loop3A_1890, %parallel_loop3A_1894 : vector<16xf32>
          tpu.vector_store_idx %arg22[%parallel_loop3A_1892, %add3A_1810], %parallel_loop3A_1895 : memref<64x128xf32, #tpu.memory_space<vmem>>[vector<16xi32>, vector<16xi32>], vector<16xf32>,
          %parallel_loop3A_1896 = arith.addi %parallel_loop3A_1818, %and3A_97 : vector<16xi32>
          %parallel_loop3A_1897 = tpu.vector_load_idx %arg18[%add3A_1810, %parallel_loop3A_1896] : memref<128x128xf32, #tpu.memory_space<vmem>>[vector<16xi32>, vector<16xi32>], vector<16xf32>,
          %parallel_loop3A_1898 = vector.broadcast %parallel_loop3A_1816 : i32 to vector<16xi32>
          %parallel_loop3A_1899 = arith.addi %parallel_loop3A_1898, %and3A_97 : vector<16xi32>
          %parallel_loop3A_1900 = arith.constant 8.000000e+00 : f32
          %parallel_loop3A_1901 = vector.broadcast %parallel_loop3A_1900 : f32 to vector<16xf32>
          %parallel_loop3A_1902 = arith.mulf %parallel_loop3A_1897, %parallel_loop3A_1901 : vector<16xf32>
          tpu.vector_store_idx %arg22[%parallel_loop3A_1899, %add3A_1810], %parallel_loop3A_1902 : memref<64x128xf32, #tpu.memory_space<vmem>>[vector<16xi32>, vector<16xi32>], vector<16xf32>,
          %parallel_loop3A_1903 = arith.addi %parallel_loop3A_1818, %and3A_103 : vector<16xi32>
          %parallel_loop3A_1904 = tpu.vector_load_idx %arg18[%add3A_1810, %parallel_loop3A_1903] : memref<128x128xf32, #tpu.memory_space<vmem>>[vector<16xi32>, vector<16xi32>], vector<16xf32>,
          %parallel_loop3A_1905 = vector.broadcast %parallel_loop3A_1816 : i32 to vector<16xi32>
          %parallel_loop3A_1906 = arith.addi %parallel_loop3A_1905, %and3A_103 : vector<16xi32>
          %parallel_loop3A_1907 = arith.constant 8.000000e+00 : f32
          %parallel_loop3A_1908 = vector.broadcast %parallel_loop3A_1907 : f32 to vector<16xf32>
          %parallel_loop3A_1909 = arith.mulf %parallel_loop3A_1904, %parallel_loop3A_1908 : vector<16xf32>
          tpu.vector_store_idx %arg22[%parallel_loop3A_1906, %add3A_1810], %parallel_loop3A_1909 : memref<64x128xf32, #tpu.memory_space<vmem>>[vector<16xi32>, vector<16xi32>], vector<16xf32>,
          %parallel_loop3A_1910 = arith.addi %parallel_loop3A_1818, %and3A_109 : vector<16xi32>
          %parallel_loop3A_1911 = tpu.vector_load_idx %arg18[%add3A_1810, %parallel_loop3A_1910] : memref<128x128xf32, #tpu.memory_space<vmem>>[vector<16xi32>, vector<16xi32>], vector<16xf32>,
          %parallel_loop3A_1912 = vector.broadcast %parallel_loop3A_1816 : i32 to vector<16xi32>
          %parallel_loop3A_1913 = arith.addi %parallel_loop3A_1912, %and3A_109 : vector<16xi32>
          %parallel_loop3A_1914 = arith.constant 8.000000e+00 : f32
          %parallel_loop3A_1915 = vector.broadcast %parallel_loop3A_1914 : f32 to vector<16xf32>
          %parallel_loop3A_1916 = arith.mulf %parallel_loop3A_1911, %parallel_loop3A_1915 : vector<16xf32>
          tpu.vector_store_idx %arg22[%parallel_loop3A_1913, %add3A_1810], %parallel_loop3A_1916 : memref<64x128xf32, #tpu.memory_space<vmem>>[vector<16xi32>, vector<16xi32>], vector<16xf32>,
          %parallel_loop3A_1917 = arith.addi %parallel_loop3A_1818, %and3A_115 : vector<16xi32>
          %parallel_loop3A_1918 = tpu.vector_load_idx %arg18[%add3A_1810, %parallel_loop3A_1917] : memref<128x128xf32, #tpu.memory_space<vmem>>[vector<16xi32>, vector<16xi32>], vector<16xf32>,
          %parallel_loop3A_1919 = vector.broadcast %parallel_loop3A_1816 : i32 to vector<16xi32>
          %parallel_loop3A_1920 = arith.addi %parallel_loop3A_1919, %and3A_115 : vector<16xi32>
          %parallel_loop3A_1921 = arith.constant 8.000000e+00 : f32
          %parallel_loop3A_1922 = vector.broadcast %parallel_loop3A_1921 : f32 to vector<16xf32>
          %parallel_loop3A_1923 = arith.mulf %parallel_loop3A_1918, %parallel_loop3A_1922 : vector<16xf32>
          tpu.vector_store_idx %arg22[%parallel_loop3A_1920, %add3A_1810], %parallel_loop3A_1923 : memref<64x128xf32, #tpu.memory_space<vmem>>[vector<16xi32>, vector<16xi32>], vector<16xf32>,
          %parallel_loop3A_1924 = arith.addi %parallel_loop3A_1818, %and3A_121 : vector<16xi32>
          %parallel_loop3A_1925 = tpu.vector_load_idx %arg18[%add3A_1810, %parallel_loop3A_1924] : memref<128x128xf32, #tpu.memory_space<vmem>>[vector<16xi32>, vector<16xi32>], vector<16xf32>,
          %parallel_loop3A_1926 = vector.broadcast %parallel_loop3A_1816 : i32 to vector<16xi32>
          %parallel_loop3A_1927 = arith.addi %parallel_loop3A_1926, %and3A_121 : vector<16xi32>
          %parallel_loop3A_1928 = arith.constant 8.000000e+00 : f32
          %parallel_loop3A_1929 = vector.broadcast %parallel_loop3A_1928 : f32 to vector<16xf32>
          %parallel_loop3A_1930 = arith.mulf %parallel_loop3A_1925, %parallel_loop3A_1929 : vector<16xf32>
          tpu.vector_store_idx %arg22[%parallel_loop3A_1927, %add3A_1810], %parallel_loop3A_1930 : memref<64x128xf32, #tpu.memory_space<vmem>>[vector<16xi32>, vector<16xi32>], vector<16xf32>,
        } {sc.loop_unroll_factor = 1 : i64, sc.parallel_access}
      }
      %scan3A_1592 = arith.constant 8 : i32
      %jit3A_1593 = arith.constant 128 : i32
      %div3A_1594 = arith.divsi %add3A_1572, %jit3A_1593 : i32
      %sign3A_1595 = arith.constant 0 : i32
      %sign3A_1596 = arith.cmpi sgt, %add3A_1572, %sign3A_1595 : i32
      %sign3A_1597 = arith.extui %sign3A_1596 : i1 to i32
      %sign3A_1598 = arith.constant 0 : i32
      %sign3A_1599 = arith.cmpi slt, %add3A_1572, %sign3A_1598 : i32
      %sign3A_1600 = arith.extui %sign3A_1599 : i1 to i32
      %sign3A_1601 = arith.subi %sign3A_1597, %sign3A_1600 : i32
      %sign3A_1602 = arith.constant 0 : i32
      %sign3A_1603 = arith.cmpi sgt, %jit3A_1593, %sign3A_1602 : i32
      %sign3A_1604 = arith.extui %sign3A_1603 : i1 to i32
      %sign3A_1605 = arith.constant 0 : i32
      %sign3A_1606 = arith.cmpi slt, %jit3A_1593, %sign3A_1605 : i32
      %sign3A_1607 = arith.extui %sign3A_1606 : i1 to i32
      %sign3A_1608 = arith.subi %sign3A_1604, %sign3A_1607 : i32
      %ne3A_1609 = arith.cmpi ne, %sign3A_1601, %sign3A_1608 : i32
      %rem3A_1610 = arith.remsi %add3A_1572, %jit3A_1593 : i32
      %ne3A_1611 = arith.constant 0 : i32
      %ne3A_1612 = arith.cmpi ne, %rem3A_1610, %ne3A_1611 : i32
      %and3A_1613 = arith.andi %ne3A_1609, %ne3A_1612 : i1
      %sub3A_1614 = arith.constant 1 : i32
      %sub3A_1615 = arith.subi %div3A_1594, %sub3A_1614 : i32
      %select_n3A_1616 = arith.select %and3A_1613, %sub3A_1615, %div3A_1594 : i32
      %jit3A_1617 = arith.constant 128 : i32
      %eq3A_1618 = arith.constant 0 : i32
      %eq3A_1619 = arith.cmpi eq, %jit3A_1617, %eq3A_1618 : i32
      %jit3A_1620 = arith.constant 1 : i32
      %select_n3A_1621 = arith.select %eq3A_1619, %jit3A_1620, %jit3A_1617 : i32
      %rem3A_1622 = arith.remsi %add3A_1572, %select_n3A_1621 : i32
      %ne3A_1623 = arith.constant 0 : i32
      %ne3A_1624 = arith.cmpi ne, %rem3A_1622, %ne3A_1623 : i32
      %lt3A_1625 = arith.constant 0 : i32
      %lt3A_1626 = arith.cmpi slt, %rem3A_1622, %lt3A_1625 : i32
      %lt3A_1627 = arith.constant 0 : i32
      %lt3A_1628 = arith.cmpi slt, %select_n3A_1621, %lt3A_1627 : i32
      %ne3A_1629 = arith.xori %lt3A_1626, %lt3A_1628 : i1
      %and3A_1630 = arith.andi %ne3A_1629, %ne3A_1624 : i1
      %add3A_1631 = arith.addi %rem3A_1622, %select_n3A_1621 : i32
      %select_n3A_1632 = arith.select %and3A_1630, %add3A_1631, %rem3A_1622 : i32
      %mul3A_1633 = arith.constant 128 : i32
      %mul3A_1634 = arith.muli %select_n3A_1632, %mul3A_1633 : i32
      %mul3A_1635 = arith.constant 64 : i32
      %mul3A_1636 = arith.muli %select_n3A_1616, %mul3A_1635 : i32
      %dma_start3A_1637 = tpu.memref_slice %arg4[%mul3A_1636, %mul3A_1634] : memref<3200x16384xf32, #tpu.memory_space<hbm>> -> memref<64x128xf32, #tpu.memory_space<hbm>>
      %dma_start3A_1638 = tpu.memref_slice %arg4[%mul3A_1636, %mul3A_1634] : memref<3200x16384xf32, #tpu.memory_space<hbm>> -> memref<64x128xf32, #tpu.memory_space<hbm>>
      tpu.enqueue_dma source(%arg22 : memref<64x128xf32, #tpu.memory_space<vmem>>) target(%dma_start3A_1638 : memref<64x128xf32, #tpu.memory_space<hbm>>) target_semaphore(%arg34 : memref<!tpu.dma_semaphore, #tpu.memory_space<semaphore_mem>>)
      %add3A_1639 = arith.constant 1 : i32
      %add3A_1640 = arith.addi %add3A_1492, %add3A_1639 : i32
      %lt3A_1641 = arith.constant 50 : i32
      %lt3A_1642 = arith.cmpi slt, %add3A_1640, %lt3A_1641 : i32
      %convert_element_type3A_1643 = arith.extui %lt3A_1642 : i1 to i32
      %cond3A_1644 = arith.constant 0 : i32
      %cond3A_1645 = arith.cmpi ne, %convert_element_type3A_1643, %cond3A_1644 : i32
      scf.if %cond3A_1645 {
        %add3A_1802 = arith.constant 4 : i32
        %add3A_1803 = arith.addi %add3A_1572, %add3A_1802 : i32
        %jit3A_1804 = arith.constant 128 : i32
        %div3A_1805 = arith.divsi %add3A_1803, %jit3A_1804 : i32
        %sign3A_1806 = arith.constant 0 : i32
        %sign3A_1807 = arith.cmpi sgt, %add3A_1803, %sign3A_1806 : i32
        %sign3A_1808 = arith.extui %sign3A_1807 : i1 to i32
        %sign3A_1809 = arith.constant 0 : i32
        %sign3A_1810 = arith.cmpi slt, %add3A_1803, %sign3A_1809 : i32
        %sign3A_1811 = arith.extui %sign3A_1810 : i1 to i32
        %sign3A_1812 = arith.subi %sign3A_1808, %sign3A_1811 : i32
        %sign3A_1813 = arith.constant 0 : i32
        %sign3A_1814 = arith.cmpi sgt, %jit3A_1804, %sign3A_1813 : i32
        %sign3A_1815 = arith.extui %sign3A_1814 : i1 to i32
        %sign3A_1816 = arith.constant 0 : i32
        %sign3A_1817 = arith.cmpi slt, %jit3A_1804, %sign3A_1816 : i32
        %sign3A_1818 = arith.extui %sign3A_1817 : i1 to i32
        %sign3A_1819 = arith.subi %sign3A_1815, %sign3A_1818 : i32
        %ne3A_1820 = arith.cmpi ne, %sign3A_1812, %sign3A_1819 : i32
        %rem3A_1821 = arith.remsi %add3A_1803, %jit3A_1804 : i32
        %ne3A_1822 = arith.constant 0 : i32
        %ne3A_1823 = arith.cmpi ne, %rem3A_1821, %ne3A_1822 : i32
        %and3A_1824 = arith.andi %ne3A_1820, %ne3A_1823 : i1
        %sub3A_1825 = arith.constant 1 : i32
        %sub3A_1826 = arith.subi %div3A_1805, %sub3A_1825 : i32
        %select_n3A_1827 = arith.select %and3A_1824, %sub3A_1826, %div3A_1805 : i32
        %jit3A_1828 = arith.constant 128 : i32
        %eq3A_1829 = arith.constant 0 : i32
        %eq3A_1830 = arith.cmpi eq, %jit3A_1828, %eq3A_1829 : i32
        %jit3A_1831 = arith.constant 1 : i32
        %select_n3A_1832 = arith.select %eq3A_1830, %jit3A_1831, %jit3A_1828 : i32
        %rem3A_1833 = arith.remsi %add3A_1803, %select_n3A_1832 : i32
        %ne3A_1834 = arith.constant 0 : i32
        %ne3A_1835 = arith.cmpi ne, %rem3A_1833, %ne3A_1834 : i32
        %lt3A_1836 = arith.constant 0 : i32
        %lt3A_1837 = arith.cmpi slt, %rem3A_1833, %lt3A_1836 : i32
        %lt3A_1838 = arith.constant 0 : i32
        %lt3A_1839 = arith.cmpi slt, %select_n3A_1832, %lt3A_1838 : i32
        %ne3A_1840 = arith.xori %lt3A_1837, %lt3A_1839 : i1
        %and3A_1841 = arith.andi %ne3A_1840, %ne3A_1835 : i1
        %add3A_1842 = arith.addi %rem3A_1833, %select_n3A_1832 : i32
        %select_n3A_1843 = arith.select %and3A_1841, %add3A_1842, %rem3A_1833 : i32
        %mul3A_1844 = arith.constant 128 : i32
        %mul3A_1845 = arith.muli %select_n3A_1843, %mul3A_1844 : i32
        %jit3A_1846 = arith.constant 8 : i32
        %div3A_1847 = arith.divsi %select_n3A_1827, %jit3A_1846 : i32
        %sign3A_1848 = arith.constant 0 : i32
        %sign3A_1849 = arith.cmpi sgt, %select_n3A_1827, %sign3A_1848 : i32
        %sign3A_1850 = arith.extui %sign3A_1849 : i1 to i32
        %sign3A_1851 = arith.constant 0 : i32
        %sign3A_1852 = arith.cmpi slt, %select_n3A_1827, %sign3A_1851 : i32
        %sign3A_1853 = arith.extui %sign3A_1852 : i1 to i32
        %sign3A_1854 = arith.subi %sign3A_1850, %sign3A_1853 : i32
        %sign3A_1855 = arith.constant 0 : i32
        %sign3A_1856 = arith.cmpi sgt, %jit3A_1846, %sign3A_1855 : i32
        %sign3A_1857 = arith.extui %sign3A_1856 : i1 to i32
        %sign3A_1858 = arith.constant 0 : i32
        %sign3A_1859 = arith.cmpi slt, %jit3A_1846, %sign3A_1858 : i32
        %sign3A_1860 = arith.extui %sign3A_1859 : i1 to i32
        %sign3A_1861 = arith.subi %sign3A_1857, %sign3A_1860 : i32
        %ne3A_1862 = arith.cmpi ne, %sign3A_1854, %sign3A_1861 : i32
        %rem3A_1863 = arith.remsi %select_n3A_1827, %jit3A_1846 : i32
        %ne3A_1864 = arith.constant 0 : i32
        %ne3A_1865 = arith.cmpi ne, %rem3A_1863, %ne3A_1864 : i32
        %and3A_1866 = arith.andi %ne3A_1862, %ne3A_1865 : i1
        %sub3A_1867 = arith.constant 1 : i32
        %sub3A_1868 = arith.subi %div3A_1847, %sub3A_1867 : i32
        %select_n3A_1869 = arith.select %and3A_1866, %sub3A_1868, %div3A_1847 : i32
        %mul3A_1870 = arith.constant 8 : i32
        %mul3A_1871 = arith.muli %select_n3A_1869, %mul3A_1870 : i32
        %dma_wait3A_1872 = tpu.memref_slice %arg3[%mul3A_1871, %mul3A_1845] : memref<50x16384xi32, #tpu.memory_space<hbm>> -> memref<8x128xi32, #tpu.memory_space<hbm>>
        %dma_wait3A_1873 = tpu.memref_slice %arg3[%mul3A_1871, %mul3A_1845] : memref<50x16384xi32, #tpu.memory_space<hbm>> -> memref<8x128xi32, #tpu.memory_space<hbm>>
        tpu.wait_dma2 semaphore(%arg26 : memref<!tpu.dma_semaphore, #tpu.memory_space<semaphore_mem>>) src(%dma_wait3A_1873 : memref<8x128xi32, #tpu.memory_space<hbm>>) dst(%arg6 : memref<8x128xi32, #tpu.memory_space<vmem>>)
        %sub3A_1874 = arith.subi %select_n3A_1827, %mul3A_1871 : i32
        %get3A_1875 = arith.index_cast %sub3A_1874 : i32 to index
        %get3A_1876 = arith.constant 0 : index
        %get3A_1877 = tpu.vector_load %arg6[%get3A_1875, %get3A_1876] {strides = array<i32>} : memref<8x128xi32, #tpu.memory_space<vmem>>, vector<16xi32>,
        %shift_right_arithmetic3A_1878 = arith.constant 1 : i32
        %shift_right_arithmetic3A_1879 = vector.broadcast %shift_right_arithmetic3A_1878 : i32 to vector<16xi32>
        %shift_right_arithmetic3A_1880 = arith.shrsi %get3A_1877, %shift_right_arithmetic3A_1879 : vector<16xi32>
        %swap3A_1881 = arith.constant 0 : index
        %swap3A_1882 = tpu.vector_load %arg10[%swap3A_1881] {strides = array<i32>} : memref<128xi32, #tpu.memory_space<vmem>>, vector<16xi32>,
        tpu.vector_store %arg10[%swap3A_1881], %shift_right_arithmetic3A_1880 {strides = array<i32>} : memref<128xi32, #tpu.memory_space<vmem>>, vector<16xi32>,
        %and3A_1883 = arith.constant 1 : i32
        %and3A_1884 = vector.broadcast %and3A_1883 : i32 to vector<16xi32>
        %and3A_1885 = arith.andi %get3A_1877, %and3A_1884 : vector<16xi32>
        %mul3A_1886 = arith.constant 64 : i32
        %mul3A_1887 = vector.broadcast %mul3A_1886 : i32 to vector<16xi32>
        %mul3A_1888 = arith.muli %and3A_1885, %mul3A_1887 : vector<16xi32>
        %swap3A_1889 = arith.constant 0 : i32
        %swap3A_1890 = arith.index_cast %swap3A_1889 : i32 to index
        %swap3A_1891 = arith.constant 0 : index
        %swap3A_1892 = tpu.vector_load %arg14[%swap3A_1890, %swap3A_1891] {strides = array<i32>} : memref<8x16xi32, #tpu.memory_space<vmem>>, vector<16xi32>,
        tpu.vector_store %arg14[%swap3A_1890, %swap3A_1891], %mul3A_1888 {strides = array<i32>} : memref<8x16xi32, #tpu.memory_space<vmem>>, vector<16xi32>,
        %get3A_1893 = arith.index_cast %sub3A_1874 : i32 to index
        %get3A_1894 = arith.constant 16 : index
        %get3A_1895 = tpu.vector_load %arg6[%get3A_1893, %get3A_1894] {strides = array<i32>} : memref<8x128xi32, #tpu.memory_space<vmem>>, vector<16xi32>,
        %shift_right_arithmetic3A_1896 = arith.constant 1 : i32
        %shift_right_arithmetic3A_1897 = vector.broadcast %shift_right_arithmetic3A_1896 : i32 to vector<16xi32>
        %shift_right_arithmetic3A_1898 = arith.shrsi %get3A_1895, %shift_right_arithmetic3A_1897 : vector<16xi32>
        %swap3A_1899 = arith.constant 16 : index
        %swap3A_1900 = tpu.vector_load %arg10[%swap3A_1899] {strides = array<i32>} : memref<128xi32, #tpu.memory_space<vmem>>, vector<16xi32>,
        tpu.vector_store %arg10[%swap3A_1899], %shift_right_arithmetic3A_1898 {strides = array<i32>} : memref<128xi32, #tpu.memory_space<vmem>>, vector<16xi32>,
        %and3A_1901 = arith.constant 1 : i32
        %and3A_1902 = vector.broadcast %and3A_1901 : i32 to vector<16xi32>
        %and3A_1903 = arith.andi %get3A_1895, %and3A_1902 : vector<16xi32>
        %mul3A_1904 = arith.constant 64 : i32
        %mul3A_1905 = vector.broadcast %mul3A_1904 : i32 to vector<16xi32>
        %mul3A_1906 = arith.muli %and3A_1903, %mul3A_1905 : vector<16xi32>
        %swap3A_1907 = arith.constant 1 : i32
        %swap3A_1908 = arith.index_cast %swap3A_1907 : i32 to index
        %swap3A_1909 = arith.constant 0 : index
        %swap3A_1910 = tpu.vector_load %arg14[%swap3A_1908, %swap3A_1909] {strides = array<i32>} : memref<8x16xi32, #tpu.memory_space<vmem>>, vector<16xi32>,
        tpu.vector_store %arg14[%swap3A_1908, %swap3A_1909], %mul3A_1906 {strides = array<i32>} : memref<8x16xi32, #tpu.memory_space<vmem>>, vector<16xi32>,
        %get3A_1911 = arith.index_cast %sub3A_1874 : i32 to index
        %get3A_1912 = arith.constant 32 : index
        %get3A_1913 = tpu.vector_load %arg6[%get3A_1911, %get3A_1912] {strides = array<i32>} : memref<8x128xi32, #tpu.memory_space<vmem>>, vector<16xi32>,
        %shift_right_arithmetic3A_1914 = arith.constant 1 : i32
        %shift_right_arithmetic3A_1915 = vector.broadcast %shift_right_arithmetic3A_1914 : i32 to vector<16xi32>
        %shift_right_arithmetic3A_1916 = arith.shrsi %get3A_1913, %shift_right_arithmetic3A_1915 : vector<16xi32>
        %swap3A_1917 = arith.constant 32 : index
        %swap3A_1918 = tpu.vector_load %arg10[%swap3A_1917] {strides = array<i32>} : memref<128xi32, #tpu.memory_space<vmem>>, vector<16xi32>,
        tpu.vector_store %arg10[%swap3A_1917], %shift_right_arithmetic3A_1916 {strides = array<i32>} : memref<128xi32, #tpu.memory_space<vmem>>, vector<16xi32>,
        %and3A_1919 = arith.constant 1 : i32
        %and3A_1920 = vector.broadcast %and3A_1919 : i32 to vector<16xi32>
        %and3A_1921 = arith.andi %get3A_1913, %and3A_1920 : vector<16xi32>
        %mul3A_1922 = arith.constant 64 : i32
        %mul3A_1923 = vector.broadcast %mul3A_1922 : i32 to vector<16xi32>
        %mul3A_1924 = arith.muli %and3A_1921, %mul3A_1923 : vector<16xi32>
        %swap3A_1925 = arith.constant 2 : i32
        %swap3A_1926 = arith.index_cast %swap3A_1925 : i32 to index
        %swap3A_1927 = arith.constant 0 : index
        %swap3A_1928 = tpu.vector_load %arg14[%swap3A_1926, %swap3A_1927] {strides = array<i32>} : memref<8x16xi32, #tpu.memory_space<vmem>>, vector<16xi32>,
        tpu.vector_store %arg14[%swap3A_1926, %swap3A_1927], %mul3A_1924 {strides = array<i32>} : memref<8x16xi32, #tpu.memory_space<vmem>>, vector<16xi32>,
        %get3A_1929 = arith.index_cast %sub3A_1874 : i32 to index
        %get3A_1930 = arith.constant 48 : index
        %get3A_1931 = tpu.vector_load %arg6[%get3A_1929, %get3A_1930] {strides = array<i32>} : memref<8x128xi32, #tpu.memory_space<vmem>>, vector<16xi32>,
        %shift_right_arithmetic3A_1932 = arith.constant 1 : i32
        %shift_right_arithmetic3A_1933 = vector.broadcast %shift_right_arithmetic3A_1932 : i32 to vector<16xi32>
        %shift_right_arithmetic3A_1934 = arith.shrsi %get3A_1931, %shift_right_arithmetic3A_1933 : vector<16xi32>
        %swap3A_1935 = arith.constant 48 : index
        %swap3A_1936 = tpu.vector_load %arg10[%swap3A_1935] {strides = array<i32>} : memref<128xi32, #tpu.memory_space<vmem>>, vector<16xi32>,
        tpu.vector_store %arg10[%swap3A_1935], %shift_right_arithmetic3A_1934 {strides = array<i32>} : memref<128xi32, #tpu.memory_space<vmem>>, vector<16xi32>,
        %and3A_1937 = arith.constant 1 : i32
        %and3A_1938 = vector.broadcast %and3A_1937 : i32 to vector<16xi32>
        %and3A_1939 = arith.andi %get3A_1931, %and3A_1938 : vector<16xi32>
        %mul3A_1940 = arith.constant 64 : i32
        %mul3A_1941 = vector.broadcast %mul3A_1940 : i32 to vector<16xi32>
        %mul3A_1942 = arith.muli %and3A_1939, %mul3A_1941 : vector<16xi32>
        %swap3A_1943 = arith.constant 3 : i32
        %swap3A_1944 = arith.index_cast %swap3A_1943 : i32 to index
        %swap3A_1945 = arith.constant 0 : index
        %swap3A_1946 = tpu.vector_load %arg14[%swap3A_1944, %swap3A_1945] {strides = array<i32>} : memref<8x16xi32, #tpu.memory_space<vmem>>, vector<16xi32>,
        tpu.vector_store %arg14[%swap3A_1944, %swap3A_1945], %mul3A_1942 {strides = array<i32>} : memref<8x16xi32, #tpu.memory_space<vmem>>, vector<16xi32>,
        %get3A_1947 = arith.index_cast %sub3A_1874 : i32 to index
        %get3A_1948 = arith.constant 64 : index
        %get3A_1949 = tpu.vector_load %arg6[%get3A_1947, %get3A_1948] {strides = array<i32>} : memref<8x128xi32, #tpu.memory_space<vmem>>, vector<16xi32>,
        %shift_right_arithmetic3A_1950 = arith.constant 1 : i32
        %shift_right_arithmetic3A_1951 = vector.broadcast %shift_right_arithmetic3A_1950 : i32 to vector<16xi32>
        %shift_right_arithmetic3A_1952 = arith.shrsi %get3A_1949, %shift_right_arithmetic3A_1951 : vector<16xi32>
        %swap3A_1953 = arith.constant 64 : index
        %swap3A_1954 = tpu.vector_load %arg10[%swap3A_1953] {strides = array<i32>} : memref<128xi32, #tpu.memory_space<vmem>>, vector<16xi32>,
        tpu.vector_store %arg10[%swap3A_1953], %shift_right_arithmetic3A_1952 {strides = array<i32>} : memref<128xi32, #tpu.memory_space<vmem>>, vector<16xi32>,
        %and3A_1955 = arith.constant 1 : i32
        %and3A_1956 = vector.broadcast %and3A_1955 : i32 to vector<16xi32>
        %and3A_1957 = arith.andi %get3A_1949, %and3A_1956 : vector<16xi32>
        %mul3A_1958 = arith.constant 64 : i32
        %mul3A_1959 = vector.broadcast %mul3A_1958 : i32 to vector<16xi32>
        %mul3A_1960 = arith.muli %and3A_1957, %mul3A_1959 : vector<16xi32>
        %swap3A_1961 = arith.constant 4 : i32
        %swap3A_1962 = arith.index_cast %swap3A_1961 : i32 to index
        %swap3A_1963 = arith.constant 0 : index
        %swap3A_1964 = tpu.vector_load %arg14[%swap3A_1962, %swap3A_1963] {strides = array<i32>} : memref<8x16xi32, #tpu.memory_space<vmem>>, vector<16xi32>,
        tpu.vector_store %arg14[%swap3A_1962, %swap3A_1963], %mul3A_1960 {strides = array<i32>} : memref<8x16xi32, #tpu.memory_space<vmem>>, vector<16xi32>,
        %get3A_1965 = arith.index_cast %sub3A_1874 : i32 to index
        %get3A_1966 = arith.constant 80 : index
        %get3A_1967 = tpu.vector_load %arg6[%get3A_1965, %get3A_1966] {strides = array<i32>} : memref<8x128xi32, #tpu.memory_space<vmem>>, vector<16xi32>,
        %shift_right_arithmetic3A_1968 = arith.constant 1 : i32
        %shift_right_arithmetic3A_1969 = vector.broadcast %shift_right_arithmetic3A_1968 : i32 to vector<16xi32>
        %shift_right_arithmetic3A_1970 = arith.shrsi %get3A_1967, %shift_right_arithmetic3A_1969 : vector<16xi32>
        %swap3A_1971 = arith.constant 80 : index
        %swap3A_1972 = tpu.vector_load %arg10[%swap3A_1971] {strides = array<i32>} : memref<128xi32, #tpu.memory_space<vmem>>, vector<16xi32>,
        tpu.vector_store %arg10[%swap3A_1971], %shift_right_arithmetic3A_1970 {strides = array<i32>} : memref<128xi32, #tpu.memory_space<vmem>>, vector<16xi32>,
        %and3A_1973 = arith.constant 1 : i32
        %and3A_1974 = vector.broadcast %and3A_1973 : i32 to vector<16xi32>
        %and3A_1975 = arith.andi %get3A_1967, %and3A_1974 : vector<16xi32>
        %mul3A_1976 = arith.constant 64 : i32
        %mul3A_1977 = vector.broadcast %mul3A_1976 : i32 to vector<16xi32>
        %mul3A_1978 = arith.muli %and3A_1975, %mul3A_1977 : vector<16xi32>
        %swap3A_1979 = arith.constant 5 : i32
        %swap3A_1980 = arith.index_cast %swap3A_1979 : i32 to index
        %swap3A_1981 = arith.constant 0 : index
        %swap3A_1982 = tpu.vector_load %arg14[%swap3A_1980, %swap3A_1981] {strides = array<i32>} : memref<8x16xi32, #tpu.memory_space<vmem>>, vector<16xi32>,
        tpu.vector_store %arg14[%swap3A_1980, %swap3A_1981], %mul3A_1978 {strides = array<i32>} : memref<8x16xi32, #tpu.memory_space<vmem>>, vector<16xi32>,
        %get3A_1983 = arith.index_cast %sub3A_1874 : i32 to index
        %get3A_1984 = arith.constant 96 : index
        %get3A_1985 = tpu.vector_load %arg6[%get3A_1983, %get3A_1984] {strides = array<i32>} : memref<8x128xi32, #tpu.memory_space<vmem>>, vector<16xi32>,
        %shift_right_arithmetic3A_1986 = arith.constant 1 : i32
        %shift_right_arithmetic3A_1987 = vector.broadcast %shift_right_arithmetic3A_1986 : i32 to vector<16xi32>
        %shift_right_arithmetic3A_1988 = arith.shrsi %get3A_1985, %shift_right_arithmetic3A_1987 : vector<16xi32>
        %swap3A_1989 = arith.constant 96 : index
        %swap3A_1990 = tpu.vector_load %arg10[%swap3A_1989] {strides = array<i32>} : memref<128xi32, #tpu.memory_space<vmem>>, vector<16xi32>,
        tpu.vector_store %arg10[%swap3A_1989], %shift_right_arithmetic3A_1988 {strides = array<i32>} : memref<128xi32, #tpu.memory_space<vmem>>, vector<16xi32>,
        %and3A_1991 = arith.constant 1 : i32
        %and3A_1992 = vector.broadcast %and3A_1991 : i32 to vector<16xi32>
        %and3A_1993 = arith.andi %get3A_1985, %and3A_1992 : vector<16xi32>
        %mul3A_1994 = arith.constant 64 : i32
        %mul3A_1995 = vector.broadcast %mul3A_1994 : i32 to vector<16xi32>
        %mul3A_1996 = arith.muli %and3A_1993, %mul3A_1995 : vector<16xi32>
        %swap3A_1997 = arith.constant 6 : i32
        %swap3A_1998 = arith.index_cast %swap3A_1997 : i32 to index
        %swap3A_1999 = arith.constant 0 : index
        %swap3A_2000 = tpu.vector_load %arg14[%swap3A_1998, %swap3A_1999] {strides = array<i32>} : memref<8x16xi32, #tpu.memory_space<vmem>>, vector<16xi32>,
        tpu.vector_store %arg14[%swap3A_1998, %swap3A_1999], %mul3A_1996 {strides = array<i32>} : memref<8x16xi32, #tpu.memory_space<vmem>>, vector<16xi32>,
        %get3A_2001 = arith.index_cast %sub3A_1874 : i32 to index
        %get3A_2002 = arith.constant 112 : index
        %get3A_2003 = tpu.vector_load %arg6[%get3A_2001, %get3A_2002] {strides = array<i32>} : memref<8x128xi32, #tpu.memory_space<vmem>>, vector<16xi32>,
        %shift_right_arithmetic3A_2004 = arith.constant 1 : i32
        %shift_right_arithmetic3A_2005 = vector.broadcast %shift_right_arithmetic3A_2004 : i32 to vector<16xi32>
        %shift_right_arithmetic3A_2006 = arith.shrsi %get3A_2003, %shift_right_arithmetic3A_2005 : vector<16xi32>
        %swap3A_2007 = arith.constant 112 : index
        %swap3A_2008 = tpu.vector_load %arg10[%swap3A_2007] {strides = array<i32>} : memref<128xi32, #tpu.memory_space<vmem>>, vector<16xi32>,
        tpu.vector_store %arg10[%swap3A_2007], %shift_right_arithmetic3A_2006 {strides = array<i32>} : memref<128xi32, #tpu.memory_space<vmem>>, vector<16xi32>,
        %and3A_2009 = arith.constant 1 : i32
        %and3A_2010 = vector.broadcast %and3A_2009 : i32 to vector<16xi32>
        %and3A_2011 = arith.andi %get3A_2003, %and3A_2010 : vector<16xi32>
        %mul3A_2012 = arith.constant 64 : i32
        %mul3A_2013 = vector.broadcast %mul3A_2012 : i32 to vector<16xi32>
        %mul3A_2014 = arith.muli %and3A_2011, %mul3A_2013 : vector<16xi32>
        %swap3A_2015 = arith.constant 7 : i32
        %swap3A_2016 = arith.index_cast %swap3A_2015 : i32 to index
        %swap3A_2017 = arith.constant 0 : index
        %swap3A_2018 = tpu.vector_load %arg14[%swap3A_2016, %swap3A_2017] {strides = array<i32>} : memref<8x16xi32, #tpu.memory_space<vmem>>, vector<16xi32>,
        tpu.vector_store %arg14[%swap3A_2016, %swap3A_2017], %mul3A_2014 {strides = array<i32>} : memref<8x16xi32, #tpu.memory_space<vmem>>, vector<16xi32>,
        %dma_start3A_2019 = arith.constant 0 : i32
        %dma_start3A_2020 = arith.constant 0 : i32
        %dma_start3A_2021 = tpu.memref_slice %arg2[%dma_start3A_2019, %dma_start3A_2020] : memref<500000x128xf32, #tpu.memory_space<hbm>> -> memref<500000x128xf32, #tpu.memory_space<hbm>>
        tpu.enqueue_indirect_dma source(%dma_start3A_2021 : memref<500000x128xf32, #tpu.memory_space<hbm>>) target(%arg18 : memref<128x128xf32, #tpu.memory_space<vmem>>) offsets(%arg10 : memref<128xi32, #tpu.memory_space<vmem>>) semaphore(%arg30 : memref<!tpu.dma_semaphore, #tpu.memory_space<semaphore_mem>>)
      } else {
      }
      %mul3A_1646 = arith.constant 4 : i32
      %mul3A_1647 = arith.muli %add3A_1492, %mul3A_1646 : i32
      %add3A_1648 = arith.addi %mul3A_2, %mul3A_1647 : i32
      %add3A_1649 = arith.constant 2 : i32
      %add3A_1650 = arith.addi %add3A_1648, %add3A_1649 : i32
      %dma_wait3A_1651 = arith.constant 0 : i32
      %dma_wait3A_1652 = arith.constant 0 : i32
      %dma_wait3A_1653 = tpu.memref_slice %arg2[%dma_wait3A_1651, %dma_wait3A_1652] : memref<500000x128xf32, #tpu.memory_space<hbm>> -> memref<500000x128xf32, #tpu.memory_space<hbm>>
      tpu.wait_indirect_dma semaphore(%arg31 : memref<!tpu.dma_semaphore, #tpu.memory_space<semaphore_mem>>) src(%dma_wait3A_1653 : memref<500000x128xf32, #tpu.memory_space<hbm>>) dst(%arg19 : memref<128x128xf32, #tpu.memory_space<vmem>>)
      %add3A_1654 = arith.constant 1 : i32
      %add3A_1655 = arith.addi %add3A_1492, %add3A_1654 : i32
      %lt3A_1656 = arith.constant 50 : i32
      %lt3A_1657 = arith.cmpi slt, %add3A_1655, %lt3A_1656 : i32
      %convert_element_type3A_1658 = arith.extui %lt3A_1657 : i1 to i32
      %cond3A_1659 = arith.constant 0 : i32
      %cond3A_1660 = arith.cmpi ne, %convert_element_type3A_1658, %cond3A_1659 : i32
      scf.if %cond3A_1660 {
        %add3A_1802 = arith.constant 4 : i32
        %add3A_1803 = arith.addi %add3A_1650, %add3A_1802 : i32
        %jit3A_1804 = arith.constant 128 : i32
        %div3A_1805 = arith.divsi %add3A_1803, %jit3A_1804 : i32
        %sign3A_1806 = arith.constant 0 : i32
        %sign3A_1807 = arith.cmpi sgt, %add3A_1803, %sign3A_1806 : i32
        %sign3A_1808 = arith.extui %sign3A_1807 : i1 to i32
        %sign3A_1809 = arith.constant 0 : i32
        %sign3A_1810 = arith.cmpi slt, %add3A_1803, %sign3A_1809 : i32
        %sign3A_1811 = arith.extui %sign3A_1810 : i1 to i32
        %sign3A_1812 = arith.subi %sign3A_1808, %sign3A_1811 : i32
        %sign3A_1813 = arith.constant 0 : i32
        %sign3A_1814 = arith.cmpi sgt, %jit3A_1804, %sign3A_1813 : i32
        %sign3A_1815 = arith.extui %sign3A_1814 : i1 to i32
        %sign3A_1816 = arith.constant 0 : i32
        %sign3A_1817 = arith.cmpi slt, %jit3A_1804, %sign3A_1816 : i32
        %sign3A_1818 = arith.extui %sign3A_1817 : i1 to i32
        %sign3A_1819 = arith.subi %sign3A_1815, %sign3A_1818 : i32
        %ne3A_1820 = arith.cmpi ne, %sign3A_1812, %sign3A_1819 : i32
        %rem3A_1821 = arith.remsi %add3A_1803, %jit3A_1804 : i32
        %ne3A_1822 = arith.constant 0 : i32
        %ne3A_1823 = arith.cmpi ne, %rem3A_1821, %ne3A_1822 : i32
        %and3A_1824 = arith.andi %ne3A_1820, %ne3A_1823 : i1
        %sub3A_1825 = arith.constant 1 : i32
        %sub3A_1826 = arith.subi %div3A_1805, %sub3A_1825 : i32
        %select_n3A_1827 = arith.select %and3A_1824, %sub3A_1826, %div3A_1805 : i32
        %jit3A_1828 = arith.constant 128 : i32
        %eq3A_1829 = arith.constant 0 : i32
        %eq3A_1830 = arith.cmpi eq, %jit3A_1828, %eq3A_1829 : i32
        %jit3A_1831 = arith.constant 1 : i32
        %select_n3A_1832 = arith.select %eq3A_1830, %jit3A_1831, %jit3A_1828 : i32
        %rem3A_1833 = arith.remsi %add3A_1803, %select_n3A_1832 : i32
        %ne3A_1834 = arith.constant 0 : i32
        %ne3A_1835 = arith.cmpi ne, %rem3A_1833, %ne3A_1834 : i32
        %lt3A_1836 = arith.constant 0 : i32
        %lt3A_1837 = arith.cmpi slt, %rem3A_1833, %lt3A_1836 : i32
        %lt3A_1838 = arith.constant 0 : i32
        %lt3A_1839 = arith.cmpi slt, %select_n3A_1832, %lt3A_1838 : i32
        %ne3A_1840 = arith.xori %lt3A_1837, %lt3A_1839 : i1
        %and3A_1841 = arith.andi %ne3A_1840, %ne3A_1835 : i1
        %add3A_1842 = arith.addi %rem3A_1833, %select_n3A_1832 : i32
        %select_n3A_1843 = arith.select %and3A_1841, %add3A_1842, %rem3A_1833 : i32
        %mul3A_1844 = arith.constant 128 : i32
        %mul3A_1845 = arith.muli %select_n3A_1843, %mul3A_1844 : i32
        %jit3A_1846 = arith.constant 8 : i32
        %div3A_1847 = arith.divsi %select_n3A_1827, %jit3A_1846 : i32
        %sign3A_1848 = arith.constant 0 : i32
        %sign3A_1849 = arith.cmpi sgt, %select_n3A_1827, %sign3A_1848 : i32
        %sign3A_1850 = arith.extui %sign3A_1849 : i1 to i32
        %sign3A_1851 = arith.constant 0 : i32
        %sign3A_1852 = arith.cmpi slt, %select_n3A_1827, %sign3A_1851 : i32
        %sign3A_1853 = arith.extui %sign3A_1852 : i1 to i32
        %sign3A_1854 = arith.subi %sign3A_1850, %sign3A_1853 : i32
        %sign3A_1855 = arith.constant 0 : i32
        %sign3A_1856 = arith.cmpi sgt, %jit3A_1846, %sign3A_1855 : i32
        %sign3A_1857 = arith.extui %sign3A_1856 : i1 to i32
        %sign3A_1858 = arith.constant 0 : i32
        %sign3A_1859 = arith.cmpi slt, %jit3A_1846, %sign3A_1858 : i32
        %sign3A_1860 = arith.extui %sign3A_1859 : i1 to i32
        %sign3A_1861 = arith.subi %sign3A_1857, %sign3A_1860 : i32
        %ne3A_1862 = arith.cmpi ne, %sign3A_1854, %sign3A_1861 : i32
        %rem3A_1863 = arith.remsi %select_n3A_1827, %jit3A_1846 : i32
        %ne3A_1864 = arith.constant 0 : i32
        %ne3A_1865 = arith.cmpi ne, %rem3A_1863, %ne3A_1864 : i32
        %and3A_1866 = arith.andi %ne3A_1862, %ne3A_1865 : i1
        %sub3A_1867 = arith.constant 1 : i32
        %sub3A_1868 = arith.subi %div3A_1847, %sub3A_1867 : i32
        %select_n3A_1869 = arith.select %and3A_1866, %sub3A_1868, %div3A_1847 : i32
        %mul3A_1870 = arith.constant 8 : i32
        %mul3A_1871 = arith.muli %select_n3A_1869, %mul3A_1870 : i32
        %dma_start3A_1872 = tpu.memref_slice %arg3[%mul3A_1871, %mul3A_1845] : memref<50x16384xi32, #tpu.memory_space<hbm>> -> memref<8x128xi32, #tpu.memory_space<hbm>>
        %dma_start3A_1873 = tpu.memref_slice %arg3[%mul3A_1871, %mul3A_1845] : memref<50x16384xi32, #tpu.memory_space<hbm>> -> memref<8x128xi32, #tpu.memory_space<hbm>>
        tpu.enqueue_dma source(%dma_start3A_1873 : memref<8x128xi32, #tpu.memory_space<hbm>>) target(%arg7 : memref<8x128xi32, #tpu.memory_space<vmem>>) target_semaphore(%arg27 : memref<!tpu.dma_semaphore, #tpu.memory_space<semaphore_mem>>)
      } else {
      }
      %gt3A_1661 = arith.constant 0 : i32
      %gt3A_1662 = arith.cmpi sgt, %add3A_1492, %gt3A_1661 : i32
      %convert_element_type3A_1663 = arith.extui %gt3A_1662 : i1 to i32
      %cond3A_1664 = arith.constant 0 : i32
      %cond3A_1665 = arith.cmpi ne, %convert_element_type3A_1663, %cond3A_1664 : i32
      scf.if %cond3A_1665 {
        %sub3A_1802 = arith.constant 4 : i32
        %sub3A_1803 = arith.subi %add3A_1650, %sub3A_1802 : i32
        %jit3A_1804 = arith.constant 128 : i32
        %div3A_1805 = arith.divsi %sub3A_1803, %jit3A_1804 : i32
        %sign3A_1806 = arith.constant 0 : i32
        %sign3A_1807 = arith.cmpi sgt, %sub3A_1803, %sign3A_1806 : i32
        %sign3A_1808 = arith.extui %sign3A_1807 : i1 to i32
        %sign3A_1809 = arith.constant 0 : i32
        %sign3A_1810 = arith.cmpi slt, %sub3A_1803, %sign3A_1809 : i32
        %sign3A_1811 = arith.extui %sign3A_1810 : i1 to i32
        %sign3A_1812 = arith.subi %sign3A_1808, %sign3A_1811 : i32
        %sign3A_1813 = arith.constant 0 : i32
        %sign3A_1814 = arith.cmpi sgt, %jit3A_1804, %sign3A_1813 : i32
        %sign3A_1815 = arith.extui %sign3A_1814 : i1 to i32
        %sign3A_1816 = arith.constant 0 : i32
        %sign3A_1817 = arith.cmpi slt, %jit3A_1804, %sign3A_1816 : i32
        %sign3A_1818 = arith.extui %sign3A_1817 : i1 to i32
        %sign3A_1819 = arith.subi %sign3A_1815, %sign3A_1818 : i32
        %ne3A_1820 = arith.cmpi ne, %sign3A_1812, %sign3A_1819 : i32
        %rem3A_1821 = arith.remsi %sub3A_1803, %jit3A_1804 : i32
        %ne3A_1822 = arith.constant 0 : i32
        %ne3A_1823 = arith.cmpi ne, %rem3A_1821, %ne3A_1822 : i32
        %and3A_1824 = arith.andi %ne3A_1820, %ne3A_1823 : i1
        %sub3A_1825 = arith.constant 1 : i32
        %sub3A_1826 = arith.subi %div3A_1805, %sub3A_1825 : i32
        %select_n3A_1827 = arith.select %and3A_1824, %sub3A_1826, %div3A_1805 : i32
        %jit3A_1828 = arith.constant 128 : i32
        %eq3A_1829 = arith.constant 0 : i32
        %eq3A_1830 = arith.cmpi eq, %jit3A_1828, %eq3A_1829 : i32
        %jit3A_1831 = arith.constant 1 : i32
        %select_n3A_1832 = arith.select %eq3A_1830, %jit3A_1831, %jit3A_1828 : i32
        %rem3A_1833 = arith.remsi %sub3A_1803, %select_n3A_1832 : i32
        %ne3A_1834 = arith.constant 0 : i32
        %ne3A_1835 = arith.cmpi ne, %rem3A_1833, %ne3A_1834 : i32
        %lt3A_1836 = arith.constant 0 : i32
        %lt3A_1837 = arith.cmpi slt, %rem3A_1833, %lt3A_1836 : i32
        %lt3A_1838 = arith.constant 0 : i32
        %lt3A_1839 = arith.cmpi slt, %select_n3A_1832, %lt3A_1838 : i32
        %ne3A_1840 = arith.xori %lt3A_1837, %lt3A_1839 : i1
        %and3A_1841 = arith.andi %ne3A_1840, %ne3A_1835 : i1
        %add3A_1842 = arith.addi %rem3A_1833, %select_n3A_1832 : i32
        %select_n3A_1843 = arith.select %and3A_1841, %add3A_1842, %rem3A_1833 : i32
        %mul3A_1844 = arith.constant 128 : i32
        %mul3A_1845 = arith.muli %select_n3A_1843, %mul3A_1844 : i32
        %mul3A_1846 = arith.constant 64 : i32
        %mul3A_1847 = arith.muli %select_n3A_1827, %mul3A_1846 : i32
        %dma_wait3A_1848 = tpu.memref_slice %arg4[%mul3A_1847, %mul3A_1845] : memref<3200x16384xf32, #tpu.memory_space<hbm>> -> memref<64x128xf32, #tpu.memory_space<hbm>>
        %dma_wait3A_1849 = tpu.memref_slice %arg4[%mul3A_1847, %mul3A_1845] : memref<3200x16384xf32, #tpu.memory_space<hbm>> -> memref<64x128xf32, #tpu.memory_space<hbm>>
        tpu.wait_dma2 semaphore(%arg35 : memref<!tpu.dma_semaphore, #tpu.memory_space<semaphore_mem>>) src(%arg23 : memref<64x128xf32, #tpu.memory_space<vmem>>) dst(%dma_wait3A_1849 : memref<64x128xf32, #tpu.memory_space<hbm>>)
      } else {
      }
      %scan3A_1666 = arith.constant 0 : i32
      %scan3A_1667 = arith.constant 8 : i32
      %scan3A_1668 = arith.addi %scan3A_1666, %scan3A_1667 : i32
      %scan3A_1669 = arith.constant 1 : i32
      scf.for %scan3A_1802 = %scan3A_1666 to %scan3A_1668 step %scan3A_1669  : i32 {
        %mul3A_1803 = arith.constant 1 : i32
        %mul3A_1804 = arith.muli %scan3A_1802, %mul3A_1803 : i32
        %add3A_1805 = arith.constant 0 : i32
        %add3A_1806 = arith.addi %add3A_1805, %mul3A_1804 : i32
        %mul3A_1807 = arith.constant 16 : i32
        %mul3A_1808 = arith.muli %add3A_1806, %mul3A_1807 : i32
        %add3A_1809 = vector.broadcast %mul3A_1808 : i32 to vector<16xi32>
        %add3A_1810 = arith.addi %add3A_1809, %iota3A : vector<16xi32>
        %get3A_1811 = arith.index_cast %add3A_1806 : i32 to index
        %get3A_1812 = arith.constant 0 : index
        %get3A_1813 = tpu.vector_load %arg15[%get3A_1811, %get3A_1812] {strides = array<i32>} : memref<8x16xi32, #tpu.memory_space<vmem>>, vector<16xi32>,
        %parallel_loop3A = arith.constant 0 : i32
        %parallel_loop3A_1814 = arith.constant 64 : i32
        %parallel_loop3A_1815 = arith.constant 16 : i32
        scf.for %parallel_loop3A_1816 = %parallel_loop3A to %parallel_loop3A_1814 step %parallel_loop3A_1815  : i32 {
          %parallel_loop3A_1817 = vector.broadcast %parallel_loop3A_1816 : i32 to vector<16xi32>
          %parallel_loop3A_1818 = arith.addi %get3A_1813, %parallel_loop3A_1817 : vector<16xi32>
          %parallel_loop3A_1819 = arith.addi %parallel_loop3A_1818, %and3A_31 : vector<16xi32>
          %parallel_loop3A_1820 = tpu.vector_load_idx %arg19[%add3A_1810, %parallel_loop3A_1819] : memref<128x128xf32, #tpu.memory_space<vmem>>[vector<16xi32>, vector<16xi32>], vector<16xf32>,
          %parallel_loop3A_1821 = vector.broadcast %parallel_loop3A_1816 : i32 to vector<16xi32>
          %parallel_loop3A_1822 = arith.addi %parallel_loop3A_1821, %and3A_31 : vector<16xi32>
          %parallel_loop3A_1823 = arith.constant 8.000000e+00 : f32
          %parallel_loop3A_1824 = vector.broadcast %parallel_loop3A_1823 : f32 to vector<16xf32>
          %parallel_loop3A_1825 = arith.mulf %parallel_loop3A_1820, %parallel_loop3A_1824 : vector<16xf32>
          tpu.vector_store_idx %arg23[%parallel_loop3A_1822, %add3A_1810], %parallel_loop3A_1825 : memref<64x128xf32, #tpu.memory_space<vmem>>[vector<16xi32>, vector<16xi32>], vector<16xf32>,
          %parallel_loop3A_1826 = arith.addi %parallel_loop3A_1818, %and3A_37 : vector<16xi32>
          %parallel_loop3A_1827 = tpu.vector_load_idx %arg19[%add3A_1810, %parallel_loop3A_1826] : memref<128x128xf32, #tpu.memory_space<vmem>>[vector<16xi32>, vector<16xi32>], vector<16xf32>,
          %parallel_loop3A_1828 = vector.broadcast %parallel_loop3A_1816 : i32 to vector<16xi32>
          %parallel_loop3A_1829 = arith.addi %parallel_loop3A_1828, %and3A_37 : vector<16xi32>
          %parallel_loop3A_1830 = arith.constant 8.000000e+00 : f32
          %parallel_loop3A_1831 = vector.broadcast %parallel_loop3A_1830 : f32 to vector<16xf32>
          %parallel_loop3A_1832 = arith.mulf %parallel_loop3A_1827, %parallel_loop3A_1831 : vector<16xf32>
          tpu.vector_store_idx %arg23[%parallel_loop3A_1829, %add3A_1810], %parallel_loop3A_1832 : memref<64x128xf32, #tpu.memory_space<vmem>>[vector<16xi32>, vector<16xi32>], vector<16xf32>,
          %parallel_loop3A_1833 = arith.addi %parallel_loop3A_1818, %and3A_43 : vector<16xi32>
          %parallel_loop3A_1834 = tpu.vector_load_idx %arg19[%add3A_1810, %parallel_loop3A_1833] : memref<128x128xf32, #tpu.memory_space<vmem>>[vector<16xi32>, vector<16xi32>], vector<16xf32>,
          %parallel_loop3A_1835 = vector.broadcast %parallel_loop3A_1816 : i32 to vector<16xi32>
          %parallel_loop3A_1836 = arith.addi %parallel_loop3A_1835, %and3A_43 : vector<16xi32>
          %parallel_loop3A_1837 = arith.constant 8.000000e+00 : f32
          %parallel_loop3A_1838 = vector.broadcast %parallel_loop3A_1837 : f32 to vector<16xf32>
          %parallel_loop3A_1839 = arith.mulf %parallel_loop3A_1834, %parallel_loop3A_1838 : vector<16xf32>
          tpu.vector_store_idx %arg23[%parallel_loop3A_1836, %add3A_1810], %parallel_loop3A_1839 : memref<64x128xf32, #tpu.memory_space<vmem>>[vector<16xi32>, vector<16xi32>], vector<16xf32>,
          %parallel_loop3A_1840 = arith.addi %parallel_loop3A_1818, %and3A_49 : vector<16xi32>
          %parallel_loop3A_1841 = tpu.vector_load_idx %arg19[%add3A_1810, %parallel_loop3A_1840] : memref<128x128xf32, #tpu.memory_space<vmem>>[vector<16xi32>, vector<16xi32>], vector<16xf32>,
          %parallel_loop3A_1842 = vector.broadcast %parallel_loop3A_1816 : i32 to vector<16xi32>
          %parallel_loop3A_1843 = arith.addi %parallel_loop3A_1842, %and3A_49 : vector<16xi32>
          %parallel_loop3A_1844 = arith.constant 8.000000e+00 : f32
          %parallel_loop3A_1845 = vector.broadcast %parallel_loop3A_1844 : f32 to vector<16xf32>
          %parallel_loop3A_1846 = arith.mulf %parallel_loop3A_1841, %parallel_loop3A_1845 : vector<16xf32>
          tpu.vector_store_idx %arg23[%parallel_loop3A_1843, %add3A_1810], %parallel_loop3A_1846 : memref<64x128xf32, #tpu.memory_space<vmem>>[vector<16xi32>, vector<16xi32>], vector<16xf32>,
          %parallel_loop3A_1847 = arith.addi %parallel_loop3A_1818, %and3A_55 : vector<16xi32>
          %parallel_loop3A_1848 = tpu.vector_load_idx %arg19[%add3A_1810, %parallel_loop3A_1847] : memref<128x128xf32, #tpu.memory_space<vmem>>[vector<16xi32>, vector<16xi32>], vector<16xf32>,
          %parallel_loop3A_1849 = vector.broadcast %parallel_loop3A_1816 : i32 to vector<16xi32>
          %parallel_loop3A_1850 = arith.addi %parallel_loop3A_1849, %and3A_55 : vector<16xi32>
          %parallel_loop3A_1851 = arith.constant 8.000000e+00 : f32
          %parallel_loop3A_1852 = vector.broadcast %parallel_loop3A_1851 : f32 to vector<16xf32>
          %parallel_loop3A_1853 = arith.mulf %parallel_loop3A_1848, %parallel_loop3A_1852 : vector<16xf32>
          tpu.vector_store_idx %arg23[%parallel_loop3A_1850, %add3A_1810], %parallel_loop3A_1853 : memref<64x128xf32, #tpu.memory_space<vmem>>[vector<16xi32>, vector<16xi32>], vector<16xf32>,
          %parallel_loop3A_1854 = arith.addi %parallel_loop3A_1818, %and3A_61 : vector<16xi32>
          %parallel_loop3A_1855 = tpu.vector_load_idx %arg19[%add3A_1810, %parallel_loop3A_1854] : memref<128x128xf32, #tpu.memory_space<vmem>>[vector<16xi32>, vector<16xi32>], vector<16xf32>,
          %parallel_loop3A_1856 = vector.broadcast %parallel_loop3A_1816 : i32 to vector<16xi32>
          %parallel_loop3A_1857 = arith.addi %parallel_loop3A_1856, %and3A_61 : vector<16xi32>
          %parallel_loop3A_1858 = arith.constant 8.000000e+00 : f32
          %parallel_loop3A_1859 = vector.broadcast %parallel_loop3A_1858 : f32 to vector<16xf32>
          %parallel_loop3A_1860 = arith.mulf %parallel_loop3A_1855, %parallel_loop3A_1859 : vector<16xf32>
          tpu.vector_store_idx %arg23[%parallel_loop3A_1857, %add3A_1810], %parallel_loop3A_1860 : memref<64x128xf32, #tpu.memory_space<vmem>>[vector<16xi32>, vector<16xi32>], vector<16xf32>,
          %parallel_loop3A_1861 = arith.addi %parallel_loop3A_1818, %and3A_67 : vector<16xi32>
          %parallel_loop3A_1862 = tpu.vector_load_idx %arg19[%add3A_1810, %parallel_loop3A_1861] : memref<128x128xf32, #tpu.memory_space<vmem>>[vector<16xi32>, vector<16xi32>], vector<16xf32>,
          %parallel_loop3A_1863 = vector.broadcast %parallel_loop3A_1816 : i32 to vector<16xi32>
          %parallel_loop3A_1864 = arith.addi %parallel_loop3A_1863, %and3A_67 : vector<16xi32>
          %parallel_loop3A_1865 = arith.constant 8.000000e+00 : f32
          %parallel_loop3A_1866 = vector.broadcast %parallel_loop3A_1865 : f32 to vector<16xf32>
          %parallel_loop3A_1867 = arith.mulf %parallel_loop3A_1862, %parallel_loop3A_1866 : vector<16xf32>
          tpu.vector_store_idx %arg23[%parallel_loop3A_1864, %add3A_1810], %parallel_loop3A_1867 : memref<64x128xf32, #tpu.memory_space<vmem>>[vector<16xi32>, vector<16xi32>], vector<16xf32>,
          %parallel_loop3A_1868 = arith.addi %parallel_loop3A_1818, %and3A_73 : vector<16xi32>
          %parallel_loop3A_1869 = tpu.vector_load_idx %arg19[%add3A_1810, %parallel_loop3A_1868] : memref<128x128xf32, #tpu.memory_space<vmem>>[vector<16xi32>, vector<16xi32>], vector<16xf32>,
          %parallel_loop3A_1870 = vector.broadcast %parallel_loop3A_1816 : i32 to vector<16xi32>
          %parallel_loop3A_1871 = arith.addi %parallel_loop3A_1870, %and3A_73 : vector<16xi32>
          %parallel_loop3A_1872 = arith.constant 8.000000e+00 : f32
          %parallel_loop3A_1873 = vector.broadcast %parallel_loop3A_1872 : f32 to vector<16xf32>
          %parallel_loop3A_1874 = arith.mulf %parallel_loop3A_1869, %parallel_loop3A_1873 : vector<16xf32>
          tpu.vector_store_idx %arg23[%parallel_loop3A_1871, %add3A_1810], %parallel_loop3A_1874 : memref<64x128xf32, #tpu.memory_space<vmem>>[vector<16xi32>, vector<16xi32>], vector<16xf32>,
          %parallel_loop3A_1875 = arith.addi %parallel_loop3A_1818, %and3A_79 : vector<16xi32>
          %parallel_loop3A_1876 = tpu.vector_load_idx %arg19[%add3A_1810, %parallel_loop3A_1875] : memref<128x128xf32, #tpu.memory_space<vmem>>[vector<16xi32>, vector<16xi32>], vector<16xf32>,
          %parallel_loop3A_1877 = vector.broadcast %parallel_loop3A_1816 : i32 to vector<16xi32>
          %parallel_loop3A_1878 = arith.addi %parallel_loop3A_1877, %and3A_79 : vector<16xi32>
          %parallel_loop3A_1879 = arith.constant 8.000000e+00 : f32
          %parallel_loop3A_1880 = vector.broadcast %parallel_loop3A_1879 : f32 to vector<16xf32>
          %parallel_loop3A_1881 = arith.mulf %parallel_loop3A_1876, %parallel_loop3A_1880 : vector<16xf32>
          tpu.vector_store_idx %arg23[%parallel_loop3A_1878, %add3A_1810], %parallel_loop3A_1881 : memref<64x128xf32, #tpu.memory_space<vmem>>[vector<16xi32>, vector<16xi32>], vector<16xf32>,
          %parallel_loop3A_1882 = arith.addi %parallel_loop3A_1818, %and3A_85 : vector<16xi32>
          %parallel_loop3A_1883 = tpu.vector_load_idx %arg19[%add3A_1810, %parallel_loop3A_1882] : memref<128x128xf32, #tpu.memory_space<vmem>>[vector<16xi32>, vector<16xi32>], vector<16xf32>,
          %parallel_loop3A_1884 = vector.broadcast %parallel_loop3A_1816 : i32 to vector<16xi32>
          %parallel_loop3A_1885 = arith.addi %parallel_loop3A_1884, %and3A_85 : vector<16xi32>
          %parallel_loop3A_1886 = arith.constant 8.000000e+00 : f32
          %parallel_loop3A_1887 = vector.broadcast %parallel_loop3A_1886 : f32 to vector<16xf32>
          %parallel_loop3A_1888 = arith.mulf %parallel_loop3A_1883, %parallel_loop3A_1887 : vector<16xf32>
          tpu.vector_store_idx %arg23[%parallel_loop3A_1885, %add3A_1810], %parallel_loop3A_1888 : memref<64x128xf32, #tpu.memory_space<vmem>>[vector<16xi32>, vector<16xi32>], vector<16xf32>,
          %parallel_loop3A_1889 = arith.addi %parallel_loop3A_1818, %and3A_91 : vector<16xi32>
          %parallel_loop3A_1890 = tpu.vector_load_idx %arg19[%add3A_1810, %parallel_loop3A_1889] : memref<128x128xf32, #tpu.memory_space<vmem>>[vector<16xi32>, vector<16xi32>], vector<16xf32>,
          %parallel_loop3A_1891 = vector.broadcast %parallel_loop3A_1816 : i32 to vector<16xi32>
          %parallel_loop3A_1892 = arith.addi %parallel_loop3A_1891, %and3A_91 : vector<16xi32>
          %parallel_loop3A_1893 = arith.constant 8.000000e+00 : f32
          %parallel_loop3A_1894 = vector.broadcast %parallel_loop3A_1893 : f32 to vector<16xf32>
          %parallel_loop3A_1895 = arith.mulf %parallel_loop3A_1890, %parallel_loop3A_1894 : vector<16xf32>
          tpu.vector_store_idx %arg23[%parallel_loop3A_1892, %add3A_1810], %parallel_loop3A_1895 : memref<64x128xf32, #tpu.memory_space<vmem>>[vector<16xi32>, vector<16xi32>], vector<16xf32>,
          %parallel_loop3A_1896 = arith.addi %parallel_loop3A_1818, %and3A_97 : vector<16xi32>
          %parallel_loop3A_1897 = tpu.vector_load_idx %arg19[%add3A_1810, %parallel_loop3A_1896] : memref<128x128xf32, #tpu.memory_space<vmem>>[vector<16xi32>, vector<16xi32>], vector<16xf32>,
          %parallel_loop3A_1898 = vector.broadcast %parallel_loop3A_1816 : i32 to vector<16xi32>
          %parallel_loop3A_1899 = arith.addi %parallel_loop3A_1898, %and3A_97 : vector<16xi32>
          %parallel_loop3A_1900 = arith.constant 8.000000e+00 : f32
          %parallel_loop3A_1901 = vector.broadcast %parallel_loop3A_1900 : f32 to vector<16xf32>
          %parallel_loop3A_1902 = arith.mulf %parallel_loop3A_1897, %parallel_loop3A_1901 : vector<16xf32>
          tpu.vector_store_idx %arg23[%parallel_loop3A_1899, %add3A_1810], %parallel_loop3A_1902 : memref<64x128xf32, #tpu.memory_space<vmem>>[vector<16xi32>, vector<16xi32>], vector<16xf32>,
          %parallel_loop3A_1903 = arith.addi %parallel_loop3A_1818, %and3A_103 : vector<16xi32>
          %parallel_loop3A_1904 = tpu.vector_load_idx %arg19[%add3A_1810, %parallel_loop3A_1903] : memref<128x128xf32, #tpu.memory_space<vmem>>[vector<16xi32>, vector<16xi32>], vector<16xf32>,
          %parallel_loop3A_1905 = vector.broadcast %parallel_loop3A_1816 : i32 to vector<16xi32>
          %parallel_loop3A_1906 = arith.addi %parallel_loop3A_1905, %and3A_103 : vector<16xi32>
          %parallel_loop3A_1907 = arith.constant 8.000000e+00 : f32
          %parallel_loop3A_1908 = vector.broadcast %parallel_loop3A_1907 : f32 to vector<16xf32>
          %parallel_loop3A_1909 = arith.mulf %parallel_loop3A_1904, %parallel_loop3A_1908 : vector<16xf32>
          tpu.vector_store_idx %arg23[%parallel_loop3A_1906, %add3A_1810], %parallel_loop3A_1909 : memref<64x128xf32, #tpu.memory_space<vmem>>[vector<16xi32>, vector<16xi32>], vector<16xf32>,
          %parallel_loop3A_1910 = arith.addi %parallel_loop3A_1818, %and3A_109 : vector<16xi32>
          %parallel_loop3A_1911 = tpu.vector_load_idx %arg19[%add3A_1810, %parallel_loop3A_1910] : memref<128x128xf32, #tpu.memory_space<vmem>>[vector<16xi32>, vector<16xi32>], vector<16xf32>,
          %parallel_loop3A_1912 = vector.broadcast %parallel_loop3A_1816 : i32 to vector<16xi32>
          %parallel_loop3A_1913 = arith.addi %parallel_loop3A_1912, %and3A_109 : vector<16xi32>
          %parallel_loop3A_1914 = arith.constant 8.000000e+00 : f32
          %parallel_loop3A_1915 = vector.broadcast %parallel_loop3A_1914 : f32 to vector<16xf32>
          %parallel_loop3A_1916 = arith.mulf %parallel_loop3A_1911, %parallel_loop3A_1915 : vector<16xf32>
          tpu.vector_store_idx %arg23[%parallel_loop3A_1913, %add3A_1810], %parallel_loop3A_1916 : memref<64x128xf32, #tpu.memory_space<vmem>>[vector<16xi32>, vector<16xi32>], vector<16xf32>,
          %parallel_loop3A_1917 = arith.addi %parallel_loop3A_1818, %and3A_115 : vector<16xi32>
          %parallel_loop3A_1918 = tpu.vector_load_idx %arg19[%add3A_1810, %parallel_loop3A_1917] : memref<128x128xf32, #tpu.memory_space<vmem>>[vector<16xi32>, vector<16xi32>], vector<16xf32>,
          %parallel_loop3A_1919 = vector.broadcast %parallel_loop3A_1816 : i32 to vector<16xi32>
          %parallel_loop3A_1920 = arith.addi %parallel_loop3A_1919, %and3A_115 : vector<16xi32>
          %parallel_loop3A_1921 = arith.constant 8.000000e+00 : f32
          %parallel_loop3A_1922 = vector.broadcast %parallel_loop3A_1921 : f32 to vector<16xf32>
          %parallel_loop3A_1923 = arith.mulf %parallel_loop3A_1918, %parallel_loop3A_1922 : vector<16xf32>
          tpu.vector_store_idx %arg23[%parallel_loop3A_1920, %add3A_1810], %parallel_loop3A_1923 : memref<64x128xf32, #tpu.memory_space<vmem>>[vector<16xi32>, vector<16xi32>], vector<16xf32>,
          %parallel_loop3A_1924 = arith.addi %parallel_loop3A_1818, %and3A_121 : vector<16xi32>
          %parallel_loop3A_1925 = tpu.vector_load_idx %arg19[%add3A_1810, %parallel_loop3A_1924] : memref<128x128xf32, #tpu.memory_space<vmem>>[vector<16xi32>, vector<16xi32>], vector<16xf32>,
          %parallel_loop3A_1926 = vector.broadcast %parallel_loop3A_1816 : i32 to vector<16xi32>
          %parallel_loop3A_1927 = arith.addi %parallel_loop3A_1926, %and3A_121 : vector<16xi32>
          %parallel_loop3A_1928 = arith.constant 8.000000e+00 : f32
          %parallel_loop3A_1929 = vector.broadcast %parallel_loop3A_1928 : f32 to vector<16xf32>
          %parallel_loop3A_1930 = arith.mulf %parallel_loop3A_1925, %parallel_loop3A_1929 : vector<16xf32>
          tpu.vector_store_idx %arg23[%parallel_loop3A_1927, %add3A_1810], %parallel_loop3A_1930 : memref<64x128xf32, #tpu.memory_space<vmem>>[vector<16xi32>, vector<16xi32>], vector<16xf32>,
        } {sc.loop_unroll_factor = 1 : i64, sc.parallel_access}
      }
      %scan3A_1670 = arith.constant 8 : i32
      %jit3A_1671 = arith.constant 128 : i32
      %div3A_1672 = arith.divsi %add3A_1650, %jit3A_1671 : i32
      %sign3A_1673 = arith.constant 0 : i32
      %sign3A_1674 = arith.cmpi sgt, %add3A_1650, %sign3A_1673 : i32
      %sign3A_1675 = arith.extui %sign3A_1674 : i1 to i32
      %sign3A_1676 = arith.constant 0 : i32
      %sign3A_1677 = arith.cmpi slt, %add3A_1650, %sign3A_1676 : i32
      %sign3A_1678 = arith.extui %sign3A_1677 : i1 to i32
      %sign3A_1679 = arith.subi %sign3A_1675, %sign3A_1678 : i32
      %sign3A_1680 = arith.constant 0 : i32
      %sign3A_1681 = arith.cmpi sgt, %jit3A_1671, %sign3A_1680 : i32
      %sign3A_1682 = arith.extui %sign3A_1681 : i1 to i32
      %sign3A_1683 = arith.constant 0 : i32
      %sign3A_1684 = arith.cmpi slt, %jit3A_1671, %sign3A_1683 : i32
      %sign3A_1685 = arith.extui %sign3A_1684 : i1 to i32
      %sign3A_1686 = arith.subi %sign3A_1682, %sign3A_1685 : i32
      %ne3A_1687 = arith.cmpi ne, %sign3A_1679, %sign3A_1686 : i32
      %rem3A_1688 = arith.remsi %add3A_1650, %jit3A_1671 : i32
      %ne3A_1689 = arith.constant 0 : i32
      %ne3A_1690 = arith.cmpi ne, %rem3A_1688, %ne3A_1689 : i32
      %and3A_1691 = arith.andi %ne3A_1687, %ne3A_1690 : i1
      %sub3A_1692 = arith.constant 1 : i32
      %sub3A_1693 = arith.subi %div3A_1672, %sub3A_1692 : i32
      %select_n3A_1694 = arith.select %and3A_1691, %sub3A_1693, %div3A_1672 : i32
      %jit3A_1695 = arith.constant 128 : i32
      %eq3A_1696 = arith.constant 0 : i32
      %eq3A_1697 = arith.cmpi eq, %jit3A_1695, %eq3A_1696 : i32
      %jit3A_1698 = arith.constant 1 : i32
      %select_n3A_1699 = arith.select %eq3A_1697, %jit3A_1698, %jit3A_1695 : i32
      %rem3A_1700 = arith.remsi %add3A_1650, %select_n3A_1699 : i32
      %ne3A_1701 = arith.constant 0 : i32
      %ne3A_1702 = arith.cmpi ne, %rem3A_1700, %ne3A_1701 : i32
      %lt3A_1703 = arith.constant 0 : i32
      %lt3A_1704 = arith.cmpi slt, %rem3A_1700, %lt3A_1703 : i32
      %lt3A_1705 = arith.constant 0 : i32
      %lt3A_1706 = arith.cmpi slt, %select_n3A_1699, %lt3A_1705 : i32
      %ne3A_1707 = arith.xori %lt3A_1704, %lt3A_1706 : i1
      %and3A_1708 = arith.andi %ne3A_1707, %ne3A_1702 : i1
      %add3A_1709 = arith.addi %rem3A_1700, %select_n3A_1699 : i32
      %select_n3A_1710 = arith.select %and3A_1708, %add3A_1709, %rem3A_1700 : i32
      %mul3A_1711 = arith.constant 128 : i32
      %mul3A_1712 = arith.muli %select_n3A_1710, %mul3A_1711 : i32
      %mul3A_1713 = arith.constant 64 : i32
      %mul3A_1714 = arith.muli %select_n3A_1694, %mul3A_1713 : i32
      %dma_start3A_1715 = tpu.memref_slice %arg4[%mul3A_1714, %mul3A_1712] : memref<3200x16384xf32, #tpu.memory_space<hbm>> -> memref<64x128xf32, #tpu.memory_space<hbm>>
      %dma_start3A_1716 = tpu.memref_slice %arg4[%mul3A_1714, %mul3A_1712] : memref<3200x16384xf32, #tpu.memory_space<hbm>> -> memref<64x128xf32, #tpu.memory_space<hbm>>
      tpu.enqueue_dma source(%arg23 : memref<64x128xf32, #tpu.memory_space<vmem>>) target(%dma_start3A_1716 : memref<64x128xf32, #tpu.memory_space<hbm>>) target_semaphore(%arg35 : memref<!tpu.dma_semaphore, #tpu.memory_space<semaphore_mem>>)
      %add3A_1717 = arith.constant 1 : i32
      %add3A_1718 = arith.addi %add3A_1492, %add3A_1717 : i32
      %lt3A_1719 = arith.constant 50 : i32
      %lt3A_1720 = arith.cmpi slt, %add3A_1718, %lt3A_1719 : i32
      %convert_element_type3A_1721 = arith.extui %lt3A_1720 : i1 to i32
      %cond3A_1722 = arith.constant 0 : i32
      %cond3A_1723 = arith.cmpi ne, %convert_element_type3A_1721, %cond3A_1722 : i32
      scf.if %cond3A_1723 {
        %add3A_1802 = arith.constant 4 : i32
        %add3A_1803 = arith.addi %add3A_1650, %add3A_1802 : i32
        %jit3A_1804 = arith.constant 128 : i32
        %div3A_1805 = arith.divsi %add3A_1803, %jit3A_1804 : i32
        %sign3A_1806 = arith.constant 0 : i32
        %sign3A_1807 = arith.cmpi sgt, %add3A_1803, %sign3A_1806 : i32
        %sign3A_1808 = arith.extui %sign3A_1807 : i1 to i32
        %sign3A_1809 = arith.constant 0 : i32
        %sign3A_1810 = arith.cmpi slt, %add3A_1803, %sign3A_1809 : i32
        %sign3A_1811 = arith.extui %sign3A_1810 : i1 to i32
        %sign3A_1812 = arith.subi %sign3A_1808, %sign3A_1811 : i32
        %sign3A_1813 = arith.constant 0 : i32
        %sign3A_1814 = arith.cmpi sgt, %jit3A_1804, %sign3A_1813 : i32
        %sign3A_1815 = arith.extui %sign3A_1814 : i1 to i32
        %sign3A_1816 = arith.constant 0 : i32
        %sign3A_1817 = arith.cmpi slt, %jit3A_1804, %sign3A_1816 : i32
        %sign3A_1818 = arith.extui %sign3A_1817 : i1 to i32
        %sign3A_1819 = arith.subi %sign3A_1815, %sign3A_1818 : i32
        %ne3A_1820 = arith.cmpi ne, %sign3A_1812, %sign3A_1819 : i32
        %rem3A_1821 = arith.remsi %add3A_1803, %jit3A_1804 : i32
        %ne3A_1822 = arith.constant 0 : i32
        %ne3A_1823 = arith.cmpi ne, %rem3A_1821, %ne3A_1822 : i32
        %and3A_1824 = arith.andi %ne3A_1820, %ne3A_1823 : i1
        %sub3A_1825 = arith.constant 1 : i32
        %sub3A_1826 = arith.subi %div3A_1805, %sub3A_1825 : i32
        %select_n3A_1827 = arith.select %and3A_1824, %sub3A_1826, %div3A_1805 : i32
        %jit3A_1828 = arith.constant 128 : i32
        %eq3A_1829 = arith.constant 0 : i32
        %eq3A_1830 = arith.cmpi eq, %jit3A_1828, %eq3A_1829 : i32
        %jit3A_1831 = arith.constant 1 : i32
        %select_n3A_1832 = arith.select %eq3A_1830, %jit3A_1831, %jit3A_1828 : i32
        %rem3A_1833 = arith.remsi %add3A_1803, %select_n3A_1832 : i32
        %ne3A_1834 = arith.constant 0 : i32
        %ne3A_1835 = arith.cmpi ne, %rem3A_1833, %ne3A_1834 : i32
        %lt3A_1836 = arith.constant 0 : i32
        %lt3A_1837 = arith.cmpi slt, %rem3A_1833, %lt3A_1836 : i32
        %lt3A_1838 = arith.constant 0 : i32
        %lt3A_1839 = arith.cmpi slt, %select_n3A_1832, %lt3A_1838 : i32
        %ne3A_1840 = arith.xori %lt3A_1837, %lt3A_1839 : i1
        %and3A_1841 = arith.andi %ne3A_1840, %ne3A_1835 : i1
        %add3A_1842 = arith.addi %rem3A_1833, %select_n3A_1832 : i32
        %select_n3A_1843 = arith.select %and3A_1841, %add3A_1842, %rem3A_1833 : i32
        %mul3A_1844 = arith.constant 128 : i32
        %mul3A_1845 = arith.muli %select_n3A_1843, %mul3A_1844 : i32
        %jit3A_1846 = arith.constant 8 : i32
        %div3A_1847 = arith.divsi %select_n3A_1827, %jit3A_1846 : i32
        %sign3A_1848 = arith.constant 0 : i32
        %sign3A_1849 = arith.cmpi sgt, %select_n3A_1827, %sign3A_1848 : i32
        %sign3A_1850 = arith.extui %sign3A_1849 : i1 to i32
        %sign3A_1851 = arith.constant 0 : i32
        %sign3A_1852 = arith.cmpi slt, %select_n3A_1827, %sign3A_1851 : i32
        %sign3A_1853 = arith.extui %sign3A_1852 : i1 to i32
        %sign3A_1854 = arith.subi %sign3A_1850, %sign3A_1853 : i32
        %sign3A_1855 = arith.constant 0 : i32
        %sign3A_1856 = arith.cmpi sgt, %jit3A_1846, %sign3A_1855 : i32
        %sign3A_1857 = arith.extui %sign3A_1856 : i1 to i32
        %sign3A_1858 = arith.constant 0 : i32
        %sign3A_1859 = arith.cmpi slt, %jit3A_1846, %sign3A_1858 : i32
        %sign3A_1860 = arith.extui %sign3A_1859 : i1 to i32
        %sign3A_1861 = arith.subi %sign3A_1857, %sign3A_1860 : i32
        %ne3A_1862 = arith.cmpi ne, %sign3A_1854, %sign3A_1861 : i32
        %rem3A_1863 = arith.remsi %select_n3A_1827, %jit3A_1846 : i32
        %ne3A_1864 = arith.constant 0 : i32
        %ne3A_1865 = arith.cmpi ne, %rem3A_1863, %ne3A_1864 : i32
        %and3A_1866 = arith.andi %ne3A_1862, %ne3A_1865 : i1
        %sub3A_1867 = arith.constant 1 : i32
        %sub3A_1868 = arith.subi %div3A_1847, %sub3A_1867 : i32
        %select_n3A_1869 = arith.select %and3A_1866, %sub3A_1868, %div3A_1847 : i32
        %mul3A_1870 = arith.constant 8 : i32
        %mul3A_1871 = arith.muli %select_n3A_1869, %mul3A_1870 : i32
        %dma_wait3A_1872 = tpu.memref_slice %arg3[%mul3A_1871, %mul3A_1845] : memref<50x16384xi32, #tpu.memory_space<hbm>> -> memref<8x128xi32, #tpu.memory_space<hbm>>
        %dma_wait3A_1873 = tpu.memref_slice %arg3[%mul3A_1871, %mul3A_1845] : memref<50x16384xi32, #tpu.memory_space<hbm>> -> memref<8x128xi32, #tpu.memory_space<hbm>>
        tpu.wait_dma2 semaphore(%arg27 : memref<!tpu.dma_semaphore, #tpu.memory_space<semaphore_mem>>) src(%dma_wait3A_1873 : memref<8x128xi32, #tpu.memory_space<hbm>>) dst(%arg7 : memref<8x128xi32, #tpu.memory_space<vmem>>)
        %sub3A_1874 = arith.subi %select_n3A_1827, %mul3A_1871 : i32
        %get3A_1875 = arith.index_cast %sub3A_1874 : i32 to index
        %get3A_1876 = arith.constant 0 : index
        %get3A_1877 = tpu.vector_load %arg7[%get3A_1875, %get3A_1876] {strides = array<i32>} : memref<8x128xi32, #tpu.memory_space<vmem>>, vector<16xi32>,
        %shift_right_arithmetic3A_1878 = arith.constant 1 : i32
        %shift_right_arithmetic3A_1879 = vector.broadcast %shift_right_arithmetic3A_1878 : i32 to vector<16xi32>
        %shift_right_arithmetic3A_1880 = arith.shrsi %get3A_1877, %shift_right_arithmetic3A_1879 : vector<16xi32>
        %swap3A_1881 = arith.constant 0 : index
        %swap3A_1882 = tpu.vector_load %arg11[%swap3A_1881] {strides = array<i32>} : memref<128xi32, #tpu.memory_space<vmem>>, vector<16xi32>,
        tpu.vector_store %arg11[%swap3A_1881], %shift_right_arithmetic3A_1880 {strides = array<i32>} : memref<128xi32, #tpu.memory_space<vmem>>, vector<16xi32>,
        %and3A_1883 = arith.constant 1 : i32
        %and3A_1884 = vector.broadcast %and3A_1883 : i32 to vector<16xi32>
        %and3A_1885 = arith.andi %get3A_1877, %and3A_1884 : vector<16xi32>
        %mul3A_1886 = arith.constant 64 : i32
        %mul3A_1887 = vector.broadcast %mul3A_1886 : i32 to vector<16xi32>
        %mul3A_1888 = arith.muli %and3A_1885, %mul3A_1887 : vector<16xi32>
        %swap3A_1889 = arith.constant 0 : i32
        %swap3A_1890 = arith.index_cast %swap3A_1889 : i32 to index
        %swap3A_1891 = arith.constant 0 : index
        %swap3A_1892 = tpu.vector_load %arg15[%swap3A_1890, %swap3A_1891] {strides = array<i32>} : memref<8x16xi32, #tpu.memory_space<vmem>>, vector<16xi32>,
        tpu.vector_store %arg15[%swap3A_1890, %swap3A_1891], %mul3A_1888 {strides = array<i32>} : memref<8x16xi32, #tpu.memory_space<vmem>>, vector<16xi32>,
        %get3A_1893 = arith.index_cast %sub3A_1874 : i32 to index
        %get3A_1894 = arith.constant 16 : index
        %get3A_1895 = tpu.vector_load %arg7[%get3A_1893, %get3A_1894] {strides = array<i32>} : memref<8x128xi32, #tpu.memory_space<vmem>>, vector<16xi32>,
        %shift_right_arithmetic3A_1896 = arith.constant 1 : i32
        %shift_right_arithmetic3A_1897 = vector.broadcast %shift_right_arithmetic3A_1896 : i32 to vector<16xi32>
        %shift_right_arithmetic3A_1898 = arith.shrsi %get3A_1895, %shift_right_arithmetic3A_1897 : vector<16xi32>
        %swap3A_1899 = arith.constant 16 : index
        %swap3A_1900 = tpu.vector_load %arg11[%swap3A_1899] {strides = array<i32>} : memref<128xi32, #tpu.memory_space<vmem>>, vector<16xi32>,
        tpu.vector_store %arg11[%swap3A_1899], %shift_right_arithmetic3A_1898 {strides = array<i32>} : memref<128xi32, #tpu.memory_space<vmem>>, vector<16xi32>,
        %and3A_1901 = arith.constant 1 : i32
        %and3A_1902 = vector.broadcast %and3A_1901 : i32 to vector<16xi32>
        %and3A_1903 = arith.andi %get3A_1895, %and3A_1902 : vector<16xi32>
        %mul3A_1904 = arith.constant 64 : i32
        %mul3A_1905 = vector.broadcast %mul3A_1904 : i32 to vector<16xi32>
        %mul3A_1906 = arith.muli %and3A_1903, %mul3A_1905 : vector<16xi32>
        %swap3A_1907 = arith.constant 1 : i32
        %swap3A_1908 = arith.index_cast %swap3A_1907 : i32 to index
        %swap3A_1909 = arith.constant 0 : index
        %swap3A_1910 = tpu.vector_load %arg15[%swap3A_1908, %swap3A_1909] {strides = array<i32>} : memref<8x16xi32, #tpu.memory_space<vmem>>, vector<16xi32>,
        tpu.vector_store %arg15[%swap3A_1908, %swap3A_1909], %mul3A_1906 {strides = array<i32>} : memref<8x16xi32, #tpu.memory_space<vmem>>, vector<16xi32>,
        %get3A_1911 = arith.index_cast %sub3A_1874 : i32 to index
        %get3A_1912 = arith.constant 32 : index
        %get3A_1913 = tpu.vector_load %arg7[%get3A_1911, %get3A_1912] {strides = array<i32>} : memref<8x128xi32, #tpu.memory_space<vmem>>, vector<16xi32>,
        %shift_right_arithmetic3A_1914 = arith.constant 1 : i32
        %shift_right_arithmetic3A_1915 = vector.broadcast %shift_right_arithmetic3A_1914 : i32 to vector<16xi32>
        %shift_right_arithmetic3A_1916 = arith.shrsi %get3A_1913, %shift_right_arithmetic3A_1915 : vector<16xi32>
        %swap3A_1917 = arith.constant 32 : index
        %swap3A_1918 = tpu.vector_load %arg11[%swap3A_1917] {strides = array<i32>} : memref<128xi32, #tpu.memory_space<vmem>>, vector<16xi32>,
        tpu.vector_store %arg11[%swap3A_1917], %shift_right_arithmetic3A_1916 {strides = array<i32>} : memref<128xi32, #tpu.memory_space<vmem>>, vector<16xi32>,
        %and3A_1919 = arith.constant 1 : i32
        %and3A_1920 = vector.broadcast %and3A_1919 : i32 to vector<16xi32>
        %and3A_1921 = arith.andi %get3A_1913, %and3A_1920 : vector<16xi32>
        %mul3A_1922 = arith.constant 64 : i32
        %mul3A_1923 = vector.broadcast %mul3A_1922 : i32 to vector<16xi32>
        %mul3A_1924 = arith.muli %and3A_1921, %mul3A_1923 : vector<16xi32>
        %swap3A_1925 = arith.constant 2 : i32
        %swap3A_1926 = arith.index_cast %swap3A_1925 : i32 to index
        %swap3A_1927 = arith.constant 0 : index
        %swap3A_1928 = tpu.vector_load %arg15[%swap3A_1926, %swap3A_1927] {strides = array<i32>} : memref<8x16xi32, #tpu.memory_space<vmem>>, vector<16xi32>,
        tpu.vector_store %arg15[%swap3A_1926, %swap3A_1927], %mul3A_1924 {strides = array<i32>} : memref<8x16xi32, #tpu.memory_space<vmem>>, vector<16xi32>,
        %get3A_1929 = arith.index_cast %sub3A_1874 : i32 to index
        %get3A_1930 = arith.constant 48 : index
        %get3A_1931 = tpu.vector_load %arg7[%get3A_1929, %get3A_1930] {strides = array<i32>} : memref<8x128xi32, #tpu.memory_space<vmem>>, vector<16xi32>,
        %shift_right_arithmetic3A_1932 = arith.constant 1 : i32
        %shift_right_arithmetic3A_1933 = vector.broadcast %shift_right_arithmetic3A_1932 : i32 to vector<16xi32>
        %shift_right_arithmetic3A_1934 = arith.shrsi %get3A_1931, %shift_right_arithmetic3A_1933 : vector<16xi32>
        %swap3A_1935 = arith.constant 48 : index
        %swap3A_1936 = tpu.vector_load %arg11[%swap3A_1935] {strides = array<i32>} : memref<128xi32, #tpu.memory_space<vmem>>, vector<16xi32>,
        tpu.vector_store %arg11[%swap3A_1935], %shift_right_arithmetic3A_1934 {strides = array<i32>} : memref<128xi32, #tpu.memory_space<vmem>>, vector<16xi32>,
        %and3A_1937 = arith.constant 1 : i32
        %and3A_1938 = vector.broadcast %and3A_1937 : i32 to vector<16xi32>
        %and3A_1939 = arith.andi %get3A_1931, %and3A_1938 : vector<16xi32>
        %mul3A_1940 = arith.constant 64 : i32
        %mul3A_1941 = vector.broadcast %mul3A_1940 : i32 to vector<16xi32>
        %mul3A_1942 = arith.muli %and3A_1939, %mul3A_1941 : vector<16xi32>
        %swap3A_1943 = arith.constant 3 : i32
        %swap3A_1944 = arith.index_cast %swap3A_1943 : i32 to index
        %swap3A_1945 = arith.constant 0 : index
        %swap3A_1946 = tpu.vector_load %arg15[%swap3A_1944, %swap3A_1945] {strides = array<i32>} : memref<8x16xi32, #tpu.memory_space<vmem>>, vector<16xi32>,
        tpu.vector_store %arg15[%swap3A_1944, %swap3A_1945], %mul3A_1942 {strides = array<i32>} : memref<8x16xi32, #tpu.memory_space<vmem>>, vector<16xi32>,
        %get3A_1947 = arith.index_cast %sub3A_1874 : i32 to index
        %get3A_1948 = arith.constant 64 : index
        %get3A_1949 = tpu.vector_load %arg7[%get3A_1947, %get3A_1948] {strides = array<i32>} : memref<8x128xi32, #tpu.memory_space<vmem>>, vector<16xi32>,
        %shift_right_arithmetic3A_1950 = arith.constant 1 : i32
        %shift_right_arithmetic3A_1951 = vector.broadcast %shift_right_arithmetic3A_1950 : i32 to vector<16xi32>
        %shift_right_arithmetic3A_1952 = arith.shrsi %get3A_1949, %shift_right_arithmetic3A_1951 : vector<16xi32>
        %swap3A_1953 = arith.constant 64 : index
        %swap3A_1954 = tpu.vector_load %arg11[%swap3A_1953] {strides = array<i32>} : memref<128xi32, #tpu.memory_space<vmem>>, vector<16xi32>,
        tpu.vector_store %arg11[%swap3A_1953], %shift_right_arithmetic3A_1952 {strides = array<i32>} : memref<128xi32, #tpu.memory_space<vmem>>, vector<16xi32>,
        %and3A_1955 = arith.constant 1 : i32
        %and3A_1956 = vector.broadcast %and3A_1955 : i32 to vector<16xi32>
        %and3A_1957 = arith.andi %get3A_1949, %and3A_1956 : vector<16xi32>
        %mul3A_1958 = arith.constant 64 : i32
        %mul3A_1959 = vector.broadcast %mul3A_1958 : i32 to vector<16xi32>
        %mul3A_1960 = arith.muli %and3A_1957, %mul3A_1959 : vector<16xi32>
        %swap3A_1961 = arith.constant 4 : i32
        %swap3A_1962 = arith.index_cast %swap3A_1961 : i32 to index
        %swap3A_1963 = arith.constant 0 : index
        %swap3A_1964 = tpu.vector_load %arg15[%swap3A_1962, %swap3A_1963] {strides = array<i32>} : memref<8x16xi32, #tpu.memory_space<vmem>>, vector<16xi32>,
        tpu.vector_store %arg15[%swap3A_1962, %swap3A_1963], %mul3A_1960 {strides = array<i32>} : memref<8x16xi32, #tpu.memory_space<vmem>>, vector<16xi32>,
        %get3A_1965 = arith.index_cast %sub3A_1874 : i32 to index
        %get3A_1966 = arith.constant 80 : index
        %get3A_1967 = tpu.vector_load %arg7[%get3A_1965, %get3A_1966] {strides = array<i32>} : memref<8x128xi32, #tpu.memory_space<vmem>>, vector<16xi32>,
        %shift_right_arithmetic3A_1968 = arith.constant 1 : i32
        %shift_right_arithmetic3A_1969 = vector.broadcast %shift_right_arithmetic3A_1968 : i32 to vector<16xi32>
        %shift_right_arithmetic3A_1970 = arith.shrsi %get3A_1967, %shift_right_arithmetic3A_1969 : vector<16xi32>
        %swap3A_1971 = arith.constant 80 : index
        %swap3A_1972 = tpu.vector_load %arg11[%swap3A_1971] {strides = array<i32>} : memref<128xi32, #tpu.memory_space<vmem>>, vector<16xi32>,
        tpu.vector_store %arg11[%swap3A_1971], %shift_right_arithmetic3A_1970 {strides = array<i32>} : memref<128xi32, #tpu.memory_space<vmem>>, vector<16xi32>,
        %and3A_1973 = arith.constant 1 : i32
        %and3A_1974 = vector.broadcast %and3A_1973 : i32 to vector<16xi32>
        %and3A_1975 = arith.andi %get3A_1967, %and3A_1974 : vector<16xi32>
        %mul3A_1976 = arith.constant 64 : i32
        %mul3A_1977 = vector.broadcast %mul3A_1976 : i32 to vector<16xi32>
        %mul3A_1978 = arith.muli %and3A_1975, %mul3A_1977 : vector<16xi32>
        %swap3A_1979 = arith.constant 5 : i32
        %swap3A_1980 = arith.index_cast %swap3A_1979 : i32 to index
        %swap3A_1981 = arith.constant 0 : index
        %swap3A_1982 = tpu.vector_load %arg15[%swap3A_1980, %swap3A_1981] {strides = array<i32>} : memref<8x16xi32, #tpu.memory_space<vmem>>, vector<16xi32>,
        tpu.vector_store %arg15[%swap3A_1980, %swap3A_1981], %mul3A_1978 {strides = array<i32>} : memref<8x16xi32, #tpu.memory_space<vmem>>, vector<16xi32>,
        %get3A_1983 = arith.index_cast %sub3A_1874 : i32 to index
        %get3A_1984 = arith.constant 96 : index
        %get3A_1985 = tpu.vector_load %arg7[%get3A_1983, %get3A_1984] {strides = array<i32>} : memref<8x128xi32, #tpu.memory_space<vmem>>, vector<16xi32>,
        %shift_right_arithmetic3A_1986 = arith.constant 1 : i32
        %shift_right_arithmetic3A_1987 = vector.broadcast %shift_right_arithmetic3A_1986 : i32 to vector<16xi32>
        %shift_right_arithmetic3A_1988 = arith.shrsi %get3A_1985, %shift_right_arithmetic3A_1987 : vector<16xi32>
        %swap3A_1989 = arith.constant 96 : index
        %swap3A_1990 = tpu.vector_load %arg11[%swap3A_1989] {strides = array<i32>} : memref<128xi32, #tpu.memory_space<vmem>>, vector<16xi32>,
        tpu.vector_store %arg11[%swap3A_1989], %shift_right_arithmetic3A_1988 {strides = array<i32>} : memref<128xi32, #tpu.memory_space<vmem>>, vector<16xi32>,
        %and3A_1991 = arith.constant 1 : i32
        %and3A_1992 = vector.broadcast %and3A_1991 : i32 to vector<16xi32>
        %and3A_1993 = arith.andi %get3A_1985, %and3A_1992 : vector<16xi32>
        %mul3A_1994 = arith.constant 64 : i32
        %mul3A_1995 = vector.broadcast %mul3A_1994 : i32 to vector<16xi32>
        %mul3A_1996 = arith.muli %and3A_1993, %mul3A_1995 : vector<16xi32>
        %swap3A_1997 = arith.constant 6 : i32
        %swap3A_1998 = arith.index_cast %swap3A_1997 : i32 to index
        %swap3A_1999 = arith.constant 0 : index
        %swap3A_2000 = tpu.vector_load %arg15[%swap3A_1998, %swap3A_1999] {strides = array<i32>} : memref<8x16xi32, #tpu.memory_space<vmem>>, vector<16xi32>,
        tpu.vector_store %arg15[%swap3A_1998, %swap3A_1999], %mul3A_1996 {strides = array<i32>} : memref<8x16xi32, #tpu.memory_space<vmem>>, vector<16xi32>,
        %get3A_2001 = arith.index_cast %sub3A_1874 : i32 to index
        %get3A_2002 = arith.constant 112 : index
        %get3A_2003 = tpu.vector_load %arg7[%get3A_2001, %get3A_2002] {strides = array<i32>} : memref<8x128xi32, #tpu.memory_space<vmem>>, vector<16xi32>,
        %shift_right_arithmetic3A_2004 = arith.constant 1 : i32
        %shift_right_arithmetic3A_2005 = vector.broadcast %shift_right_arithmetic3A_2004 : i32 to vector<16xi32>
        %shift_right_arithmetic3A_2006 = arith.shrsi %get3A_2003, %shift_right_arithmetic3A_2005 : vector<16xi32>
        %swap3A_2007 = arith.constant 112 : index
        %swap3A_2008 = tpu.vector_load %arg11[%swap3A_2007] {strides = array<i32>} : memref<128xi32, #tpu.memory_space<vmem>>, vector<16xi32>,
        tpu.vector_store %arg11[%swap3A_2007], %shift_right_arithmetic3A_2006 {strides = array<i32>} : memref<128xi32, #tpu.memory_space<vmem>>, vector<16xi32>,
        %and3A_2009 = arith.constant 1 : i32
        %and3A_2010 = vector.broadcast %and3A_2009 : i32 to vector<16xi32>
        %and3A_2011 = arith.andi %get3A_2003, %and3A_2010 : vector<16xi32>
        %mul3A_2012 = arith.constant 64 : i32
        %mul3A_2013 = vector.broadcast %mul3A_2012 : i32 to vector<16xi32>
        %mul3A_2014 = arith.muli %and3A_2011, %mul3A_2013 : vector<16xi32>
        %swap3A_2015 = arith.constant 7 : i32
        %swap3A_2016 = arith.index_cast %swap3A_2015 : i32 to index
        %swap3A_2017 = arith.constant 0 : index
        %swap3A_2018 = tpu.vector_load %arg15[%swap3A_2016, %swap3A_2017] {strides = array<i32>} : memref<8x16xi32, #tpu.memory_space<vmem>>, vector<16xi32>,
        tpu.vector_store %arg15[%swap3A_2016, %swap3A_2017], %mul3A_2014 {strides = array<i32>} : memref<8x16xi32, #tpu.memory_space<vmem>>, vector<16xi32>,
        %dma_start3A_2019 = arith.constant 0 : i32
        %dma_start3A_2020 = arith.constant 0 : i32
        %dma_start3A_2021 = tpu.memref_slice %arg2[%dma_start3A_2019, %dma_start3A_2020] : memref<500000x128xf32, #tpu.memory_space<hbm>> -> memref<500000x128xf32, #tpu.memory_space<hbm>>
        tpu.enqueue_indirect_dma source(%dma_start3A_2021 : memref<500000x128xf32, #tpu.memory_space<hbm>>) target(%arg19 : memref<128x128xf32, #tpu.memory_space<vmem>>) offsets(%arg11 : memref<128xi32, #tpu.memory_space<vmem>>) semaphore(%arg31 : memref<!tpu.dma_semaphore, #tpu.memory_space<semaphore_mem>>)
      } else {
      }
      %mul3A_1724 = arith.constant 4 : i32
      %mul3A_1725 = arith.muli %add3A_1492, %mul3A_1724 : i32
      %add3A_1726 = arith.addi %mul3A_2, %mul3A_1725 : i32
      %add3A_1727 = arith.constant 3 : i32
      %add3A_1728 = arith.addi %add3A_1726, %add3A_1727 : i32
      %dma_wait3A_1729 = arith.constant 0 : i32
      %dma_wait3A_1730 = arith.constant 0 : i32
      %dma_wait3A_1731 = tpu.memref_slice %arg2[%dma_wait3A_1729, %dma_wait3A_1730] : memref<500000x128xf32, #tpu.memory_space<hbm>> -> memref<500000x128xf32, #tpu.memory_space<hbm>>
      tpu.wait_indirect_dma semaphore(%arg32 : memref<!tpu.dma_semaphore, #tpu.memory_space<semaphore_mem>>) src(%dma_wait3A_1731 : memref<500000x128xf32, #tpu.memory_space<hbm>>) dst(%arg20 : memref<128x128xf32, #tpu.memory_space<vmem>>)
      %add3A_1732 = arith.constant 1 : i32
      %add3A_1733 = arith.addi %add3A_1492, %add3A_1732 : i32
      %lt3A_1734 = arith.constant 50 : i32
      %lt3A_1735 = arith.cmpi slt, %add3A_1733, %lt3A_1734 : i32
      %convert_element_type3A_1736 = arith.extui %lt3A_1735 : i1 to i32
      %cond3A_1737 = arith.constant 0 : i32
      %cond3A_1738 = arith.cmpi ne, %convert_element_type3A_1736, %cond3A_1737 : i32
      scf.if %cond3A_1738 {
        %add3A_1802 = arith.constant 4 : i32
        %add3A_1803 = arith.addi %add3A_1728, %add3A_1802 : i32
        %jit3A_1804 = arith.constant 128 : i32
        %div3A_1805 = arith.divsi %add3A_1803, %jit3A_1804 : i32
        %sign3A_1806 = arith.constant 0 : i32
        %sign3A_1807 = arith.cmpi sgt, %add3A_1803, %sign3A_1806 : i32
        %sign3A_1808 = arith.extui %sign3A_1807 : i1 to i32
        %sign3A_1809 = arith.constant 0 : i32
        %sign3A_1810 = arith.cmpi slt, %add3A_1803, %sign3A_1809 : i32
        %sign3A_1811 = arith.extui %sign3A_1810 : i1 to i32
        %sign3A_1812 = arith.subi %sign3A_1808, %sign3A_1811 : i32
        %sign3A_1813 = arith.constant 0 : i32
        %sign3A_1814 = arith.cmpi sgt, %jit3A_1804, %sign3A_1813 : i32
        %sign3A_1815 = arith.extui %sign3A_1814 : i1 to i32
        %sign3A_1816 = arith.constant 0 : i32
        %sign3A_1817 = arith.cmpi slt, %jit3A_1804, %sign3A_1816 : i32
        %sign3A_1818 = arith.extui %sign3A_1817 : i1 to i32
        %sign3A_1819 = arith.subi %sign3A_1815, %sign3A_1818 : i32
        %ne3A_1820 = arith.cmpi ne, %sign3A_1812, %sign3A_1819 : i32
        %rem3A_1821 = arith.remsi %add3A_1803, %jit3A_1804 : i32
        %ne3A_1822 = arith.constant 0 : i32
        %ne3A_1823 = arith.cmpi ne, %rem3A_1821, %ne3A_1822 : i32
        %and3A_1824 = arith.andi %ne3A_1820, %ne3A_1823 : i1
        %sub3A_1825 = arith.constant 1 : i32
        %sub3A_1826 = arith.subi %div3A_1805, %sub3A_1825 : i32
        %select_n3A_1827 = arith.select %and3A_1824, %sub3A_1826, %div3A_1805 : i32
        %jit3A_1828 = arith.constant 128 : i32
        %eq3A_1829 = arith.constant 0 : i32
        %eq3A_1830 = arith.cmpi eq, %jit3A_1828, %eq3A_1829 : i32
        %jit3A_1831 = arith.constant 1 : i32
        %select_n3A_1832 = arith.select %eq3A_1830, %jit3A_1831, %jit3A_1828 : i32
        %rem3A_1833 = arith.remsi %add3A_1803, %select_n3A_1832 : i32
        %ne3A_1834 = arith.constant 0 : i32
        %ne3A_1835 = arith.cmpi ne, %rem3A_1833, %ne3A_1834 : i32
        %lt3A_1836 = arith.constant 0 : i32
        %lt3A_1837 = arith.cmpi slt, %rem3A_1833, %lt3A_1836 : i32
        %lt3A_1838 = arith.constant 0 : i32
        %lt3A_1839 = arith.cmpi slt, %select_n3A_1832, %lt3A_1838 : i32
        %ne3A_1840 = arith.xori %lt3A_1837, %lt3A_1839 : i1
        %and3A_1841 = arith.andi %ne3A_1840, %ne3A_1835 : i1
        %add3A_1842 = arith.addi %rem3A_1833, %select_n3A_1832 : i32
        %select_n3A_1843 = arith.select %and3A_1841, %add3A_1842, %rem3A_1833 : i32
        %mul3A_1844 = arith.constant 128 : i32
        %mul3A_1845 = arith.muli %select_n3A_1843, %mul3A_1844 : i32
        %jit3A_1846 = arith.constant 8 : i32
        %div3A_1847 = arith.divsi %select_n3A_1827, %jit3A_1846 : i32
        %sign3A_1848 = arith.constant 0 : i32
        %sign3A_1849 = arith.cmpi sgt, %select_n3A_1827, %sign3A_1848 : i32
        %sign3A_1850 = arith.extui %sign3A_1849 : i1 to i32
        %sign3A_1851 = arith.constant 0 : i32
        %sign3A_1852 = arith.cmpi slt, %select_n3A_1827, %sign3A_1851 : i32
        %sign3A_1853 = arith.extui %sign3A_1852 : i1 to i32
        %sign3A_1854 = arith.subi %sign3A_1850, %sign3A_1853 : i32
        %sign3A_1855 = arith.constant 0 : i32
        %sign3A_1856 = arith.cmpi sgt, %jit3A_1846, %sign3A_1855 : i32
        %sign3A_1857 = arith.extui %sign3A_1856 : i1 to i32
        %sign3A_1858 = arith.constant 0 : i32
        %sign3A_1859 = arith.cmpi slt, %jit3A_1846, %sign3A_1858 : i32
        %sign3A_1860 = arith.extui %sign3A_1859 : i1 to i32
        %sign3A_1861 = arith.subi %sign3A_1857, %sign3A_1860 : i32
        %ne3A_1862 = arith.cmpi ne, %sign3A_1854, %sign3A_1861 : i32
        %rem3A_1863 = arith.remsi %select_n3A_1827, %jit3A_1846 : i32
        %ne3A_1864 = arith.constant 0 : i32
        %ne3A_1865 = arith.cmpi ne, %rem3A_1863, %ne3A_1864 : i32
        %and3A_1866 = arith.andi %ne3A_1862, %ne3A_1865 : i1
        %sub3A_1867 = arith.constant 1 : i32
        %sub3A_1868 = arith.subi %div3A_1847, %sub3A_1867 : i32
        %select_n3A_1869 = arith.select %and3A_1866, %sub3A_1868, %div3A_1847 : i32
        %mul3A_1870 = arith.constant 8 : i32
        %mul3A_1871 = arith.muli %select_n3A_1869, %mul3A_1870 : i32
        %dma_start3A_1872 = tpu.memref_slice %arg3[%mul3A_1871, %mul3A_1845] : memref<50x16384xi32, #tpu.memory_space<hbm>> -> memref<8x128xi32, #tpu.memory_space<hbm>>
        %dma_start3A_1873 = tpu.memref_slice %arg3[%mul3A_1871, %mul3A_1845] : memref<50x16384xi32, #tpu.memory_space<hbm>> -> memref<8x128xi32, #tpu.memory_space<hbm>>
        tpu.enqueue_dma source(%dma_start3A_1873 : memref<8x128xi32, #tpu.memory_space<hbm>>) target(%arg8 : memref<8x128xi32, #tpu.memory_space<vmem>>) target_semaphore(%arg28 : memref<!tpu.dma_semaphore, #tpu.memory_space<semaphore_mem>>)
      } else {
      }
      %gt3A_1739 = arith.constant 0 : i32
      %gt3A_1740 = arith.cmpi sgt, %add3A_1492, %gt3A_1739 : i32
      %convert_element_type3A_1741 = arith.extui %gt3A_1740 : i1 to i32
      %cond3A_1742 = arith.constant 0 : i32
      %cond3A_1743 = arith.cmpi ne, %convert_element_type3A_1741, %cond3A_1742 : i32
      scf.if %cond3A_1743 {
        %sub3A_1802 = arith.constant 4 : i32
        %sub3A_1803 = arith.subi %add3A_1728, %sub3A_1802 : i32
        %jit3A_1804 = arith.constant 128 : i32
        %div3A_1805 = arith.divsi %sub3A_1803, %jit3A_1804 : i32
        %sign3A_1806 = arith.constant 0 : i32
        %sign3A_1807 = arith.cmpi sgt, %sub3A_1803, %sign3A_1806 : i32
        %sign3A_1808 = arith.extui %sign3A_1807 : i1 to i32
        %sign3A_1809 = arith.constant 0 : i32
        %sign3A_1810 = arith.cmpi slt, %sub3A_1803, %sign3A_1809 : i32
        %sign3A_1811 = arith.extui %sign3A_1810 : i1 to i32
        %sign3A_1812 = arith.subi %sign3A_1808, %sign3A_1811 : i32
        %sign3A_1813 = arith.constant 0 : i32
        %sign3A_1814 = arith.cmpi sgt, %jit3A_1804, %sign3A_1813 : i32
        %sign3A_1815 = arith.extui %sign3A_1814 : i1 to i32
        %sign3A_1816 = arith.constant 0 : i32
        %sign3A_1817 = arith.cmpi slt, %jit3A_1804, %sign3A_1816 : i32
        %sign3A_1818 = arith.extui %sign3A_1817 : i1 to i32
        %sign3A_1819 = arith.subi %sign3A_1815, %sign3A_1818 : i32
        %ne3A_1820 = arith.cmpi ne, %sign3A_1812, %sign3A_1819 : i32
        %rem3A_1821 = arith.remsi %sub3A_1803, %jit3A_1804 : i32
        %ne3A_1822 = arith.constant 0 : i32
        %ne3A_1823 = arith.cmpi ne, %rem3A_1821, %ne3A_1822 : i32
        %and3A_1824 = arith.andi %ne3A_1820, %ne3A_1823 : i1
        %sub3A_1825 = arith.constant 1 : i32
        %sub3A_1826 = arith.subi %div3A_1805, %sub3A_1825 : i32
        %select_n3A_1827 = arith.select %and3A_1824, %sub3A_1826, %div3A_1805 : i32
        %jit3A_1828 = arith.constant 128 : i32
        %eq3A_1829 = arith.constant 0 : i32
        %eq3A_1830 = arith.cmpi eq, %jit3A_1828, %eq3A_1829 : i32
        %jit3A_1831 = arith.constant 1 : i32
        %select_n3A_1832 = arith.select %eq3A_1830, %jit3A_1831, %jit3A_1828 : i32
        %rem3A_1833 = arith.remsi %sub3A_1803, %select_n3A_1832 : i32
        %ne3A_1834 = arith.constant 0 : i32
        %ne3A_1835 = arith.cmpi ne, %rem3A_1833, %ne3A_1834 : i32
        %lt3A_1836 = arith.constant 0 : i32
        %lt3A_1837 = arith.cmpi slt, %rem3A_1833, %lt3A_1836 : i32
        %lt3A_1838 = arith.constant 0 : i32
        %lt3A_1839 = arith.cmpi slt, %select_n3A_1832, %lt3A_1838 : i32
        %ne3A_1840 = arith.xori %lt3A_1837, %lt3A_1839 : i1
        %and3A_1841 = arith.andi %ne3A_1840, %ne3A_1835 : i1
        %add3A_1842 = arith.addi %rem3A_1833, %select_n3A_1832 : i32
        %select_n3A_1843 = arith.select %and3A_1841, %add3A_1842, %rem3A_1833 : i32
        %mul3A_1844 = arith.constant 128 : i32
        %mul3A_1845 = arith.muli %select_n3A_1843, %mul3A_1844 : i32
        %mul3A_1846 = arith.constant 64 : i32
        %mul3A_1847 = arith.muli %select_n3A_1827, %mul3A_1846 : i32
        %dma_wait3A_1848 = tpu.memref_slice %arg4[%mul3A_1847, %mul3A_1845] : memref<3200x16384xf32, #tpu.memory_space<hbm>> -> memref<64x128xf32, #tpu.memory_space<hbm>>
        %dma_wait3A_1849 = tpu.memref_slice %arg4[%mul3A_1847, %mul3A_1845] : memref<3200x16384xf32, #tpu.memory_space<hbm>> -> memref<64x128xf32, #tpu.memory_space<hbm>>
        tpu.wait_dma2 semaphore(%arg36 : memref<!tpu.dma_semaphore, #tpu.memory_space<semaphore_mem>>) src(%arg24 : memref<64x128xf32, #tpu.memory_space<vmem>>) dst(%dma_wait3A_1849 : memref<64x128xf32, #tpu.memory_space<hbm>>)
      } else {
      }
      %scan3A_1744 = arith.constant 0 : i32
      %scan3A_1745 = arith.constant 8 : i32
      %scan3A_1746 = arith.addi %scan3A_1744, %scan3A_1745 : i32
      %scan3A_1747 = arith.constant 1 : i32
      scf.for %scan3A_1802 = %scan3A_1744 to %scan3A_1746 step %scan3A_1747  : i32 {
        %mul3A_1803 = arith.constant 1 : i32
        %mul3A_1804 = arith.muli %scan3A_1802, %mul3A_1803 : i32
        %add3A_1805 = arith.constant 0 : i32
        %add3A_1806 = arith.addi %add3A_1805, %mul3A_1804 : i32
        %mul3A_1807 = arith.constant 16 : i32
        %mul3A_1808 = arith.muli %add3A_1806, %mul3A_1807 : i32
        %add3A_1809 = vector.broadcast %mul3A_1808 : i32 to vector<16xi32>
        %add3A_1810 = arith.addi %add3A_1809, %iota3A : vector<16xi32>
        %get3A_1811 = arith.index_cast %add3A_1806 : i32 to index
        %get3A_1812 = arith.constant 0 : index
        %get3A_1813 = tpu.vector_load %arg16[%get3A_1811, %get3A_1812] {strides = array<i32>} : memref<8x16xi32, #tpu.memory_space<vmem>>, vector<16xi32>,
        %parallel_loop3A = arith.constant 0 : i32
        %parallel_loop3A_1814 = arith.constant 64 : i32
        %parallel_loop3A_1815 = arith.constant 16 : i32
        scf.for %parallel_loop3A_1816 = %parallel_loop3A to %parallel_loop3A_1814 step %parallel_loop3A_1815  : i32 {
          %parallel_loop3A_1817 = vector.broadcast %parallel_loop3A_1816 : i32 to vector<16xi32>
          %parallel_loop3A_1818 = arith.addi %get3A_1813, %parallel_loop3A_1817 : vector<16xi32>
          %parallel_loop3A_1819 = arith.addi %parallel_loop3A_1818, %and3A_31 : vector<16xi32>
          %parallel_loop3A_1820 = tpu.vector_load_idx %arg20[%add3A_1810, %parallel_loop3A_1819] : memref<128x128xf32, #tpu.memory_space<vmem>>[vector<16xi32>, vector<16xi32>], vector<16xf32>,
          %parallel_loop3A_1821 = vector.broadcast %parallel_loop3A_1816 : i32 to vector<16xi32>
          %parallel_loop3A_1822 = arith.addi %parallel_loop3A_1821, %and3A_31 : vector<16xi32>
          %parallel_loop3A_1823 = arith.constant 8.000000e+00 : f32
          %parallel_loop3A_1824 = vector.broadcast %parallel_loop3A_1823 : f32 to vector<16xf32>
          %parallel_loop3A_1825 = arith.mulf %parallel_loop3A_1820, %parallel_loop3A_1824 : vector<16xf32>
          tpu.vector_store_idx %arg24[%parallel_loop3A_1822, %add3A_1810], %parallel_loop3A_1825 : memref<64x128xf32, #tpu.memory_space<vmem>>[vector<16xi32>, vector<16xi32>], vector<16xf32>,
          %parallel_loop3A_1826 = arith.addi %parallel_loop3A_1818, %and3A_37 : vector<16xi32>
          %parallel_loop3A_1827 = tpu.vector_load_idx %arg20[%add3A_1810, %parallel_loop3A_1826] : memref<128x128xf32, #tpu.memory_space<vmem>>[vector<16xi32>, vector<16xi32>], vector<16xf32>,
          %parallel_loop3A_1828 = vector.broadcast %parallel_loop3A_1816 : i32 to vector<16xi32>
          %parallel_loop3A_1829 = arith.addi %parallel_loop3A_1828, %and3A_37 : vector<16xi32>
          %parallel_loop3A_1830 = arith.constant 8.000000e+00 : f32
          %parallel_loop3A_1831 = vector.broadcast %parallel_loop3A_1830 : f32 to vector<16xf32>
          %parallel_loop3A_1832 = arith.mulf %parallel_loop3A_1827, %parallel_loop3A_1831 : vector<16xf32>
          tpu.vector_store_idx %arg24[%parallel_loop3A_1829, %add3A_1810], %parallel_loop3A_1832 : memref<64x128xf32, #tpu.memory_space<vmem>>[vector<16xi32>, vector<16xi32>], vector<16xf32>,
          %parallel_loop3A_1833 = arith.addi %parallel_loop3A_1818, %and3A_43 : vector<16xi32>
          %parallel_loop3A_1834 = tpu.vector_load_idx %arg20[%add3A_1810, %parallel_loop3A_1833] : memref<128x128xf32, #tpu.memory_space<vmem>>[vector<16xi32>, vector<16xi32>], vector<16xf32>,
          %parallel_loop3A_1835 = vector.broadcast %parallel_loop3A_1816 : i32 to vector<16xi32>
          %parallel_loop3A_1836 = arith.addi %parallel_loop3A_1835, %and3A_43 : vector<16xi32>
          %parallel_loop3A_1837 = arith.constant 8.000000e+00 : f32
          %parallel_loop3A_1838 = vector.broadcast %parallel_loop3A_1837 : f32 to vector<16xf32>
          %parallel_loop3A_1839 = arith.mulf %parallel_loop3A_1834, %parallel_loop3A_1838 : vector<16xf32>
          tpu.vector_store_idx %arg24[%parallel_loop3A_1836, %add3A_1810], %parallel_loop3A_1839 : memref<64x128xf32, #tpu.memory_space<vmem>>[vector<16xi32>, vector<16xi32>], vector<16xf32>,
          %parallel_loop3A_1840 = arith.addi %parallel_loop3A_1818, %and3A_49 : vector<16xi32>
          %parallel_loop3A_1841 = tpu.vector_load_idx %arg20[%add3A_1810, %parallel_loop3A_1840] : memref<128x128xf32, #tpu.memory_space<vmem>>[vector<16xi32>, vector<16xi32>], vector<16xf32>,
          %parallel_loop3A_1842 = vector.broadcast %parallel_loop3A_1816 : i32 to vector<16xi32>
          %parallel_loop3A_1843 = arith.addi %parallel_loop3A_1842, %and3A_49 : vector<16xi32>
          %parallel_loop3A_1844 = arith.constant 8.000000e+00 : f32
          %parallel_loop3A_1845 = vector.broadcast %parallel_loop3A_1844 : f32 to vector<16xf32>
          %parallel_loop3A_1846 = arith.mulf %parallel_loop3A_1841, %parallel_loop3A_1845 : vector<16xf32>
          tpu.vector_store_idx %arg24[%parallel_loop3A_1843, %add3A_1810], %parallel_loop3A_1846 : memref<64x128xf32, #tpu.memory_space<vmem>>[vector<16xi32>, vector<16xi32>], vector<16xf32>,
          %parallel_loop3A_1847 = arith.addi %parallel_loop3A_1818, %and3A_55 : vector<16xi32>
          %parallel_loop3A_1848 = tpu.vector_load_idx %arg20[%add3A_1810, %parallel_loop3A_1847] : memref<128x128xf32, #tpu.memory_space<vmem>>[vector<16xi32>, vector<16xi32>], vector<16xf32>,
          %parallel_loop3A_1849 = vector.broadcast %parallel_loop3A_1816 : i32 to vector<16xi32>
          %parallel_loop3A_1850 = arith.addi %parallel_loop3A_1849, %and3A_55 : vector<16xi32>
          %parallel_loop3A_1851 = arith.constant 8.000000e+00 : f32
          %parallel_loop3A_1852 = vector.broadcast %parallel_loop3A_1851 : f32 to vector<16xf32>
          %parallel_loop3A_1853 = arith.mulf %parallel_loop3A_1848, %parallel_loop3A_1852 : vector<16xf32>
          tpu.vector_store_idx %arg24[%parallel_loop3A_1850, %add3A_1810], %parallel_loop3A_1853 : memref<64x128xf32, #tpu.memory_space<vmem>>[vector<16xi32>, vector<16xi32>], vector<16xf32>,
          %parallel_loop3A_1854 = arith.addi %parallel_loop3A_1818, %and3A_61 : vector<16xi32>
          %parallel_loop3A_1855 = tpu.vector_load_idx %arg20[%add3A_1810, %parallel_loop3A_1854] : memref<128x128xf32, #tpu.memory_space<vmem>>[vector<16xi32>, vector<16xi32>], vector<16xf32>,
          %parallel_loop3A_1856 = vector.broadcast %parallel_loop3A_1816 : i32 to vector<16xi32>
          %parallel_loop3A_1857 = arith.addi %parallel_loop3A_1856, %and3A_61 : vector<16xi32>
          %parallel_loop3A_1858 = arith.constant 8.000000e+00 : f32
          %parallel_loop3A_1859 = vector.broadcast %parallel_loop3A_1858 : f32 to vector<16xf32>
          %parallel_loop3A_1860 = arith.mulf %parallel_loop3A_1855, %parallel_loop3A_1859 : vector<16xf32>
          tpu.vector_store_idx %arg24[%parallel_loop3A_1857, %add3A_1810], %parallel_loop3A_1860 : memref<64x128xf32, #tpu.memory_space<vmem>>[vector<16xi32>, vector<16xi32>], vector<16xf32>,
          %parallel_loop3A_1861 = arith.addi %parallel_loop3A_1818, %and3A_67 : vector<16xi32>
          %parallel_loop3A_1862 = tpu.vector_load_idx %arg20[%add3A_1810, %parallel_loop3A_1861] : memref<128x128xf32, #tpu.memory_space<vmem>>[vector<16xi32>, vector<16xi32>], vector<16xf32>,
          %parallel_loop3A_1863 = vector.broadcast %parallel_loop3A_1816 : i32 to vector<16xi32>
          %parallel_loop3A_1864 = arith.addi %parallel_loop3A_1863, %and3A_67 : vector<16xi32>
          %parallel_loop3A_1865 = arith.constant 8.000000e+00 : f32
          %parallel_loop3A_1866 = vector.broadcast %parallel_loop3A_1865 : f32 to vector<16xf32>
          %parallel_loop3A_1867 = arith.mulf %parallel_loop3A_1862, %parallel_loop3A_1866 : vector<16xf32>
          tpu.vector_store_idx %arg24[%parallel_loop3A_1864, %add3A_1810], %parallel_loop3A_1867 : memref<64x128xf32, #tpu.memory_space<vmem>>[vector<16xi32>, vector<16xi32>], vector<16xf32>,
          %parallel_loop3A_1868 = arith.addi %parallel_loop3A_1818, %and3A_73 : vector<16xi32>
          %parallel_loop3A_1869 = tpu.vector_load_idx %arg20[%add3A_1810, %parallel_loop3A_1868] : memref<128x128xf32, #tpu.memory_space<vmem>>[vector<16xi32>, vector<16xi32>], vector<16xf32>,
          %parallel_loop3A_1870 = vector.broadcast %parallel_loop3A_1816 : i32 to vector<16xi32>
          %parallel_loop3A_1871 = arith.addi %parallel_loop3A_1870, %and3A_73 : vector<16xi32>
          %parallel_loop3A_1872 = arith.constant 8.000000e+00 : f32
          %parallel_loop3A_1873 = vector.broadcast %parallel_loop3A_1872 : f32 to vector<16xf32>
          %parallel_loop3A_1874 = arith.mulf %parallel_loop3A_1869, %parallel_loop3A_1873 : vector<16xf32>
          tpu.vector_store_idx %arg24[%parallel_loop3A_1871, %add3A_1810], %parallel_loop3A_1874 : memref<64x128xf32, #tpu.memory_space<vmem>>[vector<16xi32>, vector<16xi32>], vector<16xf32>,
          %parallel_loop3A_1875 = arith.addi %parallel_loop3A_1818, %and3A_79 : vector<16xi32>
          %parallel_loop3A_1876 = tpu.vector_load_idx %arg20[%add3A_1810, %parallel_loop3A_1875] : memref<128x128xf32, #tpu.memory_space<vmem>>[vector<16xi32>, vector<16xi32>], vector<16xf32>,
          %parallel_loop3A_1877 = vector.broadcast %parallel_loop3A_1816 : i32 to vector<16xi32>
          %parallel_loop3A_1878 = arith.addi %parallel_loop3A_1877, %and3A_79 : vector<16xi32>
          %parallel_loop3A_1879 = arith.constant 8.000000e+00 : f32
          %parallel_loop3A_1880 = vector.broadcast %parallel_loop3A_1879 : f32 to vector<16xf32>
          %parallel_loop3A_1881 = arith.mulf %parallel_loop3A_1876, %parallel_loop3A_1880 : vector<16xf32>
          tpu.vector_store_idx %arg24[%parallel_loop3A_1878, %add3A_1810], %parallel_loop3A_1881 : memref<64x128xf32, #tpu.memory_space<vmem>>[vector<16xi32>, vector<16xi32>], vector<16xf32>,
          %parallel_loop3A_1882 = arith.addi %parallel_loop3A_1818, %and3A_85 : vector<16xi32>
          %parallel_loop3A_1883 = tpu.vector_load_idx %arg20[%add3A_1810, %parallel_loop3A_1882] : memref<128x128xf32, #tpu.memory_space<vmem>>[vector<16xi32>, vector<16xi32>], vector<16xf32>,
          %parallel_loop3A_1884 = vector.broadcast %parallel_loop3A_1816 : i32 to vector<16xi32>
          %parallel_loop3A_1885 = arith.addi %parallel_loop3A_1884, %and3A_85 : vector<16xi32>
          %parallel_loop3A_1886 = arith.constant 8.000000e+00 : f32
          %parallel_loop3A_1887 = vector.broadcast %parallel_loop3A_1886 : f32 to vector<16xf32>
          %parallel_loop3A_1888 = arith.mulf %parallel_loop3A_1883, %parallel_loop3A_1887 : vector<16xf32>
          tpu.vector_store_idx %arg24[%parallel_loop3A_1885, %add3A_1810], %parallel_loop3A_1888 : memref<64x128xf32, #tpu.memory_space<vmem>>[vector<16xi32>, vector<16xi32>], vector<16xf32>,
          %parallel_loop3A_1889 = arith.addi %parallel_loop3A_1818, %and3A_91 : vector<16xi32>
          %parallel_loop3A_1890 = tpu.vector_load_idx %arg20[%add3A_1810, %parallel_loop3A_1889] : memref<128x128xf32, #tpu.memory_space<vmem>>[vector<16xi32>, vector<16xi32>], vector<16xf32>,
          %parallel_loop3A_1891 = vector.broadcast %parallel_loop3A_1816 : i32 to vector<16xi32>
          %parallel_loop3A_1892 = arith.addi %parallel_loop3A_1891, %and3A_91 : vector<16xi32>
          %parallel_loop3A_1893 = arith.constant 8.000000e+00 : f32
          %parallel_loop3A_1894 = vector.broadcast %parallel_loop3A_1893 : f32 to vector<16xf32>
          %parallel_loop3A_1895 = arith.mulf %parallel_loop3A_1890, %parallel_loop3A_1894 : vector<16xf32>
          tpu.vector_store_idx %arg24[%parallel_loop3A_1892, %add3A_1810], %parallel_loop3A_1895 : memref<64x128xf32, #tpu.memory_space<vmem>>[vector<16xi32>, vector<16xi32>], vector<16xf32>,
          %parallel_loop3A_1896 = arith.addi %parallel_loop3A_1818, %and3A_97 : vector<16xi32>
          %parallel_loop3A_1897 = tpu.vector_load_idx %arg20[%add3A_1810, %parallel_loop3A_1896] : memref<128x128xf32, #tpu.memory_space<vmem>>[vector<16xi32>, vector<16xi32>], vector<16xf32>,
          %parallel_loop3A_1898 = vector.broadcast %parallel_loop3A_1816 : i32 to vector<16xi32>
          %parallel_loop3A_1899 = arith.addi %parallel_loop3A_1898, %and3A_97 : vector<16xi32>
          %parallel_loop3A_1900 = arith.constant 8.000000e+00 : f32
          %parallel_loop3A_1901 = vector.broadcast %parallel_loop3A_1900 : f32 to vector<16xf32>
          %parallel_loop3A_1902 = arith.mulf %parallel_loop3A_1897, %parallel_loop3A_1901 : vector<16xf32>
          tpu.vector_store_idx %arg24[%parallel_loop3A_1899, %add3A_1810], %parallel_loop3A_1902 : memref<64x128xf32, #tpu.memory_space<vmem>>[vector<16xi32>, vector<16xi32>], vector<16xf32>,
          %parallel_loop3A_1903 = arith.addi %parallel_loop3A_1818, %and3A_103 : vector<16xi32>
          %parallel_loop3A_1904 = tpu.vector_load_idx %arg20[%add3A_1810, %parallel_loop3A_1903] : memref<128x128xf32, #tpu.memory_space<vmem>>[vector<16xi32>, vector<16xi32>], vector<16xf32>,
          %parallel_loop3A_1905 = vector.broadcast %parallel_loop3A_1816 : i32 to vector<16xi32>
          %parallel_loop3A_1906 = arith.addi %parallel_loop3A_1905, %and3A_103 : vector<16xi32>
          %parallel_loop3A_1907 = arith.constant 8.000000e+00 : f32
          %parallel_loop3A_1908 = vector.broadcast %parallel_loop3A_1907 : f32 to vector<16xf32>
          %parallel_loop3A_1909 = arith.mulf %parallel_loop3A_1904, %parallel_loop3A_1908 : vector<16xf32>
          tpu.vector_store_idx %arg24[%parallel_loop3A_1906, %add3A_1810], %parallel_loop3A_1909 : memref<64x128xf32, #tpu.memory_space<vmem>>[vector<16xi32>, vector<16xi32>], vector<16xf32>,
          %parallel_loop3A_1910 = arith.addi %parallel_loop3A_1818, %and3A_109 : vector<16xi32>
          %parallel_loop3A_1911 = tpu.vector_load_idx %arg20[%add3A_1810, %parallel_loop3A_1910] : memref<128x128xf32, #tpu.memory_space<vmem>>[vector<16xi32>, vector<16xi32>], vector<16xf32>,
          %parallel_loop3A_1912 = vector.broadcast %parallel_loop3A_1816 : i32 to vector<16xi32>
          %parallel_loop3A_1913 = arith.addi %parallel_loop3A_1912, %and3A_109 : vector<16xi32>
          %parallel_loop3A_1914 = arith.constant 8.000000e+00 : f32
          %parallel_loop3A_1915 = vector.broadcast %parallel_loop3A_1914 : f32 to vector<16xf32>
          %parallel_loop3A_1916 = arith.mulf %parallel_loop3A_1911, %parallel_loop3A_1915 : vector<16xf32>
          tpu.vector_store_idx %arg24[%parallel_loop3A_1913, %add3A_1810], %parallel_loop3A_1916 : memref<64x128xf32, #tpu.memory_space<vmem>>[vector<16xi32>, vector<16xi32>], vector<16xf32>,
          %parallel_loop3A_1917 = arith.addi %parallel_loop3A_1818, %and3A_115 : vector<16xi32>
          %parallel_loop3A_1918 = tpu.vector_load_idx %arg20[%add3A_1810, %parallel_loop3A_1917] : memref<128x128xf32, #tpu.memory_space<vmem>>[vector<16xi32>, vector<16xi32>], vector<16xf32>,
          %parallel_loop3A_1919 = vector.broadcast %parallel_loop3A_1816 : i32 to vector<16xi32>
          %parallel_loop3A_1920 = arith.addi %parallel_loop3A_1919, %and3A_115 : vector<16xi32>
          %parallel_loop3A_1921 = arith.constant 8.000000e+00 : f32
          %parallel_loop3A_1922 = vector.broadcast %parallel_loop3A_1921 : f32 to vector<16xf32>
          %parallel_loop3A_1923 = arith.mulf %parallel_loop3A_1918, %parallel_loop3A_1922 : vector<16xf32>
          tpu.vector_store_idx %arg24[%parallel_loop3A_1920, %add3A_1810], %parallel_loop3A_1923 : memref<64x128xf32, #tpu.memory_space<vmem>>[vector<16xi32>, vector<16xi32>], vector<16xf32>,
          %parallel_loop3A_1924 = arith.addi %parallel_loop3A_1818, %and3A_121 : vector<16xi32>
          %parallel_loop3A_1925 = tpu.vector_load_idx %arg20[%add3A_1810, %parallel_loop3A_1924] : memref<128x128xf32, #tpu.memory_space<vmem>>[vector<16xi32>, vector<16xi32>], vector<16xf32>,
          %parallel_loop3A_1926 = vector.broadcast %parallel_loop3A_1816 : i32 to vector<16xi32>
          %parallel_loop3A_1927 = arith.addi %parallel_loop3A_1926, %and3A_121 : vector<16xi32>
          %parallel_loop3A_1928 = arith.constant 8.000000e+00 : f32
          %parallel_loop3A_1929 = vector.broadcast %parallel_loop3A_1928 : f32 to vector<16xf32>
          %parallel_loop3A_1930 = arith.mulf %parallel_loop3A_1925, %parallel_loop3A_1929 : vector<16xf32>
          tpu.vector_store_idx %arg24[%parallel_loop3A_1927, %add3A_1810], %parallel_loop3A_1930 : memref<64x128xf32, #tpu.memory_space<vmem>>[vector<16xi32>, vector<16xi32>], vector<16xf32>,
        } {sc.loop_unroll_factor = 1 : i64, sc.parallel_access}
      }
      %scan3A_1748 = arith.constant 8 : i32
      %jit3A_1749 = arith.constant 128 : i32
      %div3A_1750 = arith.divsi %add3A_1728, %jit3A_1749 : i32
      %sign3A_1751 = arith.constant 0 : i32
      %sign3A_1752 = arith.cmpi sgt, %add3A_1728, %sign3A_1751 : i32
      %sign3A_1753 = arith.extui %sign3A_1752 : i1 to i32
      %sign3A_1754 = arith.constant 0 : i32
      %sign3A_1755 = arith.cmpi slt, %add3A_1728, %sign3A_1754 : i32
      %sign3A_1756 = arith.extui %sign3A_1755 : i1 to i32
      %sign3A_1757 = arith.subi %sign3A_1753, %sign3A_1756 : i32
      %sign3A_1758 = arith.constant 0 : i32
      %sign3A_1759 = arith.cmpi sgt, %jit3A_1749, %sign3A_1758 : i32
      %sign3A_1760 = arith.extui %sign3A_1759 : i1 to i32
      %sign3A_1761 = arith.constant 0 : i32
      %sign3A_1762 = arith.cmpi slt, %jit3A_1749, %sign3A_1761 : i32
      %sign3A_1763 = arith.extui %sign3A_1762 : i1 to i32
      %sign3A_1764 = arith.subi %sign3A_1760, %sign3A_1763 : i32
      %ne3A_1765 = arith.cmpi ne, %sign3A_1757, %sign3A_1764 : i32
      %rem3A_1766 = arith.remsi %add3A_1728, %jit3A_1749 : i32
      %ne3A_1767 = arith.constant 0 : i32
      %ne3A_1768 = arith.cmpi ne, %rem3A_1766, %ne3A_1767 : i32
      %and3A_1769 = arith.andi %ne3A_1765, %ne3A_1768 : i1
      %sub3A_1770 = arith.constant 1 : i32
      %sub3A_1771 = arith.subi %div3A_1750, %sub3A_1770 : i32
      %select_n3A_1772 = arith.select %and3A_1769, %sub3A_1771, %div3A_1750 : i32
      %jit3A_1773 = arith.constant 128 : i32
      %eq3A_1774 = arith.constant 0 : i32
      %eq3A_1775 = arith.cmpi eq, %jit3A_1773, %eq3A_1774 : i32
      %jit3A_1776 = arith.constant 1 : i32
      %select_n3A_1777 = arith.select %eq3A_1775, %jit3A_1776, %jit3A_1773 : i32
      %rem3A_1778 = arith.remsi %add3A_1728, %select_n3A_1777 : i32
      %ne3A_1779 = arith.constant 0 : i32
      %ne3A_1780 = arith.cmpi ne, %rem3A_1778, %ne3A_1779 : i32
      %lt3A_1781 = arith.constant 0 : i32
      %lt3A_1782 = arith.cmpi slt, %rem3A_1778, %lt3A_1781 : i32
      %lt3A_1783 = arith.constant 0 : i32
      %lt3A_1784 = arith.cmpi slt, %select_n3A_1777, %lt3A_1783 : i32
      %ne3A_1785 = arith.xori %lt3A_1782, %lt3A_1784 : i1
      %and3A_1786 = arith.andi %ne3A_1785, %ne3A_1780 : i1
      %add3A_1787 = arith.addi %rem3A_1778, %select_n3A_1777 : i32
      %select_n3A_1788 = arith.select %and3A_1786, %add3A_1787, %rem3A_1778 : i32
      %mul3A_1789 = arith.constant 128 : i32
      %mul3A_1790 = arith.muli %select_n3A_1788, %mul3A_1789 : i32
      %mul3A_1791 = arith.constant 64 : i32
      %mul3A_1792 = arith.muli %select_n3A_1772, %mul3A_1791 : i32
      %dma_start3A_1793 = tpu.memref_slice %arg4[%mul3A_1792, %mul3A_1790] : memref<3200x16384xf32, #tpu.memory_space<hbm>> -> memref<64x128xf32, #tpu.memory_space<hbm>>
      %dma_start3A_1794 = tpu.memref_slice %arg4[%mul3A_1792, %mul3A_1790] : memref<3200x16384xf32, #tpu.memory_space<hbm>> -> memref<64x128xf32, #tpu.memory_space<hbm>>
      tpu.enqueue_dma source(%arg24 : memref<64x128xf32, #tpu.memory_space<vmem>>) target(%dma_start3A_1794 : memref<64x128xf32, #tpu.memory_space<hbm>>) target_semaphore(%arg36 : memref<!tpu.dma_semaphore, #tpu.memory_space<semaphore_mem>>)
      %add3A_1795 = arith.constant 1 : i32
      %add3A_1796 = arith.addi %add3A_1492, %add3A_1795 : i32
      %lt3A_1797 = arith.constant 50 : i32
      %lt3A_1798 = arith.cmpi slt, %add3A_1796, %lt3A_1797 : i32
      %convert_element_type3A_1799 = arith.extui %lt3A_1798 : i1 to i32
      %cond3A_1800 = arith.constant 0 : i32
      %cond3A_1801 = arith.cmpi ne, %convert_element_type3A_1799, %cond3A_1800 : i32
      scf.if %cond3A_1801 {
        %add3A_1802 = arith.constant 4 : i32
        %add3A_1803 = arith.addi %add3A_1728, %add3A_1802 : i32
        %jit3A_1804 = arith.constant 128 : i32
        %div3A_1805 = arith.divsi %add3A_1803, %jit3A_1804 : i32
        %sign3A_1806 = arith.constant 0 : i32
        %sign3A_1807 = arith.cmpi sgt, %add3A_1803, %sign3A_1806 : i32
        %sign3A_1808 = arith.extui %sign3A_1807 : i1 to i32
        %sign3A_1809 = arith.constant 0 : i32
        %sign3A_1810 = arith.cmpi slt, %add3A_1803, %sign3A_1809 : i32
        %sign3A_1811 = arith.extui %sign3A_1810 : i1 to i32
        %sign3A_1812 = arith.subi %sign3A_1808, %sign3A_1811 : i32
        %sign3A_1813 = arith.constant 0 : i32
        %sign3A_1814 = arith.cmpi sgt, %jit3A_1804, %sign3A_1813 : i32
        %sign3A_1815 = arith.extui %sign3A_1814 : i1 to i32
        %sign3A_1816 = arith.constant 0 : i32
        %sign3A_1817 = arith.cmpi slt, %jit3A_1804, %sign3A_1816 : i32
        %sign3A_1818 = arith.extui %sign3A_1817 : i1 to i32
        %sign3A_1819 = arith.subi %sign3A_1815, %sign3A_1818 : i32
        %ne3A_1820 = arith.cmpi ne, %sign3A_1812, %sign3A_1819 : i32
        %rem3A_1821 = arith.remsi %add3A_1803, %jit3A_1804 : i32
        %ne3A_1822 = arith.constant 0 : i32
        %ne3A_1823 = arith.cmpi ne, %rem3A_1821, %ne3A_1822 : i32
        %and3A_1824 = arith.andi %ne3A_1820, %ne3A_1823 : i1
        %sub3A_1825 = arith.constant 1 : i32
        %sub3A_1826 = arith.subi %div3A_1805, %sub3A_1825 : i32
        %select_n3A_1827 = arith.select %and3A_1824, %sub3A_1826, %div3A_1805 : i32
        %jit3A_1828 = arith.constant 128 : i32
        %eq3A_1829 = arith.constant 0 : i32
        %eq3A_1830 = arith.cmpi eq, %jit3A_1828, %eq3A_1829 : i32
        %jit3A_1831 = arith.constant 1 : i32
        %select_n3A_1832 = arith.select %eq3A_1830, %jit3A_1831, %jit3A_1828 : i32
        %rem3A_1833 = arith.remsi %add3A_1803, %select_n3A_1832 : i32
        %ne3A_1834 = arith.constant 0 : i32
        %ne3A_1835 = arith.cmpi ne, %rem3A_1833, %ne3A_1834 : i32
        %lt3A_1836 = arith.constant 0 : i32
        %lt3A_1837 = arith.cmpi slt, %rem3A_1833, %lt3A_1836 : i32
        %lt3A_1838 = arith.constant 0 : i32
        %lt3A_1839 = arith.cmpi slt, %select_n3A_1832, %lt3A_1838 : i32
        %ne3A_1840 = arith.xori %lt3A_1837, %lt3A_1839 : i1
        %and3A_1841 = arith.andi %ne3A_1840, %ne3A_1835 : i1
        %add3A_1842 = arith.addi %rem3A_1833, %select_n3A_1832 : i32
        %select_n3A_1843 = arith.select %and3A_1841, %add3A_1842, %rem3A_1833 : i32
        %mul3A_1844 = arith.constant 128 : i32
        %mul3A_1845 = arith.muli %select_n3A_1843, %mul3A_1844 : i32
        %jit3A_1846 = arith.constant 8 : i32
        %div3A_1847 = arith.divsi %select_n3A_1827, %jit3A_1846 : i32
        %sign3A_1848 = arith.constant 0 : i32
        %sign3A_1849 = arith.cmpi sgt, %select_n3A_1827, %sign3A_1848 : i32
        %sign3A_1850 = arith.extui %sign3A_1849 : i1 to i32
        %sign3A_1851 = arith.constant 0 : i32
        %sign3A_1852 = arith.cmpi slt, %select_n3A_1827, %sign3A_1851 : i32
        %sign3A_1853 = arith.extui %sign3A_1852 : i1 to i32
        %sign3A_1854 = arith.subi %sign3A_1850, %sign3A_1853 : i32
        %sign3A_1855 = arith.constant 0 : i32
        %sign3A_1856 = arith.cmpi sgt, %jit3A_1846, %sign3A_1855 : i32
        %sign3A_1857 = arith.extui %sign3A_1856 : i1 to i32
        %sign3A_1858 = arith.constant 0 : i32
        %sign3A_1859 = arith.cmpi slt, %jit3A_1846, %sign3A_1858 : i32
        %sign3A_1860 = arith.extui %sign3A_1859 : i1 to i32
        %sign3A_1861 = arith.subi %sign3A_1857, %sign3A_1860 : i32
        %ne3A_1862 = arith.cmpi ne, %sign3A_1854, %sign3A_1861 : i32
        %rem3A_1863 = arith.remsi %select_n3A_1827, %jit3A_1846 : i32
        %ne3A_1864 = arith.constant 0 : i32
        %ne3A_1865 = arith.cmpi ne, %rem3A_1863, %ne3A_1864 : i32
        %and3A_1866 = arith.andi %ne3A_1862, %ne3A_1865 : i1
        %sub3A_1867 = arith.constant 1 : i32
        %sub3A_1868 = arith.subi %div3A_1847, %sub3A_1867 : i32
        %select_n3A_1869 = arith.select %and3A_1866, %sub3A_1868, %div3A_1847 : i32
        %mul3A_1870 = arith.constant 8 : i32
        %mul3A_1871 = arith.muli %select_n3A_1869, %mul3A_1870 : i32
        %dma_wait3A_1872 = tpu.memref_slice %arg3[%mul3A_1871, %mul3A_1845] : memref<50x16384xi32, #tpu.memory_space<hbm>> -> memref<8x128xi32, #tpu.memory_space<hbm>>
        %dma_wait3A_1873 = tpu.memref_slice %arg3[%mul3A_1871, %mul3A_1845] : memref<50x16384xi32, #tpu.memory_space<hbm>> -> memref<8x128xi32, #tpu.memory_space<hbm>>
        tpu.wait_dma2 semaphore(%arg28 : memref<!tpu.dma_semaphore, #tpu.memory_space<semaphore_mem>>) src(%dma_wait3A_1873 : memref<8x128xi32, #tpu.memory_space<hbm>>) dst(%arg8 : memref<8x128xi32, #tpu.memory_space<vmem>>)
        %sub3A_1874 = arith.subi %select_n3A_1827, %mul3A_1871 : i32
        %get3A_1875 = arith.index_cast %sub3A_1874 : i32 to index
        %get3A_1876 = arith.constant 0 : index
        %get3A_1877 = tpu.vector_load %arg8[%get3A_1875, %get3A_1876] {strides = array<i32>} : memref<8x128xi32, #tpu.memory_space<vmem>>, vector<16xi32>,
        %shift_right_arithmetic3A_1878 = arith.constant 1 : i32
        %shift_right_arithmetic3A_1879 = vector.broadcast %shift_right_arithmetic3A_1878 : i32 to vector<16xi32>
        %shift_right_arithmetic3A_1880 = arith.shrsi %get3A_1877, %shift_right_arithmetic3A_1879 : vector<16xi32>
        %swap3A_1881 = arith.constant 0 : index
        %swap3A_1882 = tpu.vector_load %arg12[%swap3A_1881] {strides = array<i32>} : memref<128xi32, #tpu.memory_space<vmem>>, vector<16xi32>,
        tpu.vector_store %arg12[%swap3A_1881], %shift_right_arithmetic3A_1880 {strides = array<i32>} : memref<128xi32, #tpu.memory_space<vmem>>, vector<16xi32>,
        %and3A_1883 = arith.constant 1 : i32
        %and3A_1884 = vector.broadcast %and3A_1883 : i32 to vector<16xi32>
        %and3A_1885 = arith.andi %get3A_1877, %and3A_1884 : vector<16xi32>
        %mul3A_1886 = arith.constant 64 : i32
        %mul3A_1887 = vector.broadcast %mul3A_1886 : i32 to vector<16xi32>
        %mul3A_1888 = arith.muli %and3A_1885, %mul3A_1887 : vector<16xi32>
        %swap3A_1889 = arith.constant 0 : i32
        %swap3A_1890 = arith.index_cast %swap3A_1889 : i32 to index
        %swap3A_1891 = arith.constant 0 : index
        %swap3A_1892 = tpu.vector_load %arg16[%swap3A_1890, %swap3A_1891] {strides = array<i32>} : memref<8x16xi32, #tpu.memory_space<vmem>>, vector<16xi32>,
        tpu.vector_store %arg16[%swap3A_1890, %swap3A_1891], %mul3A_1888 {strides = array<i32>} : memref<8x16xi32, #tpu.memory_space<vmem>>, vector<16xi32>,
        %get3A_1893 = arith.index_cast %sub3A_1874 : i32 to index
        %get3A_1894 = arith.constant 16 : index
        %get3A_1895 = tpu.vector_load %arg8[%get3A_1893, %get3A_1894] {strides = array<i32>} : memref<8x128xi32, #tpu.memory_space<vmem>>, vector<16xi32>,
        %shift_right_arithmetic3A_1896 = arith.constant 1 : i32
        %shift_right_arithmetic3A_1897 = vector.broadcast %shift_right_arithmetic3A_1896 : i32 to vector<16xi32>
        %shift_right_arithmetic3A_1898 = arith.shrsi %get3A_1895, %shift_right_arithmetic3A_1897 : vector<16xi32>
        %swap3A_1899 = arith.constant 16 : index
        %swap3A_1900 = tpu.vector_load %arg12[%swap3A_1899] {strides = array<i32>} : memref<128xi32, #tpu.memory_space<vmem>>, vector<16xi32>,
        tpu.vector_store %arg12[%swap3A_1899], %shift_right_arithmetic3A_1898 {strides = array<i32>} : memref<128xi32, #tpu.memory_space<vmem>>, vector<16xi32>,
        %and3A_1901 = arith.constant 1 : i32
        %and3A_1902 = vector.broadcast %and3A_1901 : i32 to vector<16xi32>
        %and3A_1903 = arith.andi %get3A_1895, %and3A_1902 : vector<16xi32>
        %mul3A_1904 = arith.constant 64 : i32
        %mul3A_1905 = vector.broadcast %mul3A_1904 : i32 to vector<16xi32>
        %mul3A_1906 = arith.muli %and3A_1903, %mul3A_1905 : vector<16xi32>
        %swap3A_1907 = arith.constant 1 : i32
        %swap3A_1908 = arith.index_cast %swap3A_1907 : i32 to index
        %swap3A_1909 = arith.constant 0 : index
        %swap3A_1910 = tpu.vector_load %arg16[%swap3A_1908, %swap3A_1909] {strides = array<i32>} : memref<8x16xi32, #tpu.memory_space<vmem>>, vector<16xi32>,
        tpu.vector_store %arg16[%swap3A_1908, %swap3A_1909], %mul3A_1906 {strides = array<i32>} : memref<8x16xi32, #tpu.memory_space<vmem>>, vector<16xi32>,
        %get3A_1911 = arith.index_cast %sub3A_1874 : i32 to index
        %get3A_1912 = arith.constant 32 : index
        %get3A_1913 = tpu.vector_load %arg8[%get3A_1911, %get3A_1912] {strides = array<i32>} : memref<8x128xi32, #tpu.memory_space<vmem>>, vector<16xi32>,
        %shift_right_arithmetic3A_1914 = arith.constant 1 : i32
        %shift_right_arithmetic3A_1915 = vector.broadcast %shift_right_arithmetic3A_1914 : i32 to vector<16xi32>
        %shift_right_arithmetic3A_1916 = arith.shrsi %get3A_1913, %shift_right_arithmetic3A_1915 : vector<16xi32>
        %swap3A_1917 = arith.constant 32 : index
        %swap3A_1918 = tpu.vector_load %arg12[%swap3A_1917] {strides = array<i32>} : memref<128xi32, #tpu.memory_space<vmem>>, vector<16xi32>,
        tpu.vector_store %arg12[%swap3A_1917], %shift_right_arithmetic3A_1916 {strides = array<i32>} : memref<128xi32, #tpu.memory_space<vmem>>, vector<16xi32>,
        %and3A_1919 = arith.constant 1 : i32
        %and3A_1920 = vector.broadcast %and3A_1919 : i32 to vector<16xi32>
        %and3A_1921 = arith.andi %get3A_1913, %and3A_1920 : vector<16xi32>
        %mul3A_1922 = arith.constant 64 : i32
        %mul3A_1923 = vector.broadcast %mul3A_1922 : i32 to vector<16xi32>
        %mul3A_1924 = arith.muli %and3A_1921, %mul3A_1923 : vector<16xi32>
        %swap3A_1925 = arith.constant 2 : i32
        %swap3A_1926 = arith.index_cast %swap3A_1925 : i32 to index
        %swap3A_1927 = arith.constant 0 : index
        %swap3A_1928 = tpu.vector_load %arg16[%swap3A_1926, %swap3A_1927] {strides = array<i32>} : memref<8x16xi32, #tpu.memory_space<vmem>>, vector<16xi32>,
        tpu.vector_store %arg16[%swap3A_1926, %swap3A_1927], %mul3A_1924 {strides = array<i32>} : memref<8x16xi32, #tpu.memory_space<vmem>>, vector<16xi32>,
        %get3A_1929 = arith.index_cast %sub3A_1874 : i32 to index
        %get3A_1930 = arith.constant 48 : index
        %get3A_1931 = tpu.vector_load %arg8[%get3A_1929, %get3A_1930] {strides = array<i32>} : memref<8x128xi32, #tpu.memory_space<vmem>>, vector<16xi32>,
        %shift_right_arithmetic3A_1932 = arith.constant 1 : i32
        %shift_right_arithmetic3A_1933 = vector.broadcast %shift_right_arithmetic3A_1932 : i32 to vector<16xi32>
        %shift_right_arithmetic3A_1934 = arith.shrsi %get3A_1931, %shift_right_arithmetic3A_1933 : vector<16xi32>
        %swap3A_1935 = arith.constant 48 : index
        %swap3A_1936 = tpu.vector_load %arg12[%swap3A_1935] {strides = array<i32>} : memref<128xi32, #tpu.memory_space<vmem>>, vector<16xi32>,
        tpu.vector_store %arg12[%swap3A_1935], %shift_right_arithmetic3A_1934 {strides = array<i32>} : memref<128xi32, #tpu.memory_space<vmem>>, vector<16xi32>,
        %and3A_1937 = arith.constant 1 : i32
        %and3A_1938 = vector.broadcast %and3A_1937 : i32 to vector<16xi32>
        %and3A_1939 = arith.andi %get3A_1931, %and3A_1938 : vector<16xi32>
        %mul3A_1940 = arith.constant 64 : i32
        %mul3A_1941 = vector.broadcast %mul3A_1940 : i32 to vector<16xi32>
        %mul3A_1942 = arith.muli %and3A_1939, %mul3A_1941 : vector<16xi32>
        %swap3A_1943 = arith.constant 3 : i32
        %swap3A_1944 = arith.index_cast %swap3A_1943 : i32 to index
        %swap3A_1945 = arith.constant 0 : index
        %swap3A_1946 = tpu.vector_load %arg16[%swap3A_1944, %swap3A_1945] {strides = array<i32>} : memref<8x16xi32, #tpu.memory_space<vmem>>, vector<16xi32>,
        tpu.vector_store %arg16[%swap3A_1944, %swap3A_1945], %mul3A_1942 {strides = array<i32>} : memref<8x16xi32, #tpu.memory_space<vmem>>, vector<16xi32>,
        %get3A_1947 = arith.index_cast %sub3A_1874 : i32 to index
        %get3A_1948 = arith.constant 64 : index
        %get3A_1949 = tpu.vector_load %arg8[%get3A_1947, %get3A_1948] {strides = array<i32>} : memref<8x128xi32, #tpu.memory_space<vmem>>, vector<16xi32>,
        %shift_right_arithmetic3A_1950 = arith.constant 1 : i32
        %shift_right_arithmetic3A_1951 = vector.broadcast %shift_right_arithmetic3A_1950 : i32 to vector<16xi32>
        %shift_right_arithmetic3A_1952 = arith.shrsi %get3A_1949, %shift_right_arithmetic3A_1951 : vector<16xi32>
        %swap3A_1953 = arith.constant 64 : index
        %swap3A_1954 = tpu.vector_load %arg12[%swap3A_1953] {strides = array<i32>} : memref<128xi32, #tpu.memory_space<vmem>>, vector<16xi32>,
        tpu.vector_store %arg12[%swap3A_1953], %shift_right_arithmetic3A_1952 {strides = array<i32>} : memref<128xi32, #tpu.memory_space<vmem>>, vector<16xi32>,
        %and3A_1955 = arith.constant 1 : i32
        %and3A_1956 = vector.broadcast %and3A_1955 : i32 to vector<16xi32>
        %and3A_1957 = arith.andi %get3A_1949, %and3A_1956 : vector<16xi32>
        %mul3A_1958 = arith.constant 64 : i32
        %mul3A_1959 = vector.broadcast %mul3A_1958 : i32 to vector<16xi32>
        %mul3A_1960 = arith.muli %and3A_1957, %mul3A_1959 : vector<16xi32>
        %swap3A_1961 = arith.constant 4 : i32
        %swap3A_1962 = arith.index_cast %swap3A_1961 : i32 to index
        %swap3A_1963 = arith.constant 0 : index
        %swap3A_1964 = tpu.vector_load %arg16[%swap3A_1962, %swap3A_1963] {strides = array<i32>} : memref<8x16xi32, #tpu.memory_space<vmem>>, vector<16xi32>,
        tpu.vector_store %arg16[%swap3A_1962, %swap3A_1963], %mul3A_1960 {strides = array<i32>} : memref<8x16xi32, #tpu.memory_space<vmem>>, vector<16xi32>,
        %get3A_1965 = arith.index_cast %sub3A_1874 : i32 to index
        %get3A_1966 = arith.constant 80 : index
        %get3A_1967 = tpu.vector_load %arg8[%get3A_1965, %get3A_1966] {strides = array<i32>} : memref<8x128xi32, #tpu.memory_space<vmem>>, vector<16xi32>,
        %shift_right_arithmetic3A_1968 = arith.constant 1 : i32
        %shift_right_arithmetic3A_1969 = vector.broadcast %shift_right_arithmetic3A_1968 : i32 to vector<16xi32>
        %shift_right_arithmetic3A_1970 = arith.shrsi %get3A_1967, %shift_right_arithmetic3A_1969 : vector<16xi32>
        %swap3A_1971 = arith.constant 80 : index
        %swap3A_1972 = tpu.vector_load %arg12[%swap3A_1971] {strides = array<i32>} : memref<128xi32, #tpu.memory_space<vmem>>, vector<16xi32>,
        tpu.vector_store %arg12[%swap3A_1971], %shift_right_arithmetic3A_1970 {strides = array<i32>} : memref<128xi32, #tpu.memory_space<vmem>>, vector<16xi32>,
        %and3A_1973 = arith.constant 1 : i32
        %and3A_1974 = vector.broadcast %and3A_1973 : i32 to vector<16xi32>
        %and3A_1975 = arith.andi %get3A_1967, %and3A_1974 : vector<16xi32>
        %mul3A_1976 = arith.constant 64 : i32
        %mul3A_1977 = vector.broadcast %mul3A_1976 : i32 to vector<16xi32>
        %mul3A_1978 = arith.muli %and3A_1975, %mul3A_1977 : vector<16xi32>
        %swap3A_1979 = arith.constant 5 : i32
        %swap3A_1980 = arith.index_cast %swap3A_1979 : i32 to index
        %swap3A_1981 = arith.constant 0 : index
        %swap3A_1982 = tpu.vector_load %arg16[%swap3A_1980, %swap3A_1981] {strides = array<i32>} : memref<8x16xi32, #tpu.memory_space<vmem>>, vector<16xi32>,
        tpu.vector_store %arg16[%swap3A_1980, %swap3A_1981], %mul3A_1978 {strides = array<i32>} : memref<8x16xi32, #tpu.memory_space<vmem>>, vector<16xi32>,
        %get3A_1983 = arith.index_cast %sub3A_1874 : i32 to index
        %get3A_1984 = arith.constant 96 : index
        %get3A_1985 = tpu.vector_load %arg8[%get3A_1983, %get3A_1984] {strides = array<i32>} : memref<8x128xi32, #tpu.memory_space<vmem>>, vector<16xi32>,
        %shift_right_arithmetic3A_1986 = arith.constant 1 : i32
        %shift_right_arithmetic3A_1987 = vector.broadcast %shift_right_arithmetic3A_1986 : i32 to vector<16xi32>
        %shift_right_arithmetic3A_1988 = arith.shrsi %get3A_1985, %shift_right_arithmetic3A_1987 : vector<16xi32>
        %swap3A_1989 = arith.constant 96 : index
        %swap3A_1990 = tpu.vector_load %arg12[%swap3A_1989] {strides = array<i32>} : memref<128xi32, #tpu.memory_space<vmem>>, vector<16xi32>,
        tpu.vector_store %arg12[%swap3A_1989], %shift_right_arithmetic3A_1988 {strides = array<i32>} : memref<128xi32, #tpu.memory_space<vmem>>, vector<16xi32>,
        %and3A_1991 = arith.constant 1 : i32
        %and3A_1992 = vector.broadcast %and3A_1991 : i32 to vector<16xi32>
        %and3A_1993 = arith.andi %get3A_1985, %and3A_1992 : vector<16xi32>
        %mul3A_1994 = arith.constant 64 : i32
        %mul3A_1995 = vector.broadcast %mul3A_1994 : i32 to vector<16xi32>
        %mul3A_1996 = arith.muli %and3A_1993, %mul3A_1995 : vector<16xi32>
        %swap3A_1997 = arith.constant 6 : i32
        %swap3A_1998 = arith.index_cast %swap3A_1997 : i32 to index
        %swap3A_1999 = arith.constant 0 : index
        %swap3A_2000 = tpu.vector_load %arg16[%swap3A_1998, %swap3A_1999] {strides = array<i32>} : memref<8x16xi32, #tpu.memory_space<vmem>>, vector<16xi32>,
        tpu.vector_store %arg16[%swap3A_1998, %swap3A_1999], %mul3A_1996 {strides = array<i32>} : memref<8x16xi32, #tpu.memory_space<vmem>>, vector<16xi32>,
        %get3A_2001 = arith.index_cast %sub3A_1874 : i32 to index
        %get3A_2002 = arith.constant 112 : index
        %get3A_2003 = tpu.vector_load %arg8[%get3A_2001, %get3A_2002] {strides = array<i32>} : memref<8x128xi32, #tpu.memory_space<vmem>>, vector<16xi32>,
        %shift_right_arithmetic3A_2004 = arith.constant 1 : i32
        %shift_right_arithmetic3A_2005 = vector.broadcast %shift_right_arithmetic3A_2004 : i32 to vector<16xi32>
        %shift_right_arithmetic3A_2006 = arith.shrsi %get3A_2003, %shift_right_arithmetic3A_2005 : vector<16xi32>
        %swap3A_2007 = arith.constant 112 : index
        %swap3A_2008 = tpu.vector_load %arg12[%swap3A_2007] {strides = array<i32>} : memref<128xi32, #tpu.memory_space<vmem>>, vector<16xi32>,
        tpu.vector_store %arg12[%swap3A_2007], %shift_right_arithmetic3A_2006 {strides = array<i32>} : memref<128xi32, #tpu.memory_space<vmem>>, vector<16xi32>,
        %and3A_2009 = arith.constant 1 : i32
        %and3A_2010 = vector.broadcast %and3A_2009 : i32 to vector<16xi32>
        %and3A_2011 = arith.andi %get3A_2003, %and3A_2010 : vector<16xi32>
        %mul3A_2012 = arith.constant 64 : i32
        %mul3A_2013 = vector.broadcast %mul3A_2012 : i32 to vector<16xi32>
        %mul3A_2014 = arith.muli %and3A_2011, %mul3A_2013 : vector<16xi32>
        %swap3A_2015 = arith.constant 7 : i32
        %swap3A_2016 = arith.index_cast %swap3A_2015 : i32 to index
        %swap3A_2017 = arith.constant 0 : index
        %swap3A_2018 = tpu.vector_load %arg16[%swap3A_2016, %swap3A_2017] {strides = array<i32>} : memref<8x16xi32, #tpu.memory_space<vmem>>, vector<16xi32>,
        tpu.vector_store %arg16[%swap3A_2016, %swap3A_2017], %mul3A_2014 {strides = array<i32>} : memref<8x16xi32, #tpu.memory_space<vmem>>, vector<16xi32>,
        %dma_start3A_2019 = arith.constant 0 : i32
        %dma_start3A_2020 = arith.constant 0 : i32
        %dma_start3A_2021 = tpu.memref_slice %arg2[%dma_start3A_2019, %dma_start3A_2020] : memref<500000x128xf32, #tpu.memory_space<hbm>> -> memref<500000x128xf32, #tpu.memory_space<hbm>>
        tpu.enqueue_indirect_dma source(%dma_start3A_2021 : memref<500000x128xf32, #tpu.memory_space<hbm>>) target(%arg20 : memref<128x128xf32, #tpu.memory_space<vmem>>) offsets(%arg12 : memref<128xi32, #tpu.memory_space<vmem>>) semaphore(%arg32 : memref<!tpu.dma_semaphore, #tpu.memory_space<semaphore_mem>>)
      } else {
      }
    }
    %scan3A_1279 = arith.constant 50 : i32
    %add3A_1280 = arith.constant 200 : i32
    %add3A_1281 = arith.addi %mul3A_2, %add3A_1280 : i32
    %sub3A_1282 = arith.constant 4 : i32
    %sub3A_1283 = arith.subi %add3A_1281, %sub3A_1282 : i32
    %add3A_1284 = arith.constant 0 : i32
    %add3A_1285 = arith.addi %sub3A_1283, %add3A_1284 : i32
    %jit3A_1286 = arith.constant 128 : i32
    %div3A_1287 = arith.divsi %add3A_1285, %jit3A_1286 : i32
    %sign3A_1288 = arith.constant 0 : i32
    %sign3A_1289 = arith.cmpi sgt, %add3A_1285, %sign3A_1288 : i32
    %sign3A_1290 = arith.extui %sign3A_1289 : i1 to i32
    %sign3A_1291 = arith.constant 0 : i32
    %sign3A_1292 = arith.cmpi slt, %add3A_1285, %sign3A_1291 : i32
    %sign3A_1293 = arith.extui %sign3A_1292 : i1 to i32
    %sign3A_1294 = arith.subi %sign3A_1290, %sign3A_1293 : i32
    %sign3A_1295 = arith.constant 0 : i32
    %sign3A_1296 = arith.cmpi sgt, %jit3A_1286, %sign3A_1295 : i32
    %sign3A_1297 = arith.extui %sign3A_1296 : i1 to i32
    %sign3A_1298 = arith.constant 0 : i32
    %sign3A_1299 = arith.cmpi slt, %jit3A_1286, %sign3A_1298 : i32
    %sign3A_1300 = arith.extui %sign3A_1299 : i1 to i32
    %sign3A_1301 = arith.subi %sign3A_1297, %sign3A_1300 : i32
    %ne3A_1302 = arith.cmpi ne, %sign3A_1294, %sign3A_1301 : i32
    %rem3A_1303 = arith.remsi %add3A_1285, %jit3A_1286 : i32
    %ne3A_1304 = arith.constant 0 : i32
    %ne3A_1305 = arith.cmpi ne, %rem3A_1303, %ne3A_1304 : i32
    %and3A_1306 = arith.andi %ne3A_1302, %ne3A_1305 : i1
    %sub3A_1307 = arith.constant 1 : i32
    %sub3A_1308 = arith.subi %div3A_1287, %sub3A_1307 : i32
    %select_n3A_1309 = arith.select %and3A_1306, %sub3A_1308, %div3A_1287 : i32
    %jit3A_1310 = arith.constant 128 : i32
    %eq3A_1311 = arith.constant 0 : i32
    %eq3A_1312 = arith.cmpi eq, %jit3A_1310, %eq3A_1311 : i32
    %jit3A_1313 = arith.constant 1 : i32
    %select_n3A_1314 = arith.select %eq3A_1312, %jit3A_1313, %jit3A_1310 : i32
    %rem3A_1315 = arith.remsi %add3A_1285, %select_n3A_1314 : i32
    %ne3A_1316 = arith.constant 0 : i32
    %ne3A_1317 = arith.cmpi ne, %rem3A_1315, %ne3A_1316 : i32
    %lt3A_1318 = arith.constant 0 : i32
    %lt3A_1319 = arith.cmpi slt, %rem3A_1315, %lt3A_1318 : i32
    %lt3A_1320 = arith.constant 0 : i32
    %lt3A_1321 = arith.cmpi slt, %select_n3A_1314, %lt3A_1320 : i32
    %ne3A_1322 = arith.xori %lt3A_1319, %lt3A_1321 : i1
    %and3A_1323 = arith.andi %ne3A_1322, %ne3A_1317 : i1
    %add3A_1324 = arith.addi %rem3A_1315, %select_n3A_1314 : i32
    %select_n3A_1325 = arith.select %and3A_1323, %add3A_1324, %rem3A_1315 : i32
    %mul3A_1326 = arith.constant 128 : i32
    %mul3A_1327 = arith.muli %select_n3A_1325, %mul3A_1326 : i32
    %mul3A_1328 = arith.constant 64 : i32
    %mul3A_1329 = arith.muli %select_n3A_1309, %mul3A_1328 : i32
    %dma_wait3A_1330 = tpu.memref_slice %arg4[%mul3A_1329, %mul3A_1327] : memref<3200x16384xf32, #tpu.memory_space<hbm>> -> memref<64x128xf32, #tpu.memory_space<hbm>>
    %dma_wait3A_1331 = tpu.memref_slice %arg4[%mul3A_1329, %mul3A_1327] : memref<3200x16384xf32, #tpu.memory_space<hbm>> -> memref<64x128xf32, #tpu.memory_space<hbm>>
    tpu.wait_dma2 semaphore(%arg33 : memref<!tpu.dma_semaphore, #tpu.memory_space<semaphore_mem>>) src(%arg21 : memref<64x128xf32, #tpu.memory_space<vmem>>) dst(%dma_wait3A_1331 : memref<64x128xf32, #tpu.memory_space<hbm>>)
    %add3A_1332 = arith.constant 200 : i32
    %add3A_1333 = arith.addi %mul3A_2, %add3A_1332 : i32
    %sub3A_1334 = arith.constant 4 : i32
    %sub3A_1335 = arith.subi %add3A_1333, %sub3A_1334 : i32
    %add3A_1336 = arith.constant 1 : i32
    %add3A_1337 = arith.addi %sub3A_1335, %add3A_1336 : i32
    %jit3A_1338 = arith.constant 128 : i32
    %div3A_1339 = arith.divsi %add3A_1337, %jit3A_1338 : i32
    %sign3A_1340 = arith.constant 0 : i32
    %sign3A_1341 = arith.cmpi sgt, %add3A_1337, %sign3A_1340 : i32
    %sign3A_1342 = arith.extui %sign3A_1341 : i1 to i32
    %sign3A_1343 = arith.constant 0 : i32
    %sign3A_1344 = arith.cmpi slt, %add3A_1337, %sign3A_1343 : i32
    %sign3A_1345 = arith.extui %sign3A_1344 : i1 to i32
    %sign3A_1346 = arith.subi %sign3A_1342, %sign3A_1345 : i32
    %sign3A_1347 = arith.constant 0 : i32
    %sign3A_1348 = arith.cmpi sgt, %jit3A_1338, %sign3A_1347 : i32
    %sign3A_1349 = arith.extui %sign3A_1348 : i1 to i32
    %sign3A_1350 = arith.constant 0 : i32
    %sign3A_1351 = arith.cmpi slt, %jit3A_1338, %sign3A_1350 : i32
    %sign3A_1352 = arith.extui %sign3A_1351 : i1 to i32
    %sign3A_1353 = arith.subi %sign3A_1349, %sign3A_1352 : i32
    %ne3A_1354 = arith.cmpi ne, %sign3A_1346, %sign3A_1353 : i32
    %rem3A_1355 = arith.remsi %add3A_1337, %jit3A_1338 : i32
    %ne3A_1356 = arith.constant 0 : i32
    %ne3A_1357 = arith.cmpi ne, %rem3A_1355, %ne3A_1356 : i32
    %and3A_1358 = arith.andi %ne3A_1354, %ne3A_1357 : i1
    %sub3A_1359 = arith.constant 1 : i32
    %sub3A_1360 = arith.subi %div3A_1339, %sub3A_1359 : i32
    %select_n3A_1361 = arith.select %and3A_1358, %sub3A_1360, %div3A_1339 : i32
    %jit3A_1362 = arith.constant 128 : i32
    %eq3A_1363 = arith.constant 0 : i32
    %eq3A_1364 = arith.cmpi eq, %jit3A_1362, %eq3A_1363 : i32
    %jit3A_1365 = arith.constant 1 : i32
    %select_n3A_1366 = arith.select %eq3A_1364, %jit3A_1365, %jit3A_1362 : i32
    %rem3A_1367 = arith.remsi %add3A_1337, %select_n3A_1366 : i32
    %ne3A_1368 = arith.constant 0 : i32
    %ne3A_1369 = arith.cmpi ne, %rem3A_1367, %ne3A_1368 : i32
    %lt3A_1370 = arith.constant 0 : i32
    %lt3A_1371 = arith.cmpi slt, %rem3A_1367, %lt3A_1370 : i32
    %lt3A_1372 = arith.constant 0 : i32
    %lt3A_1373 = arith.cmpi slt, %select_n3A_1366, %lt3A_1372 : i32
    %ne3A_1374 = arith.xori %lt3A_1371, %lt3A_1373 : i1
    %and3A_1375 = arith.andi %ne3A_1374, %ne3A_1369 : i1
    %add3A_1376 = arith.addi %rem3A_1367, %select_n3A_1366 : i32
    %select_n3A_1377 = arith.select %and3A_1375, %add3A_1376, %rem3A_1367 : i32
    %mul3A_1378 = arith.constant 128 : i32
    %mul3A_1379 = arith.muli %select_n3A_1377, %mul3A_1378 : i32
    %mul3A_1380 = arith.constant 64 : i32
    %mul3A_1381 = arith.muli %select_n3A_1361, %mul3A_1380 : i32
    %dma_wait3A_1382 = tpu.memref_slice %arg4[%mul3A_1381, %mul3A_1379] : memref<3200x16384xf32, #tpu.memory_space<hbm>> -> memref<64x128xf32, #tpu.memory_space<hbm>>
    %dma_wait3A_1383 = tpu.memref_slice %arg4[%mul3A_1381, %mul3A_1379] : memref<3200x16384xf32, #tpu.memory_space<hbm>> -> memref<64x128xf32, #tpu.memory_space<hbm>>
    tpu.wait_dma2 semaphore(%arg34 : memref<!tpu.dma_semaphore, #tpu.memory_space<semaphore_mem>>) src(%arg22 : memref<64x128xf32, #tpu.memory_space<vmem>>) dst(%dma_wait3A_1383 : memref<64x128xf32, #tpu.memory_space<hbm>>)
    %add3A_1384 = arith.constant 200 : i32
    %add3A_1385 = arith.addi %mul3A_2, %add3A_1384 : i32
    %sub3A_1386 = arith.constant 4 : i32
    %sub3A_1387 = arith.subi %add3A_1385, %sub3A_1386 : i32
    %add3A_1388 = arith.constant 2 : i32
    %add3A_1389 = arith.addi %sub3A_1387, %add3A_1388 : i32
    %jit3A_1390 = arith.constant 128 : i32
    %div3A_1391 = arith.divsi %add3A_1389, %jit3A_1390 : i32
    %sign3A_1392 = arith.constant 0 : i32
    %sign3A_1393 = arith.cmpi sgt, %add3A_1389, %sign3A_1392 : i32
    %sign3A_1394 = arith.extui %sign3A_1393 : i1 to i32
    %sign3A_1395 = arith.constant 0 : i32
    %sign3A_1396 = arith.cmpi slt, %add3A_1389, %sign3A_1395 : i32
    %sign3A_1397 = arith.extui %sign3A_1396 : i1 to i32
    %sign3A_1398 = arith.subi %sign3A_1394, %sign3A_1397 : i32
    %sign3A_1399 = arith.constant 0 : i32
    %sign3A_1400 = arith.cmpi sgt, %jit3A_1390, %sign3A_1399 : i32
    %sign3A_1401 = arith.extui %sign3A_1400 : i1 to i32
    %sign3A_1402 = arith.constant 0 : i32
    %sign3A_1403 = arith.cmpi slt, %jit3A_1390, %sign3A_1402 : i32
    %sign3A_1404 = arith.extui %sign3A_1403 : i1 to i32
    %sign3A_1405 = arith.subi %sign3A_1401, %sign3A_1404 : i32
    %ne3A_1406 = arith.cmpi ne, %sign3A_1398, %sign3A_1405 : i32
    %rem3A_1407 = arith.remsi %add3A_1389, %jit3A_1390 : i32
    %ne3A_1408 = arith.constant 0 : i32
    %ne3A_1409 = arith.cmpi ne, %rem3A_1407, %ne3A_1408 : i32
    %and3A_1410 = arith.andi %ne3A_1406, %ne3A_1409 : i1
    %sub3A_1411 = arith.constant 1 : i32
    %sub3A_1412 = arith.subi %div3A_1391, %sub3A_1411 : i32
    %select_n3A_1413 = arith.select %and3A_1410, %sub3A_1412, %div3A_1391 : i32
    %jit3A_1414 = arith.constant 128 : i32
    %eq3A_1415 = arith.constant 0 : i32
    %eq3A_1416 = arith.cmpi eq, %jit3A_1414, %eq3A_1415 : i32
    %jit3A_1417 = arith.constant 1 : i32
    %select_n3A_1418 = arith.select %eq3A_1416, %jit3A_1417, %jit3A_1414 : i32
    %rem3A_1419 = arith.remsi %add3A_1389, %select_n3A_1418 : i32
    %ne3A_1420 = arith.constant 0 : i32
    %ne3A_1421 = arith.cmpi ne, %rem3A_1419, %ne3A_1420 : i32
    %lt3A_1422 = arith.constant 0 : i32
    %lt3A_1423 = arith.cmpi slt, %rem3A_1419, %lt3A_1422 : i32
    %lt3A_1424 = arith.constant 0 : i32
    %lt3A_1425 = arith.cmpi slt, %select_n3A_1418, %lt3A_1424 : i32
    %ne3A_1426 = arith.xori %lt3A_1423, %lt3A_1425 : i1
    %and3A_1427 = arith.andi %ne3A_1426, %ne3A_1421 : i1
    %add3A_1428 = arith.addi %rem3A_1419, %select_n3A_1418 : i32
    %select_n3A_1429 = arith.select %and3A_1427, %add3A_1428, %rem3A_1419 : i32
    %mul3A_1430 = arith.constant 128 : i32
    %mul3A_1431 = arith.muli %select_n3A_1429, %mul3A_1430 : i32
    %mul3A_1432 = arith.constant 64 : i32
    %mul3A_1433 = arith.muli %select_n3A_1413, %mul3A_1432 : i32
    %dma_wait3A_1434 = tpu.memref_slice %arg4[%mul3A_1433, %mul3A_1431] : memref<3200x16384xf32, #tpu.memory_space<hbm>> -> memref<64x128xf32, #tpu.memory_space<hbm>>
    %dma_wait3A_1435 = tpu.memref_slice %arg4[%mul3A_1433, %mul3A_1431] : memref<3200x16384xf32, #tpu.memory_space<hbm>> -> memref<64x128xf32, #tpu.memory_space<hbm>>
    tpu.wait_dma2 semaphore(%arg35 : memref<!tpu.dma_semaphore, #tpu.memory_space<semaphore_mem>>) src(%arg23 : memref<64x128xf32, #tpu.memory_space<vmem>>) dst(%dma_wait3A_1435 : memref<64x128xf32, #tpu.memory_space<hbm>>)
    %add3A_1436 = arith.constant 200 : i32
    %add3A_1437 = arith.addi %mul3A_2, %add3A_1436 : i32
    %sub3A_1438 = arith.constant 4 : i32
    %sub3A_1439 = arith.subi %add3A_1437, %sub3A_1438 : i32
    %add3A_1440 = arith.constant 3 : i32
    %add3A_1441 = arith.addi %sub3A_1439, %add3A_1440 : i32
    %jit3A_1442 = arith.constant 128 : i32
    %div3A_1443 = arith.divsi %add3A_1441, %jit3A_1442 : i32
    %sign3A_1444 = arith.constant 0 : i32
    %sign3A_1445 = arith.cmpi sgt, %add3A_1441, %sign3A_1444 : i32
    %sign3A_1446 = arith.extui %sign3A_1445 : i1 to i32
    %sign3A_1447 = arith.constant 0 : i32
    %sign3A_1448 = arith.cmpi slt, %add3A_1441, %sign3A_1447 : i32
    %sign3A_1449 = arith.extui %sign3A_1448 : i1 to i32
    %sign3A_1450 = arith.subi %sign3A_1446, %sign3A_1449 : i32
    %sign3A_1451 = arith.constant 0 : i32
    %sign3A_1452 = arith.cmpi sgt, %jit3A_1442, %sign3A_1451 : i32
    %sign3A_1453 = arith.extui %sign3A_1452 : i1 to i32
    %sign3A_1454 = arith.constant 0 : i32
    %sign3A_1455 = arith.cmpi slt, %jit3A_1442, %sign3A_1454 : i32
    %sign3A_1456 = arith.extui %sign3A_1455 : i1 to i32
    %sign3A_1457 = arith.subi %sign3A_1453, %sign3A_1456 : i32
    %ne3A_1458 = arith.cmpi ne, %sign3A_1450, %sign3A_1457 : i32
    %rem3A_1459 = arith.remsi %add3A_1441, %jit3A_1442 : i32
    %ne3A_1460 = arith.constant 0 : i32
    %ne3A_1461 = arith.cmpi ne, %rem3A_1459, %ne3A_1460 : i32
    %and3A_1462 = arith.andi %ne3A_1458, %ne3A_1461 : i1
    %sub3A_1463 = arith.constant 1 : i32
    %sub3A_1464 = arith.subi %div3A_1443, %sub3A_1463 : i32
    %select_n3A_1465 = arith.select %and3A_1462, %sub3A_1464, %div3A_1443 : i32
    %jit3A_1466 = arith.constant 128 : i32
    %eq3A_1467 = arith.constant 0 : i32
    %eq3A_1468 = arith.cmpi eq, %jit3A_1466, %eq3A_1467 : i32
    %jit3A_1469 = arith.constant 1 : i32
    %select_n3A_1470 = arith.select %eq3A_1468, %jit3A_1469, %jit3A_1466 : i32
    %rem3A_1471 = arith.remsi %add3A_1441, %select_n3A_1470 : i32
    %ne3A_1472 = arith.constant 0 : i32
    %ne3A_1473 = arith.cmpi ne, %rem3A_1471, %ne3A_1472 : i32
    %lt3A_1474 = arith.constant 0 : i32
    %lt3A_1475 = arith.cmpi slt, %rem3A_1471, %lt3A_1474 : i32
    %lt3A_1476 = arith.constant 0 : i32
    %lt3A_1477 = arith.cmpi slt, %select_n3A_1470, %lt3A_1476 : i32
    %ne3A_1478 = arith.xori %lt3A_1475, %lt3A_1477 : i1
    %and3A_1479 = arith.andi %ne3A_1478, %ne3A_1473 : i1
    %add3A_1480 = arith.addi %rem3A_1471, %select_n3A_1470 : i32
    %select_n3A_1481 = arith.select %and3A_1479, %add3A_1480, %rem3A_1471 : i32
    %mul3A_1482 = arith.constant 128 : i32
    %mul3A_1483 = arith.muli %select_n3A_1481, %mul3A_1482 : i32
    %mul3A_1484 = arith.constant 64 : i32
    %mul3A_1485 = arith.muli %select_n3A_1465, %mul3A_1484 : i32
    %dma_wait3A_1486 = tpu.memref_slice %arg4[%mul3A_1485, %mul3A_1483] : memref<3200x16384xf32, #tpu.memory_space<hbm>> -> memref<64x128xf32, #tpu.memory_space<hbm>>
    %dma_wait3A_1487 = tpu.memref_slice %arg4[%mul3A_1485, %mul3A_1483] : memref<3200x16384xf32, #tpu.memory_space<hbm>> -> memref<64x128xf32, #tpu.memory_space<hbm>>
    tpu.wait_dma2 semaphore(%arg36 : memref<!tpu.dma_semaphore, #tpu.memory_space<semaphore_mem>>) src(%arg24 : memref<64x128xf32, #tpu.memory_space<vmem>>) dst(%dma_wait3A_1487 : memref<64x128xf32, #tpu.memory_space<hbm>>)
    return
  }
}

</mosaic_0001>

<sc_bundles>
// kernel: kernel.3.cloned.1.call-start
scs
__scs_entry_jumppad:
0x0: {  	(pc) =	sbr.rel $0x88, $3  }
0x1: {  	(tag) =	ssettag $0x0;
	lr =	simm.s32 $0x1  }
0x2: {  	[smem:$0x3F9F] =	sst lr;
	_ =	strace $0xD0000000  }
0x3: {  	_ = 	snop  }
0x4: {  	_ = 	snop  }
0x5: {  	_ = 	snop  }
0x6: {  	_ = 	snop  }
0x7: {  	_ = 	snop  }
__scs_overlays_trampoline_lowered:
0x8: {  	[smem:$0x3FAE] =	sst s0  }
0x9: {  	[smem:$0x3FAF] =	sst s1  }
0xa: {  	[smem:$0x3FB0] =	sst s2  }
0xb: {  	[smem:$0x3FB1] =	sst s3  }
0xc: {  	[smem:$0x3FB2] =	sst s4  }
0xd: {  	[smem:$0x3FB3] =	sst s5  }
0xe: {  	[smem:$0x3FB4] =	sst s6  }
0xf: {  	[smem:$0x3FB5] =	sst s7  }
0x10: {  	[smem:$0x3FB6] =	sst s8  }
0x11: {  	[smem:$0x3FB7] =	sst s9;
	s0 =	simm.s32 @!p0 $0x0  }
0x12: {  	s1 =	sld [smem:$0x3F9D];
	s0 =	simm.s32 @p0 $0x1  }
0x13: {  	[smem:$0x3FB8] =	sst s0;
	s0 =	simm.s32 @!p1 $0x0  }
0x14: {  	s2 =	sld [smem:$0x3F9C];
	s0 =	simm.s32 @p1 $0x1  }
0x15: {  	[smem:$0x3FB9] =	sst s0;
	s0 =	simm.s32 @!p2 $0x0  }
0x16: {  	s3 =	sld [smem:$0x3FDB];
	s0 =	simm.s32 @p2 $0x1  }
0x17: {  	s4 =	simm.s32 $0x1BF5;
	[smem:$0x3FBB] =	sst s0  }
0x18: {  	s0 =	sld [smem:$0x3F9E];
	_ =	swait.ge [sflag:s4], $0x0  }
0x19: {  	s7 =	sld [smem:$0x3F9F]  }
0x1a: {  	s8 =	sadd.s32 $0xFFFFE003, lr  }
0x1b: {  	s9 =	sadd.s32 $0xFFFFFEF7, lr;
	s5 =	simm.s32 $0xFFFFFFFF;
	p2 =	slt.u32 s8, $0xFFFFF086  }
0x1c: {  	p1 =	slt.u32 s9, $0xF7A;
	s5 =	simm.s32 @!p2 $0x0  }
0x1d: {  	s5 =	simm.s32 @p1 $0x1;
	p0 =	seq.s32 s7, s2  }
0x1e: {  	s7 =	smul.u32 @!p0 $0xF7A, s2;
	p2 =	seq.s32 @!p0 s5, $0x0  }
0x1f: {  	s9 =	smul.u32 $0xF7A, s1;
	s8 =	simm.s32 @!p0 $0x1BF5;
	p2 =	por !p2, p0  }
0x20: {  	[sflag:s8] =	ssyncset.s32 @!p0 $0xFFFFF086;
	s6 =	sadd.s32 @!p0 s3, s7;
	s7 =	simm.s32 @!p0 $0x108  }
0x21: {  	s3 =	sadd.s32 s3, s9;
	s6 =	sadd.s32 @!p0 $0x88, s6;
	s7 =	simm.s32 @p2 $0x1082  }
0x22: {  	[simem:s7], [sflag:s8] =	dma.local @!p0 [hbm:s6], $0xF7A  }
0x23: {  	s9 =	sor.u32 $0xD0000000, s2;
	s6 =	simm.s32 $0x108;
	_ =	swait.ge @!p0 [sflag:s8], $0x0  }
0x24: {  	s3 =	sadd.s32 $0x88, s3;
	s6 =	simm.s32 @!p1 $0x1082;
	[sflag:s4] =	ssyncset.s32 $0xFFFFF086  }
0x25: {  	[simem:s6], [sflag:s4] =	dma.local [hbm:s3], $0xF7A  }
0x26: {  	[smem:$0x3F9F] =	sst s1;
	(tag) =	ssettag s2;
	_ =	strace s9  }
0x27: {  	s1 =	sld [smem:$0x3FAF]  }
0x28: {  	s2 =	sld [smem:$0x3FB0]  }
0x29: {  	s4 =	sld [smem:$0x3FB2]  }
0x2a: {  	p0 =	seq.s32 s5, $0x0;
	s5 =	sld [smem:$0x3FB3]  }
0x2b: {  	s6 =	sld [smem:$0x3FB4]  }
0x2c: {  	s7 =	sld [smem:$0x3FB5]  }
0x2d: {  	s3 =	simm.s32 $0x108;
	s8 =	sld [smem:$0x3FB6]  }
0x2e: {  	s3 =	simm.s32 @!p0 $0x1082;
	s9 =	sld [smem:$0x3FB7]  }
0x2f: {  	lr =	sadd.s32 s0, s3;
	s0 =	sld [smem:$0x3FAE]  }
0x30: {  	s3 =	sld [smem:$0x3FB1]  }
0x31: {  	[smem:$0x3FBA] =	sst s10  }
0x32: {  	s10 =	sld [smem:$0x3FB8];
	_ =	sdelay $0x3  }
0x33: {  	p0 =	seq.s32 s10, $0x1;
	s10 =	sld [smem:$0x3FBA];
	_ =	sdelay $0x3  }
0x34: {  	[smem:$0x3FBA] =	sst s10  }
0x35: {  	s10 =	sld [smem:$0x3FB9];
	_ =	sdelay $0x3  }
0x36: {  	p1 =	seq.s32 s10, $0x1;
	s10 =	sld [smem:$0x3FBA];
	_ =	sdelay $0x3  }
0x37: {  	[smem:$0x3FBA] =	sst s10  }
0x38: {  	s10 =	sld [smem:$0x3FBB]  }
0x39: {  	_ = 	snop;
	(pc) =	sbr.ind lr, $3  }
0x3a: {  	_ = 	snop  }
0x3b: {  	_ = 	snop  }
0x3c: {  	p2 =	seq.s32 s10, $0x1;
	s10 =	sld [smem:$0x3FBA]  }
0x3d: {  	_ =	shalt  }
0x3e: {  	_ =	shalt  }
0x3f: {  	_ =	shalt  }
0x40: {  	_ =	shalt  }
0x41: {  	_ =	shalt  }
0x42: {  	_ =	shalt  }
0x43: {  	_ =	shalt  }
0x44: {  	_ =	shalt  }
0x45: {  	_ =	shalt  }
0x46: {  	_ =	shalt  }
0x47: {  	_ =	shalt  }
0x48: {  	_ =	shalt  }
0x49: {  	_ =	shalt  }
0x4a: {  	_ =	shalt  }
0x4b: {  	_ =	shalt  }
0x4c: {  	_ =	shalt  }
0x4d: {  	_ =	shalt  }
0x4e: {  	_ =	shalt  }
0x4f: {  	_ =	shalt  }
0x50: {  	_ =	shalt  }
0x51: {  	_ =	shalt  }
0x52: {  	_ =	shalt  }
0x53: {  	_ =	shalt  }
0x54: {  	_ =	shalt  }
0x55: {  	_ =	shalt  }
0x56: {  	_ =	shalt  }
0x57: {  	_ =	shalt  }
0x58: {  	_ =	shalt  }
0x59: {  	_ =	shalt  }
0x5a: {  	_ =	shalt  }
0x5b: {  	_ =	shalt  }
0x5c: {  	_ =	shalt  }
0x5d: {  	_ =	shalt  }
0x5e: {  	_ =	shalt  }
0x5f: {  	_ =	shalt  }
0x60: {  	_ =	shalt  }
0x61: {  	_ =	shalt  }
0x62: {  	_ =	shalt  }
0x63: {  	_ =	shalt  }
0x64: {  	_ =	shalt  }
0x65: {  	_ =	shalt  }
0x66: {  	_ =	shalt  }
0x67: {  	_ =	shalt  }
0x68: {  	_ =	shalt  }
0x69: {  	_ =	shalt  }
0x6a: {  	_ =	shalt  }
0x6b: {  	_ =	shalt  }
0x6c: {  	_ =	shalt  }
0x6d: {  	_ =	shalt  }
0x6e: {  	_ =	shalt  }
0x6f: {  	_ =	shalt  }
0x70: {  	_ =	shalt  }
0x71: {  	_ =	shalt  }
0x72: {  	_ =	shalt  }
0x73: {  	_ =	shalt  }
0x74: {  	_ =	shalt  }
0x75: {  	_ =	shalt  }
0x76: {  	_ =	shalt  }
0x77: {  	_ =	shalt  }
0x78: {  	_ =	shalt  }
0x79: {  	_ =	shalt  }
0x7a: {  	_ =	shalt  }
0x7b: {  	_ =	shalt  }
0x7c: {  	_ =	shalt  }
0x7d: {  	_ =	shalt  }
0x7e: {  	_ =	shalt  }
0x7f: {  	_ =	shalt  }
0x80: {  	_ =	shalt  }
0x81: {  	_ =	shalt  }
0x82: {  	_ =	shalt  }
0x83: {  	_ =	shalt  }
0x84: {  	_ =	shalt  }
0x85: {  	_ =	shalt  }
0x86: {  	_ =	shalt  }
0x87: {  	_ =	shalt  }
.Lfunc_end0:
.L_simem_size_0:
called_computation_lowered:
.L_overlay_start_0:
0x88: {  	s2 =	sld [smem:$0x3FD9]  }
0x89: {  	s3 =	sld [smem:$0x3FFE];
	_ =	sdelay $0x1  }
0x8a: {  	s1 =	srdreg.scid  }
0x8b: {  	s0 =	sand.u32 $0x1, s1  }
0x8c: {  	s17 =	sshll.u32 s0, $0xA;
	s2 =	sadd.s32 s3, s2  }
0x8d: {  	s2 =	sadd.s32 s2, s17  }
0x8e: {  	[smem:$0x3FC6] =	sst s2  }
0x8f: {  	_ = 	snop  }
0x90: {  	s2 =	sld [smem:$0x3FC9]  }
0x91: {  	s18 =	sld [smem:$0x3FD0];
	(tm) =	ssettm $0x1  }
0x92: {  	s4 =	sld [smem:$0x3FFB];
	_ =	sdelay $0x3  }
0x93: {  	_ =	strace s4  }
0x94: {  	s4 =	sld [smem:$0x3FFC];
	_ =	sdelay $0x3  }
0x95: {  	_ =	strace s4  }
0x96: {  	s4 =	sld [smem:$0x3FFD];
	_ =	sdelay $0x3  }
0x97: {  	_ =	strace s4  }
0x98: {  	_ =	strace $0x8FFFFFFF  }
0x99: {  	s19 =	sld [smem:$0x3FDB];
	_ =	sdelay $0x1  }
0x9a: {  	s5 =	simm.s32 $_scs_section_size  }
0x9b: {  	s6 =	simm.s32 $_size__tile_overlayer_lowered;
	s7 =	simm.s32 $_tile_overlayer_lowered  }
0x9c: {  	s22 =	simm.s32 $0x1BFF;
	s21 =	sshll.u32 s7, $0x1;
	s4 =	sadd.s32 s5, s19  }
0x9d: {  	s8 =	simm.s32 $0x0;
	s20 =	sshll.u32 s6, $0x1;
	s6 =	sadd.s32 s21, s4  }
0x9e: {  	[timem:s8], [sflag:s22] =	dma.local [hbm:s6], s20  }
0x9f: {  	_ =	swait.ge [sflag:s22], s20  }
0xa0: {  	s5 =	ssub.s32 $0x0, s20;
	[sflag:s22] =	ssyncset.done $0x0  }
0xa1: {  	[sflag:s22] =	ssyncadd.s32 s5;
	_ =	sdelay $0x1  }
0xa2: {  	s23 =	simm.s32 $0x1B8B  }
0xa3: {  	_ =	swait.ge [sflag:s23], $0x1  }
0xa4: {  	[sflag:s23] =	ssyncset.done $0x0  }
0xa5: {  	s25 =	simm.s32 $0x1B8E;
	s24 =	sld [smem:$0x3FFE];
	[sflag:s23] =	ssyncadd.s32 $0xFFFFFFFF  }
0xa6: {  	s26 =	simm.s32 $execute0_lowered;
	[smem:$0x3FD2] =	sst s25  }
0xa7: {  	s6 =	sshll.u32 s26, $0x1;
	_ =	strace $0x80000046;
	[dreg:$0x1] =	wrdreg $0xFFFFFFFF  }
0xa8: {  	s28 =	simm.s32 $_size_execute0_lowered;
	s4 =	sadd.s32 s4, s6;
	[dreg:$0x0] =	wrdreg $0x0  }
0xa9: {  	s6 =	sshll.u32 s28, $0x1;
	[dreg:$0x2] =	wrdreg s4  }
0xaa: {  	[dreg:$0x3] =	wrdreg s6  }
0xab: {  	[dreg:$0x4] =	wrdreg $0xC0  }
0xac: {  	_ =	task [dreg:s8], $0x5FFFF  }
0xad: {  	[dreg:$0x1] =	wrdreg $0xFFFFFFFF  }
0xae: {  	[dreg:$0x0] =	wrdreg $0x60  }
0xaf: {  	[dreg:$0x2] =	wrdreg s24  }
0xb0: {  	[dreg:$0x3] =	wrdreg s2  }
0xb1: {  	[dreg:$0x4] =	wrdreg s18  }
0xb2: {  	[dreg:$0x5] =	wrdreg $0x9  }
0xb3: {  	_ =	task.clear_ibuf [dreg:s8], $0x6FFFF;
	_ =	strace $0x90000046  }
0xb4: {  	s29 =	simm.s32 $0x9;
	_ =	strace $0x80000048  }
0xb5: {  	_ =	swait.ge [sflag:s29], $0x1  }
0xb6: {  	[sflag:s29] =	ssyncadd.s32 $0xFFFFFFFF  }
0xb7: {  	_ =	strace $0x90000048  }
0xb8: {  	_ =	sfence  }
0xb9: {  	s30 =	sld [smem:$0x0];
	_ =	sdelay $0x2  }
0xba: {  	s31 =	sshll.u32 s1, $0xD;
	s1 =	sshrl.u32 s1, $0x2  }
0xbb: {  	s3 =	sand.u32 $0x4000, s31;
	s1 =	sadd.s32 s1, s30  }
0xbc: {  	s0 =	sor.u32 s3, s0;
	s1 =	sshll.u32 s1, $0x11  }
0xbd: {  	s0 =	sor.u32 s1, s0  }
0xbe: {  	s0 =	sadd.s32 $0x8F2B, s0  }
0xbf: {  	[sflag:s0] =	ssyncadd.remote.s32 $0x1  }
0xc0: {  	_ =	sfence.sel $0xFFFF  }
0xc1: {  	[dreg:$0x0] =	wrdreg $0xFFFFFFFF;
	(pc) =	sbr.abs _section_cstart, $3  }
0xc2: {  	[dreg:$0x1] =	wrdreg $0xFFFFFFFF  }
0xc3: {  	_ =	task.clear_ibuf [dreg:s8], $0x2FFFF;
	_ =	strace $0x9FFFFFFF  }
0xc4: {  	(tm) =	ssettm $0x7FFFFFFF  }
0xc5: {  	_ =	shalt  }
tec
execute0_lowered:
.L_overlay_start_1:
0x0: {  	(tag) =	ssettag $0x1  }
0x1: {  	v0 =	vimm.s32 $0x700;
	vm10 =	vcmask $0x300;
	vm9 =	vcmask $0x704  }
0x2: {  	vm7 =	vcmask $0xB08;
	vm6 =	vcmask $0xF0C;
	vm4 =	vcmask $0x1310  }
0x3: {  	vm2 =	vcmask $0x1714;
	vm3 =	vcmask $0x1B18;
	vm0 =	vcmask $0x1F1C  }
0x4: {  	v2 =	vimm.s32 $0x680;
	vm1 =	vcmask $0x2320;
	v3 =	vimm.s32 $0x600  }
0x5: {  	vm5 =	vcmask $0x2724;
	vm8 =	vcmask $0x2B28;
	vm11 =	vcmask $0x2F2C  }
0x6: {  	vm12 =	vcmask $0x3330;
	vm13 =	vcmask $0x3734;
	vm14 =	vcmask $0x3B38  }
0x7: {  	v4 =	vimm.s32 $0x580;
	v5 =	vimm.s32 $0x500;
	v6 =	vimm.s32 $0x480  }
0x8: {  	v7 =	vimm.s32 $0x400;
	v8 =	vimm.s32 $0x380;
	v9 =	vimm.s32 $0x300  }
0x9: {  	v10 =	vimm.s32 $0x280;
	v11 =	vimm.s32 $0x200;
	v12 =	vimm.s32 $0x180  }
0xa: {  	v13 =	vimm.s32 $0x100;
	v14 =	vimm.s32 $0x80;
	v15 =	vimm.s32 $0x0  }
0xb: {  	v16 =	vimm.s32 $0xFEDCBA9;
	v17 =	vimm.s32 $0x87654321;
	v19 =	vimm.s32 $0x210FEDCB  }
0xc: {  	v20 =	vimm.s32 $0xA9876543;
	v21 =	vimm.s32 $0xBA987654;
	v31 =	vimm.s32 $0x76543210  }
0xd: {  	v32 =	vimm.s32 $0x6543210F;
	v33 =	vimm.s32 $0xEDCBA987;
	v0 =	vsel vm10, $0x780, v0  }
0xe: {  	v2 =	vsel vm10, $0x700, v2;
	v3 =	vsel vm10, $0x680, v3;
	v4 =	vsel vm10, $0x600, v4  }
0xf: {  	v5 =	vsel vm10, $0x580, v5;
	v6 =	vsel vm10, $0x500, v6;
	v7 =	vsel vm10, $0x480, v7  }
0x10: {  	v8 =	vsel vm10, $0x400, v8;
	v9 =	vsel vm10, $0x380, v9;
	v10 =	vsel vm10, $0x300, v10  }
0x11: {  	v11 =	vsel vm10, $0x280, v11;
	v12 =	vsel vm10, $0x200, v12;
	v13 =	vsel vm10, $0x180, v13  }
0x12: {  	v14 =	vsel vm10, $0x100, v14;
	v15 =	vsel vm10, $0x80, v15;
	v18 =	vunpack.c.l.s4.s8 v16  }
0x13: {  	v17 =	vunpack.c.l.s4.s8 v17;
	v19 =	vunpack.c.l.s4.s8 v19;
	v22 =	vunpack.c.l.s4.s8 v20  }
0x14: {  	v20 =	vimm.s32 $0x3210FEDC;
	v24 =	vunpack.c.l.s4.s8 v21;
	v31 =	vunpack.c.l.s4.s8 v31  }
0x15: {  	v34 =	vunpack.c.l.s4.s8 v32;
	v63 =	vunpack.c.l.s4.s8 v33;
	v0 =	vsel vm9, $0x0, v0  }
0x16: {  	v2 =	vsel vm9, $0x780, v2;
	v3 =	vsel vm9, $0x700, v3;
	v4 =	vsel vm9, $0x680, v4  }
0x17: {  	v5 =	vsel vm9, $0x600, v5;
	v6 =	vsel vm9, $0x580, v6;
	v7 =	vsel vm9, $0x500, v7  }
0x18: {  	v8 =	vsel vm9, $0x480, v8;
	v9 =	vsel vm9, $0x400, v9;
	v10 =	vsel vm9, $0x380, v10  }
0x19: {  	v11 =	vsel vm9, $0x300, v11;
	v12 =	vsel vm9, $0x280, v12;
	v13 =	vsel vm9, $0x200, v13  }
0x1a: {  	v14 =	vsel vm9, $0x180, v14;
	v15 =	vsel vm9, $0x100, v15;
	v0 =	vsel vm7, $0x80, v0  }
0x1b: {  	v2 =	vsel vm7, $0x0, v2;
	v3 =	vsel vm7, $0x780, v3;
	v4 =	vsel vm7, $0x700, v4  }
0x1c: {  	v5 =	vsel vm7, $0x680, v5;
	v6 =	vsel vm7, $0x600, v6;
	v7 =	vsel vm7, $0x580, v7  }
0x1d: {  	v8 =	vsel vm7, $0x500, v8;
	v9 =	vsel vm7, $0x480, v9;
	v10 =	vsel vm7, $0x400, v10  }
0x1e: {  	v11 =	vsel vm7, $0x380, v11;
	v12 =	vsel vm7, $0x300, v12;
	v13 =	vsel vm7, $0x280, v13  }
0x1f: {  	v14 =	vsel vm7, $0x200, v14;
	v15 =	vsel vm7, $0x180, v15;
	v23 =	vunpack.c.0.s8.s32 v18  }
0x20: {  	v25 =	vunpack.c.0.s8.s32 v17;
	v17 =	vimm.s32 $0x10FEDCBA;
	v18 =	vimm.s32 $0x98765432  }
0x21: {  	v37 =	vunpack.c.0.s8.s32 v19;
	v35 =	vunpack.c.0.s8.s32 v22;
	v27 =	vunpack.c.0.s8.s32 v24  }
0x22: {  	v36 =	vunpack.c.0.s8.s32 v31;
	v33 =	vunpack.c.0.s8.s32 v34;
	v34 =	vunpack.c.0.s8.s32 v63  }
0x23: {  	v0 =	vsel vm6, $0x100, v0;
	v2 =	vsel vm6, $0x80, v2;
	v3 =	vsel vm6, $0x0, v3  }
0x24: {  	v4 =	vsel vm6, $0x780, v4;
	v5 =	vsel vm6, $0x700, v5;
	v6 =	vsel vm6, $0x680, v6  }
0x25: {  	v7 =	vsel vm6, $0x600, v7;
	v8 =	vsel vm6, $0x580, v8;
	v9 =	vsel vm6, $0x500, v9  }
0x26: {  	v10 =	vsel vm6, $0x480, v10;
	v11 =	vsel vm6, $0x400, v11;
	v12 =	vsel vm6, $0x380, v12  }
0x27: {  	v13 =	vsel vm6, $0x300, v13;
	v14 =	vsel vm6, $0x280, v14;
	v15 =	vsel vm6, $0x200, v15  }
0x28: {  	v17 =	vunpack.c.l.s4.s8 v17;
	v18 =	vunpack.c.l.s4.s8 v18;
	v1 =	vsel vm4, $0x180, v0  }
0x29: {  	v0 =	vlaneseq.u32;
	v2 =	vsel vm4, $0x100, v2;
	v3 =	vsel vm4, $0x80, v3  }
0x2a: {  	v4 =	vsel vm4, $0x0, v4;
	v5 =	vsel vm4, $0x780, v5;
	v6 =	vsel vm4, $0x700, v6  }
0x2b: {  	v7 =	vsel vm4, $0x680, v7;
	v8 =	vsel vm4, $0x600, v8;
	v9 =	vsel vm4, $0x580, v9  }
0x2c: {  	v10 =	vsel vm4, $0x500, v10;
	v11 =	vsel vm4, $0x480, v11;
	v12 =	vsel vm4, $0x400, v12  }
0x2d: {  	v13 =	vsel vm4, $0x380, v13;
	v14 =	vsel vm4, $0x300, v14;
	v15 =	vsel vm4, $0x280, v15  }
0x2e: {  	v19 =	vcombine.low v35, v37;
	v1 =	vsel vm2, $0x200, v1;
	v2 =	vsel vm2, $0x180, v2  }
0x2f: {  	v3 =	vsel vm2, $0x100, v3;
	v4 =	vsel vm2, $0x80, v4;
	v5 =	vsel vm2, $0x0, v5  }
0x30: {  	v6 =	vsel vm2, $0x780, v6;
	v7 =	vsel vm2, $0x700, v7;
	v8 =	vsel vm2, $0x680, v8  }
0x31: {  	v9 =	vsel vm2, $0x600, v9;
	v10 =	vsel vm2, $0x580, v10;
	v11 =	vsel vm2, $0x500, v11  }
0x32: {  	v12 =	vsel vm2, $0x480, v12;
	v13 =	vsel vm2, $0x400, v13;
	v14 =	vsel vm2, $0x380, v14  }
0x33: {  	v15 =	vsel vm2, $0x300, v15;
	v16 =	vmul.u32 $0x80, v0;
	v26 =	vunpack.c.0.s8.s32 v17  }
0x34: {  	v17 =	vunpack.c.l.s4.s8 v20;
	v20 =	vunpack.c.0.s8.s32 v18;
	v18 =	vcombine.low v25, v23  }
0x35: {  	v21 =	vmovc v25;
	v25 =	vimm.s32 $0x43210FED;
	v1 =	vsel vm3, $0x280, v1;
	v2 =	vsel vm3, $0x200, v2  }
0x36: {  	v3 =	vsel vm3, $0x180, v3;
	v4 =	vsel vm3, $0x100, v4;
	v5 =	vsel vm3, $0x80, v5  }
0x37: {  	v6 =	vsel vm3, $0x0, v6;
	v7 =	vsel vm3, $0x780, v7;
	v8 =	vsel vm3, $0x700, v8  }
0x38: {  	v9 =	vsel vm3, $0x680, v9;
	v10 =	vsel vm3, $0x600, v10;
	v11 =	vsel vm3, $0x580, v11  }
0x39: {  	v12 =	vsel vm3, $0x500, v12;
	v13 =	vsel vm3, $0x480, v13;
	v14 =	vsel vm3, $0x400, v14  }
0x3a: {  	v15 =	vsel vm3, $0x380, v15;
	v29 =	vunpack.c.l.s4.s8 v25;
	v1 =	vsel vm0, $0x300, v1  }
0x3b: {  	v2 =	vsel vm0, $0x280, v2;
	v3 =	vsel vm0, $0x200, v3;
	v4 =	vsel vm0, $0x180, v4  }
0x3c: {  	v5 =	vsel vm0, $0x100, v5;
	v6 =	vsel vm0, $0x80, v6;
	v7 =	vsel vm0, $0x0, v7  }
0x3d: {  	v8 =	vsel vm0, $0x780, v8;
	v9 =	vsel vm0, $0x700, v9;
	v10 =	vsel vm0, $0x680, v10  }
0x3e: {  	v11 =	vsel vm0, $0x600, v11;
	v12 =	vsel vm0, $0x580, v12;
	v13 =	vsel vm0, $0x500, v13  }
0x3f: {  	v14 =	vsel vm0, $0x480, v14;
	v15 =	vsel vm0, $0x400, v15;
	v22 =	vmovc v26;
	v26 =	vunpack.c.0.s8.s32 v17  }
0x40: {  	v25 =	vand.u32 $0xF, v18;
	v18 =	vimm.s32 $0xFEDCBA98;
	v1 =	vsel vm1, $0x380, v1  }
0x41: {  	v2 =	vsel vm1, $0x300, v2;
	v3 =	vsel vm1, $0x280, v3;
	v4 =	vsel vm1, $0x200, v4  }
0x42: {  	v5 =	vsel vm1, $0x180, v5;
	v6 =	vsel vm1, $0x100, v6;
	v7 =	vsel vm1, $0x80, v7  }
0x43: {  	v8 =	vsel vm1, $0x0, v8;
	v9 =	vsel vm1, $0x780, v9;
	v10 =	vsel vm1, $0x700, v10  }
0x44: {  	v11 =	vsel vm1, $0x680, v11;
	v12 =	vsel vm1, $0x600, v12;
	v13 =	vsel vm1, $0x580, v13  }
0x45: {  	v14 =	vsel vm1, $0x500, v14;
	v15 =	vsel vm1, $0x480, v15;
	v17 =	vcombine.low v20, v22  }
0x46: {  	v29 =	vunpack.c.0.s8.s32 v29;
	v18 =	vunpack.c.l.s4.s8 v18;
	v1 =	vsel vm5, $0x400, v1  }
0x47: {  	s0 =	srdreg.scid;
	v2 =	vsel vm5, $0x380, v2;
	v3 =	vsel vm5, $0x300, v3;
	v4 =	vsel vm5, $0x280, v4  }
0x48: {  	s2 =	rddreg [dreg:$0x0];
	s4 =	simm.s32 $0x0;
	s0 =	sand.u32 $0x1, s0;
	v5 =	vsel vm5, $0x200, v5;
	v6 =	vsel vm5, $0x180, v6;
	v7 =	vsel vm5, $0x100, v7  }
0x49: {  	s3 =	stileid.u32;
	[smem:$0x7FF] =	sst s4;
	s1 =	sshll.u32 s0, $0x4;
	v8 =	vsel vm5, $0x80, v8;
	v9 =	vsel vm5, $0x0, v9;
	v10 =	vsel vm5, $0x780, v10  }
0x4a: {  	s5 =	sor.u32 s3, s1;
	s1 =	rddreg [dreg:$0x1];
	v11 =	vsel vm5, $0x700, v11;
	v12 =	vsel vm5, $0x680, v12;
	v13 =	vsel vm5, $0x600, v13  }
0x4b: {  	s3 =	rddreg [dreg:$0x2];
	_ =	strace $0x80000047;
	v14 =	vsel vm5, $0x580, v14;
	v15 =	vsel vm5, $0x500, v15;
	v28 =	vcombine.low v27, v26  }
0x4c: {  	[tilespmem:$0x1FF70] =	vst v27;
	v27 =	vimm.s32 $0xCBA98765;
	v1 =	vsel vm8, $0x480, v1;
	v2 =	vsel vm8, $0x400, v2  }
0x4d: {  	v3 =	vsel vm8, $0x380, v3;
	v4 =	vsel vm8, $0x300, v4;
	v5 =	vsel vm8, $0x280, v5  }
0x4e: {  	v6 =	vsel vm8, $0x200, v6;
	v7 =	vsel vm8, $0x180, v7;
	v8 =	vsel vm8, $0x100, v8  }
0x4f: {  	v9 =	vsel vm8, $0x80, v9;
	v10 =	vsel vm8, $0x0, v10;
	v11 =	vsel vm8, $0x780, v11  }
0x50: {  	v12 =	vsel vm8, $0x700, v12;
	v13 =	vsel vm8, $0x680, v13;
	v14 =	vsel vm8, $0x600, v14  }
0x51: {  	[tilespmem:$0x1FF60] =	vst v26;
	v15 =	vsel vm8, $0x580, v15;
	v26 =	vand.u32 $0xF, v17;
	v17 =	vunpack.c.l.s4.s8 v27  }
0x52: {  	v27 =	vand.u32 $0xF, v19;
	v19 =	vimm.s32 $0xDCBA9876;
	v18 =	vunpack.c.0.s8.s32 v18  }
0x53: {  	v1 =	vsel vm11, $0x500, v1;
	v2 =	vsel vm11, $0x480, v2;
	v3 =	vsel vm11, $0x400, v3  }
0x54: {  	v4 =	vsel vm11, $0x380, v4;
	v5 =	vsel vm11, $0x300, v5;
	v6 =	vsel vm11, $0x280, v6  }
0x55: {  	v7 =	vsel vm11, $0x200, v7;
	v8 =	vsel vm11, $0x180, v8;
	v9 =	vsel vm11, $0x100, v9  }
0x56: {  	v10 =	vsel vm11, $0x80, v10;
	v11 =	vsel vm11, $0x0, v11;
	v12 =	vsel vm11, $0x780, v12  }
0x57: {  	v13 =	vsel vm11, $0x700, v13;
	v14 =	vsel vm11, $0x680, v14;
	v15 =	vsel vm11, $0x600, v15  }
0x58: {  	v28 =	vand.u32 $0xF, v28;
	v19 =	vunpack.c.l.s4.s8 v19;
	v1 =	vsel vm12, $0x580, v1  }
0x59: {  	v2 =	vsel vm12, $0x500, v2;
	v3 =	vsel vm12, $0x480, v3;
	v4 =	vsel vm12, $0x400, v4  }
0x5a: {  	s14 =	simm.s32 $0x400;
	v5 =	vsel vm12, $0x380, v5;
	v6 =	vsel vm12, $0x300, v6;
	v7 =	vsel vm12, $0x280, v7  }
0x5b: {  	s18 =	simm.s32 $0x80;
	s20 =	simm.s32 $0x2200;
	s21 =	simm.s32 $0x2;
	v8 =	vsel vm12, $0x200, v8;
	v9 =	vsel vm12, $0x180, v9;
	v10 =	vsel vm12, $0x100, v10  }
0x5c: {  	s28 =	simm.s32 $0x4;
	s30 =	simm.s32 $0xE200;
	s31 =	simm.s32 $0x5;
	v11 =	vsel vm12, $0x80, v11;
	v12 =	vsel vm12, $0x0, v12;
	v13 =	vsel vm12, $0x780, v13  }
0x5d: {  	s9 =	simm.s32 $0x14200;
	s11 =	simm.s32 $0x7;
	s13 =	simm.s32 $0x16200;
	v14 =	vsel vm12, $0x700, v14;
	v15 =	vsel vm12, $0x680, v15;
	v30 =	vunpack.c.0.s8.s32 v17  }
0x5e: {  	s12 =	simm.s32 $0x8;
	s0 =	ssub.s32 $0x2, s0;
	s6 =	smul.u32 $0x6400, s5;
	v17 =	vimm.s32 $0x543210FE;
	v1 =	vsel vm13, $0x600, v1;
	v2 =	vsel vm13, $0x580, v2  }
0x5f: {  	s15 =	simm.s32 $0x9;
	s22 =	sshrl.u32 s0, $0x1;
	s7 =	smul.u32 $0x12000, s5;
	v3 =	vsel vm13, $0x500, v3;
	v4 =	vsel vm13, $0x480, v4;
	v5 =	vsel vm13, $0x400, v5  }
0x60: {  	s17 =	simm.s32 $0x0;
	s5 =	smul.u32 $0xC8, s5;
	s0 =	ssub.s32 s0, s22;
	v6 =	vsel vm13, $0x380, v6;
	v7 =	vsel vm13, $0x300, v7;
	v8 =	vsel vm13, $0x280, v8  }
0x61: {  	s0 =	smax.u32 s0, $0x1;
	s6 =	sand.u32 $0xE0000, s6;
	s7 =	sand.u32 $0x1E000, s7;
	v9 =	vsel vm13, $0x200, v9;
	v10 =	vsel vm13, $0x180, v10;
	v17 =	vunpack.c.l.s4.s8 v17  }
0x62: {  	[tilespmem:$0x1FFA0] =	vst v23;
	s26 =	sand.u32 $0x380, s5;
	[dreg:$0xa] =	wrdreg s0;
	s0 =	simm.s32 $0x20000;
	v11 =	vsel vm13, $0x100, v11;
	v12 =	vsel vm13, $0x80, v12;
	v13 =	vsel vm13, $0x0, v13  }
0x63: {  	[tilespmem:$0x1FFE0] =	vst v37;
	s6 =	sor.u32 s7, s6;
	[dreg:$0x7] =	wrdreg s26;
	s29 =	sor.u32 $0xC00, s26;
	v14 =	vsel vm13, $0x780, v14;
	v15 =	vsel vm13, $0x700, v15;
	v17 =	vunpack.c.0.s8.s32 v17  }
0x64: {  	[tilespmem:$0x1FFB0] =	vst v21;
	s26 =	simm.s32 $0xA200;
	s7 =	simm.s32 $0x18200;
	s8 =	sshrl.u32 s6, $0x3;
	v1 =	vsel vm14, $0x680, v1;
	v2 =	vsel vm14, $0x600, v2;
	v3 =	vsel vm14, $0x580, v3  }
.Ltmp0:
0x65: {  	v32 =	vmovc v35;
	[dreg:$0x9] =	wrdreg s29;
	s23 =	sadd.s32 s1, s8;
	v4 =	vsel vm14, $0x500, v4;
	v5 =	vsel vm14, $0x480, v5;
	[tilespmem:$0x1FF80] =	vst v17;
	v17 =	vunpack.c.0.s8.s32 v19;
	(pc) =	sbr.rel .LBB2_1-.Ltmp0, $4  }
0x66: {  	[tilespmem:$0x1FFF0] =	vst v32;
	s6 =	sadd.s32 $0xF42800, s2;
	s24 =	sadd.s32 $0x80, s23;
	[dreg:$0x4] =	wrdreg s23;
	v6 =	vsel vm14, $0x400, v6;
	v7 =	vsel vm14, $0x380, v7;
	v8 =	vsel vm14, $0x300, v8  }
0x67: {  	s8 =	simm.s32 $0x6;
	s25 =	sadd.s32 $0x100, s23;
	[dreg:$0x5] =	wrdreg s24;
	v9 =	vsel vm14, $0x280, v9;
	v10 =	vsel vm14, $0x200, v10;
	[tilespmem:$0x1FF90] =	vst v17;
	v17 =	vand.u32 $0xF, v18  }
0x68: {  	[tilespmem:$0x1FFD0] =	vst v20;
	s2 =	sadd.s32 $0x180, s23;
	s23 =	simm.s32 $0x6200;
	[dreg:$0x6] =	wrdreg s25;
	v11 =	vsel vm14, $0x180, v11;
	v12 =	vsel vm14, $0x100, v12;
	v35 =	vcombine.low v17, v36  }
0x69: {  	v31 =	vmovc v37;
	v24 =	vmovc v20;
	[tilespmem:$0x1FFC0] =	vst v22;
	[dreg:$0x8] =	wrdreg s2;
	s24 =	simm.s32 $0x3;
	s2 =	simm.s32 $0x12200;
	v13 =	vsel vm14, $0x80, v13;
	v14 =	vsel vm14, $0x0, v14;
	v15 =	vsel vm14, $0x780, v15  }
.LBB2_32:
0x6a: {  	_ =	swait.ge [sflag:s15], $0x2000  }
0x6b: {  	[sflag:s15] =	ssyncset.done $0x0  }
0x6c: {  	s10 =	simm.s32 $0xA;
	[sflag:s15] =	ssyncadd.s32 $0xFFFFE000  }
0x6d: {  	_ =	swait.ge [sflag:s10], $0x2000  }
0x6e: {  	[sflag:s10] =	ssyncset.done $0x0  }
0x6f: {  	s25 =	simm.s32 $0xB;
	[sflag:s10] =	ssyncadd.s32 $0xFFFFE000  }
0x70: {  	_ =	swait.ge [sflag:s25], $0x2000  }
0x71: {  	[sflag:s25] =	ssyncset.done $0x0  }
0x72: {  	s16 =	simm.s32 $0xC;
	[sflag:s25] =	ssyncadd.s32 $0xFFFFE000  }
0x73: {  	_ =	swait.ge [sflag:s16], $0x2000  }
0x74: {  	s17 =	rddreg [dreg:$0xb]  }
0x75: {  	s29 =	rddreg [dreg:$0xa];
	s17 =	sadd.s32 $0x1, s17  }
0x76: {  	v23 =	vld [tilespmem:$0x1FFA0];
	p0 =	sne.s32 s17, s29  }
.Ltmp1:
0x77: {  	v21 =	vld [tilespmem:$0x1FFB0];
	(pc) =	sbr.rel @!p0 .LBB2_33-.Ltmp1, $4  }
0x78: {  	v22 =	vld [tilespmem:$0x1FFC0]  }
0x79: {  	v24 =	vld [tilespmem:$0x1FFD0]  }
0x7a: {  	[sflag:s16] =	ssyncset.done $0x0;
	v31 =	vld [tilespmem:$0x1FFE0]  }
0x7b: {  	v32 =	vld [tilespmem:$0x1FFF0];
	[sflag:s16] =	ssyncadd.s32 $0xFFFFE000  }
.LBB2_1:
0x7c: {  	[dreg:$0xb] =	wrdreg s17  }
0x7d: {  	s10 =	rddreg [dreg:$0x4]  }
0x7e: {  	[tilespmem:s4], [sflag:$0x1] =	stream.linear.gather [hbm4b:s10+s4], $0x400, $0x38;
	[tilespmem:$0x1A200] =	vst v63  }
0x7f: {  	s19 =	rddreg [dreg:$0x5]  }
0x80: {  	[tilespmem:s14], [sflag:$0x2] =	stream.linear.gather [hbm4b:s19+s4], $0x400, $0x38;
	[tilespmem:$0x1A200] =	vst v63  }
0x81: {  	s22 =	rddreg [dreg:$0x6];
	s16 =	simm.s32 $0x800  }
0x82: {  	[tilespmem:s16], [sflag:$0x3] =	stream.linear.gather [hbm4b:s22+s4], $0x400, $0x38;
	[tilespmem:$0x1A200] =	vst v63  }
0x83: {  	s25 =	rddreg [dreg:$0x8];
	s29 =	simm.s32 $0xC00;
	s17 =	simm.s32 $0x1  }
0x84: {  	[tilespmem:s29], [sflag:$0x4] =	stream.linear.gather [hbm4b:s25+s4], $0x400, $0x38;
	[tilespmem:$0x1A200] =	vst v63  }
0x85: {  	_ =	swait.ge [sflag:s17], $0x400  }
0x86: {  	[sflag:s17] =	ssyncset.done $0x0  }
0x87: {  	s19 =	rddreg [dreg:$0x7];
	[sflag:s17] =	ssyncadd.s32 $0xFFFFFC00  }
0x88: {  	v17 =	vld [tilespmem:s19+$0x0];
	_ =	sdelay $0x4  }
0x89: {  	v18 =	vshra.s32 v17, $0x1;
	v17 =	vshll.u32 v17, $0x6  }
0x8a: {  	[tilespmem:$0x1000] =	vst v18;
	v17 =	vand.u32 $0x40, v17  }
0x8b: {  	[tilespmem:$0x1200] =	vst v17  }
0x8c: {  	v17 =	vld [tilespmem:s19+$0x10];
	_ =	sdelay $0x4  }
0x8d: {  	v18 =	vshra.s32 v17, $0x1;
	v17 =	vshll.u32 v17, $0x6  }
0x8e: {  	[tilespmem:$0x1010] =	vst v18;
	v17 =	vand.u32 $0x40, v17  }
0x8f: {  	[tilespmem:$0x1280] =	vst v17  }
0x90: {  	v17 =	vld [tilespmem:s19+$0x20];
	_ =	sdelay $0x4  }
0x91: {  	v18 =	vshra.s32 v17, $0x1;
	v17 =	vshll.u32 v17, $0x6  }
0x92: {  	[tilespmem:$0x1020] =	vst v18;
	v17 =	vand.u32 $0x40, v17  }
0x93: {  	[tilespmem:$0x1300] =	vst v17  }
0x94: {  	v17 =	vld [tilespmem:s19+$0x30];
	_ =	sdelay $0x4  }
0x95: {  	v18 =	vshra.s32 v17, $0x1;
	v17 =	vshll.u32 v17, $0x6  }
0x96: {  	[tilespmem:$0x1030] =	vst v18;
	v17 =	vand.u32 $0x40, v17  }
0x97: {  	[tilespmem:$0x1380] =	vst v17  }
0x98: {  	v17 =	vld [tilespmem:s19+$0x40];
	_ =	sdelay $0x4  }
0x99: {  	v18 =	vshra.s32 v17, $0x1;
	v17 =	vshll.u32 v17, $0x6  }
0x9a: {  	[tilespmem:$0x1040] =	vst v18;
	v17 =	vand.u32 $0x40, v17  }
0x9b: {  	[tilespmem:$0x1400] =	vst v17  }
0x9c: {  	v17 =	vld [tilespmem:s19+$0x50];
	_ =	sdelay $0x4  }
0x9d: {  	v18 =	vshra.s32 v17, $0x1;
	v17 =	vshll.u32 v17, $0x6  }
0x9e: {  	[tilespmem:$0x1050] =	vst v18;
	v17 =	vand.u32 $0x40, v17  }
0x9f: {  	[tilespmem:$0x1480] =	vst v17  }
0xa0: {  	v17 =	vld [tilespmem:s19+$0x60];
	_ =	sdelay $0x4  }
0xa1: {  	v18 =	vshra.s32 v17, $0x1;
	v17 =	vshll.u32 v17, $0x6  }
0xa2: {  	[tilespmem:$0x1060] =	vst v18;
	v17 =	vand.u32 $0x40, v17  }
0xa3: {  	[tilespmem:$0x1500] =	vst v17  }
0xa4: {  	v17 =	vld [tilespmem:s19+$0x70];
	_ =	sdelay $0x4  }
0xa5: {  	v18 =	vshra.s32 v17, $0x1;
	v17 =	vshll.u32 v17, $0x6  }
0xa6: {  	[tilespmem:$0x1070] =	vst v18;
	v17 =	vand.u32 $0x40, v17  }
0xa7: {  	s22 =	simm.s32 $0x1000;
	[tilespmem:$0x1580] =	vst v17  }
0xa8: {  	[tilespmem:s20], [sflag:$0x5] =	stream.indirect.gather [hbm4b:s6+s18], $0x80, s22, s18, $0xb8;
	[tilespmem:$0x1A200] =	vst v63  }
0xa9: {  	_ =	swait.ge [sflag:s21], $0x400  }
0xaa: {  	[sflag:s21] =	ssyncset.done $0x0  }
0xab: {  	[sflag:s21] =	ssyncadd.s32 $0xFFFFFC00  }
0xac: {  	v17 =	vld [tilespmem:s19+$0x400];
	_ =	sdelay $0x4  }
0xad: {  	v18 =	vshra.s32 v17, $0x1;
	v17 =	vshll.u32 v17, $0x6  }
0xae: {  	[tilespmem:$0x1080] =	vst v18;
	v17 =	vand.u32 $0x40, v17  }
0xaf: {  	[tilespmem:$0x1600] =	vst v17  }
0xb0: {  	v17 =	vld [tilespmem:s19+$0x410];
	_ =	sdelay $0x4  }
0xb1: {  	v18 =	vshra.s32 v17, $0x1;
	v17 =	vshll.u32 v17, $0x6  }
0xb2: {  	[tilespmem:$0x1090] =	vst v18;
	v17 =	vand.u32 $0x40, v17  }
0xb3: {  	[tilespmem:$0x1680] =	vst v17  }
0xb4: {  	v17 =	vld [tilespmem:s19+$0x420];
	_ =	sdelay $0x4  }
0xb5: {  	v18 =	vshra.s32 v17, $0x1;
	v17 =	vshll.u32 v17, $0x6  }
0xb6: {  	[tilespmem:$0x10A0] =	vst v18;
	v17 =	vand.u32 $0x40, v17  }
0xb7: {  	[tilespmem:$0x1700] =	vst v17  }
0xb8: {  	v17 =	vld [tilespmem:s19+$0x430];
	_ =	sdelay $0x4  }
0xb9: {  	v18 =	vshra.s32 v17, $0x1;
	v17 =	vshll.u32 v17, $0x6  }
0xba: {  	[tilespmem:$0x10B0] =	vst v18;
	v17 =	vand.u32 $0x40, v17  }
0xbb: {  	[tilespmem:$0x1780] =	vst v17  }
0xbc: {  	v17 =	vld [tilespmem:s19+$0x440];
	_ =	sdelay $0x4  }
0xbd: {  	v18 =	vshra.s32 v17, $0x1;
	v17 =	vshll.u32 v17, $0x6  }
0xbe: {  	[tilespmem:$0x10C0] =	vst v18;
	v17 =	vand.u32 $0x40, v17  }
0xbf: {  	[tilespmem:$0x1800] =	vst v17  }
0xc0: {  	v17 =	vld [tilespmem:s19+$0x450];
	_ =	sdelay $0x4  }
0xc1: {  	v18 =	vshra.s32 v17, $0x1;
	v17 =	vshll.u32 v17, $0x6  }
0xc2: {  	[tilespmem:$0x10D0] =	vst v18;
	v17 =	vand.u32 $0x40, v17  }
0xc3: {  	[tilespmem:$0x1880] =	vst v17  }
0xc4: {  	v17 =	vld [tilespmem:s19+$0x460];
	_ =	sdelay $0x4  }
0xc5: {  	v18 =	vshra.s32 v17, $0x1;
	v17 =	vshll.u32 v17, $0x6  }
0xc6: {  	[tilespmem:$0x10E0] =	vst v18;
	v17 =	vand.u32 $0x40, v17  }
0xc7: {  	[tilespmem:$0x1900] =	vst v17  }
0xc8: {  	v17 =	vld [tilespmem:s19+$0x470];
	_ =	sdelay $0x4  }
0xc9: {  	v18 =	vshra.s32 v17, $0x1;
	v17 =	vshll.u32 v17, $0x6  }
0xca: {  	[tilespmem:$0x10F0] =	vst v18;
	v17 =	vand.u32 $0x40, v17  }
0xcb: {  	s25 =	simm.s32 $0x1080;
	[tilespmem:$0x1980] =	vst v17  }
0xcc: {  	[tilespmem:s23], [sflag:$0x6] =	stream.indirect.gather [hbm4b:s6+s18], $0x80, s25, s18, $0xb8;
	[tilespmem:$0x1A200] =	vst v63  }
0xcd: {  	_ =	swait.ge [sflag:s24], $0x400  }
0xce: {  	[sflag:s24] =	ssyncset.done $0x0  }
0xcf: {  	[sflag:s24] =	ssyncadd.s32 $0xFFFFFC00  }
0xd0: {  	v17 =	vld [tilespmem:s19+$0x800];
	_ =	sdelay $0x4  }
0xd1: {  	v18 =	vshra.s32 v17, $0x1;
	v17 =	vshll.u32 v17, $0x6  }
0xd2: {  	[tilespmem:$0x1100] =	vst v18;
	v17 =	vand.u32 $0x40, v17  }
0xd3: {  	[tilespmem:$0x1A00] =	vst v17  }
0xd4: {  	v17 =	vld [tilespmem:s19+$0x810];
	_ =	sdelay $0x4  }
0xd5: {  	v18 =	vshra.s32 v17, $0x1;
	v17 =	vshll.u32 v17, $0x6  }
0xd6: {  	[tilespmem:$0x1110] =	vst v18;
	v17 =	vand.u32 $0x40, v17  }
0xd7: {  	[tilespmem:$0x1A80] =	vst v17  }
0xd8: {  	v17 =	vld [tilespmem:s19+$0x820];
	_ =	sdelay $0x4  }
0xd9: {  	v18 =	vshra.s32 v17, $0x1;
	v17 =	vshll.u32 v17, $0x6  }
0xda: {  	[tilespmem:$0x1120] =	vst v18;
	v17 =	vand.u32 $0x40, v17  }
0xdb: {  	[tilespmem:$0x1B00] =	vst v17  }
0xdc: {  	v17 =	vld [tilespmem:s19+$0x830];
	_ =	sdelay $0x4  }
0xdd: {  	v18 =	vshra.s32 v17, $0x1;
	v17 =	vshll.u32 v17, $0x6  }
0xde: {  	[tilespmem:$0x1130] =	vst v18;
	v17 =	vand.u32 $0x40, v17  }
0xdf: {  	[tilespmem:$0x1B80] =	vst v17  }
0xe0: {  	v17 =	vld [tilespmem:s19+$0x840];
	_ =	sdelay $0x4  }
0xe1: {  	v18 =	vshra.s32 v17, $0x1;
	v17 =	vshll.u32 v17, $0x6  }
0xe2: {  	[tilespmem:$0x1140] =	vst v18;
	v17 =	vand.u32 $0x40, v17  }
0xe3: {  	[tilespmem:$0x1C00] =	vst v17  }
0xe4: {  	v17 =	vld [tilespmem:s19+$0x850];
	_ =	sdelay $0x4  }
0xe5: {  	v18 =	vshra.s32 v17, $0x1;
	v17 =	vshll.u32 v17, $0x6  }
0xe6: {  	[tilespmem:$0x1150] =	vst v18;
	v17 =	vand.u32 $0x40, v17  }
0xe7: {  	[tilespmem:$0x1C80] =	vst v17  }
0xe8: {  	v17 =	vld [tilespmem:s19+$0x860];
	_ =	sdelay $0x4  }
0xe9: {  	v18 =	vshra.s32 v17, $0x1;
	v17 =	vshll.u32 v17, $0x6  }
0xea: {  	[tilespmem:$0x1160] =	vst v18;
	v17 =	vand.u32 $0x40, v17  }
0xeb: {  	[tilespmem:$0x1D00] =	vst v17  }
0xec: {  	v17 =	vld [tilespmem:s19+$0x870];
	_ =	sdelay $0x4  }
0xed: {  	v18 =	vshra.s32 v17, $0x1;
	v17 =	vshll.u32 v17, $0x6  }
0xee: {  	[tilespmem:$0x1170] =	vst v18;
	v17 =	vand.u32 $0x40, v17  }
0xef: {  	s29 =	simm.s32 $0x1100;
	[tilespmem:$0x1D80] =	vst v17  }
0xf0: {  	[tilespmem:s26], [sflag:$0x7] =	stream.indirect.gather [hbm4b:s6+s18], $0x80, s29, s18, $0xb8;
	[tilespmem:$0x1A200] =	vst v63  }
0xf1: {  	_ =	swait.ge [sflag:s28], $0x400  }
0xf2: {  	[sflag:s28] =	ssyncset.done $0x0  }
0xf3: {  	s16 =	simm.s32 $0x0;
	s10 =	rddreg [dreg:$0x9];
	[sflag:s28] =	ssyncadd.s32 $0xFFFFFC00  }
.LBB2_2:
0xf4: {  	v17 =	vld [tilespmem:s10+$0x0];
	_ =	sdelay $0x4  }
0xf5: {  	v18 =	vshra.s32 v17, $0x1;
	v17 =	vshll.u32 v17, $0x6  }
0xf6: {  	[tilespmem:$0x1180] =	vst v18;
	v17 =	vand.u32 $0x40, v17  }
0xf7: {  	[tilespmem:$0x1E00] =	vst v17  }
0xf8: {  	v17 =	vld [tilespmem:s10+$0x10];
	_ =	sdelay $0x4  }
0xf9: {  	v18 =	vshra.s32 v17, $0x1;
	v17 =	vshll.u32 v17, $0x6  }
0xfa: {  	[tilespmem:$0x1190] =	vst v18;
	v17 =	vand.u32 $0x40, v17  }
0xfb: {  	[tilespmem:$0x1E80] =	vst v17  }
0xfc: {  	v17 =	vld [tilespmem:s10+$0x20];
	_ =	sdelay $0x4  }
0xfd: {  	v18 =	vshra.s32 v17, $0x1;
	v17 =	vshll.u32 v17, $0x6  }
0xfe: {  	[tilespmem:$0x11A0] =	vst v18;
	v17 =	vand.u32 $0x40, v17  }
0xff: {  	[tilespmem:$0x1F00] =	vst v17  }
0x100: {  	v17 =	vld [tilespmem:s10+$0x30];
	_ =	sdelay $0x4  }
0x101: {  	v18 =	vshra.s32 v17, $0x1;
	v17 =	vshll.u32 v17, $0x6  }
0x102: {  	[tilespmem:$0x11B0] =	vst v18;
	v17 =	vand.u32 $0x40, v17  }
0x103: {  	[tilespmem:$0x1F80] =	vst v17  }
0x104: {  	v17 =	vld [tilespmem:s10+$0x40];
	_ =	sdelay $0x4  }
0x105: {  	v18 =	vshra.s32 v17, $0x1;
	v17 =	vshll.u32 v17, $0x6  }
0x106: {  	[tilespmem:$0x11C0] =	vst v18;
	v17 =	vand.u32 $0x40, v17  }
0x107: {  	[tilespmem:$0x2000] =	vst v17  }
0x108: {  	v17 =	vld [tilespmem:s10+$0x50];
	_ =	sdelay $0x4  }
0x109: {  	v18 =	vshra.s32 v17, $0x1;
	v17 =	vshll.u32 v17, $0x6  }
0x10a: {  	[tilespmem:$0x11D0] =	vst v18;
	v17 =	vand.u32 $0x40, v17  }
0x10b: {  	[tilespmem:$0x2080] =	vst v17  }
0x10c: {  	v17 =	vld [tilespmem:s10+$0x60];
	_ =	sdelay $0x4  }
0x10d: {  	v18 =	vshra.s32 v17, $0x1;
	v17 =	vshll.u32 v17, $0x6  }
0x10e: {  	[tilespmem:$0x11E0] =	vst v18;
	v17 =	vand.u32 $0x40, v17  }
0x10f: {  	[tilespmem:$0x2100] =	vst v17  }
0x110: {  	s29 =	sshll.u32 s16, $0x2;
	v17 =	vld [tilespmem:s10+$0x70]  }
0x111: {  	p0 =	seq.s32 s16, $0x31;
	s19 =	sadd.s32 s5, s29  }
0x112: {  	s10 =	sadd.s32 @!p0 $0x4, s19  }
0x113: {  	s22 =	sand.u32 @!p0 $0x380, s10  }
0x114: {  	p1 =	slt.u32 @!p0 s19, $0x7C;
	p2 =	sne.s32 @!p0 s22, $0x0  }
0x115: {  	p1 =	por @!p0 !p1, !p2;
	v18 =	vshra.s32 v17, $0x1;
	v17 =	vshll.u32 v17, $0x6  }
0x116: {  	p1 =	por @!p0 !p1, !p1;
	[tilespmem:$0x11F0] =	vst v18;
	v17 =	vand.u32 $0x40, v17  }
0x117: {  	s25 =	simm.s32 $0x1180;
	s22 =	simm.s32 @!p0 $0x1;
	p1 =	por !p1, p0;
	[tilespmem:$0x2180] =	vst v17  }
0x118: {  	[tilespmem:s30], [sflag:$0x8] =	stream.indirect.gather [hbm4b:s6+s18], $0x80, s25, s18, $0xb8;
	[tilespmem:$0x1A200] =	vst v63  }
0x119: {  	s22 =	simm.s32 @p1 $0x0;
	p1 =	seq.s32 @!p0 s16, $0x0;
	s25 =	sshrl.u32 @!p0 s10, $0xA  }
0x11a: {  	p1 =	por p0, !p1;
	s10 =	sshll.u32 @!p0 s10, $0xA;
	s22 =	ssub.s32 @!p0 s25, s22  }
.Ltmp2:
0x11b: {  	s10 =	sand.u32 @!p0 $0x1F000, s10;
	s22 =	sshll.u32 @!p0 s22, $0x11;
	(pc) =	sbr.rel @!p1 .LBB2_3-.Ltmp2, $4  }
0x11c: {  	_ =	swait.ge [sflag:s31], $0x4000;
	s10 =	sor.u32 @!p0 s10, s22  }
0x11d: {  	[sflag:s31] =	ssyncset.done $0x0;
	s10 =	sshrl.u32 @!p0 s10, $0x3  }
0x11e: {  	[sflag:s31] =	ssyncadd.s32 $0xFFFFC000;
	s22 =	simm.s32 @!p0 $0x0;
	s10 =	sadd.s32 @!p0 s1, s10  }
0x11f: {  	[tilespmem:s22], [sflag:$0x1] =	stream.linear.gather @!p0 [hbm4b:s10+s22], $0x400, $0x38;
	[tilespmem:$0x1A200] =	vst v63  }
.Ltmp3:
0x120: {  	(pc) =	sbr.rel .LBB2_5-.Ltmp3, $4  }
0x121: {  	_ = 	snop  }
0x122: {  	_ =	swait.ge [sflag:s15], $0x2000  }
0x123: {  	[sflag:s15] =	ssyncset.done $0x0  }
0x124: {  	p1 =	por $0x0, $0x0;
	[sflag:s15] =	ssyncadd.s32 $0xFFFFE000  }
.LBB2_3:
0x125: {  	p1 =	por @!p0 $0x1, $0x1  }
.LBB2_5:
0x126: {  	s16 =	sadd.s32 $0x1, s16;
	s22 =	simm.s32 $0x0  }
.LBB2_6:
0x127: {  	s10 =	sshll.u32 s22, $0x7  }
0x128: {  	s10 =	sand.u32 $0x3FFFFF80, s10  }
0x129: {  	v45 =	vld [tilespmem:s10+$0x1200];
	_ =	sdelay $0x3  }
0x12a: {  	s17 =	simm.s32 $0x0  }
0x12b: {  	s25 =	sshll.u32 s22, $0x4;
	v56 =	vadd.s32 s17, v45  }
0x12c: {  	v46 =	vor.u32 s25, v0;
	v17 =	vadd.s32 v0, v56  }
0x12d: {  	v47 =	vshll.u32 v46, $0x7;
	v18 =	vand.u32 $0xFFFFFF80, v17  }
0x12e: {  	v17 =	vand.u32 $0x7F, v17;
	v18 =	vadd.s32 v47, v18  }
0x12f: {  	v17 =	vor.u32 v17, v18;
	_ =	sdelay $0x3  }
0x130: {  	v18 =	vmov s17  }
0x131: {  	v55 =	vshll.u32 v18, $0x7;
	v18 =	vadd.s32 v25, v56;
	v17 =	vld.idx.msk [tilespmem:v17+s20+$0x0], $0xffff  }
0x132: {  	v19 =	vor.u32 v16, v55;
	v36 =	vand.u32 $0xFFFFFF80, v18  }
0x133: {  	v18 =	vand.u32 $0x7F, v18;
	v19 =	vadd.s32 v46, v19;
	v36 =	vadd.s32 v47, v36  }
0x134: {  	v18 =	vor.u32 v18, v36;
	_ =	sdelay $0x1  }
0x135: {  	v17 =	vmul.f32 $8.000000000e+00, v17;
	_ =	sdelay $0x1  }
0x136: {  	[tilespmem:v19+s2+$0x0] =	vst.idx.msk $0xffff, v17  }
0x137: {  	v17 =	vld.idx.msk [tilespmem:v18+s20+$0x0], $0xffff;
	v18 =	vadd.s32 v26, v56  }
0x138: {  	v19 =	vor.u32 v15, v55;
	v54 =	vand.u32 $0xFFFFFF80, v18  }
0x139: {  	v19 =	vadd.s32 v46, v19;
	v18 =	vand.u32 $0x7F, v18;
	v36 =	vadd.s32 v47, v54  }
0x13a: {  	v18 =	vor.u32 v18, v36;
	_ =	sdelay $0x1  }
0x13b: {  	v17 =	vmul.f32 $8.000000000e+00, v17;
	_ =	sdelay $0x1  }
0x13c: {  	[tilespmem:v19+s2+$0x0] =	vst.idx.msk $0xffff, v17  }
0x13d: {  	v17 =	vld.idx.msk [tilespmem:v18+s20+$0x0], $0xffff;
	v18 =	vadd.s32 v27, v56  }
0x13e: {  	v19 =	vor.u32 v14, v55;
	v57 =	vand.u32 $0xFFFFFF80, v18  }
0x13f: {  	v19 =	vadd.s32 v46, v19;
	v18 =	vand.u32 $0x7F, v18;
	v36 =	vadd.s32 v47, v57  }
0x140: {  	v18 =	vor.u32 v18, v36;
	_ =	sdelay $0x1  }
0x141: {  	v17 =	vmul.f32 $8.000000000e+00, v17;
	_ =	sdelay $0x1  }
0x142: {  	[tilespmem:v19+s2+$0x0] =	vst.idx.msk $0xffff, v17  }
0x143: {  	v17 =	vld.idx.msk [tilespmem:v18+s20+$0x0], $0xffff;
	v18 =	vadd.s32 v28, v56  }
0x144: {  	v19 =	vor.u32 v13, v55;
	v58 =	vand.u32 $0xFFFFFF80, v18  }
0x145: {  	v19 =	vadd.s32 v46, v19;
	v18 =	vand.u32 $0x7F, v18;
	v36 =	vadd.s32 v47, v58  }
0x146: {  	v18 =	vor.u32 v18, v36;
	_ =	sdelay $0x1  }
0x147: {  	v17 =	vmul.f32 $8.000000000e+00, v17;
	_ =	sdelay $0x1  }
0x148: {  	v59 =	vcombine.low v30, v29;
	[tilespmem:v19+s2+$0x0] =	vst.idx.msk $0xffff, v17  }
0x149: {  	v17 =	vld.idx.msk [tilespmem:v18+s20+$0x0], $0xffff  }
0x14a: {  	v36 =	vand.u32 $0xF, v59;
	v62 =	vld [tilespmem:$0x1FF80]  }
0x14b: {  	v18 =	vadd.s32 v36, v56;
	v63 =	vld [tilespmem:$0x1FF90]  }
0x14c: {  	v19 =	vor.u32 v12, v55;
	v37 =	vand.u32 $0xFFFFFF80, v18  }
0x14d: {  	v19 =	vadd.s32 v46, v19;
	v18 =	vand.u32 $0x7F, v18;
	v37 =	vadd.s32 v47, v37  }
0x14e: {  	s29 =	simm.s32 $0x10;
	v18 =	vor.u32 v18, v37  }
0x14f: {  	v48 =	vadd.s32 s29, v45  }
0x150: {  	v38 =	vadd.s32 v0, v48;
	v51 =	vcombine.low v63, v62;
	v17 =	vmul.f32 $8.000000000e+00, v17  }
0x151: {  	v39 =	vand.u32 $0xFFFFFF80, v38  }
0x152: {  	[tilespmem:v19+s2+$0x0] =	vst.idx.msk $0xffff, v17;
	v37 =	vand.u32 $0xF, v51;
	v17 =	vand.u32 $0x7F, v38;
	v19 =	vadd.s32 v47, v39  }
0x153: {  	v18 =	vld.idx.msk [tilespmem:v18+s20+$0x0], $0xffff;
	v17 =	vor.u32 v17, v19;
	v19 =	vadd.s32 v37, v56  }
0x154: {  	v60 =	vor.u32 v11, v55;
	v61 =	vand.u32 $0xFFFFFF80, v19  }
0x155: {  	v40 =	vadd.s32 v46, v60;
	v19 =	vand.u32 $0x7F, v19;
	v43 =	vadd.s32 v47, v61  }
0x156: {  	v19 =	vor.u32 v19, v43  }
0x157: {  	v44 =	vcombine.low v34, v33;
	v52 =	vmov s29;
	v53 =	vadd.s32 v25, v48  }
0x158: {  	v49 =	vshll.u32 v52, $0x7;
	v42 =	vand.u32 $0xFFFFFF80, v53;
	v17 =	vld.idx.msk [tilespmem:v17+s20+$0x0], $0xffff;
	v18 =	vmul.f32 $8.000000000e+00, v18  }
0x159: {  	v41 =	vor.u32 v16, v49;
	v54 =	vadd.s32 v47, v42;
	v38 =	vand.u32 $0xF, v44  }
0x15a: {  	v39 =	vand.u32 $0x7F, v53;
	v58 =	vadd.s32 v38, v56;
	[tilespmem:v40+s2+$0x0] =	vst.idx.msk $0xffff, v18;
	v18 =	vadd.s32 v46, v41  }
0x15b: {  	v39 =	vor.u32 v39, v54;
	v59 =	vand.u32 $0xFFFFFF80, v58;
	v19 =	vld.idx.msk [tilespmem:v19+s20+$0x0], $0xffff  }
0x15c: {  	v57 =	vor.u32 v10, v55;
	v42 =	vadd.s32 v47, v59  }
0x15d: {  	v40 =	vadd.s32 v46, v57;
	v41 =	vand.u32 $0x7F, v58;
	v17 =	vmul.f32 $8.000000000e+00, v17  }
0x15e: {  	v41 =	vor.u32 v41, v42  }
0x15f: {  	[tilespmem:v18+s2+$0x0] =	vst.idx.msk $0xffff, v17  }
0x160: {  	v17 =	vld.idx.msk [tilespmem:v39+s20+$0x0], $0xffff;
	v18 =	vmul.f32 $8.000000000e+00, v19;
	v19 =	vadd.s32 v26, v48  }
0x161: {  	v50 =	vadd.s32 v35, v56;
	v60 =	vor.u32 v15, v49;
	v61 =	vand.u32 $0xFFFFFF80, v19  }
0x162: {  	v19 =	vand.u32 $0x7F, v19;
	[tilespmem:v40+s2+$0x0] =	vst.idx.msk $0xffff, v18;
	v18 =	vadd.s32 v46, v60;
	v44 =	vadd.s32 v47, v61  }
0x163: {  	v53 =	vand.u32 $0xFFFFFF80, v50;
	v40 =	vld.idx.msk [tilespmem:v41+s20+$0x0], $0xffff;
	v19 =	vor.u32 v19, v44  }
0x164: {  	v52 =	vor.u32 v9, v55;
	v42 =	vadd.s32 v47, v53  }
0x165: {  	v39 =	vand.u32 $0x7F, v50;
	v41 =	vadd.s32 v46, v52;
	v17 =	vmul.f32 $8.000000000e+00, v17  }
0x166: {  	v42 =	vor.u32 v39, v42  }
0x167: {  	[tilespmem:v18+s2+$0x0] =	vst.idx.msk $0xffff, v17;
	v17 =	vcombine.low v23, v21  }
0x168: {  	v54 =	vadd.s32 v27, v48;
	v18 =	vld.idx.msk [tilespmem:v19+s20+$0x0], $0xffff;
	v19 =	vmul.f32 $8.000000000e+00, v40  }
0x169: {  	v43 =	vand.u32 $0xFFFFFF80, v54;
	v39 =	vand.u32 $0xF, v17;
	v17 =	vor.u32 v14, v49  }
0x16a: {  	v40 =	vand.u32 $0x7F, v54;
	[tilespmem:v41+s2+$0x0] =	vst.idx.msk $0xffff, v19;
	v17 =	vadd.s32 v46, v17;
	v19 =	vadd.s32 v47, v43  }
0x16b: {  	v57 =	vor.u32 v8, v55;
	v58 =	vadd.s32 v39, v56;
	v41 =	vld.idx.msk [tilespmem:v42+s20+$0x0], $0xffff;
	v19 =	vor.u32 v40, v19  }
0x16c: {  	v59 =	vadd.s32 v46, v57;
	v60 =	vand.u32 $0xFFFFFF80, v58  }
0x16d: {  	v42 =	vand.u32 $0x7F, v58;
	v40 =	vadd.s32 v47, v60;
	v18 =	vmul.f32 $8.000000000e+00, v18  }
0x16e: {  	v42 =	vor.u32 v42, v40  }
0x16f: {  	[tilespmem:v17+s2+$0x0] =	vst.idx.msk $0xffff, v18;
	v17 =	vcombine.low v22, v24  }
0x170: {  	v61 =	vadd.s32 v28, v48;
	v18 =	vld.idx.msk [tilespmem:v19+s20+$0x0], $0xffff;
	v19 =	vmul.f32 $8.000000000e+00, v41  }
0x171: {  	v44 =	vand.u32 $0xFFFFFF80, v61;
	v40 =	vand.u32 $0xF, v17;
	v17 =	vor.u32 v13, v49  }
0x172: {  	v41 =	vand.u32 $0x7F, v61;
	[tilespmem:v59+s2+$0x0] =	vst.idx.msk $0xffff, v19;
	v17 =	vadd.s32 v46, v17;
	v19 =	vadd.s32 v47, v44  }
0x173: {  	v42 =	vld.idx.msk [tilespmem:v42+s20+$0x0], $0xffff;
	v19 =	vor.u32 v41, v19  }
0x174: {  	v50 =	vor.u32 v7, v55  }
0x175: {  	v52 =	vadd.s32 v40, v56;
	v41 =	vadd.s32 v46, v50;
	v18 =	vmul.f32 $8.000000000e+00, v18  }
0x176: {  	v53 =	vand.u32 $0xFFFFFF80, v52  }
0x177: {  	v43 =	vand.u32 $0x7F, v52;
	v44 =	vadd.s32 v47, v53;
	[tilespmem:v17+s2+$0x0] =	vst.idx.msk $0xffff, v18  }
0x178: {  	v57 =	vadd.s32 v36, v48;
	v43 =	vor.u32 v43, v44;
	v18 =	vld.idx.msk [tilespmem:v19+s20+$0x0], $0xffff;
	v19 =	vmul.f32 $8.000000000e+00, v42  }
0x179: {  	v54 =	vor.u32 v12, v49;
	v58 =	vor.u32 v6, v55;
	v17 =	vcombine.low v31, v32  }
0x17a: {  	v61 =	vadd.s32 v37, v48;
	v50 =	vand.u32 $0xFFFFFF80, v57;
	v42 =	vadd.s32 v46, v54;
	[tilespmem:v41+s2+$0x0] =	vst.idx.msk $0xffff, v19  }
0x17b: {  	v41 =	vand.u32 $0xF, v17;
	v17 =	vand.u32 $0x7F, v57;
	v19 =	vadd.s32 v47, v50;
	v20 =	vld [tilespmem:$0x1FF60]  }
0x17c: {  	s25 =	simm.s32 $0x20;
	v44 =	vadd.s32 v46, v58;
	v58 =	vor.u32 v11, v49;
	v17 =	vor.u32 v17, v19;
	v59 =	vld [tilespmem:$0x1FF70]  }
0x17d: {  	v58 =	vadd.s32 v46, v58;
	v50 =	vadd.s32 s25, v45;
	v43 =	vld.idx.msk [tilespmem:v43+s20+$0x0], $0xffff;
	v19 =	vadd.s32 v41, v56  }
0x17e: {  	v53 =	vadd.s32 v0, v50;
	v52 =	vand.u32 $0xFFFFFF80, v19;
	v18 =	vmul.f32 $8.000000000e+00, v18  }
0x17f: {  	v19 =	vand.u32 $0x7F, v19;
	v57 =	vand.u32 $0xFFFFFF80, v53;
	v52 =	vadd.s32 v47, v52  }
0x180: {  	v60 =	vadd.s32 v47, v57;
	v19 =	vor.u32 v19, v52;
	[tilespmem:v42+s2+$0x0] =	vst.idx.msk $0xffff, v18;
	v18 =	vand.u32 $0x7F, v53  }
0x181: {  	v54 =	vcombine.low v29, v30;
	v52 =	vcombine.low v20, v59;
	v17 =	vld.idx.msk [tilespmem:v17+s20+$0x0], $0xffff;
	v18 =	vor.u32 v18, v60  }
0x182: {  	v57 =	vand.u32 $0x7F, v61;
	v43 =	vmul.f32 $8.000000000e+00, v43;
	v59 =	vand.u32 $0xFFFFFF80, v61  }
0x183: {  	v60 =	vor.u32 v5, v55;
	v59 =	vadd.s32 v47, v59;
	v42 =	vand.u32 $0xF, v52  }
0x184: {  	v53 =	vmov s25;
	[tilespmem:v44+s2+$0x0] =	vst.idx.msk $0xffff, v43;
	v43 =	vor.u32 v57, v59;
	v61 =	vadd.s32 v42, v56  }
0x185: {  	v57 =	vadd.s32 v46, v60;
	v52 =	vshll.u32 v53, $0x7;
	v19 =	vld.idx.msk [tilespmem:v19+s20+$0x0], $0xffff;
	v59 =	vand.u32 $0xFFFFFF80, v61  }
0x186: {  	v44 =	vand.u32 $0x7F, v61;
	v17 =	vmul.f32 $8.000000000e+00, v17;
	v18 =	vld.idx.msk [tilespmem:v18+s20+$0x0], $0xffff;
	v60 =	vadd.s32 v47, v59  }
0x187: {  	v53 =	vadd.s32 v25, v50;
	v59 =	vor.u32 v16, v52;
	v44 =	vor.u32 v44, v60  }
0x188: {  	v60 =	vand.u32 $0xFFFFFF80, v53;
	v53 =	vand.u32 $0x7F, v53;
	[tilespmem:v58+s2+$0x0] =	vst.idx.msk $0xffff, v17;
	v17 =	vadd.s32 v46, v59  }
0x189: {  	v58 =	vadd.s32 v47, v60;
	v59 =	vor.u32 v10, v49;
	v60 =	vadd.s32 v38, v48  }
0x18a: {  	v43 =	vld.idx.msk [tilespmem:v43+s20+$0x0], $0xffff;
	v19 =	vmul.f32 $8.000000000e+00, v19;
	v58 =	vor.u32 v53, v58;
	v59 =	vadd.s32 v46, v59  }
0x18b: {  	v61 =	vand.u32 $0xFFFFFF80, v60;
	v53 =	vand.u32 $0xF, v54;
	v18 =	vmul.f32 $8.000000000e+00, v18  }
0x18c: {  	[tilespmem:v57+s2+$0x0] =	vst.idx.msk $0xffff, v19;
	v19 =	vand.u32 $0x7F, v60;
	v57 =	vadd.s32 v47, v61;
	v60 =	vor.u32 v4, v55  }
0x18d: {  	v61 =	vadd.s32 v53, v56;
	v44 =	vld.idx.msk [tilespmem:v44+s20+$0x0], $0xffff;
	v19 =	vor.u32 v19, v57;
	v57 =	vadd.s32 v46, v60  }
0x18e: {  	v60 =	vand.u32 $0xFFFFFF80, v61;
	[tilespmem:v17+s2+$0x0] =	vst.idx.msk $0xffff, v18;
	v18 =	vand.u32 $0x7F, v61;
	v61 =	vor.u32 v15, v52  }
0x18f: {  	v17 =	vmul.f32 $8.000000000e+00, v43;
	v43 =	vadd.s32 v47, v60;
	v58 =	vld.idx.msk [tilespmem:v58+s20+$0x0], $0xffff;
	v60 =	vadd.s32 v26, v50  }
0x190: {  	v18 =	vor.u32 v18, v43;
	v43 =	vcombine.low v62, v63;
	v62 =	vand.u32 $0xFFFFFF80, v60  }
0x191: {  	v60 =	vand.u32 $0x7F, v60;
	[tilespmem:v59+s2+$0x0] =	vst.idx.msk $0xffff, v17;
	v17 =	vadd.s32 v46, v61;
	v61 =	vadd.s32 v47, v62  }
0x192: {  	v44 =	vmul.f32 $8.000000000e+00, v44;
	v59 =	vor.u32 v60, v61;
	v60 =	vadd.s32 v35, v48  }
0x193: {  	v19 =	vld.idx.msk [tilespmem:v19+s20+$0x0], $0xffff;
	v43 =	vand.u32 $0xF, v43;
	v61 =	vor.u32 v9, v49;
	v62 =	vand.u32 $0xFFFFFF80, v60  }
0x194: {  	v60 =	vand.u32 $0x7F, v60;
	[tilespmem:v57+s2+$0x0] =	vst.idx.msk $0xffff, v44;
	v44 =	vmul.f32 $8.000000000e+00, v58;
	v62 =	vadd.s32 v47, v62  }
0x195: {  	v57 =	vadd.s32 v46, v61;
	v61 =	vadd.s32 v43, v56;
	v58 =	vor.u32 v60, v62  }
0x196: {  	v18 =	vld.idx.msk [tilespmem:v18+s20+$0x0], $0xffff;
	v60 =	vor.u32 v3, v55;
	v62 =	vcombine.low v33, v34;
	v63 =	vand.u32 $0xFFFFFF80, v61  }
0x197: {  	v60 =	vadd.s32 v46, v60;
	[tilespmem:v17+s2+$0x0] =	vst.idx.msk $0xffff, v44;
	v44 =	vadd.s32 v47, v63  }
0x198: {  	v17 =	vmul.f32 $8.000000000e+00, v19;
	v19 =	vand.u32 $0x7F, v61;
	v61 =	vadd.s32 v27, v50  }
0x199: {  	v59 =	vld.idx.msk [tilespmem:v59+s20+$0x0], $0xffff;
	v19 =	vor.u32 v19, v44;
	v44 =	vor.u32 v14, v52;
	v63 =	vand.u32 $0xFFFFFF80, v61  }
0x19a: {  	v61 =	vand.u32 $0x7F, v61;
	[tilespmem:v57+s2+$0x0] =	vst.idx.msk $0xffff, v17;
	v17 =	vadd.s32 v46, v44;
	v63 =	vadd.s32 v47, v63  }
0x19b: {  	v44 =	vor.u32 v8, v49;
	v57 =	vld.idx.msk [tilespmem:v58+s20+$0x0], $0xffff;
	v18 =	vmul.f32 $8.000000000e+00, v18;
	v58 =	vadd.s32 v39, v48  }
0x19c: {  	v61 =	vor.u32 v61, v63;
	v20 =	vadd.s32 v46, v44;
	v63 =	vand.u32 $0xFFFFFF80, v58  }
0x19d: {  	v44 =	vand.u32 $0xF, v62;
	v58 =	vand.u32 $0x7F, v58;
	v63 =	vadd.s32 v47, v63;
	[tilespmem:v60+s2+$0x0] =	vst.idx.msk $0xffff, v18  }
0x19e: {  	v56 =	vadd.s32 v44, v56;
	v18 =	vor.u32 v58, v63;
	v19 =	vld.idx.msk [tilespmem:v19+s20+$0x0], $0xffff  }
0x19f: {  	v62 =	vor.u32 v2, v55;
	v60 =	vand.u32 $0xFFFFFF80, v56;
	v58 =	vmul.f32 $8.000000000e+00, v59  }
0x1a0: {  	v59 =	vadd.s32 v46, v62;
	v63 =	vor.u32 v13, v52;
	v57 =	vmul.f32 $8.000000000e+00, v57  }
0x1a1: {  	[tilespmem:v17+s2+$0x0] =	vst.idx.msk $0xffff, v58;
	v17 =	vand.u32 $0x7F, v56;
	v56 =	vadd.s32 v47, v60;
	v58 =	vadd.s32 v28, v50  }
0x1a2: {  	v60 =	vld.idx.msk [tilespmem:v61+s20+$0x0], $0xffff;
	v17 =	vor.u32 v17, v56;
	v56 =	vadd.s32 v46, v63;
	[tilespmem:v20+s2+$0x0] =	vst.idx.msk $0xffff, v57  }
0x1a3: {  	v61 =	vadd.s32 v40, v48;
	v20 =	vand.u32 $0xFFFFFF80, v58;
	v18 =	vld.idx.msk [tilespmem:v18+s20+$0x0], $0xffff;
	v19 =	vmul.f32 $8.000000000e+00, v19  }
0x1a4: {  	v57 =	vand.u32 $0x7F, v58;
	v58 =	vor.u32 v7, v49;
	v20 =	vadd.s32 v47, v20  }
0x1a5: {  	v62 =	vand.u32 $0xFFFFFF80, v61;
	v58 =	vadd.s32 v46, v58;
	[tilespmem:v59+s2+$0x0] =	vst.idx.msk $0xffff, v19;
	v19 =	vor.u32 v57, v20  }
0x1a6: {  	v20 =	vand.u32 $0x7F, v61;
	v61 =	vadd.s32 v47, v62  }
0x1a7: {  	v20 =	vor.u32 v20, v61;
	v57 =	vmul.f32 $8.000000000e+00, v60;
	v60 =	vld.idx.msk [tilespmem:v17+s20+$0x0], $0xffff  }
0x1a8: {  	v17 =	vmul.f32 $8.000000000e+00, v18;
	v18 =	vor.u32 v1, v55  }
0x1a9: {  	[tilespmem:v56+s2+$0x0] =	vst.idx.msk $0xffff, v57;
	v55 =	vadd.s32 v46, v18  }
0x1aa: {  	v63 =	vadd.s32 v36, v50;
	v62 =	vor.u32 v12, v52;
	[tilespmem:v58+s2+$0x0] =	vst.idx.msk $0xffff, v17;
	v17 =	vld.idx.msk [tilespmem:v19+s20+$0x0], $0xffff  }
0x1ab: {  	v59 =	vadd.s32 v46, v62;
	v19 =	vand.u32 $0xFFFFFF80, v63  }
0x1ac: {  	v18 =	vand.u32 $0x7F, v63;
	v19 =	vadd.s32 v47, v19;
	v58 =	vld.idx.msk [tilespmem:v20+s20+$0x0], $0xffff;
	v56 =	vmul.f32 $8.000000000e+00, v60  }
.LBB2_7:
0x1ad: {  	s25 =	sadd.s32 $0x10, s25;
	v18 =	vor.u32 v18, v19;
	v19 =	vor.u32 v6, v49;
	v20 =	vadd.s32 v41, v48  }
0x1ae: {  	v57 =	vadd.s32 s25, v45;
	p2 =	slt.u32 s25, $0x30;
	v19 =	vadd.s32 v46, v19;
	v60 =	vand.u32 $0xFFFFFF80, v20;
	[tilespmem:v55+s2+$0x0] =	vst.idx.msk $0xffff, v56  }
0x1af: {  	v17 =	vmul.f32 $8.000000000e+00, v17;
	v20 =	vand.u32 $0x7F, v20;
	v55 =	vadd.s32 v47, v60  }
0x1b0: {  	v56 =	vadd.s32 v0, v57;
	v20 =	vor.u32 v20, v55  }
0x1b1: {  	v55 =	vand.u32 $0xFFFFFF80, v56;
	[tilespmem:v59+s2+$0x0] =	vst.idx.msk $0xffff, v17;
	v17 =	vand.u32 $0xF, v51  }
0x1b2: {  	v56 =	vand.u32 $0x7F, v56;
	v55 =	vadd.s32 v47, v55;
	v58 =	vmul.f32 $8.000000000e+00, v58;
	v18 =	vld.idx.msk [tilespmem:v18+s20+$0x0], $0xffff  }
0x1b3: {  	v59 =	vmov s25;
	v55 =	vor.u32 v56, v55;
	v17 =	vadd.s32 v17, v50  }
0x1b4: {  	v56 =	vor.u32 v11, v52;
	v60 =	vand.u32 $0xFFFFFF80, v17;
	[tilespmem:v19+s2+$0x0] =	vst.idx.msk $0xffff, v58  }
0x1b5: {  	v17 =	vand.u32 $0x7F, v17;
	v19 =	vadd.s32 v46, v56;
	v56 =	vadd.s32 v47, v60;
	v20 =	vld.idx.msk [tilespmem:v20+s20+$0x0], $0xffff  }
0x1b6: {  	v58 =	vadd.s32 v42, v48;
	v17 =	vor.u32 v17, v56;
	v56 =	vor.u32 v5, v49  }
0x1b7: {  	v60 =	vadd.s32 v46, v56;
	v56 =	vand.u32 $0xFFFFFF80, v58  }
0x1b8: {  	v58 =	vand.u32 $0x7F, v58;
	v18 =	vmul.f32 $8.000000000e+00, v18;
	v61 =	vadd.s32 v47, v56;
	v55 =	vld.idx.msk [tilespmem:v55+s20+$0x0], $0xffff  }
0x1b9: {  	v56 =	vshll.u32 v59, $0x7;
	v59 =	vadd.s32 v25, v57;
	v58 =	vor.u32 v58, v61  }
0x1ba: {  	v61 =	vor.u32 v16, v56;
	v62 =	vand.u32 $0xFFFFFF80, v59;
	v59 =	vand.u32 $0x7F, v59;
	[tilespmem:v19+s2+$0x0] =	vst.idx.msk $0xffff, v18  }
0x1bb: {  	v18 =	vadd.s32 v46, v61;
	v19 =	vadd.s32 v47, v62;
	v20 =	vmul.f32 $8.000000000e+00, v20;
	v17 =	vld.idx.msk [tilespmem:v17+s20+$0x0], $0xffff  }
0x1bc: {  	v61 =	vadd.s32 v38, v50;
	v19 =	vor.u32 v59, v19;
	v59 =	vor.u32 v10, v52  }
0x1bd: {  	v62 =	vand.u32 $0xFFFFFF80, v61;
	v59 =	vadd.s32 v46, v59;
	[tilespmem:v60+s2+$0x0] =	vst.idx.msk $0xffff, v20;
	v20 =	vand.u32 $0xF, v54  }
0x1be: {  	v55 =	vmul.f32 $8.000000000e+00, v55;
	v60 =	vand.u32 $0x7F, v61;
	v61 =	vadd.s32 v47, v62;
	v58 =	vld.idx.msk [tilespmem:v58+s20+$0x0], $0xffff  }
0x1bf: {  	v60 =	vor.u32 v60, v61;
	v61 =	vor.u32 v4, v49;
	v20 =	vadd.s32 v20, v48  }
0x1c0: {  	[tilespmem:v18+s2+$0x0] =	vst.idx.msk $0xffff, v55;
	v18 =	vadd.s32 v46, v61;
	v55 =	vand.u32 $0xFFFFFF80, v20  }
0x1c1: {  	v17 =	vmul.f32 $8.000000000e+00, v17;
	v20 =	vand.u32 $0x7F, v20;
	v19 =	vld.idx.msk [tilespmem:v19+s20+$0x0], $0xffff;
	v55 =	vadd.s32 v47, v55  }
0x1c2: {  	v61 =	vadd.s32 v26, v57;
	v20 =	vor.u32 v20, v55  }
0x1c3: {  	v62 =	vand.u32 $0xFFFFFF80, v61;
	v61 =	vand.u32 $0x7F, v61;
	v55 =	vor.u32 v15, v56;
	[tilespmem:v59+s2+$0x0] =	vst.idx.msk $0xffff, v17  }
0x1c4: {  	v17 =	vadd.s32 v46, v55;
	v55 =	vadd.s32 v47, v62;
	v58 =	vmul.f32 $8.000000000e+00, v58;
	v59 =	vld.idx.msk [tilespmem:v60+s20+$0x0], $0xffff  }
0x1c5: {  	v55 =	vor.u32 v61, v55;
	v60 =	vadd.s32 v35, v50  }
0x1c6: {  	v61 =	vor.u32 v9, v52;
	v62 =	vand.u32 $0xFFFFFF80, v60;
	v60 =	vand.u32 $0x7F, v60;
	[tilespmem:v18+s2+$0x0] =	vst.idx.msk $0xffff, v58  }
0x1c7: {  	v18 =	vmul.f32 $8.000000000e+00, v19;
	v19 =	vadd.s32 v46, v61;
	v58 =	vadd.s32 v47, v62;
	v20 =	vld.idx.msk [tilespmem:v20+s20+$0x0], $0xffff  }
0x1c8: {  	v61 =	vadd.s32 v43, v48;
	v58 =	vor.u32 v60, v58;
	v60 =	vor.u32 v3, v49  }
0x1c9: {  	[tilespmem:v17+s2+$0x0] =	vst.idx.msk $0xffff, v18;
	v17 =	vadd.s32 v46, v60;
	v18 =	vand.u32 $0xFFFFFF80, v61  }
0x1ca: {  	v59 =	vmul.f32 $8.000000000e+00, v59;
	v60 =	vand.u32 $0x7F, v61;
	v55 =	vld.idx.msk [tilespmem:v55+s20+$0x0], $0xffff;
	v18 =	vadd.s32 v47, v18  }
0x1cb: {  	v61 =	vadd.s32 v27, v57;
	v18 =	vor.u32 v60, v18  }
0x1cc: {  	v62 =	vand.u32 $0xFFFFFF80, v61;
	v61 =	vand.u32 $0x7F, v61;
	v60 =	vor.u32 v14, v56;
	[tilespmem:v19+s2+$0x0] =	vst.idx.msk $0xffff, v59  }
0x1cd: {  	v19 =	vadd.s32 v46, v60;
	v59 =	vadd.s32 v47, v62;
	v20 =	vmul.f32 $8.000000000e+00, v20;
	v58 =	vld.idx.msk [tilespmem:v58+s20+$0x0], $0xffff  }
0x1ce: {  	v60 =	vor.u32 v8, v52;
	v59 =	vor.u32 v61, v59;
	v61 =	vadd.s32 v39, v50  }
0x1cf: {  	v60 =	vadd.s32 v46, v60;
	v62 =	vand.u32 $0xFFFFFF80, v61;
	[tilespmem:v17+s2+$0x0] =	vst.idx.msk $0xffff, v20  }
0x1d0: {  	v17 =	vmul.f32 $8.000000000e+00, v55;
	v20 =	vand.u32 $0x7F, v61;
	v55 =	vadd.s32 v47, v62;
	v18 =	vld.idx.msk [tilespmem:v18+s20+$0x0], $0xffff  }
0x1d1: {  	v61 =	vadd.s32 v44, v48;
	v48 =	vmovc v50;
	v20 =	vor.u32 v20, v55;
	v55 =	vor.u32 v2, v49  }
0x1d2: {  	[tilespmem:v19+s2+$0x0] =	vst.idx.msk $0xffff, v17;
	v17 =	vadd.s32 v46, v55;
	v19 =	vand.u32 $0xFFFFFF80, v61  }
0x1d3: {  	v50 =	vmovc v57;
	v58 =	vmul.f32 $8.000000000e+00, v58;
	v55 =	vld.idx.msk [tilespmem:v59+s20+$0x0], $0xffff;
	v59 =	vand.u32 $0x7F, v61;
	v19 =	vadd.s32 v47, v19  }
0x1d4: {  	v57 =	vadd.s32 v28, v50;
	v19 =	vor.u32 v59, v19  }
0x1d5: {  	v61 =	vand.u32 $0xFFFFFF80, v57;
	v57 =	vand.u32 $0x7F, v57;
	v59 =	vor.u32 v13, v56;
	[tilespmem:v60+s2+$0x0] =	vst.idx.msk $0xffff, v58  }
0x1d6: {  	v58 =	vadd.s32 v46, v59;
	v59 =	vadd.s32 v47, v61;
	v18 =	vmul.f32 $8.000000000e+00, v18;
	v20 =	vld.idx.msk [tilespmem:v20+s20+$0x0], $0xffff  }
0x1d7: {  	v60 =	vadd.s32 v40, v48;
	v57 =	vor.u32 v57, v59;
	v59 =	vor.u32 v7, v52  }
0x1d8: {  	v61 =	vadd.s32 v46, v59;
	v59 =	vand.u32 $0xFFFFFF80, v60;
	[tilespmem:v17+s2+$0x0] =	vst.idx.msk $0xffff, v18  }
0x1d9: {  	v17 =	vmul.f32 $8.000000000e+00, v55;
	v18 =	vand.u32 $0x7F, v60;
	v55 =	vadd.s32 v47, v59;
	v60 =	vld.idx.msk [tilespmem:v19+s20+$0x0], $0xffff  }
0x1da: {  	v62 =	vor.u32 v18, v55  }
.Ltmp4:
0x1db: {  	v18 =	vor.u32 v1, v49;
	v49 =	vmov v52;
	[tilespmem:v58+s2+$0x0] =	vst.idx.msk $0xffff, v17;
	(pc) =	sbr.rel @p2 .LBB2_7-.Ltmp4, $4  }
0x1dc: {  	v52 =	vmov v56;
	v55 =	vadd.s32 v46, v18;
	v19 =	vmul.f32 $8.000000000e+00, v20;
	v17 =	vld.idx.msk [tilespmem:v57+s20+$0x0], $0xffff  }
0x1dd: {  	v18 =	vor.u32 v12, v52;
	v20 =	vadd.s32 v36, v50  }
0x1de: {  	v59 =	vadd.s32 v46, v18;
	v56 =	vand.u32 $0xFFFFFF80, v20;
	[tilespmem:v61+s2+$0x0] =	vst.idx.msk $0xffff, v19  }
0x1df: {  	v18 =	vand.u32 $0x7F, v20;
	v19 =	vadd.s32 v47, v56;
	v56 =	vmul.f32 $8.000000000e+00, v60;
	v58 =	vld.idx.msk [tilespmem:v62+s20+$0x0], $0xffff  }
0x1e0: {  	v18 =	vor.u32 v18, v19;
	_ =	sdelay $0x1  }
0x1e1: {  	v17 =	vmul.f32 $8.000000000e+00, v17;
	_ =	sdelay $0x1  }
0x1e2: {  	[tilespmem:v59+s2+$0x0] =	vst.idx.msk $0xffff, v17  }
0x1e3: {  	v17 =	vld.idx.msk [tilespmem:v18+s20+$0x0], $0xffff;
	v18 =	vadd.s32 v37, v50  }
0x1e4: {  	v19 =	vor.u32 v11, v52;
	v20 =	vand.u32 $0xFFFFFF80, v18  }
0x1e5: {  	v19 =	vadd.s32 v46, v19;
	v18 =	vand.u32 $0x7F, v18;
	v20 =	vadd.s32 v47, v20  }
0x1e6: {  	v18 =	vor.u32 v18, v20;
	_ =	sdelay $0x1  }
0x1e7: {  	v17 =	vmul.f32 $8.000000000e+00, v17;
	_ =	sdelay $0x1  }
0x1e8: {  	[tilespmem:v19+s2+$0x0] =	vst.idx.msk $0xffff, v17  }
0x1e9: {  	v17 =	vld.idx.msk [tilespmem:v18+s20+$0x0], $0xffff;
	v18 =	vadd.s32 v38, v50  }
0x1ea: {  	v19 =	vor.u32 v10, v52;
	v20 =	vand.u32 $0xFFFFFF80, v18  }
0x1eb: {  	v19 =	vadd.s32 v46, v19;
	v18 =	vand.u32 $0x7F, v18;
	v20 =	vadd.s32 v47, v20  }
0x1ec: {  	v18 =	vor.u32 v18, v20;
	_ =	sdelay $0x1  }
0x1ed: {  	v17 =	vmul.f32 $8.000000000e+00, v17;
	_ =	sdelay $0x1  }
0x1ee: {  	[tilespmem:v19+s2+$0x0] =	vst.idx.msk $0xffff, v17  }
0x1ef: {  	v17 =	vld.idx.msk [tilespmem:v18+s20+$0x0], $0xffff;
	v18 =	vadd.s32 v35, v50  }
0x1f0: {  	v19 =	vor.u32 v9, v52;
	v20 =	vand.u32 $0xFFFFFF80, v18  }
0x1f1: {  	v19 =	vadd.s32 v46, v19;
	v18 =	vand.u32 $0x7F, v18;
	v20 =	vadd.s32 v47, v20  }
0x1f2: {  	v18 =	vor.u32 v18, v20;
	_ =	sdelay $0x1  }
0x1f3: {  	v17 =	vmul.f32 $8.000000000e+00, v17;
	_ =	sdelay $0x1  }
0x1f4: {  	[tilespmem:v19+s2+$0x0] =	vst.idx.msk $0xffff, v17  }
0x1f5: {  	v17 =	vld.idx.msk [tilespmem:v18+s20+$0x0], $0xffff;
	v18 =	vadd.s32 v39, v50  }
0x1f6: {  	v19 =	vor.u32 v8, v52;
	v20 =	vand.u32 $0xFFFFFF80, v18  }
0x1f7: {  	v19 =	vadd.s32 v46, v19;
	v18 =	vand.u32 $0x7F, v18;
	v20 =	vadd.s32 v47, v20  }
0x1f8: {  	v18 =	vor.u32 v18, v20;
	_ =	sdelay $0x1  }
0x1f9: {  	v17 =	vmul.f32 $8.000000000e+00, v17;
	_ =	sdelay $0x1  }
0x1fa: {  	[tilespmem:v19+s2+$0x0] =	vst.idx.msk $0xffff, v17  }
0x1fb: {  	v17 =	vld.idx.msk [tilespmem:v18+s20+$0x0], $0xffff;
	v18 =	vadd.s32 v40, v50  }
0x1fc: {  	v19 =	vor.u32 v7, v52;
	v20 =	vand.u32 $0xFFFFFF80, v18  }
0x1fd: {  	v19 =	vadd.s32 v46, v19;
	v18 =	vand.u32 $0x7F, v18;
	v20 =	vadd.s32 v47, v20  }
0x1fe: {  	v18 =	vor.u32 v18, v20;
	_ =	sdelay $0x1  }
0x1ff: {  	v17 =	vmul.f32 $8.000000000e+00, v17  }
0x200: {  	v45 =	vadd.s32 v41, v48;
	v63 =	vadd.s32 v41, v50  }
0x201: {  	v51 =	vand.u32 $0xFFFFFF80, v45;
	v54 =	vand.u32 $0xFFFFFF80, v63;
	[tilespmem:v19+s2+$0x0] =	vst.idx.msk $0xffff, v17  }
0x202: {  	v20 =	vor.u32 v6, v49;
	v17 =	vand.u32 $0x7F, v45;
	v19 =	vadd.s32 v47, v51;
	v18 =	vld.idx.msk [tilespmem:v18+s20+$0x0], $0xffff  }
0x203: {  	v20 =	vadd.s32 v46, v20;
	v17 =	vor.u32 v17, v19;
	v19 =	vor.u32 v6, v52  }
0x204: {  	v45 =	vand.u32 $0x7F, v63;
	v51 =	vadd.s32 v47, v54;
	v19 =	vadd.s32 v46, v19  }
0x205: {  	v45 =	vor.u32 v45, v51  }
0x206: {  	v57 =	vmul.f32 $8.000000000e+00, v58  }
0x207: {  	v18 =	vmul.f32 $8.000000000e+00, v18  }
0x208: {  	v59 =	vadd.s32 v42, v50;
	v58 =	vadd.s32 v42, v48;
	[tilespmem:v20+s2+$0x0] =	vst.idx.msk $0xffff, v57  }
0x209: {  	v60 =	vand.u32 $0xFFFFFF80, v59;
	v54 =	vand.u32 $0xFFFFFF80, v58;
	v17 =	vld.idx.msk [tilespmem:v17+s20+$0x0], $0xffff;
	[tilespmem:v19+s2+$0x0] =	vst.idx.msk $0xffff, v18  }
0x20a: {  	v20 =	vor.u32 v5, v49;
	v18 =	vand.u32 $0x7F, v58;
	v19 =	vadd.s32 v47, v54;
	v45 =	vld.idx.msk [tilespmem:v45+s20+$0x0], $0xffff  }
0x20b: {  	v20 =	vadd.s32 v46, v20;
	v18 =	vor.u32 v18, v19;
	v19 =	vor.u32 v5, v52  }
0x20c: {  	v51 =	vand.u32 $0x7F, v59;
	v54 =	vadd.s32 v47, v60;
	v19 =	vadd.s32 v46, v19  }
0x20d: {  	v51 =	vor.u32 v51, v54  }
0x20e: {  	v17 =	vmul.f32 $8.000000000e+00, v17  }
0x20f: {  	v61 =	vcombine.low v29, v30;
	v45 =	vmul.f32 $8.000000000e+00, v45  }
0x210: {  	[tilespmem:v20+s2+$0x0] =	vst.idx.msk $0xffff, v17;
	v17 =	vor.u32 v4, v49;
	v20 =	vadd.s32 v53, v48  }
0x211: {  	v18 =	vld.idx.msk [tilespmem:v18+s20+$0x0], $0xffff;
	v17 =	vadd.s32 v46, v17;
	v53 =	vand.u32 $0xFFFFFF80, v20;
	[tilespmem:v19+s2+$0x0] =	vst.idx.msk $0xffff, v45;
	v45 =	vand.u32 $0xF, v61  }
0x212: {  	v19 =	vand.u32 $0x7F, v20;
	v20 =	vadd.s32 v47, v53;
	v51 =	vld.idx.msk [tilespmem:v51+s20+$0x0], $0xffff;
	v62 =	vadd.s32 v45, v50  }
0x213: {  	v19 =	vor.u32 v19, v20;
	v20 =	vor.u32 v4, v52;
	v63 =	vand.u32 $0xFFFFFF80, v62  }
0x214: {  	v20 =	vadd.s32 v46, v20;
	v53 =	vand.u32 $0x7F, v62;
	v54 =	vadd.s32 v47, v63  }
0x215: {  	v53 =	vor.u32 v53, v54  }
0x216: {  	v18 =	vmul.f32 $8.000000000e+00, v18  }
0x217: {  	v51 =	vmul.f32 $8.000000000e+00, v51  }
0x218: {  	v58 =	vadd.s32 v43, v50;
	[tilespmem:v17+s2+$0x0] =	vst.idx.msk $0xffff, v18;
	v18 =	vadd.s32 v43, v48  }
0x219: {  	v59 =	vand.u32 $0xFFFFFF80, v58;
	v19 =	vld.idx.msk [tilespmem:v19+s20+$0x0], $0xffff;
	v57 =	vand.u32 $0xFFFFFF80, v18;
	[tilespmem:v20+s2+$0x0] =	vst.idx.msk $0xffff, v51  }
0x21a: {  	v17 =	vor.u32 v3, v49;
	v18 =	vand.u32 $0x7F, v18;
	v20 =	vadd.s32 v47, v57;
	v51 =	vld.idx.msk [tilespmem:v53+s20+$0x0], $0xffff  }
0x21b: {  	v17 =	vadd.s32 v46, v17;
	v18 =	vor.u32 v18, v20;
	v20 =	vor.u32 v3, v52  }
0x21c: {  	v54 =	vadd.s32 v47, v59;
	v53 =	vand.u32 $0x7F, v58;
	v20 =	vadd.s32 v46, v20  }
0x21d: {  	v53 =	vor.u32 v53, v54  }
0x21e: {  	v19 =	vmul.f32 $8.000000000e+00, v19  }
0x21f: {  	v51 =	vmul.f32 $8.000000000e+00, v51  }
0x220: {  	v61 =	vadd.s32 v44, v50;
	[tilespmem:v17+s2+$0x0] =	vst.idx.msk $0xffff, v19;
	v19 =	vadd.s32 v44, v48  }
0x221: {  	v62 =	vand.u32 $0xFFFFFF80, v61;
	v18 =	vld.idx.msk [tilespmem:v18+s20+$0x0], $0xffff;
	v48 =	vand.u32 $0xFFFFFF80, v19;
	[tilespmem:v20+s2+$0x0] =	vst.idx.msk $0xffff, v51  }
0x222: {  	v17 =	vor.u32 v2, v49;
	v19 =	vand.u32 $0x7F, v19;
	v20 =	vadd.s32 v47, v48;
	v60 =	vld.idx.msk [tilespmem:v53+s20+$0x0], $0xffff  }
0x223: {  	v17 =	vadd.s32 v46, v17;
	v19 =	vor.u32 v19, v20;
	v20 =	vor.u32 v2, v52  }
0x224: {  	v50 =	vand.u32 $0x7F, v61;
	v63 =	vadd.s32 v47, v62;
	v20 =	vadd.s32 v46, v20  }
0x225: {  	v47 =	vor.u32 v50, v63  }
0x226: {  	v18 =	vmul.f32 $8.000000000e+00, v18  }
0x227: {  	v48 =	vmul.f32 $8.000000000e+00, v60  }
0x228: {  	[tilespmem:v17+s2+$0x0] =	vst.idx.msk $0xffff, v18  }
0x229: {  	v17 =	vld.idx.msk [tilespmem:v19+s20+$0x0], $0xffff;
	[tilespmem:v20+s2+$0x0] =	vst.idx.msk $0xffff, v48  }
0x22a: {  	v18 =	vor.u32 v1, v49;
	v19 =	vld.idx.msk [tilespmem:v47+s20+$0x0], $0xffff  }
0x22b: {  	s22 =	sadd.s32 $0x1, s22;
	v18 =	vadd.s32 v46, v18;
	v20 =	vor.u32 v1, v52  }
0x22c: {  	p2 =	sne.s32 s22, $0x8;
	v20 =	vadd.s32 v46, v20  }
.Ltmp5:
0x22d: {  	_ = 	snop;
	(pc) =	sbr.rel @p2 .LBB2_6-.Ltmp5, $4  }
0x22e: {  	v17 =	vmul.f32 $8.000000000e+00, v17  }
0x22f: {  	[tilespmem:v55+s2+$0x0] =	vst.idx.msk $0xffff, v56;
	v19 =	vmul.f32 $8.000000000e+00, v19  }
0x230: {  	[tilespmem:v18+s2+$0x0] =	vst.idx.msk $0xffff, v17  }
0x231: {  	[tilespmem:v20+s2+$0x0] =	vst.idx.msk $0xffff, v19  }
.Ltmp6:
0x232: {  	s10 =	sshll.u32 s19, $0x7;
	(pc) =	sbr.rel @!p0 .LBB2_10-.Ltmp6, $4  }
0x233: {  	s25 =	sshll.u32 s19, $0xA;
	s22 =	sand.u32 $0x3E00, s10  }
0x234: {  	s25 =	sand.u32 $0xFFE0000, s25;
	s10 =	sadd.s32 s3, s22  }
0x235: {  	s10 =	sadd.s32 s25, s10  }
0x236: {  	[hbm4b:s10+s14] =	stream.strided.scatter [tilespmem:s2], [sflag:$0x9], $0x2000, s0, s14, $0x38;
	[tilespmem:$0x1A200] =	vst v63  }
.Ltmp7:
0x237: {  	(pc) =	sbr.rel .LBB2_12-.Ltmp7, $4  }
0x238: {  	_ = 	snop  }
0x239: {  	_ =	swait.ge [sflag:s8], $0x4000  }
0x23a: {  	[sflag:s8] =	ssyncset.done $0x0  }
0x23b: {  	[sflag:s8] =	ssyncadd.s32 $0xFFFFC000  }
.LBB2_10:
0x23c: {  	s10 =	sadd.s32 $0x4, s19  }
0x23d: {  	s29 =	sand.u32 $0x380, s10  }
0x23e: {  	p2 =	slt.u32 s19, $0x7C;
	p3 =	sne.s32 s29, $0x0  }
0x23f: {  	p2 =	por !p2, !p3  }
0x240: {  	s29 =	simm.s32 $0x1;
	p2 =	por !p2, !p2  }
0x241: {  	s17 =	sshrl.u32 s10, $0xA;
	s29 =	simm.s32 @!p2 $0x0  }
0x242: {  	s17 =	ssub.s32 s29, s17;
	s29 =	simm.s32 $0x1  }
0x243: {  	_ =	swait.ge [sflag:s29], $0x400;
	s17 =	sshll.u32 s17, $0xC  }
0x244: {  	s10 =	sand.u32 $0x7FFFFF80, s10;
	[sflag:s29] =	ssyncset.done $0x0;
	s17 =	sshra.s32 s17, $0x2  }
0x245: {  	[sflag:s29] =	ssyncadd.s32 $0xFFFFFC00;
	s10 =	sadd.s32 s10, s17  }
0x246: {  	v17 =	vld [tilespmem:s10+$0x0];
	_ =	sdelay $0x4  }
0x247: {  	v18 =	vshra.s32 v17, $0x1;
	v17 =	vshll.u32 v17, $0x6  }
0x248: {  	[tilespmem:$0x1000] =	vst v18;
	v17 =	vand.u32 $0x40, v17  }
0x249: {  	[tilespmem:$0x1200] =	vst v17  }
0x24a: {  	v17 =	vld [tilespmem:s10+$0x10];
	_ =	sdelay $0x4  }
0x24b: {  	v18 =	vshra.s32 v17, $0x1;
	v17 =	vshll.u32 v17, $0x6  }
0x24c: {  	[tilespmem:$0x1010] =	vst v18;
	v17 =	vand.u32 $0x40, v17  }
0x24d: {  	[tilespmem:$0x1280] =	vst v17  }
0x24e: {  	v17 =	vld [tilespmem:s10+$0x20];
	_ =	sdelay $0x4  }
0x24f: {  	v18 =	vshra.s32 v17, $0x1;
	v17 =	vshll.u32 v17, $0x6  }
0x250: {  	[tilespmem:$0x1020] =	vst v18;
	v17 =	vand.u32 $0x40, v17  }
0x251: {  	[tilespmem:$0x1300] =	vst v17  }
0x252: {  	v17 =	vld [tilespmem:s10+$0x30];
	_ =	sdelay $0x4  }
0x253: {  	v18 =	vshra.s32 v17, $0x1;
	v17 =	vshll.u32 v17, $0x6  }
0x254: {  	[tilespmem:$0x1030] =	vst v18;
	v17 =	vand.u32 $0x40, v17  }
0x255: {  	[tilespmem:$0x1380] =	vst v17  }
0x256: {  	v17 =	vld [tilespmem:s10+$0x40];
	_ =	sdelay $0x4  }
0x257: {  	v18 =	vshra.s32 v17, $0x1;
	v17 =	vshll.u32 v17, $0x6  }
0x258: {  	[tilespmem:$0x1040] =	vst v18;
	v17 =	vand.u32 $0x40, v17  }
0x259: {  	[tilespmem:$0x1400] =	vst v17  }
0x25a: {  	v17 =	vld [tilespmem:s10+$0x50];
	_ =	sdelay $0x4  }
0x25b: {  	v18 =	vshra.s32 v17, $0x1;
	v17 =	vshll.u32 v17, $0x6  }
0x25c: {  	[tilespmem:$0x1050] =	vst v18;
	v17 =	vand.u32 $0x40, v17  }
0x25d: {  	[tilespmem:$0x1480] =	vst v17  }
0x25e: {  	v17 =	vld [tilespmem:s10+$0x60];
	_ =	sdelay $0x4  }
0x25f: {  	v18 =	vshra.s32 v17, $0x1;
	v17 =	vshll.u32 v17, $0x6  }
0x260: {  	[tilespmem:$0x1060] =	vst v18;
	v17 =	vand.u32 $0x40, v17  }
0x261: {  	[tilespmem:$0x1500] =	vst v17  }
0x262: {  	v17 =	vld [tilespmem:s10+$0x70];
	_ =	sdelay $0x3  }
0x263: {  	s10 =	sadd.s32 $0x5, s19  }
0x264: {  	s29 =	sand.u32 $0x380, s10;
	v18 =	vshra.s32 v17, $0x1;
	v17 =	vshll.u32 v17, $0x6  }
0x265: {  	p5 =	slt.u32 s19, $0x7B;
	p6 =	sne.s32 s29, $0x0;
	[tilespmem:$0x1070] =	vst v18;
	v17 =	vand.u32 $0x40, v17  }
0x266: {  	s17 =	simm.s32 $0x1000;
	p2 =	por !p5, !p6;
	[tilespmem:$0x1580] =	vst v17  }
0x267: {  	[tilespmem:s20], [sflag:$0x5] =	stream.indirect.gather [hbm4b:s6+s18], $0x80, s17, s18, $0xb8;
	[tilespmem:$0x1A200] =	vst v63  }
0x268: {  	p2 =	por !p2, !p2;
	s17 =	simm.s32 $0x1  }
0x269: {  	s29 =	sshrl.u32 s10, $0xA;
	s17 =	simm.s32 @!p2 $0x0  }
0x26a: {  	s10 =	sshll.u32 s10, $0xA;
	s17 =	ssub.s32 s29, s17  }
0x26b: {  	s10 =	sand.u32 $0x1F400, s10;
	s17 =	sshll.u32 s17, $0x11  }
0x26c: {  	_ =	swait.ge [sflag:s8], $0x4000;
	s10 =	sor.u32 s10, s17  }
0x26d: {  	[sflag:s8] =	ssyncset.done $0x0;
	s10 =	sshrl.u32 s10, $0x3  }
0x26e: {  	[sflag:s8] =	ssyncadd.s32 $0xFFFFC000;
	s10 =	sadd.s32 s1, s10  }
0x26f: {  	[tilespmem:s14], [sflag:$0x2] =	stream.linear.gather [hbm4b:s10+s4], $0x400, $0x38;
	[tilespmem:$0x1A200] =	vst v63  }
.LBB2_12:
0x270: {  	s10 =	simm.s32 @!p1 $0xA  }
0x271: {  	_ =	swait.ge @!p1 [sflag:s10], $0x2000  }
0x272: {  	[sflag:s10] =	ssyncset.done @!p1 $0x0  }
0x273: {  	s29 =	simm.s32 $0x0;
	[sflag:s10] =	ssyncadd.s32 @!p1 $0xFFFFE000  }
.LBB2_13:
0x274: {  	s10 =	sshll.u32 s29, $0x7  }
0x275: {  	s10 =	sand.u32 $0x3FFFFF80, s10  }
0x276: {  	v53 =	vld [tilespmem:s10+$0x1600];
	_ =	sdelay $0x3  }
0x277: {  	s10 =	simm.s32 $0x0  }
0x278: {  	s17 =	sshll.u32 s29, $0x4;
	v55 =	vadd.s32 s10, v53  }
0x279: {  	v46 =	vor.u32 s17, v0;
	v17 =	vadd.s32 v0, v55  }
0x27a: {  	v48 =	vshll.u32 v46, $0x7;
	v18 =	vand.u32 $0xFFFFFF80, v17  }
0x27b: {  	v17 =	vand.u32 $0x7F, v17;
	v18 =	vadd.s32 v48, v18  }
0x27c: {  	v17 =	vor.u32 v17, v18;
	_ =	sdelay $0x3  }
0x27d: {  	v18 =	vmov s10  }
0x27e: {  	v47 =	vshll.u32 v18, $0x7;
	v18 =	vadd.s32 v25, v55;
	v17 =	vld.idx.msk [tilespmem:v17+s23+$0x0], $0xffff  }
0x27f: {  	v19 =	vor.u32 v16, v47;
	v20 =	vand.u32 $0xFFFFFF80, v18  }
0x280: {  	v18 =	vand.u32 $0x7F, v18;
	v19 =	vadd.s32 v46, v19;
	v20 =	vadd.s32 v48, v20  }
0x281: {  	v18 =	vor.u32 v18, v20;
	_ =	sdelay $0x1  }
0x282: {  	v17 =	vmul.f32 $8.000000000e+00, v17;
	_ =	sdelay $0x1  }
0x283: {  	[tilespmem:v19+s9+$0x0] =	vst.idx.msk $0xffff, v17  }
0x284: {  	v17 =	vadd.s32 v26, v55;
	v18 =	vld.idx.msk [tilespmem:v18+s23+$0x0], $0xffff  }
0x285: {  	v19 =	vor.u32 v15, v47;
	v20 =	vand.u32 $0xFFFFFF80, v17  }
0x286: {  	v19 =	vadd.s32 v46, v19;
	v17 =	vand.u32 $0x7F, v17;
	v20 =	vadd.s32 v48, v20  }
0x287: {  	v17 =	vor.u32 v17, v20;
	_ =	sdelay $0x1  }
0x288: {  	v18 =	vmul.f32 $8.000000000e+00, v18;
	_ =	sdelay $0x1  }
0x289: {  	[tilespmem:v19+s9+$0x0] =	vst.idx.msk $0xffff, v18  }
0x28a: {  	v18 =	vadd.s32 v27, v55;
	v17 =	vld.idx.msk [tilespmem:v17+s23+$0x0], $0xffff  }
0x28b: {  	v19 =	vor.u32 v14, v47;
	v20 =	vand.u32 $0xFFFFFF80, v18  }
0x28c: {  	v19 =	vadd.s32 v46, v19;
	v18 =	vand.u32 $0x7F, v18;
	v20 =	vadd.s32 v48, v20  }
0x28d: {  	v18 =	vor.u32 v18, v20;
	_ =	sdelay $0x1  }
0x28e: {  	v17 =	vmul.f32 $8.000000000e+00, v17;
	_ =	sdelay $0x1  }
0x28f: {  	[tilespmem:v19+s9+$0x0] =	vst.idx.msk $0xffff, v17  }
0x290: {  	v17 =	vadd.s32 v28, v55;
	v18 =	vld.idx.msk [tilespmem:v18+s23+$0x0], $0xffff  }
0x291: {  	v19 =	vor.u32 v13, v47;
	v20 =	vand.u32 $0xFFFFFF80, v17  }
0x292: {  	v19 =	vadd.s32 v46, v19;
	v17 =	vand.u32 $0x7F, v17;
	v20 =	vadd.s32 v48, v20  }
0x293: {  	v17 =	vor.u32 v17, v20  }
0x294: {  	s17 =	simm.s32 $0x10  }
0x295: {  	v50 =	vadd.s32 s17, v53;
	v18 =	vmul.f32 $8.000000000e+00, v18  }
0x296: {  	v20 =	vadd.s32 v0, v50  }
0x297: {  	[tilespmem:v19+s9+$0x0] =	vst.idx.msk $0xffff, v18;
	v18 =	vand.u32 $0xFFFFFF80, v20  }
0x298: {  	v19 =	vadd.s32 v36, v55;
	v20 =	vand.u32 $0x7F, v20;
	v17 =	vld.idx.msk [tilespmem:v17+s23+$0x0], $0xffff;
	v18 =	vadd.s32 v48, v18  }
0x299: {  	v49 =	vor.u32 v12, v47;
	v51 =	vand.u32 $0xFFFFFF80, v19;
	v18 =	vor.u32 v20, v18  }
0x29a: {  	v19 =	vand.u32 $0x7F, v19;
	v20 =	vadd.s32 v46, v49;
	v56 =	vadd.s32 v48, v51  }
0x29b: {  	v19 =	vor.u32 v19, v56;
	_ =	sdelay $0x1  }
0x29c: {  	v57 =	vmov s17;
	v17 =	vmul.f32 $8.000000000e+00, v17  }
0x29d: {  	v58 =	vadd.s32 v25, v50;
	v49 =	vshll.u32 v57, $0x7;
	v18 =	vld.idx.msk [tilespmem:v18+s23+$0x0], $0xffff  }
0x29e: {  	v52 =	vadd.s32 v37, v55;
	[tilespmem:v20+s9+$0x0] =	vst.idx.msk $0xffff, v17;
	v17 =	vor.u32 v16, v49;
	v20 =	vand.u32 $0xFFFFFF80, v58  }
0x29f: {  	v51 =	vand.u32 $0x7F, v58;
	v19 =	vld.idx.msk [tilespmem:v19+s23+$0x0], $0xffff;
	v17 =	vadd.s32 v46, v17;
	v20 =	vadd.s32 v48, v20  }
0x2a0: {  	v54 =	vor.u32 v11, v47;
	v56 =	vand.u32 $0xFFFFFF80, v52;
	v20 =	vor.u32 v51, v20  }
0x2a1: {  	v59 =	vand.u32 $0x7F, v52;
	v60 =	vadd.s32 v46, v54;
	v61 =	vadd.s32 v48, v56  }
0x2a2: {  	v51 =	vor.u32 v59, v61;
	v18 =	vmul.f32 $8.000000000e+00, v18;
	_ =	sdelay $0x1  }
0x2a3: {  	v19 =	vmul.f32 $8.000000000e+00, v19;
	[tilespmem:v17+s9+$0x0] =	vst.idx.msk $0xffff, v18  }
0x2a4: {  	v17 =	vadd.s32 v26, v50;
	v18 =	vld.idx.msk [tilespmem:v20+s23+$0x0], $0xffff  }
0x2a5: {  	v20 =	vadd.s32 v38, v55;
	v62 =	vand.u32 $0xFFFFFF80, v17;
	[tilespmem:v60+s9+$0x0] =	vst.idx.msk $0xffff, v19;
	v19 =	vor.u32 v15, v49  }
0x2a6: {  	v17 =	vand.u32 $0x7F, v17;
	v52 =	vadd.s32 v48, v62;
	v51 =	vld.idx.msk [tilespmem:v51+s23+$0x0], $0xffff;
	v19 =	vadd.s32 v46, v19  }
0x2a7: {  	v63 =	vor.u32 v10, v47;
	v32 =	vand.u32 $0xFFFFFF80, v20;
	v17 =	vor.u32 v17, v52  }
0x2a8: {  	v20 =	vand.u32 $0x7F, v20;
	v60 =	vadd.s32 v46, v63;
	v61 =	vadd.s32 v48, v32  }
0x2a9: {  	v20 =	vor.u32 v20, v61;
	v18 =	vmul.f32 $8.000000000e+00, v18;
	_ =	sdelay $0x1  }
0x2aa: {  	v51 =	vmul.f32 $8.000000000e+00, v51;
	[tilespmem:v19+s9+$0x0] =	vst.idx.msk $0xffff, v18  }
0x2ab: {  	v18 =	vadd.s32 v27, v50;
	v17 =	vld.idx.msk [tilespmem:v17+s23+$0x0], $0xffff  }
0x2ac: {  	v62 =	vor.u32 v14, v49;
	v19 =	vadd.s32 v35, v55;
	v63 =	vand.u32 $0xFFFFFF80, v18;
	[tilespmem:v60+s9+$0x0] =	vst.idx.msk $0xffff, v51  }
0x2ad: {  	v18 =	vand.u32 $0x7F, v18;
	v51 =	vadd.s32 v46, v62;
	v52 =	vadd.s32 v48, v63;
	v20 =	vld.idx.msk [tilespmem:v20+s23+$0x0], $0xffff  }
0x2ae: {  	v23 =	vor.u32 v9, v47;
	v32 =	vand.u32 $0xFFFFFF80, v19;
	v18 =	vor.u32 v18, v52  }
0x2af: {  	v19 =	vand.u32 $0x7F, v19;
	v60 =	vadd.s32 v46, v23;
	v61 =	vadd.s32 v48, v32  }
0x2b0: {  	v19 =	vor.u32 v19, v61;
	v17 =	vmul.f32 $8.000000000e+00, v17;
	_ =	sdelay $0x1  }
0x2b1: {  	v20 =	vmul.f32 $8.000000000e+00, v20;
	[tilespmem:v51+s9+$0x0] =	vst.idx.msk $0xffff, v17  }
0x2b2: {  	v21 =	vor.u32 v8, v47;
	v57 =	vadd.s32 v40, v55;
	v17 =	vadd.s32 v28, v50;
	v18 =	vld.idx.msk [tilespmem:v18+s23+$0x0], $0xffff  }
0x2b3: {  	v62 =	vadd.s32 v39, v55;
	v63 =	vand.u32 $0xFFFFFF80, v17;
	[tilespmem:v60+s9+$0x0] =	vst.idx.msk $0xffff, v20;
	v20 =	vor.u32 v13, v49  }
0x2b4: {  	v17 =	vand.u32 $0x7F, v17;
	v52 =	vadd.s32 v48, v63;
	v19 =	vld.idx.msk [tilespmem:v19+s23+$0x0], $0xffff;
	v20 =	vadd.s32 v46, v20  }
0x2b5: {  	v58 =	vadd.s32 v36, v50;
	v22 =	vand.u32 $0xFFFFFF80, v62;
	v17 =	vor.u32 v17, v52  }
0x2b6: {  	s10 =	simm.s32 $0x20;
	v23 =	vadd.s32 v48, v22;
	v51 =	vand.u32 $0x7F, v62;
	v52 =	vadd.s32 v46, v21  }
0x2b7: {  	v32 =	vmov s10;
	v54 =	vor.u32 v51, v23;
	v18 =	vmul.f32 $8.000000000e+00, v18  }
0x2b8: {  	v61 =	vand.u32 $0xFFFFFF80, v58;
	v62 =	vor.u32 v7, v47;
	v51 =	vadd.s32 s10, v53  }
0x2b9: {  	v59 =	vadd.s32 v0, v51;
	v60 =	vand.u32 $0x7F, v58;
	v19 =	vmul.f32 $8.000000000e+00, v19;
	[tilespmem:v20+s9+$0x0] =	vst.idx.msk $0xffff, v18  }
0x2ba: {  	v63 =	vand.u32 $0xFFFFFF80, v57;
	v57 =	vand.u32 $0x7F, v57;
	v18 =	vand.u32 $0xFFFFFF80, v59;
	v17 =	vld.idx.msk [tilespmem:v17+s23+$0x0], $0xffff  }
0x2bb: {  	v20 =	vor.u32 v12, v49;
	v18 =	vadd.s32 v48, v18;
	[tilespmem:v52+s9+$0x0] =	vst.idx.msk $0xffff, v19;
	v19 =	vand.u32 $0x7F, v59  }
0x2bc: {  	v54 =	vld.idx.msk [tilespmem:v54+s23+$0x0], $0xffff;
	v18 =	vor.u32 v19, v18;
	v19 =	vadd.s32 v46, v20;
	v20 =	vadd.s32 v48, v61  }
0x2bd: {  	v58 =	vadd.s32 v41, v55;
	v23 =	vadd.s32 v48, v63;
	v20 =	vor.u32 v60, v20  }
0x2be: {  	v57 =	vor.u32 v57, v23;
	v59 =	vadd.s32 v46, v62;
	v52 =	vshll.u32 v32, $0x7  }
0x2bf: {  	v32 =	vadd.s32 v25, v51;
	v61 =	vor.u32 v11, v49;
	v17 =	vmul.f32 $8.000000000e+00, v17  }
0x2c0: {  	v22 =	vor.u32 v16, v52;
	v23 =	vand.u32 $0xFFFFFF80, v32;
	v60 =	vadd.s32 v37, v50  }
0x2c1: {  	v62 =	vand.u32 $0x7F, v60;
	v60 =	vand.u32 $0xFFFFFF80, v60;
	v54 =	vmul.f32 $8.000000000e+00, v54;
	v18 =	vld.idx.msk [tilespmem:v18+s23+$0x0], $0xffff;
	[tilespmem:v19+s9+$0x0] =	vst.idx.msk $0xffff, v17  }
0x2c2: {  	v56 =	vand.u32 $0x7F, v32;
	v32 =	vadd.s32 v38, v50;
	v60 =	vadd.s32 v48, v60;
	v20 =	vld.idx.msk [tilespmem:v20+s23+$0x0], $0xffff  }
0x2c3: {  	[tilespmem:v59+s9+$0x0] =	vst.idx.msk $0xffff, v54;
	v54 =	vadd.s32 v46, v22;
	v59 =	vadd.s32 v48, v23  }
0x2c4: {  	v60 =	vor.u32 v62, v60;
	v57 =	vld.idx.msk [tilespmem:v57+s23+$0x0], $0xffff;
	v56 =	vor.u32 v56, v59;
	v59 =	vadd.s32 v46, v61  }
0x2c5: {  	v17 =	vor.u32 v6, v47;
	v19 =	vand.u32 $0x7F, v58;
	v58 =	vand.u32 $0xFFFFFF80, v58  }
0x2c6: {  	v63 =	vadd.s32 v46, v17;
	v17 =	vadd.s32 v48, v58;
	v18 =	vmul.f32 $8.000000000e+00, v18  }
0x2c7: {  	v62 =	vor.u32 v10, v49;
	v58 =	vor.u32 v19, v17;
	v17 =	vmul.f32 $8.000000000e+00, v20  }
0x2c8: {  	v62 =	vadd.s32 v46, v62;
	v20 =	vadd.s32 v26, v51;
	[tilespmem:v54+s9+$0x0] =	vst.idx.msk $0xffff, v18;
	v18 =	vand.u32 $0x7F, v32  }
0x2c9: {  	v32 =	vand.u32 $0xFFFFFF80, v32;
	v54 =	vmul.f32 $8.000000000e+00, v57;
	[tilespmem:v59+s9+$0x0] =	vst.idx.msk $0xffff, v17;
	v17 =	vand.u32 $0xFFFFFF80, v20  }
0x2ca: {  	v56 =	vld.idx.msk [tilespmem:v56+s23+$0x0], $0xffff;
	v20 =	vand.u32 $0x7F, v20;
	v59 =	vadd.s32 v48, v32;
	v17 =	vadd.s32 v48, v17  }
0x2cb: {  	v60 =	vld.idx.msk [tilespmem:v60+s23+$0x0], $0xffff;
	v17 =	vor.u32 v20, v17;
	v20 =	vor.u32 v15, v52;
	[tilespmem:v63+s9+$0x0] =	vst.idx.msk $0xffff, v54  }
0x2cc: {  	v19 =	vadd.s32 v42, v55;
	v61 =	vor.u32 v18, v59;
	v18 =	vadd.s32 v46, v20;
	v58 =	vld.idx.msk [tilespmem:v58+s23+$0x0], $0xffff  }
0x2cd: {  	v21 =	vand.u32 $0x7F, v19;
	v19 =	vand.u32 $0xFFFFFF80, v19;
	v57 =	vor.u32 v5, v47  }
0x2ce: {  	v57 =	vadd.s32 v46, v57;
	v20 =	vadd.s32 v48, v19  }
0x2cf: {  	v59 =	vadd.s32 v45, v55;
	v19 =	vmul.f32 $8.000000000e+00, v56;
	v56 =	vor.u32 v21, v20  }
0x2d0: {  	v54 =	vadd.s32 v44, v55;
	v55 =	vadd.s32 v43, v55;
	v63 =	vmul.f32 $8.000000000e+00, v60  }
.LBB2_14:
0x2d1: {  	s10 =	sadd.s32 $0x10, s10;
	[tilespmem:v18+s9+$0x0] =	vst.idx.msk $0xffff, v19;
	v18 =	vadd.s32 v27, v51;
	v19 =	vadd.s32 v35, v50;
	v20 =	vmul.f32 $8.000000000e+00, v58  }
0x2d2: {  	v58 =	vor.u32 v4, v47;
	v60 =	vand.u32 $0x7F, v59;
	v21 =	vmov s10;
	p2 =	slt.u32 s10, $0x30;
	v17 =	vld.idx.msk [tilespmem:v17+s23+$0x0], $0xffff;
	[tilespmem:v62+s9+$0x0] =	vst.idx.msk $0xffff, v63  }
0x2d3: {  	v62 =	vor.u32 v9, v49;
	v63 =	vand.u32 $0x7F, v19;
	v61 =	vld.idx.msk [tilespmem:v61+s23+$0x0], $0xffff;
	[tilespmem:v57+s9+$0x0] =	vst.idx.msk $0xffff, v20;
	v20 =	vand.u32 $0xFFFFFF80, v59  }
0x2d4: {  	v19 =	vand.u32 $0xFFFFFF80, v19;
	v57 =	vor.u32 v14, v52;
	v59 =	vand.u32 $0xFFFFFF80, v18;
	v56 =	vld.idx.msk [tilespmem:v56+s23+$0x0], $0xffff  }
0x2d5: {  	v18 =	vand.u32 $0x7F, v18;
	v57 =	vadd.s32 v46, v57;
	v59 =	vadd.s32 v48, v59  }
0x2d6: {  	v19 =	vadd.s32 v48, v19;
	v18 =	vor.u32 v18, v59;
	v59 =	vadd.s32 v46, v62  }
0x2d7: {  	v58 =	vadd.s32 v46, v58;
	v19 =	vor.u32 v63, v19;
	v20 =	vadd.s32 v48, v20  }
0x2d8: {  	v62 =	vadd.s32 v41, v50;
	v20 =	vor.u32 v60, v20;
	v17 =	vmul.f32 $8.000000000e+00, v17  }
0x2d9: {  	v22 =	vadd.s32 v40, v50;
	v63 =	vadd.s32 v39, v50;
	v61 =	vmul.f32 $8.000000000e+00, v61  }
0x2da: {  	v56 =	vmul.f32 $8.000000000e+00, v56;
	[tilespmem:v57+s9+$0x0] =	vst.idx.msk $0xffff, v17;
	v17 =	vadd.s32 v28, v51;
	v57 =	vadd.s32 v37, v51  }
0x2db: {  	v60 =	vadd.s32 s10, v53;
	v18 =	vld.idx.msk [tilespmem:v18+s23+$0x0], $0xffff;
	[tilespmem:v59+s9+$0x0] =	vst.idx.msk $0xffff, v61;
	v59 =	vor.u32 v3, v47;
	v61 =	vand.u32 $0x7F, v55  }
0x2dc: {  	v23 =	vor.u32 v8, v49;
	v24 =	vand.u32 $0x7F, v63;
	v55 =	vand.u32 $0xFFFFFF80, v55;
	v19 =	vld.idx.msk [tilespmem:v19+s23+$0x0], $0xffff;
	[tilespmem:v58+s9+$0x0] =	vst.idx.msk $0xffff, v56  }
0x2dd: {  	v63 =	vand.u32 $0xFFFFFF80, v63;
	v56 =	vor.u32 v13, v52;
	v58 =	vand.u32 $0xFFFFFF80, v17;
	v20 =	vld.idx.msk [tilespmem:v20+s23+$0x0], $0xffff  }
0x2de: {  	v17 =	vand.u32 $0x7F, v17;
	v56 =	vadd.s32 v46, v56;
	v58 =	vadd.s32 v48, v58  }
0x2df: {  	v23 =	vadd.s32 v46, v23;
	v17 =	vor.u32 v17, v58;
	v58 =	vadd.s32 v48, v63  }
0x2e0: {  	v55 =	vadd.s32 v48, v55;
	v24 =	vor.u32 v24, v58;
	v58 =	vadd.s32 v46, v59  }
0x2e1: {  	v55 =	vor.u32 v61, v55;
	v59 =	vadd.s32 v36, v51;
	v18 =	vmul.f32 $8.000000000e+00, v18  }
0x2e2: {  	v61 =	vadd.s32 v0, v60;
	v63 =	vand.u32 $0x7F, v54;
	v19 =	vmul.f32 $8.000000000e+00, v19  }
0x2e3: {  	v54 =	vand.u32 $0xFFFFFF80, v54;
	[tilespmem:v56+s9+$0x0] =	vst.idx.msk $0xffff, v18;
	v18 =	vmul.f32 $8.000000000e+00, v20;
	v20 =	vor.u32 v2, v47  }
0x2e4: {  	v17 =	vld.idx.msk [tilespmem:v17+s23+$0x0], $0xffff;
	[tilespmem:v23+s9+$0x0] =	vst.idx.msk $0xffff, v19;
	v19 =	vor.u32 v7, v49;
	v23 =	vand.u32 $0xFFFFFF80, v22;
	v22 =	vand.u32 $0x7F, v22  }
0x2e5: {  	v31 =	vor.u32 v12, v52;
	v32 =	vand.u32 $0x7F, v59;
	v56 =	vand.u32 $0xFFFFFF80, v61;
	v24 =	vld.idx.msk [tilespmem:v24+s23+$0x0], $0xffff;
	[tilespmem:v58+s9+$0x0] =	vst.idx.msk $0xffff, v18  }
0x2e6: {  	v56 =	vadd.s32 v48, v56;
	v18 =	vand.u32 $0x7F, v61;
	v58 =	vand.u32 $0xFFFFFF80, v59;
	v55 =	vld.idx.msk [tilespmem:v55+s23+$0x0], $0xffff  }
0x2e7: {  	v31 =	vadd.s32 v46, v31;
	v18 =	vor.u32 v18, v56;
	v56 =	vadd.s32 v48, v58  }
0x2e8: {  	v19 =	vadd.s32 v46, v19;
	v23 =	vadd.s32 v48, v23;
	v32 =	vor.u32 v32, v56  }
0x2e9: {  	v20 =	vadd.s32 v46, v20;
	v22 =	vor.u32 v22, v23;
	v23 =	vadd.s32 v48, v54  }
0x2ea: {  	v21 =	vshll.u32 v21, $0x7;
	v23 =	vor.u32 v63, v23;
	v17 =	vmul.f32 $8.000000000e+00, v17  }
0x2eb: {  	v54 =	vadd.s32 v25, v60;
	v56 =	vor.u32 v1, v47;
	v47 =	vmovc v49;
	v49 =	vmovc v52;
	v24 =	vmul.f32 $8.000000000e+00, v24  }
0x2ec: {  	v61 =	vmul.f32 $8.000000000e+00, v55;
	v18 =	vld.idx.msk [tilespmem:v18+s23+$0x0], $0xffff;
	[tilespmem:v31+s9+$0x0] =	vst.idx.msk $0xffff, v17;
	v17 =	vor.u32 v6, v47;
	v31 =	vand.u32 $0x7F, v62  }
0x2ed: {  	v58 =	vand.u32 $0x7F, v57;
	v55 =	vor.u32 v11, v49;
	v32 =	vld.idx.msk [tilespmem:v32+s23+$0x0], $0xffff;
	[tilespmem:v19+s9+$0x0] =	vst.idx.msk $0xffff, v24;
	v19 =	vand.u32 $0xFFFFFF80, v62  }
0x2ee: {  	v57 =	vand.u32 $0xFFFFFF80, v57;
	v59 =	vand.u32 $0xFFFFFF80, v54;
	v24 =	vor.u32 v16, v21;
	v22 =	vld.idx.msk [tilespmem:v22+s23+$0x0], $0xffff;
	[tilespmem:v20+s9+$0x0] =	vst.idx.msk $0xffff, v61  }
0x2ef: {  	v52 =	vmovc v21;
	v20 =	vadd.s32 v46, v24;
	v24 =	vand.u32 $0x7F, v54;
	v54 =	vadd.s32 v48, v59;
	v23 =	vld.idx.msk [tilespmem:v23+s23+$0x0], $0xffff  }
0x2f0: {  	v21 =	vor.u32 v24, v54;
	v24 =	vadd.s32 v46, v55;
	v54 =	vadd.s32 v48, v57  }
0x2f1: {  	v17 =	vadd.s32 v46, v17;
	v19 =	vadd.s32 v48, v19;
	v54 =	vor.u32 v58, v54  }
0x2f2: {  	v19 =	vor.u32 v31, v19;
	v31 =	vadd.s32 v46, v56;
	v18 =	vmul.f32 $8.000000000e+00, v18  }
0x2f3: {  	v55 =	vadd.s32 v42, v50;
	v32 =	vmul.f32 $8.000000000e+00, v32  }
0x2f4: {  	v22 =	vmul.f32 $8.000000000e+00, v22;
	[tilespmem:v20+s9+$0x0] =	vst.idx.msk $0xffff, v18;
	v20 =	vadd.s32 v26, v60;
	v18 =	vadd.s32 v38, v51  }
0x2f5: {  	v23 =	vmul.f32 $8.000000000e+00, v23;
	v21 =	vld.idx.msk [tilespmem:v21+s23+$0x0], $0xffff;
	[tilespmem:v24+s9+$0x0] =	vst.idx.msk $0xffff, v32;
	v24 =	vor.u32 v5, v47;
	v32 =	vand.u32 $0x7F, v55  }
0x2f6: {  	v56 =	vand.u32 $0x7F, v18;
	v59 =	vld.idx.msk [tilespmem:v54+s23+$0x0], $0xffff;
	v54 =	vor.u32 v10, v49;
	[tilespmem:v17+s9+$0x0] =	vst.idx.msk $0xffff, v22;
	v22 =	vand.u32 $0xFFFFFF80, v55  }
0x2f7: {  	v57 =	vand.u32 $0xFFFFFF80, v18;
	v17 =	vor.u32 v15, v52;
	v55 =	vand.u32 $0xFFFFFF80, v20;
	v58 =	vld.idx.msk [tilespmem:v19+s23+$0x0], $0xffff;
	[tilespmem:v31+s9+$0x0] =	vst.idx.msk $0xffff, v23  }
.Ltmp8:
0x2f8: {  	v18 =	vadd.s32 v46, v17;
	v17 =	vand.u32 $0x7F, v20;
	v19 =	vadd.s32 v48, v55;
	(pc) =	sbr.rel @p2 .LBB2_14-.Ltmp8, $4  }
0x2f9: {  	v62 =	vadd.s32 v46, v54;
	v17 =	vor.u32 v17, v19;
	v19 =	vadd.s32 v48, v57  }
0x2fa: {  	v20 =	vadd.s32 v48, v22;
	v57 =	vadd.s32 v46, v24;
	v61 =	vor.u32 v56, v19  }
0x2fb: {  	v54 =	vadd.s32 v44, v50;
	v56 =	vor.u32 v32, v20;
	v19 =	vmul.f32 $8.000000000e+00, v21  }
0x2fc: {  	v55 =	vadd.s32 v43, v50;
	v63 =	vmul.f32 $8.000000000e+00, v59;
	v59 =	vadd.s32 v45, v50;
	v50 =	vmovc v51;
	v51 =	vmovc v60  }
0x2fd: {  	_ =	sdelay $0x3  }
0x2fe: {  	[tilespmem:v18+s9+$0x0] =	vst.idx.msk $0xffff, v19  }
0x2ff: {  	v18 =	vadd.s32 v27, v51;
	v17 =	vld.idx.msk [tilespmem:v17+s23+$0x0], $0xffff  }
0x300: {  	v19 =	vor.u32 v14, v52;
	v20 =	vand.u32 $0xFFFFFF80, v18  }
0x301: {  	v19 =	vadd.s32 v46, v19;
	v18 =	vand.u32 $0x7F, v18;
	v20 =	vadd.s32 v48, v20  }
0x302: {  	v18 =	vor.u32 v18, v20;
	_ =	sdelay $0x1  }
0x303: {  	v17 =	vmul.f32 $8.000000000e+00, v17;
	_ =	sdelay $0x1  }
0x304: {  	[tilespmem:v19+s9+$0x0] =	vst.idx.msk $0xffff, v17  }
0x305: {  	v17 =	vadd.s32 v28, v51;
	v18 =	vld.idx.msk [tilespmem:v18+s23+$0x0], $0xffff  }
0x306: {  	v19 =	vor.u32 v13, v52;
	v53 =	vand.u32 $0xFFFFFF80, v17  }
0x307: {  	v19 =	vadd.s32 v46, v19;
	v17 =	vand.u32 $0x7F, v17;
	v20 =	vadd.s32 v48, v53  }
0x308: {  	v17 =	vor.u32 v17, v20;
	_ =	sdelay $0x1  }
0x309: {  	v18 =	vmul.f32 $8.000000000e+00, v18;
	_ =	sdelay $0x1  }
0x30a: {  	[tilespmem:v19+s9+$0x0] =	vst.idx.msk $0xffff, v18  }
0x30b: {  	v18 =	vadd.s32 v36, v51;
	v17 =	vld.idx.msk [tilespmem:v17+s23+$0x0], $0xffff  }
0x30c: {  	v19 =	vor.u32 v12, v52;
	v60 =	vand.u32 $0xFFFFFF80, v18  }
0x30d: {  	v18 =	vand.u32 $0x7F, v18;
	v19 =	vadd.s32 v46, v19;
	v20 =	vadd.s32 v48, v60  }
0x30e: {  	v18 =	vor.u32 v18, v20;
	_ =	sdelay $0x1  }
0x30f: {  	v17 =	vmul.f32 $8.000000000e+00, v17;
	_ =	sdelay $0x1  }
0x310: {  	[tilespmem:v19+s9+$0x0] =	vst.idx.msk $0xffff, v17  }
0x311: {  	v17 =	vadd.s32 v37, v51;
	v18 =	vld.idx.msk [tilespmem:v18+s23+$0x0], $0xffff  }
0x312: {  	v19 =	vor.u32 v11, v52;
	v32 =	vand.u32 $0xFFFFFF80, v17  }
0x313: {  	v17 =	vand.u32 $0x7F, v17;
	v19 =	vadd.s32 v46, v19;
	v20 =	vadd.s32 v48, v32  }
0x314: {  	v17 =	vor.u32 v17, v20;
	_ =	sdelay $0x1  }
0x315: {  	v18 =	vmul.f32 $8.000000000e+00, v18;
	_ =	sdelay $0x1  }
0x316: {  	[tilespmem:v19+s9+$0x0] =	vst.idx.msk $0xffff, v18  }
0x317: {  	v18 =	vadd.s32 v38, v51;
	v17 =	vld.idx.msk [tilespmem:v17+s23+$0x0], $0xffff  }
0x318: {  	v19 =	vor.u32 v10, v52;
	v53 =	vand.u32 $0xFFFFFF80, v18  }
0x319: {  	v18 =	vand.u32 $0x7F, v18;
	v19 =	vadd.s32 v46, v19;
	v20 =	vadd.s32 v48, v53  }
0x31a: {  	v18 =	vor.u32 v18, v20;
	_ =	sdelay $0x1  }
0x31b: {  	v17 =	vmul.f32 $8.000000000e+00, v17  }
0x31c: {  	v22 =	vor.u32 v9, v49;
	[tilespmem:v62+s9+$0x0] =	vst.idx.msk $0xffff, v63;
	v62 =	vadd.s32 v35, v51  }
0x31d: {  	v63 =	vor.u32 v9, v52;
	v21 =	vld.idx.msk [tilespmem:v61+s23+$0x0], $0xffff;
	v60 =	vadd.s32 v35, v50;
	[tilespmem:v19+s9+$0x0] =	vst.idx.msk $0xffff, v17  }
0x31e: {  	v23 =	vand.u32 $0x7F, v60;
	v32 =	vand.u32 $0xFFFFFF80, v62;
	v20 =	vand.u32 $0xFFFFFF80, v60;
	v18 =	vld.idx.msk [tilespmem:v18+s23+$0x0], $0xffff  }
0x31f: {  	v17 =	vadd.s32 v46, v22;
	v19 =	vadd.s32 v48, v20;
	v20 =	vand.u32 $0x7F, v62  }
0x320: {  	v22 =	vadd.s32 v46, v63;
	v19 =	vor.u32 v23, v19;
	v23 =	vadd.s32 v48, v32  }
0x321: {  	v20 =	vor.u32 v20, v23  }
0x322: {  	v21 =	vmul.f32 $8.000000000e+00, v21  }
0x323: {  	v18 =	vmul.f32 $8.000000000e+00, v18  }
0x324: {  	v61 =	vadd.s32 v39, v51;
	v53 =	vadd.s32 v39, v50;
	[tilespmem:v17+s9+$0x0] =	vst.idx.msk $0xffff, v21  }
0x325: {  	v60 =	vand.u32 $0x7F, v53;
	v62 =	vor.u32 v8, v52;
	v17 =	vld.idx.msk [tilespmem:v19+s23+$0x0], $0xffff;
	[tilespmem:v22+s9+$0x0] =	vst.idx.msk $0xffff, v18  }
0x326: {  	v63 =	vand.u32 $0xFFFFFF80, v61;
	v23 =	vand.u32 $0xFFFFFF80, v53;
	v19 =	vor.u32 v8, v49;
	v20 =	vld.idx.msk [tilespmem:v20+s23+$0x0], $0xffff  }
0x327: {  	v21 =	vadd.s32 v46, v62;
	v18 =	vadd.s32 v46, v19;
	v19 =	vadd.s32 v48, v23  }
0x328: {  	v22 =	vand.u32 $0x7F, v61;
	v23 =	vadd.s32 v48, v63;
	v19 =	vor.u32 v60, v19  }
0x329: {  	v22 =	vor.u32 v22, v23  }
0x32a: {  	v17 =	vmul.f32 $8.000000000e+00, v17  }
0x32b: {  	v20 =	vmul.f32 $8.000000000e+00, v20  }
0x32c: {  	v32 =	vadd.s32 v40, v50;
	v53 =	vadd.s32 v40, v51;
	[tilespmem:v18+s9+$0x0] =	vst.idx.msk $0xffff, v17  }
0x32d: {  	v61 =	vand.u32 $0xFFFFFF80, v53;
	v18 =	vand.u32 $0xFFFFFF80, v32;
	v19 =	vld.idx.msk [tilespmem:v19+s23+$0x0], $0xffff;
	[tilespmem:v21+s9+$0x0] =	vst.idx.msk $0xffff, v20  }
0x32e: {  	v23 =	vand.u32 $0x7F, v32;
	v17 =	vor.u32 v7, v49;
	v18 =	vadd.s32 v48, v18;
	v21 =	vld.idx.msk [tilespmem:v22+s23+$0x0], $0xffff  }
0x32f: {  	v60 =	vor.u32 v7, v52;
	v17 =	vadd.s32 v46, v17;
	v18 =	vor.u32 v23, v18  }
0x330: {  	v23 =	vadd.s32 v48, v61;
	v20 =	vand.u32 $0x7F, v53;
	v22 =	vadd.s32 v46, v60  }
0x331: {  	v20 =	vor.u32 v20, v23  }
0x332: {  	v19 =	vmul.f32 $8.000000000e+00, v19  }
0x333: {  	v21 =	vmul.f32 $8.000000000e+00, v21  }
0x334: {  	v62 =	vadd.s32 v41, v50;
	v32 =	vadd.s32 v41, v51;
	[tilespmem:v17+s9+$0x0] =	vst.idx.msk $0xffff, v19  }
0x335: {  	v53 =	vor.u32 v6, v52;
	v23 =	vand.u32 $0xFFFFFF80, v62;
	v18 =	vld.idx.msk [tilespmem:v18+s23+$0x0], $0xffff;
	[tilespmem:v22+s9+$0x0] =	vst.idx.msk $0xffff, v21  }
0x336: {  	v60 =	vand.u32 $0xFFFFFF80, v32;
	v63 =	vadd.s32 v48, v23;
	v17 =	vor.u32 v6, v49;
	v20 =	vld.idx.msk [tilespmem:v20+s23+$0x0], $0xffff  }
0x337: {  	v23 =	vadd.s32 v48, v60;
	v19 =	vand.u32 $0x7F, v62;
	v17 =	vadd.s32 v46, v17  }
0x338: {  	v19 =	vor.u32 v19, v63;
	v22 =	vand.u32 $0x7F, v32;
	v21 =	vadd.s32 v46, v53  }
0x339: {  	v22 =	vor.u32 v22, v23  }
0x33a: {  	v18 =	vmul.f32 $8.000000000e+00, v18  }
0x33b: {  	v20 =	vmul.f32 $8.000000000e+00, v20  }
0x33c: {  	v61 =	vadd.s32 v42, v50;
	v63 =	vadd.s32 v42, v51;
	[tilespmem:v17+s9+$0x0] =	vst.idx.msk $0xffff, v18  }
0x33d: {  	v24 =	vmul.f32 $8.000000000e+00, v58;
	v32 =	vor.u32 v5, v52;
	v23 =	vand.u32 $0xFFFFFF80, v61;
	v19 =	vld.idx.msk [tilespmem:v19+s23+$0x0], $0xffff;
	[tilespmem:v21+s9+$0x0] =	vst.idx.msk $0xffff, v20  }
0x33e: {  	v53 =	vand.u32 $0xFFFFFF80, v63;
	v62 =	vadd.s32 v48, v23;
	v17 =	vor.u32 v5, v49;
	v22 =	vld.idx.msk [tilespmem:v22+s23+$0x0], $0xffff  }
0x33f: {  	v23 =	vadd.s32 v48, v53;
	v18 =	vand.u32 $0x7F, v61;
	v17 =	vadd.s32 v46, v17  }
0x340: {  	v18 =	vor.u32 v18, v62;
	v21 =	vand.u32 $0x7F, v63;
	v20 =	vadd.s32 v46, v32  }
0x341: {  	v31 =	vor.u32 v4, v47;
	v58 =	vand.u32 $0x7F, v59;
	v21 =	vor.u32 v21, v23  }
0x342: {  	[tilespmem:v57+s9+$0x0] =	vst.idx.msk $0xffff, v24;
	v24 =	vadd.s32 v46, v31;
	v32 =	vand.u32 $0xFFFFFF80, v59;
	v19 =	vmul.f32 $8.000000000e+00, v19  }
0x343: {  	v53 =	vor.u32 v3, v47;
	v31 =	vadd.s32 v48, v32;
	v22 =	vmul.f32 $8.000000000e+00, v22  }
0x344: {  	v59 =	vld.idx.msk [tilespmem:v56+s23+$0x0], $0xffff;
	v23 =	vor.u32 v58, v31;
	v31 =	vadd.s32 v45, v50;
	[tilespmem:v17+s9+$0x0] =	vst.idx.msk $0xffff, v19  }
0x345: {  	v61 =	vadd.s32 v45, v51;
	v19 =	vand.u32 $0x7F, v31;
	v31 =	vand.u32 $0xFFFFFF80, v31;
	v18 =	vld.idx.msk [tilespmem:v18+s23+$0x0], $0xffff;
	[tilespmem:v20+s9+$0x0] =	vst.idx.msk $0xffff, v22  }
0x346: {  	v62 =	vor.u32 v4, v52;
	v17 =	vor.u32 v4, v49;
	v60 =	vadd.s32 v48, v31;
	v21 =	vld.idx.msk [tilespmem:v21+s23+$0x0], $0xffff  }
0x347: {  	v17 =	vadd.s32 v46, v17;
	v31 =	vand.u32 $0xFFFFFF80, v61;
	v19 =	vor.u32 v19, v60  }
0x348: {  	v31 =	vadd.s32 v48, v31;
	v22 =	vand.u32 $0x7F, v61;
	v20 =	vadd.s32 v46, v62  }
0x349: {  	v56 =	vadd.s32 v43, v50;
	v32 =	vmul.f32 $8.000000000e+00, v59;
	v22 =	vor.u32 v22, v31  }
0x34a: {  	v58 =	vadd.s32 v43, v51;
	v59 =	vor.u32 v3, v52;
	v18 =	vmul.f32 $8.000000000e+00, v18  }
0x34b: {  	[tilespmem:v24+s9+$0x0] =	vst.idx.msk $0xffff, v32;
	v24 =	vadd.s32 v46, v53;
	v32 =	vand.u32 $0xFFFFFF80, v56;
	v21 =	vmul.f32 $8.000000000e+00, v21  }
0x34c: {  	v60 =	vand.u32 $0xFFFFFF80, v58;
	v23 =	vld.idx.msk [tilespmem:v23+s23+$0x0], $0xffff;
	v57 =	vadd.s32 v48, v32;
	[tilespmem:v17+s9+$0x0] =	vst.idx.msk $0xffff, v18  }
0x34d: {  	v63 =	vand.u32 $0xFFFFFF80, v55;
	v32 =	vadd.s32 v48, v60;
	v61 =	vand.u32 $0x7F, v54;
	v19 =	vld.idx.msk [tilespmem:v19+s23+$0x0], $0xffff;
	[tilespmem:v20+s9+$0x0] =	vst.idx.msk $0xffff, v21  }
0x34e: {  	v31 =	vand.u32 $0x7F, v55;
	v55 =	vadd.s32 v48, v63;
	v17 =	vor.u32 v3, v49;
	v22 =	vld.idx.msk [tilespmem:v22+s23+$0x0], $0xffff  }
0x34f: {  	v31 =	vor.u32 v31, v55;
	v18 =	vand.u32 $0x7F, v56;
	v17 =	vadd.s32 v46, v17  }
0x350: {  	v18 =	vor.u32 v18, v57;
	v21 =	vand.u32 $0x7F, v58;
	v20 =	vadd.s32 v46, v59  }
0x351: {  	v62 =	vor.u32 v2, v47;
	v23 =	vmul.f32 $8.000000000e+00, v23;
	v21 =	vor.u32 v21, v32  }
0x352: {  	v60 =	vor.u32 v2, v52;
	v63 =	vand.u32 $0xFFFFFF80, v54;
	v19 =	vmul.f32 $8.000000000e+00, v19  }
0x353: {  	v56 =	vadd.s32 v46, v62;
	[tilespmem:v24+s9+$0x0] =	vst.idx.msk $0xffff, v23;
	v24 =	vadd.s32 v48, v63;
	v22 =	vmul.f32 $8.000000000e+00, v22  }
0x354: {  	v57 =	vadd.s32 v44, v50;
	v31 =	vld.idx.msk [tilespmem:v31+s23+$0x0], $0xffff;
	v24 =	vor.u32 v61, v24;
	[tilespmem:v17+s9+$0x0] =	vst.idx.msk $0xffff, v19  }
0x355: {  	v59 =	vadd.s32 v44, v51;
	v32 =	vand.u32 $0xFFFFFF80, v57;
	v18 =	vld.idx.msk [tilespmem:v18+s23+$0x0], $0xffff;
	[tilespmem:v20+s9+$0x0] =	vst.idx.msk $0xffff, v22  }
0x356: {  	v61 =	vand.u32 $0xFFFFFF80, v59;
	v58 =	vadd.s32 v48, v32;
	v19 =	vor.u32 v2, v49;
	v21 =	vld.idx.msk [tilespmem:v21+s23+$0x0], $0xffff  }
0x357: {  	v32 =	vadd.s32 v48, v61;
	v17 =	vand.u32 $0x7F, v57;
	v19 =	vadd.s32 v46, v19  }
0x358: {  	v17 =	vor.u32 v17, v58;
	v22 =	vand.u32 $0x7F, v59;
	v20 =	vadd.s32 v46, v60  }
0x359: {  	v31 =	vmul.f32 $8.000000000e+00, v31;
	v22 =	vor.u32 v22, v32  }
0x35a: {  	v18 =	vmul.f32 $8.000000000e+00, v18  }
0x35b: {  	[tilespmem:v56+s9+$0x0] =	vst.idx.msk $0xffff, v31;
	v21 =	vmul.f32 $8.000000000e+00, v21  }
0x35c: {  	v23 =	vld.idx.msk [tilespmem:v24+s23+$0x0], $0xffff;
	[tilespmem:v19+s9+$0x0] =	vst.idx.msk $0xffff, v18  }
0x35d: {  	v18 =	vor.u32 v1, v47;
	v17 =	vld.idx.msk [tilespmem:v17+s23+$0x0], $0xffff;
	[tilespmem:v20+s9+$0x0] =	vst.idx.msk $0xffff, v21  }
0x35e: {  	v19 =	vor.u32 v1, v49;
	v18 =	vadd.s32 v46, v18;
	v20 =	vld.idx.msk [tilespmem:v22+s23+$0x0], $0xffff  }
0x35f: {  	s29 =	sadd.s32 $0x1, s29;
	v62 =	vor.u32 v1, v52;
	v19 =	vadd.s32 v46, v19  }
0x360: {  	p2 =	sne.s32 s29, $0x8;
	v21 =	vadd.s32 v46, v62  }
.Ltmp9:
0x361: {  	v63 =	vmul.f32 $8.000000000e+00, v23;
	(pc) =	sbr.rel @p2 .LBB2_13-.Ltmp9, $4  }
0x362: {  	v17 =	vmul.f32 $8.000000000e+00, v17  }
0x363: {  	[tilespmem:v18+s9+$0x0] =	vst.idx.msk $0xffff, v63;
	v18 =	vmul.f32 $8.000000000e+00, v20  }
0x364: {  	[tilespmem:v19+s9+$0x0] =	vst.idx.msk $0xffff, v17  }
0x365: {  	[tilespmem:v21+s9+$0x0] =	vst.idx.msk $0xffff, v18  }
.Ltmp10:
0x366: {  	(pc) =	sbr.rel @!p0 .LBB2_17-.Ltmp10, $4  }
0x367: {  	s10 =	sadd.s32 s3, s25  }
0x368: {  	s22 =	sadd.s32 s22, s10  }
0x369: {  	s10 =	sadd.s32 $0x80, s22  }
0x36a: {  	[hbm4b:s10+s14] =	stream.strided.scatter [tilespmem:s9], [sflag:$0xA], $0x2000, s0, s14, $0x38;
	[tilespmem:$0x1A200] =	vst v63  }
.Ltmp11:
0x36b: {  	(pc) =	sbr.rel .LBB2_19-.Ltmp11, $4  }
0x36c: {  	_ = 	snop  }
0x36d: {  	_ =	swait.ge [sflag:s11], $0x4000  }
0x36e: {  	[sflag:s11] =	ssyncset.done $0x0  }
0x36f: {  	[sflag:s11] =	ssyncadd.s32 $0xFFFFC000  }
.LBB2_17:
0x370: {  	s10 =	sadd.s32 $0x4, s19  }
0x371: {  	s17 =	sand.u32 $0x380, s10  }
0x372: {  	p2 =	slt.u32 s19, $0x7C;
	p3 =	sne.s32 s17, $0x0  }
0x373: {  	p2 =	por !p2, !p3  }
0x374: {  	s17 =	simm.s32 $0x1;
	p2 =	por !p2, !p2  }
0x375: {  	s25 =	sshrl.u32 s10, $0xA;
	s17 =	simm.s32 @!p2 $0x0  }
0x376: {  	s17 =	ssub.s32 s17, s25  }
0x377: {  	_ =	swait.ge [sflag:s21], $0x400;
	s17 =	sshll.u32 s17, $0xC  }
0x378: {  	[sflag:s21] =	ssyncset.done $0x0;
	s10 =	sand.u32 $0x7FFFFF80, s10;
	s17 =	sshra.s32 s17, $0x2  }
0x379: {  	[sflag:s21] =	ssyncadd.s32 $0xFFFFFC00;
	s10 =	sadd.s32 s10, s17  }
0x37a: {  	v17 =	vld [tilespmem:s10+$0x400];
	_ =	sdelay $0x4  }
0x37b: {  	v18 =	vshra.s32 v17, $0x1;
	v17 =	vshll.u32 v17, $0x6  }
0x37c: {  	[tilespmem:$0x1080] =	vst v18;
	v17 =	vand.u32 $0x40, v17  }
0x37d: {  	[tilespmem:$0x1600] =	vst v17  }
0x37e: {  	v17 =	vld [tilespmem:s10+$0x410];
	_ =	sdelay $0x4  }
0x37f: {  	v18 =	vshra.s32 v17, $0x1;
	v17 =	vshll.u32 v17, $0x6  }
0x380: {  	[tilespmem:$0x1090] =	vst v18;
	v17 =	vand.u32 $0x40, v17  }
0x381: {  	[tilespmem:$0x1680] =	vst v17  }
0x382: {  	v17 =	vld [tilespmem:s10+$0x420];
	_ =	sdelay $0x4  }
0x383: {  	v18 =	vshra.s32 v17, $0x1;
	v17 =	vshll.u32 v17, $0x6  }
0x384: {  	[tilespmem:$0x10A0] =	vst v18;
	v17 =	vand.u32 $0x40, v17  }
0x385: {  	[tilespmem:$0x1700] =	vst v17  }
0x386: {  	v17 =	vld [tilespmem:s10+$0x430];
	_ =	sdelay $0x4  }
0x387: {  	v18 =	vshra.s32 v17, $0x1;
	v17 =	vshll.u32 v17, $0x6  }
0x388: {  	[tilespmem:$0x10B0] =	vst v18;
	v17 =	vand.u32 $0x40, v17  }
0x389: {  	[tilespmem:$0x1780] =	vst v17  }
0x38a: {  	v17 =	vld [tilespmem:s10+$0x440];
	_ =	sdelay $0x4  }
0x38b: {  	v18 =	vshra.s32 v17, $0x1;
	v17 =	vshll.u32 v17, $0x6  }
0x38c: {  	[tilespmem:$0x10C0] =	vst v18;
	v17 =	vand.u32 $0x40, v17  }
0x38d: {  	[tilespmem:$0x1800] =	vst v17  }
0x38e: {  	v17 =	vld [tilespmem:s10+$0x450];
	_ =	sdelay $0x4  }
0x38f: {  	v18 =	vshra.s32 v17, $0x1;
	v17 =	vshll.u32 v17, $0x6  }
0x390: {  	[tilespmem:$0x10D0] =	vst v18;
	v17 =	vand.u32 $0x40, v17  }
0x391: {  	[tilespmem:$0x1880] =	vst v17  }
0x392: {  	v17 =	vld [tilespmem:s10+$0x460];
	_ =	sdelay $0x4  }
0x393: {  	v18 =	vshra.s32 v17, $0x1;
	v17 =	vshll.u32 v17, $0x6  }
0x394: {  	[tilespmem:$0x10E0] =	vst v18;
	v17 =	vand.u32 $0x40, v17  }
0x395: {  	[tilespmem:$0x1900] =	vst v17  }
0x396: {  	v17 =	vld [tilespmem:s10+$0x470];
	_ =	sdelay $0x3  }
0x397: {  	s10 =	sadd.s32 $0x6, s19  }
0x398: {  	s25 =	sand.u32 $0x380, s10;
	v18 =	vshra.s32 v17, $0x1;
	v17 =	vshll.u32 v17, $0x6  }
0x399: {  	p5 =	slt.u32 s19, $0x7A;
	p6 =	sne.s32 s25, $0x0;
	[tilespmem:$0x10F0] =	vst v18;
	v17 =	vand.u32 $0x40, v17  }
0x39a: {  	s17 =	simm.s32 $0x1080;
	p2 =	por !p5, !p6;
	[tilespmem:$0x1980] =	vst v17  }
0x39b: {  	[tilespmem:s23], [sflag:$0x6] =	stream.indirect.gather [hbm4b:s6+s18], $0x80, s17, s18, $0xb8;
	[tilespmem:$0x1A200] =	vst v63  }
0x39c: {  	p2 =	por !p2, !p2;
	s17 =	simm.s32 $0x1  }
0x39d: {  	s29 =	sshrl.u32 s10, $0xA;
	s17 =	simm.s32 @!p2 $0x0  }
0x39e: {  	s10 =	sshll.u32 s10, $0xA;
	s17 =	ssub.s32 s29, s17  }
0x39f: {  	s10 =	sand.u32 $0x1F800, s10;
	s17 =	sshll.u32 s17, $0x11  }
0x3a0: {  	_ =	swait.ge [sflag:s11], $0x4000;
	s10 =	sor.u32 s10, s17  }
0x3a1: {  	[sflag:s11] =	ssyncset.done $0x0;
	s10 =	sshrl.u32 s10, $0x3  }
0x3a2: {  	s29 =	simm.s32 $0x800;
	[sflag:s11] =	ssyncadd.s32 $0xFFFFC000;
	s10 =	sadd.s32 s1, s10  }
0x3a3: {  	[tilespmem:s29], [sflag:$0x3] =	stream.linear.gather [hbm4b:s10+s4], $0x400, $0x38;
	[tilespmem:$0x1A200] =	vst v63  }
.LBB2_19:
0x3a4: {  	s10 =	simm.s32 @!p1 $0xB  }
0x3a5: {  	_ =	swait.ge @!p1 [sflag:s10], $0x2000  }
0x3a6: {  	[sflag:s10] =	ssyncset.done @!p1 $0x0  }
0x3a7: {  	s25 =	simm.s32 $0x0;
	[sflag:s10] =	ssyncadd.s32 @!p1 $0xFFFFE000  }
.LBB2_20:
0x3a8: {  	s10 =	sshll.u32 s25, $0x7  }
0x3a9: {  	s10 =	sand.u32 $0x3FFFFF80, s10  }
0x3aa: {  	v53 =	vld [tilespmem:s10+$0x1A00];
	_ =	sdelay $0x3  }
0x3ab: {  	s29 =	simm.s32 $0x0  }
0x3ac: {  	s17 =	sshll.u32 s25, $0x4;
	v55 =	vadd.s32 s29, v53  }
0x3ad: {  	v46 =	vor.u32 s17, v0;
	v17 =	vadd.s32 v0, v55  }
0x3ae: {  	v48 =	vshll.u32 v46, $0x7;
	v18 =	vand.u32 $0xFFFFFF80, v17  }
0x3af: {  	v17 =	vand.u32 $0x7F, v17;
	v18 =	vadd.s32 v48, v18  }
0x3b0: {  	v17 =	vor.u32 v17, v18;
	_ =	sdelay $0x3  }
0x3b1: {  	v18 =	vmov s29  }
0x3b2: {  	v47 =	vshll.u32 v18, $0x7;
	v18 =	vadd.s32 v25, v55;
	v17 =	vld.idx.msk [tilespmem:v17+s26+$0x0], $0xffff  }
0x3b3: {  	v19 =	vor.u32 v16, v47;
	v20 =	vand.u32 $0xFFFFFF80, v18  }
0x3b4: {  	v18 =	vand.u32 $0x7F, v18;
	v19 =	vadd.s32 v46, v19;
	v20 =	vadd.s32 v48, v20  }
0x3b5: {  	v18 =	vor.u32 v18, v20;
	_ =	sdelay $0x1  }
0x3b6: {  	v17 =	vmul.f32 $8.000000000e+00, v17;
	_ =	sdelay $0x1  }
0x3b7: {  	[tilespmem:v19+s13+$0x0] =	vst.idx.msk $0xffff, v17  }
0x3b8: {  	v17 =	vadd.s32 v26, v55;
	v18 =	vld.idx.msk [tilespmem:v18+s26+$0x0], $0xffff  }
0x3b9: {  	v19 =	vor.u32 v15, v47;
	v20 =	vand.u32 $0xFFFFFF80, v17  }
0x3ba: {  	v19 =	vadd.s32 v46, v19;
	v17 =	vand.u32 $0x7F, v17;
	v20 =	vadd.s32 v48, v20  }
0x3bb: {  	v17 =	vor.u32 v17, v20;
	_ =	sdelay $0x1  }
0x3bc: {  	v18 =	vmul.f32 $8.000000000e+00, v18;
	_ =	sdelay $0x1  }
0x3bd: {  	[tilespmem:v19+s13+$0x0] =	vst.idx.msk $0xffff, v18  }
0x3be: {  	v18 =	vadd.s32 v27, v55;
	v17 =	vld.idx.msk [tilespmem:v17+s26+$0x0], $0xffff  }
0x3bf: {  	v19 =	vor.u32 v14, v47;
	v20 =	vand.u32 $0xFFFFFF80, v18  }
0x3c0: {  	v19 =	vadd.s32 v46, v19;
	v18 =	vand.u32 $0x7F, v18;
	v20 =	vadd.s32 v48, v20  }
0x3c1: {  	v18 =	vor.u32 v18, v20;
	_ =	sdelay $0x1  }
0x3c2: {  	v17 =	vmul.f32 $8.000000000e+00, v17;
	_ =	sdelay $0x1  }
0x3c3: {  	[tilespmem:v19+s13+$0x0] =	vst.idx.msk $0xffff, v17  }
0x3c4: {  	v17 =	vadd.s32 v28, v55;
	v18 =	vld.idx.msk [tilespmem:v18+s26+$0x0], $0xffff  }
0x3c5: {  	v19 =	vor.u32 v13, v47;
	v20 =	vand.u32 $0xFFFFFF80, v17  }
0x3c6: {  	v19 =	vadd.s32 v46, v19;
	v17 =	vand.u32 $0x7F, v17;
	v20 =	vadd.s32 v48, v20  }
0x3c7: {  	v17 =	vor.u32 v17, v20  }
0x3c8: {  	s29 =	simm.s32 $0x10  }
0x3c9: {  	v50 =	vadd.s32 s29, v53;
	v18 =	vmul.f32 $8.000000000e+00, v18  }
0x3ca: {  	v20 =	vadd.s32 v0, v50  }
0x3cb: {  	[tilespmem:v19+s13+$0x0] =	vst.idx.msk $0xffff, v18;
	v18 =	vand.u32 $0xFFFFFF80, v20  }
0x3cc: {  	v19 =	vadd.s32 v36, v55;
	v20 =	vand.u32 $0x7F, v20;
	v17 =	vld.idx.msk [tilespmem:v17+s26+$0x0], $0xffff;
	v18 =	vadd.s32 v48, v18  }
0x3cd: {  	v21 =	vor.u32 v12, v47;
	v22 =	vand.u32 $0xFFFFFF80, v19;
	v18 =	vor.u32 v20, v18  }
0x3ce: {  	v19 =	vand.u32 $0x7F, v19;
	v20 =	vadd.s32 v46, v21;
	v62 =	vadd.s32 v48, v22  }
0x3cf: {  	v19 =	vor.u32 v19, v62;
	_ =	sdelay $0x1  }
0x3d0: {  	v63 =	vmov s29;
	v17 =	vmul.f32 $8.000000000e+00, v17  }
0x3d1: {  	v49 =	vshll.u32 v63, $0x7;
	v32 =	vadd.s32 v25, v50;
	v18 =	vld.idx.msk [tilespmem:v18+s26+$0x0], $0xffff  }
0x3d2: {  	v51 =	vadd.s32 v37, v55;
	[tilespmem:v20+s13+$0x0] =	vst.idx.msk $0xffff, v17;
	v17 =	vor.u32 v16, v49;
	v20 =	vand.u32 $0xFFFFFF80, v32  }
0x3d3: {  	v21 =	vand.u32 $0x7F, v32;
	v19 =	vld.idx.msk [tilespmem:v19+s26+$0x0], $0xffff;
	v17 =	vadd.s32 v46, v17;
	v20 =	vadd.s32 v48, v20  }
0x3d4: {  	v24 =	vand.u32 $0xFFFFFF80, v51;
	v23 =	vor.u32 v11, v47;
	v20 =	vor.u32 v21, v20  }
0x3d5: {  	v52 =	vand.u32 $0x7F, v51;
	v56 =	vadd.s32 v48, v24;
	v54 =	vadd.s32 v46, v23  }
0x3d6: {  	v21 =	vor.u32 v52, v56;
	v18 =	vmul.f32 $8.000000000e+00, v18;
	_ =	sdelay $0x1  }
0x3d7: {  	v19 =	vmul.f32 $8.000000000e+00, v19;
	[tilespmem:v17+s13+$0x0] =	vst.idx.msk $0xffff, v18  }
0x3d8: {  	v17 =	vadd.s32 v26, v50;
	v18 =	vld.idx.msk [tilespmem:v20+s26+$0x0], $0xffff  }
0x3d9: {  	v20 =	vadd.s32 v38, v55;
	v57 =	vand.u32 $0xFFFFFF80, v17;
	[tilespmem:v54+s13+$0x0] =	vst.idx.msk $0xffff, v19;
	v19 =	vor.u32 v15, v49  }
0x3da: {  	v17 =	vand.u32 $0x7F, v17;
	v22 =	vadd.s32 v48, v57;
	v21 =	vld.idx.msk [tilespmem:v21+s26+$0x0], $0xffff;
	v19 =	vadd.s32 v46, v19  }
0x3db: {  	v58 =	vor.u32 v10, v47;
	v24 =	vand.u32 $0xFFFFFF80, v20;
	v17 =	vor.u32 v17, v22  }
0x3dc: {  	v59 =	vadd.s32 v46, v58;
	v20 =	vand.u32 $0x7F, v20;
	v60 =	vadd.s32 v48, v24  }
0x3dd: {  	v20 =	vor.u32 v20, v60;
	v18 =	vmul.f32 $8.000000000e+00, v18;
	_ =	sdelay $0x1  }
0x3de: {  	v21 =	vmul.f32 $8.000000000e+00, v21;
	[tilespmem:v19+s13+$0x0] =	vst.idx.msk $0xffff, v18  }
0x3df: {  	v18 =	vadd.s32 v27, v50;
	v17 =	vld.idx.msk [tilespmem:v17+s26+$0x0], $0xffff  }
0x3e0: {  	v61 =	vor.u32 v14, v49;
	v19 =	vadd.s32 v35, v55;
	v62 =	vand.u32 $0xFFFFFF80, v18;
	[tilespmem:v59+s13+$0x0] =	vst.idx.msk $0xffff, v21  }
0x3e1: {  	v18 =	vand.u32 $0x7F, v18;
	v21 =	vadd.s32 v46, v61;
	v22 =	vadd.s32 v48, v62;
	v20 =	vld.idx.msk [tilespmem:v20+s26+$0x0], $0xffff  }
0x3e2: {  	v63 =	vor.u32 v9, v47;
	v24 =	vand.u32 $0xFFFFFF80, v19;
	v18 =	vor.u32 v18, v22  }
0x3e3: {  	v32 =	vadd.s32 v46, v63;
	v19 =	vand.u32 $0x7F, v19;
	v51 =	vadd.s32 v48, v24  }
0x3e4: {  	v19 =	vor.u32 v19, v51;
	v17 =	vmul.f32 $8.000000000e+00, v17;
	_ =	sdelay $0x1  }
0x3e5: {  	v20 =	vmul.f32 $8.000000000e+00, v20;
	[tilespmem:v21+s13+$0x0] =	vst.idx.msk $0xffff, v17  }
0x3e6: {  	v31 =	vadd.s32 v36, v50;
	v52 =	vadd.s32 v39, v55;
	v17 =	vadd.s32 v28, v50;
	v18 =	vld.idx.msk [tilespmem:v18+s26+$0x0], $0xffff  }
0x3e7: {  	v56 =	vor.u32 v8, v47;
	v54 =	vand.u32 $0xFFFFFF80, v17;
	[tilespmem:v32+s13+$0x0] =	vst.idx.msk $0xffff, v20;
	v20 =	vor.u32 v13, v49  }
0x3e8: {  	v17 =	vand.u32 $0x7F, v17;
	v22 =	vadd.s32 v48, v54;
	v19 =	vld.idx.msk [tilespmem:v19+s26+$0x0], $0xffff;
	v20 =	vadd.s32 v46, v20  }
0x3e9: {  	v57 =	vadd.s32 v46, v56;
	v24 =	vand.u32 $0xFFFFFF80, v52;
	v17 =	vor.u32 v17, v22  }
0x3ea: {  	s10 =	simm.s32 $0x20;
	v60 =	vand.u32 $0xFFFFFF80, v31;
	v58 =	vadd.s32 v48, v24;
	v21 =	vand.u32 $0x7F, v52  }
0x3eb: {  	v59 =	vmov s10;
	v21 =	vor.u32 v21, v58;
	v18 =	vmul.f32 $8.000000000e+00, v18  }
0x3ec: {  	v61 =	vor.u32 v7, v47;
	v62 =	vadd.s32 v41, v55;
	v51 =	vadd.s32 s10, v53  }
0x3ed: {  	v24 =	vadd.s32 v40, v55;
	v32 =	vadd.s32 v0, v51;
	v19 =	vmul.f32 $8.000000000e+00, v19;
	[tilespmem:v20+s13+$0x0] =	vst.idx.msk $0xffff, v18  }
0x3ee: {  	v63 =	vadd.s32 v25, v51;
	v52 =	vand.u32 $0x7F, v31;
	v18 =	vand.u32 $0xFFFFFF80, v32;
	v17 =	vld.idx.msk [tilespmem:v17+s26+$0x0], $0xffff  }
0x3ef: {  	v20 =	vor.u32 v12, v49;
	v18 =	vadd.s32 v48, v18;
	[tilespmem:v57+s13+$0x0] =	vst.idx.msk $0xffff, v19;
	v19 =	vand.u32 $0x7F, v32  }
0x3f0: {  	v21 =	vld.idx.msk [tilespmem:v21+s26+$0x0], $0xffff;
	v18 =	vor.u32 v19, v18;
	v19 =	vadd.s32 v46, v20;
	v20 =	vadd.s32 v48, v60  }
0x3f1: {  	v23 =	vand.u32 $0x7F, v63;
	v31 =	vand.u32 $0xFFFFFF80, v24;
	v20 =	vor.u32 v52, v20  }
0x3f2: {  	v24 =	vand.u32 $0x7F, v24;
	v31 =	vadd.s32 v48, v31;
	v22 =	vadd.s32 v46, v61  }
0x3f3: {  	v24 =	vor.u32 v24, v31;
	v31 =	vadd.s32 v37, v50;
	v17 =	vmul.f32 $8.000000000e+00, v17  }
0x3f4: {  	v54 =	vor.u32 v11, v49;
	v56 =	vand.u32 $0x7F, v31;
	v31 =	vand.u32 $0xFFFFFF80, v31  }
0x3f5: {  	v31 =	vadd.s32 v48, v31;
	v52 =	vshll.u32 v59, $0x7;
	v21 =	vmul.f32 $8.000000000e+00, v21;
	v18 =	vld.idx.msk [tilespmem:v18+s26+$0x0], $0xffff;
	[tilespmem:v19+s13+$0x0] =	vst.idx.msk $0xffff, v17  }
0x3f6: {  	v61 =	vadd.s32 v38, v50;
	v31 =	vor.u32 v56, v31;
	v58 =	vor.u32 v16, v52;
	v20 =	vld.idx.msk [tilespmem:v20+s26+$0x0], $0xffff  }
0x3f7: {  	v32 =	vand.u32 $0xFFFFFF80, v62;
	v60 =	vadd.s32 v46, v54;
	[tilespmem:v22+s13+$0x0] =	vst.idx.msk $0xffff, v21;
	v21 =	vadd.s32 v46, v58  }
0x3f8: {  	v59 =	vand.u32 $0xFFFFFF80, v63;
	v17 =	vor.u32 v6, v47;
	v19 =	vand.u32 $0x7F, v62  }
0x3f9: {  	v62 =	vand.u32 $0xFFFFFF80, v61;
	v54 =	vadd.s32 v46, v17;
	v22 =	vadd.s32 v48, v59;
	v24 =	vld.idx.msk [tilespmem:v24+s26+$0x0], $0xffff  }
0x3fa: {  	v17 =	vadd.s32 v48, v32;
	v22 =	vor.u32 v23, v22;
	v18 =	vmul.f32 $8.000000000e+00, v18  }
0x3fb: {  	v32 =	vor.u32 v19, v17;
	v19 =	vadd.s32 v42, v55;
	v17 =	vmul.f32 $8.000000000e+00, v20  }
0x3fc: {  	v58 =	vand.u32 $0x7F, v19;
	v23 =	vadd.s32 v48, v62;
	v20 =	vadd.s32 v26, v51;
	[tilespmem:v21+s13+$0x0] =	vst.idx.msk $0xffff, v18  }
0x3fd: {  	v19 =	vand.u32 $0xFFFFFF80, v19;
	v18 =	vand.u32 $0x7F, v61;
	[tilespmem:v60+s13+$0x0] =	vst.idx.msk $0xffff, v17;
	v17 =	vand.u32 $0xFFFFFF80, v20  }
0x3fe: {  	v21 =	vmul.f32 $8.000000000e+00, v24;
	v20 =	vand.u32 $0x7F, v20;
	v17 =	vadd.s32 v48, v17  }
0x3ff: {  	v22 =	vld.idx.msk [tilespmem:v22+s26+$0x0], $0xffff;
	v61 =	vor.u32 v18, v23;
	v17 =	vor.u32 v20, v17;
	v20 =	vor.u32 v15, v52  }
0x400: {  	v31 =	vld.idx.msk [tilespmem:v31+s26+$0x0], $0xffff;
	[tilespmem:v54+s13+$0x0] =	vst.idx.msk $0xffff, v21;
	v18 =	vadd.s32 v46, v20;
	v20 =	vadd.s32 v48, v19  }
0x401: {  	v63 =	vor.u32 v10, v49;
	v56 =	vor.u32 v58, v20;
	v58 =	vld.idx.msk [tilespmem:v32+s26+$0x0], $0xffff  }
0x402: {  	v62 =	vadd.s32 v46, v63;
	v24 =	vor.u32 v5, v47  }
0x403: {  	v57 =	vadd.s32 v46, v24  }
0x404: {  	v59 =	vadd.s32 v45, v55;
	v19 =	vmul.f32 $8.000000000e+00, v22  }
0x405: {  	v54 =	vadd.s32 v44, v55;
	v55 =	vadd.s32 v43, v55;
	v63 =	vmul.f32 $8.000000000e+00, v31  }
.LBB2_21:
0x406: {  	s10 =	sadd.s32 $0x10, s10;
	[tilespmem:v18+s13+$0x0] =	vst.idx.msk $0xffff, v19;
	v18 =	vadd.s32 v27, v51;
	v19 =	vadd.s32 v35, v50;
	v20 =	vmul.f32 $8.000000000e+00, v58  }
0x407: {  	v22 =	vor.u32 v4, v47;
	v23 =	vand.u32 $0x7F, v59;
	v21 =	vmov s10;
	p2 =	slt.u32 s10, $0x30;
	v17 =	vld.idx.msk [tilespmem:v17+s26+$0x0], $0xffff;
	[tilespmem:v62+s13+$0x0] =	vst.idx.msk $0xffff, v63  }
0x408: {  	v31 =	vor.u32 v9, v49;
	v32 =	vand.u32 $0x7F, v19;
	v24 =	vld.idx.msk [tilespmem:v61+s26+$0x0], $0xffff;
	[tilespmem:v57+s13+$0x0] =	vst.idx.msk $0xffff, v20;
	v20 =	vand.u32 $0xFFFFFF80, v59  }
0x409: {  	v58 =	vand.u32 $0xFFFFFF80, v18;
	v19 =	vand.u32 $0xFFFFFF80, v19;
	v57 =	vor.u32 v14, v52;
	v56 =	vld.idx.msk [tilespmem:v56+s26+$0x0], $0xffff  }
0x40a: {  	v18 =	vand.u32 $0x7F, v18;
	v58 =	vadd.s32 v48, v58;
	v57 =	vadd.s32 v46, v57  }
0x40b: {  	v31 =	vadd.s32 v46, v31;
	v19 =	vadd.s32 v48, v19;
	v18 =	vor.u32 v18, v58  }
0x40c: {  	v22 =	vadd.s32 v46, v22;
	v19 =	vor.u32 v32, v19;
	v20 =	vadd.s32 v48, v20  }
0x40d: {  	v32 =	vadd.s32 v41, v50;
	v20 =	vor.u32 v23, v20;
	v17 =	vmul.f32 $8.000000000e+00, v17  }
0x40e: {  	v58 =	vadd.s32 v40, v50;
	v23 =	vmul.f32 $8.000000000e+00, v24;
	v24 =	vadd.s32 v39, v50  }
0x40f: {  	v56 =	vmul.f32 $8.000000000e+00, v56;
	[tilespmem:v57+s13+$0x0] =	vst.idx.msk $0xffff, v17;
	v17 =	vadd.s32 v28, v51;
	v57 =	vadd.s32 v37, v51  }
0x410: {  	v60 =	vadd.s32 s10, v53;
	v18 =	vld.idx.msk [tilespmem:v18+s26+$0x0], $0xffff;
	[tilespmem:v31+s13+$0x0] =	vst.idx.msk $0xffff, v23;
	v23 =	vor.u32 v3, v47;
	v31 =	vand.u32 $0x7F, v55  }
0x411: {  	v59 =	vor.u32 v8, v49;
	v61 =	vand.u32 $0x7F, v24;
	v19 =	vld.idx.msk [tilespmem:v19+s26+$0x0], $0xffff;
	[tilespmem:v22+s13+$0x0] =	vst.idx.msk $0xffff, v56;
	v22 =	vand.u32 $0xFFFFFF80, v55  }
0x412: {  	v24 =	vand.u32 $0xFFFFFF80, v24;
	v55 =	vor.u32 v13, v52;
	v56 =	vand.u32 $0xFFFFFF80, v17;
	v20 =	vld.idx.msk [tilespmem:v20+s26+$0x0], $0xffff  }
0x413: {  	v17 =	vand.u32 $0x7F, v17;
	v55 =	vadd.s32 v46, v55;
	v56 =	vadd.s32 v48, v56  }
0x414: {  	v24 =	vadd.s32 v48, v24;
	v17 =	vor.u32 v17, v56;
	v56 =	vadd.s32 v46, v59  }
0x415: {  	v24 =	vor.u32 v61, v24;
	v23 =	vadd.s32 v46, v23;
	v22 =	vadd.s32 v48, v22  }
0x416: {  	v59 =	vadd.s32 v36, v51;
	v22 =	vor.u32 v31, v22;
	v18 =	vmul.f32 $8.000000000e+00, v18  }
0x417: {  	v61 =	vand.u32 $0x7F, v54;
	v31 =	vadd.s32 v0, v60;
	v19 =	vmul.f32 $8.000000000e+00, v19  }
0x418: {  	v54 =	vand.u32 $0xFFFFFF80, v54;
	[tilespmem:v55+s13+$0x0] =	vst.idx.msk $0xffff, v18;
	v18 =	vmul.f32 $8.000000000e+00, v20;
	v20 =	vor.u32 v2, v47  }
0x419: {  	v55 =	vand.u32 $0xFFFFFF80, v58;
	v17 =	vld.idx.msk [tilespmem:v17+s26+$0x0], $0xffff;
	[tilespmem:v56+s13+$0x0] =	vst.idx.msk $0xffff, v19;
	v19 =	vor.u32 v7, v49;
	v56 =	vand.u32 $0x7F, v58  }
0x41a: {  	v62 =	vor.u32 v12, v52;
	v63 =	vand.u32 $0x7F, v59;
	v58 =	vand.u32 $0xFFFFFF80, v31;
	v24 =	vld.idx.msk [tilespmem:v24+s26+$0x0], $0xffff;
	[tilespmem:v23+s13+$0x0] =	vst.idx.msk $0xffff, v18  }
0x41b: {  	v18 =	vand.u32 $0x7F, v31;
	v23 =	vadd.s32 v48, v58;
	v31 =	vand.u32 $0xFFFFFF80, v59;
	v22 =	vld.idx.msk [tilespmem:v22+s26+$0x0], $0xffff  }
0x41c: {  	v18 =	vor.u32 v18, v23;
	v23 =	vadd.s32 v46, v62;
	v31 =	vadd.s32 v48, v31  }
0x41d: {  	v55 =	vadd.s32 v48, v55;
	v19 =	vadd.s32 v46, v19;
	v31 =	vor.u32 v63, v31  }
0x41e: {  	v54 =	vadd.s32 v48, v54;
	v20 =	vadd.s32 v46, v20;
	v55 =	vor.u32 v56, v55  }
0x41f: {  	v21 =	vshll.u32 v21, $0x7;
	v54 =	vor.u32 v61, v54;
	v17 =	vmul.f32 $8.000000000e+00, v17  }
0x420: {  	v56 =	vadd.s32 v25, v60;
	v58 =	vor.u32 v1, v47;
	v47 =	vmovc v49;
	v49 =	vmovc v52;
	v24 =	vmul.f32 $8.000000000e+00, v24  }
0x421: {  	v22 =	vmul.f32 $8.000000000e+00, v22;
	v18 =	vld.idx.msk [tilespmem:v18+s26+$0x0], $0xffff;
	[tilespmem:v23+s13+$0x0] =	vst.idx.msk $0xffff, v17;
	v17 =	vor.u32 v6, v47;
	v23 =	vand.u32 $0x7F, v32  }
0x422: {  	v61 =	vand.u32 $0x7F, v57;
	v59 =	vor.u32 v11, v49;
	v31 =	vld.idx.msk [tilespmem:v31+s26+$0x0], $0xffff;
	[tilespmem:v19+s13+$0x0] =	vst.idx.msk $0xffff, v24;
	v19 =	vand.u32 $0xFFFFFF80, v32  }
0x423: {  	v57 =	vand.u32 $0xFFFFFF80, v57;
	v24 =	vor.u32 v16, v21;
	v32 =	vand.u32 $0xFFFFFF80, v56;
	v55 =	vld.idx.msk [tilespmem:v55+s26+$0x0], $0xffff;
	[tilespmem:v20+s13+$0x0] =	vst.idx.msk $0xffff, v22  }
0x424: {  	v52 =	vmovc v21;
	v20 =	vadd.s32 v46, v24;
	v22 =	vand.u32 $0x7F, v56;
	v24 =	vadd.s32 v48, v32;
	v32 =	vld.idx.msk [tilespmem:v54+s26+$0x0], $0xffff  }
0x425: {  	v21 =	vor.u32 v22, v24;
	v22 =	vadd.s32 v46, v59;
	v24 =	vadd.s32 v48, v57  }
0x426: {  	v17 =	vadd.s32 v46, v17;
	v19 =	vadd.s32 v48, v19;
	v24 =	vor.u32 v61, v24  }
0x427: {  	v19 =	vor.u32 v23, v19;
	v23 =	vadd.s32 v46, v58;
	v18 =	vmul.f32 $8.000000000e+00, v18  }
0x428: {  	v54 =	vadd.s32 v42, v50;
	v31 =	vmul.f32 $8.000000000e+00, v31  }
0x429: {  	v55 =	vmul.f32 $8.000000000e+00, v55;
	[tilespmem:v20+s13+$0x0] =	vst.idx.msk $0xffff, v18;
	v20 =	vadd.s32 v26, v60;
	v18 =	vadd.s32 v38, v51  }
0x42a: {  	v32 =	vmul.f32 $8.000000000e+00, v32;
	v21 =	vld.idx.msk [tilespmem:v21+s26+$0x0], $0xffff;
	[tilespmem:v22+s13+$0x0] =	vst.idx.msk $0xffff, v31;
	v22 =	vor.u32 v5, v47;
	v31 =	vand.u32 $0x7F, v54  }
0x42b: {  	v56 =	vor.u32 v10, v49;
	v57 =	vand.u32 $0x7F, v18;
	v54 =	vand.u32 $0xFFFFFF80, v54;
	v24 =	vld.idx.msk [tilespmem:v24+s26+$0x0], $0xffff;
	[tilespmem:v17+s13+$0x0] =	vst.idx.msk $0xffff, v55  }
0x42c: {  	v59 =	vand.u32 $0xFFFFFF80, v18;
	v17 =	vor.u32 v15, v52;
	v55 =	vand.u32 $0xFFFFFF80, v20;
	v58 =	vld.idx.msk [tilespmem:v19+s26+$0x0], $0xffff;
	[tilespmem:v23+s13+$0x0] =	vst.idx.msk $0xffff, v32  }
.Ltmp12:
0x42d: {  	v18 =	vadd.s32 v46, v17;
	v17 =	vand.u32 $0x7F, v20;
	v19 =	vadd.s32 v48, v55;
	(pc) =	sbr.rel @p2 .LBB2_21-.Ltmp12, $4  }
0x42e: {  	v62 =	vadd.s32 v46, v56;
	v17 =	vor.u32 v17, v19;
	v19 =	vadd.s32 v48, v59  }
0x42f: {  	v20 =	vadd.s32 v48, v54;
	v61 =	vor.u32 v57, v19;
	v57 =	vadd.s32 v46, v22  }
0x430: {  	v54 =	vadd.s32 v44, v50;
	v56 =	vor.u32 v31, v20;
	v19 =	vmul.f32 $8.000000000e+00, v21  }
0x431: {  	v55 =	vadd.s32 v43, v50;
	v59 =	vadd.s32 v45, v50;
	v50 =	vmovc v51;
	v51 =	vmovc v60;
	v63 =	vmul.f32 $8.000000000e+00, v24  }
0x432: {  	_ =	sdelay $0x3  }
0x433: {  	[tilespmem:v18+s13+$0x0] =	vst.idx.msk $0xffff, v19  }
0x434: {  	v18 =	vadd.s32 v27, v51;
	v17 =	vld.idx.msk [tilespmem:v17+s26+$0x0], $0xffff  }
0x435: {  	v19 =	vor.u32 v14, v52;
	v20 =	vand.u32 $0xFFFFFF80, v18  }
0x436: {  	v19 =	vadd.s32 v46, v19;
	v18 =	vand.u32 $0x7F, v18;
	v20 =	vadd.s32 v48, v20  }
0x437: {  	v18 =	vor.u32 v18, v20;
	_ =	sdelay $0x1  }
0x438: {  	v17 =	vmul.f32 $8.000000000e+00, v17;
	_ =	sdelay $0x1  }
0x439: {  	[tilespmem:v19+s13+$0x0] =	vst.idx.msk $0xffff, v17  }
0x43a: {  	v17 =	vadd.s32 v28, v51;
	v18 =	vld.idx.msk [tilespmem:v18+s26+$0x0], $0xffff  }
0x43b: {  	v19 =	vor.u32 v13, v52;
	v53 =	vand.u32 $0xFFFFFF80, v17  }
0x43c: {  	v19 =	vadd.s32 v46, v19;
	v17 =	vand.u32 $0x7F, v17;
	v20 =	vadd.s32 v48, v53  }
0x43d: {  	v17 =	vor.u32 v17, v20;
	_ =	sdelay $0x1  }
0x43e: {  	v18 =	vmul.f32 $8.000000000e+00, v18;
	_ =	sdelay $0x1  }
0x43f: {  	[tilespmem:v19+s13+$0x0] =	vst.idx.msk $0xffff, v18  }
0x440: {  	v18 =	vadd.s32 v36, v51;
	v17 =	vld.idx.msk [tilespmem:v17+s26+$0x0], $0xffff  }
0x441: {  	v19 =	vor.u32 v12, v52;
	v60 =	vand.u32 $0xFFFFFF80, v18  }
0x442: {  	v18 =	vand.u32 $0x7F, v18;
	v19 =	vadd.s32 v46, v19;
	v20 =	vadd.s32 v48, v60  }
0x443: {  	v18 =	vor.u32 v18, v20;
	_ =	sdelay $0x1  }
0x444: {  	v17 =	vmul.f32 $8.000000000e+00, v17;
	_ =	sdelay $0x1  }
0x445: {  	[tilespmem:v19+s13+$0x0] =	vst.idx.msk $0xffff, v17  }
0x446: {  	v17 =	vadd.s32 v37, v51;
	v18 =	vld.idx.msk [tilespmem:v18+s26+$0x0], $0xffff  }
0x447: {  	v19 =	vor.u32 v11, v52;
	v32 =	vand.u32 $0xFFFFFF80, v17  }
0x448: {  	v17 =	vand.u32 $0x7F, v17;
	v19 =	vadd.s32 v46, v19;
	v20 =	vadd.s32 v48, v32  }
0x449: {  	v17 =	vor.u32 v17, v20;
	_ =	sdelay $0x1  }
0x44a: {  	v18 =	vmul.f32 $8.000000000e+00, v18;
	_ =	sdelay $0x1  }
0x44b: {  	[tilespmem:v19+s13+$0x0] =	vst.idx.msk $0xffff, v18  }
0x44c: {  	v18 =	vadd.s32 v38, v51;
	v17 =	vld.idx.msk [tilespmem:v17+s26+$0x0], $0xffff  }
0x44d: {  	v19 =	vor.u32 v10, v52;
	v53 =	vand.u32 $0xFFFFFF80, v18  }
0x44e: {  	v18 =	vand.u32 $0x7F, v18;
	v19 =	vadd.s32 v46, v19;
	v20 =	vadd.s32 v48, v53  }
0x44f: {  	v18 =	vor.u32 v18, v20;
	_ =	sdelay $0x1  }
0x450: {  	v17 =	vmul.f32 $8.000000000e+00, v17  }
0x451: {  	v22 =	vor.u32 v9, v49;
	[tilespmem:v62+s13+$0x0] =	vst.idx.msk $0xffff, v63;
	v62 =	vadd.s32 v35, v51  }
0x452: {  	v63 =	vor.u32 v9, v52;
	v21 =	vld.idx.msk [tilespmem:v61+s26+$0x0], $0xffff;
	v60 =	vadd.s32 v35, v50;
	[tilespmem:v19+s13+$0x0] =	vst.idx.msk $0xffff, v17  }
0x453: {  	v23 =	vand.u32 $0x7F, v60;
	v32 =	vand.u32 $0xFFFFFF80, v62;
	v20 =	vand.u32 $0xFFFFFF80, v60;
	v18 =	vld.idx.msk [tilespmem:v18+s26+$0x0], $0xffff  }
0x454: {  	v17 =	vadd.s32 v46, v22;
	v19 =	vadd.s32 v48, v20;
	v20 =	vand.u32 $0x7F, v62  }
0x455: {  	v22 =	vadd.s32 v46, v63;
	v19 =	vor.u32 v23, v19;
	v23 =	vadd.s32 v48, v32  }
0x456: {  	v20 =	vor.u32 v20, v23  }
0x457: {  	v21 =	vmul.f32 $8.000000000e+00, v21  }
0x458: {  	v18 =	vmul.f32 $8.000000000e+00, v18  }
0x459: {  	v61 =	vadd.s32 v39, v51;
	v53 =	vadd.s32 v39, v50;
	[tilespmem:v17+s13+$0x0] =	vst.idx.msk $0xffff, v21  }
0x45a: {  	v60 =	vand.u32 $0x7F, v53;
	v62 =	vor.u32 v8, v52;
	v17 =	vld.idx.msk [tilespmem:v19+s26+$0x0], $0xffff;
	[tilespmem:v22+s13+$0x0] =	vst.idx.msk $0xffff, v18  }
0x45b: {  	v63 =	vand.u32 $0xFFFFFF80, v61;
	v23 =	vand.u32 $0xFFFFFF80, v53;
	v19 =	vor.u32 v8, v49;
	v20 =	vld.idx.msk [tilespmem:v20+s26+$0x0], $0xffff  }
0x45c: {  	v21 =	vadd.s32 v46, v62;
	v18 =	vadd.s32 v46, v19;
	v19 =	vadd.s32 v48, v23  }
0x45d: {  	v22 =	vand.u32 $0x7F, v61;
	v23 =	vadd.s32 v48, v63;
	v19 =	vor.u32 v60, v19  }
0x45e: {  	v22 =	vor.u32 v22, v23  }
0x45f: {  	v17 =	vmul.f32 $8.000000000e+00, v17  }
0x460: {  	v20 =	vmul.f32 $8.000000000e+00, v20  }
0x461: {  	v32 =	vadd.s32 v40, v50;
	v53 =	vadd.s32 v40, v51;
	[tilespmem:v18+s13+$0x0] =	vst.idx.msk $0xffff, v17  }
0x462: {  	v61 =	vand.u32 $0xFFFFFF80, v53;
	v18 =	vand.u32 $0xFFFFFF80, v32;
	v19 =	vld.idx.msk [tilespmem:v19+s26+$0x0], $0xffff;
	[tilespmem:v21+s13+$0x0] =	vst.idx.msk $0xffff, v20  }
0x463: {  	v23 =	vand.u32 $0x7F, v32;
	v17 =	vor.u32 v7, v49;
	v18 =	vadd.s32 v48, v18;
	v21 =	vld.idx.msk [tilespmem:v22+s26+$0x0], $0xffff  }
0x464: {  	v60 =	vor.u32 v7, v52;
	v17 =	vadd.s32 v46, v17;
	v18 =	vor.u32 v23, v18  }
0x465: {  	v23 =	vadd.s32 v48, v61;
	v20 =	vand.u32 $0x7F, v53;
	v22 =	vadd.s32 v46, v60  }
0x466: {  	v20 =	vor.u32 v20, v23  }
0x467: {  	v19 =	vmul.f32 $8.000000000e+00, v19  }
0x468: {  	v21 =	vmul.f32 $8.000000000e+00, v21  }
0x469: {  	v62 =	vadd.s32 v41, v50;
	v32 =	vadd.s32 v41, v51;
	[tilespmem:v17+s13+$0x0] =	vst.idx.msk $0xffff, v19  }
0x46a: {  	v53 =	vor.u32 v6, v52;
	v23 =	vand.u32 $0xFFFFFF80, v62;
	v18 =	vld.idx.msk [tilespmem:v18+s26+$0x0], $0xffff;
	[tilespmem:v22+s13+$0x0] =	vst.idx.msk $0xffff, v21  }
0x46b: {  	v60 =	vand.u32 $0xFFFFFF80, v32;
	v63 =	vadd.s32 v48, v23;
	v17 =	vor.u32 v6, v49;
	v20 =	vld.idx.msk [tilespmem:v20+s26+$0x0], $0xffff  }
0x46c: {  	v23 =	vadd.s32 v48, v60;
	v19 =	vand.u32 $0x7F, v62;
	v17 =	vadd.s32 v46, v17  }
0x46d: {  	v19 =	vor.u32 v19, v63;
	v22 =	vand.u32 $0x7F, v32;
	v21 =	vadd.s32 v46, v53  }
0x46e: {  	v22 =	vor.u32 v22, v23  }
0x46f: {  	v18 =	vmul.f32 $8.000000000e+00, v18  }
0x470: {  	v20 =	vmul.f32 $8.000000000e+00, v20  }
0x471: {  	v61 =	vadd.s32 v42, v50;
	v63 =	vadd.s32 v42, v51;
	[tilespmem:v17+s13+$0x0] =	vst.idx.msk $0xffff, v18  }
0x472: {  	v24 =	vmul.f32 $8.000000000e+00, v58;
	v32 =	vor.u32 v5, v52;
	v23 =	vand.u32 $0xFFFFFF80, v61;
	v19 =	vld.idx.msk [tilespmem:v19+s26+$0x0], $0xffff;
	[tilespmem:v21+s13+$0x0] =	vst.idx.msk $0xffff, v20  }
0x473: {  	v53 =	vand.u32 $0xFFFFFF80, v63;
	v62 =	vadd.s32 v48, v23;
	v17 =	vor.u32 v5, v49;
	v22 =	vld.idx.msk [tilespmem:v22+s26+$0x0], $0xffff  }
0x474: {  	v23 =	vadd.s32 v48, v53;
	v18 =	vand.u32 $0x7F, v61;
	v17 =	vadd.s32 v46, v17  }
0x475: {  	v18 =	vor.u32 v18, v62;
	v21 =	vand.u32 $0x7F, v63;
	v20 =	vadd.s32 v46, v32  }
0x476: {  	v31 =	vor.u32 v4, v47;
	v58 =	vand.u32 $0x7F, v59;
	v21 =	vor.u32 v21, v23  }
0x477: {  	[tilespmem:v57+s13+$0x0] =	vst.idx.msk $0xffff, v24;
	v24 =	vadd.s32 v46, v31;
	v32 =	vand.u32 $0xFFFFFF80, v59;
	v19 =	vmul.f32 $8.000000000e+00, v19  }
0x478: {  	v53 =	vor.u32 v3, v47;
	v31 =	vadd.s32 v48, v32;
	v22 =	vmul.f32 $8.000000000e+00, v22  }
0x479: {  	v59 =	vld.idx.msk [tilespmem:v56+s26+$0x0], $0xffff;
	v23 =	vor.u32 v58, v31;
	v31 =	vadd.s32 v45, v50;
	[tilespmem:v17+s13+$0x0] =	vst.idx.msk $0xffff, v19  }
0x47a: {  	v61 =	vadd.s32 v45, v51;
	v19 =	vand.u32 $0x7F, v31;
	v31 =	vand.u32 $0xFFFFFF80, v31;
	v18 =	vld.idx.msk [tilespmem:v18+s26+$0x0], $0xffff;
	[tilespmem:v20+s13+$0x0] =	vst.idx.msk $0xffff, v22  }
0x47b: {  	v62 =	vor.u32 v4, v52;
	v17 =	vor.u32 v4, v49;
	v60 =	vadd.s32 v48, v31;
	v21 =	vld.idx.msk [tilespmem:v21+s26+$0x0], $0xffff  }
0x47c: {  	v17 =	vadd.s32 v46, v17;
	v31 =	vand.u32 $0xFFFFFF80, v61;
	v19 =	vor.u32 v19, v60  }
0x47d: {  	v31 =	vadd.s32 v48, v31;
	v22 =	vand.u32 $0x7F, v61;
	v20 =	vadd.s32 v46, v62  }
0x47e: {  	v56 =	vadd.s32 v43, v50;
	v32 =	vmul.f32 $8.000000000e+00, v59;
	v22 =	vor.u32 v22, v31  }
0x47f: {  	v58 =	vadd.s32 v43, v51;
	v59 =	vor.u32 v3, v52;
	v18 =	vmul.f32 $8.000000000e+00, v18  }
0x480: {  	[tilespmem:v24+s13+$0x0] =	vst.idx.msk $0xffff, v32;
	v24 =	vadd.s32 v46, v53;
	v32 =	vand.u32 $0xFFFFFF80, v56;
	v21 =	vmul.f32 $8.000000000e+00, v21  }
0x481: {  	v60 =	vand.u32 $0xFFFFFF80, v58;
	v23 =	vld.idx.msk [tilespmem:v23+s26+$0x0], $0xffff;
	v57 =	vadd.s32 v48, v32;
	[tilespmem:v17+s13+$0x0] =	vst.idx.msk $0xffff, v18  }
0x482: {  	v63 =	vand.u32 $0xFFFFFF80, v55;
	v32 =	vadd.s32 v48, v60;
	v61 =	vand.u32 $0x7F, v54;
	v19 =	vld.idx.msk [tilespmem:v19+s26+$0x0], $0xffff;
	[tilespmem:v20+s13+$0x0] =	vst.idx.msk $0xffff, v21  }
0x483: {  	v31 =	vand.u32 $0x7F, v55;
	v55 =	vadd.s32 v48, v63;
	v17 =	vor.u32 v3, v49;
	v22 =	vld.idx.msk [tilespmem:v22+s26+$0x0], $0xffff  }
0x484: {  	v31 =	vor.u32 v31, v55;
	v18 =	vand.u32 $0x7F, v56;
	v17 =	vadd.s32 v46, v17  }
0x485: {  	v18 =	vor.u32 v18, v57;
	v21 =	vand.u32 $0x7F, v58;
	v20 =	vadd.s32 v46, v59  }
0x486: {  	v62 =	vor.u32 v2, v47;
	v23 =	vmul.f32 $8.000000000e+00, v23;
	v21 =	vor.u32 v21, v32  }
0x487: {  	v60 =	vor.u32 v2, v52;
	v63 =	vand.u32 $0xFFFFFF80, v54;
	v19 =	vmul.f32 $8.000000000e+00, v19  }
0x488: {  	v56 =	vadd.s32 v46, v62;
	[tilespmem:v24+s13+$0x0] =	vst.idx.msk $0xffff, v23;
	v24 =	vadd.s32 v48, v63;
	v22 =	vmul.f32 $8.000000000e+00, v22  }
0x489: {  	v57 =	vadd.s32 v44, v50;
	v31 =	vld.idx.msk [tilespmem:v31+s26+$0x0], $0xffff;
	v24 =	vor.u32 v61, v24;
	[tilespmem:v17+s13+$0x0] =	vst.idx.msk $0xffff, v19  }
0x48a: {  	v59 =	vadd.s32 v44, v51;
	v32 =	vand.u32 $0xFFFFFF80, v57;
	v18 =	vld.idx.msk [tilespmem:v18+s26+$0x0], $0xffff;
	[tilespmem:v20+s13+$0x0] =	vst.idx.msk $0xffff, v22  }
0x48b: {  	v61 =	vand.u32 $0xFFFFFF80, v59;
	v58 =	vadd.s32 v48, v32;
	v19 =	vor.u32 v2, v49;
	v21 =	vld.idx.msk [tilespmem:v21+s26+$0x0], $0xffff  }
0x48c: {  	v32 =	vadd.s32 v48, v61;
	v17 =	vand.u32 $0x7F, v57;
	v19 =	vadd.s32 v46, v19  }
0x48d: {  	v17 =	vor.u32 v17, v58;
	v22 =	vand.u32 $0x7F, v59;
	v20 =	vadd.s32 v46, v60  }
0x48e: {  	v31 =	vmul.f32 $8.000000000e+00, v31;
	v22 =	vor.u32 v22, v32  }
0x48f: {  	v18 =	vmul.f32 $8.000000000e+00, v18  }
0x490: {  	[tilespmem:v56+s13+$0x0] =	vst.idx.msk $0xffff, v31;
	v21 =	vmul.f32 $8.000000000e+00, v21  }
0x491: {  	v23 =	vld.idx.msk [tilespmem:v24+s26+$0x0], $0xffff;
	[tilespmem:v19+s13+$0x0] =	vst.idx.msk $0xffff, v18  }
0x492: {  	v18 =	vor.u32 v1, v47;
	v17 =	vld.idx.msk [tilespmem:v17+s26+$0x0], $0xffff;
	[tilespmem:v20+s13+$0x0] =	vst.idx.msk $0xffff, v21  }
0x493: {  	v19 =	vor.u32 v1, v49;
	v18 =	vadd.s32 v46, v18;
	v20 =	vld.idx.msk [tilespmem:v22+s26+$0x0], $0xffff  }
0x494: {  	s25 =	sadd.s32 $0x1, s25;
	v62 =	vor.u32 v1, v52;
	v19 =	vadd.s32 v46, v19  }
0x495: {  	p2 =	sne.s32 s25, $0x8;
	v21 =	vadd.s32 v46, v62  }
.Ltmp13:
0x496: {  	v63 =	vmul.f32 $8.000000000e+00, v23;
	(pc) =	sbr.rel @p2 .LBB2_20-.Ltmp13, $4  }
0x497: {  	v17 =	vmul.f32 $8.000000000e+00, v17  }
0x498: {  	[tilespmem:v18+s13+$0x0] =	vst.idx.msk $0xffff, v63;
	v18 =	vmul.f32 $8.000000000e+00, v20  }
0x499: {  	[tilespmem:v19+s13+$0x0] =	vst.idx.msk $0xffff, v17  }
0x49a: {  	[tilespmem:v21+s13+$0x0] =	vst.idx.msk $0xffff, v18  }
.Ltmp14:
0x49b: {  	(pc) =	sbr.rel @!p0 .LBB2_24-.Ltmp14, $3  }
0x49c: {  	_ =	sdelay $0x1  }
0x49d: {  	s10 =	sadd.s32 $0x100, s22  }
0x49e: {  	[hbm4b:s10+s14] =	stream.strided.scatter [tilespmem:s13], [sflag:$0xB], $0x2000, s0, s14, $0x38;
	[tilespmem:$0x1A200] =	vst v63  }
.Ltmp15:
0x49f: {  	(pc) =	sbr.rel .LBB2_26-.Ltmp15, $4  }
0x4a0: {  	_ = 	snop  }
0x4a1: {  	_ =	swait.ge [sflag:s12], $0x4000  }
0x4a2: {  	[sflag:s12] =	ssyncset.done $0x0  }
0x4a3: {  	[sflag:s12] =	ssyncadd.s32 $0xFFFFC000  }
.LBB2_24:
0x4a4: {  	s10 =	sadd.s32 $0x4, s19  }
0x4a5: {  	s17 =	sand.u32 $0x380, s10  }
0x4a6: {  	p2 =	slt.u32 s19, $0x7C;
	p3 =	sne.s32 s17, $0x0  }
0x4a7: {  	p2 =	por !p2, !p3  }
0x4a8: {  	s17 =	simm.s32 $0x1;
	p2 =	por !p2, !p2  }
0x4a9: {  	s25 =	sshrl.u32 s10, $0xA;
	s17 =	simm.s32 @!p2 $0x0  }
0x4aa: {  	s17 =	ssub.s32 s17, s25  }
0x4ab: {  	_ =	swait.ge [sflag:s24], $0x400;
	s17 =	sshll.u32 s17, $0xC  }
0x4ac: {  	[sflag:s24] =	ssyncset.done $0x0;
	s10 =	sand.u32 $0x7FFFFF80, s10;
	s17 =	sshra.s32 s17, $0x2  }
0x4ad: {  	[sflag:s24] =	ssyncadd.s32 $0xFFFFFC00;
	s10 =	sadd.s32 s10, s17  }
0x4ae: {  	v17 =	vld [tilespmem:s10+$0x800];
	_ =	sdelay $0x4  }
0x4af: {  	v18 =	vshra.s32 v17, $0x1;
	v17 =	vshll.u32 v17, $0x6  }
0x4b0: {  	[tilespmem:$0x1100] =	vst v18;
	v17 =	vand.u32 $0x40, v17  }
0x4b1: {  	[tilespmem:$0x1A00] =	vst v17  }
0x4b2: {  	v17 =	vld [tilespmem:s10+$0x810];
	_ =	sdelay $0x4  }
0x4b3: {  	v18 =	vshra.s32 v17, $0x1;
	v17 =	vshll.u32 v17, $0x6  }
0x4b4: {  	[tilespmem:$0x1110] =	vst v18;
	v17 =	vand.u32 $0x40, v17  }
0x4b5: {  	[tilespmem:$0x1A80] =	vst v17  }
0x4b6: {  	v17 =	vld [tilespmem:s10+$0x820];
	_ =	sdelay $0x4  }
0x4b7: {  	v18 =	vshra.s32 v17, $0x1;
	v17 =	vshll.u32 v17, $0x6  }
0x4b8: {  	[tilespmem:$0x1120] =	vst v18;
	v17 =	vand.u32 $0x40, v17  }
0x4b9: {  	[tilespmem:$0x1B00] =	vst v17  }
0x4ba: {  	v17 =	vld [tilespmem:s10+$0x830];
	_ =	sdelay $0x4  }
0x4bb: {  	v18 =	vshra.s32 v17, $0x1;
	v17 =	vshll.u32 v17, $0x6  }
0x4bc: {  	[tilespmem:$0x1130] =	vst v18;
	v17 =	vand.u32 $0x40, v17  }
0x4bd: {  	[tilespmem:$0x1B80] =	vst v17  }
0x4be: {  	v17 =	vld [tilespmem:s10+$0x840];
	_ =	sdelay $0x4  }
0x4bf: {  	v18 =	vshra.s32 v17, $0x1;
	v17 =	vshll.u32 v17, $0x6  }
0x4c0: {  	[tilespmem:$0x1140] =	vst v18;
	v17 =	vand.u32 $0x40, v17  }
0x4c1: {  	[tilespmem:$0x1C00] =	vst v17  }
0x4c2: {  	v17 =	vld [tilespmem:s10+$0x850];
	_ =	sdelay $0x4  }
0x4c3: {  	v18 =	vshra.s32 v17, $0x1;
	v17 =	vshll.u32 v17, $0x6  }
0x4c4: {  	[tilespmem:$0x1150] =	vst v18;
	v17 =	vand.u32 $0x40, v17  }
0x4c5: {  	[tilespmem:$0x1C80] =	vst v17  }
0x4c6: {  	v17 =	vld [tilespmem:s10+$0x860];
	_ =	sdelay $0x4  }
0x4c7: {  	v18 =	vshra.s32 v17, $0x1;
	v17 =	vshll.u32 v17, $0x6  }
0x4c8: {  	[tilespmem:$0x1160] =	vst v18;
	v17 =	vand.u32 $0x40, v17  }
0x4c9: {  	[tilespmem:$0x1D00] =	vst v17  }
0x4ca: {  	v17 =	vld [tilespmem:s10+$0x870];
	_ =	sdelay $0x3  }
0x4cb: {  	s10 =	sadd.s32 $0x7, s19  }
0x4cc: {  	s25 =	sand.u32 $0x380, s10;
	v18 =	vshra.s32 v17, $0x1;
	v17 =	vshll.u32 v17, $0x6  }
0x4cd: {  	p5 =	slt.u32 s19, $0x79;
	p6 =	sne.s32 s25, $0x0;
	[tilespmem:$0x1170] =	vst v18;
	v17 =	vand.u32 $0x40, v17  }
0x4ce: {  	s17 =	simm.s32 $0x1100;
	p2 =	por !p5, !p6;
	[tilespmem:$0x1D80] =	vst v17  }
0x4cf: {  	[tilespmem:s26], [sflag:$0x7] =	stream.indirect.gather [hbm4b:s6+s18], $0x80, s17, s18, $0xb8;
	[tilespmem:$0x1A200] =	vst v63  }
0x4d0: {  	p2 =	por !p2, !p2;
	s17 =	simm.s32 $0x1  }
0x4d1: {  	s29 =	sshrl.u32 s10, $0xA;
	s17 =	simm.s32 @!p2 $0x0  }
0x4d2: {  	s10 =	sshll.u32 s10, $0xA;
	s17 =	ssub.s32 s29, s17  }
0x4d3: {  	s10 =	sand.u32 $0x1FC00, s10;
	s17 =	sshll.u32 s17, $0x11  }
0x4d4: {  	_ =	swait.ge [sflag:s12], $0x4000;
	s10 =	sor.u32 s10, s17  }
0x4d5: {  	[sflag:s12] =	ssyncset.done $0x0;
	s10 =	sshrl.u32 s10, $0x3  }
0x4d6: {  	s29 =	simm.s32 $0xC00;
	[sflag:s12] =	ssyncadd.s32 $0xFFFFC000;
	s10 =	sadd.s32 s1, s10  }
0x4d7: {  	[tilespmem:s29], [sflag:$0x4] =	stream.linear.gather [hbm4b:s10+s4], $0x400, $0x38;
	[tilespmem:$0x1A200] =	vst v63  }
.LBB2_26:
0x4d8: {  	s10 =	simm.s32 @!p1 $0xC  }
0x4d9: {  	_ =	swait.ge @!p1 [sflag:s10], $0x2000  }
0x4da: {  	[sflag:s10] =	ssyncset.done @!p1 $0x0  }
0x4db: {  	s25 =	simm.s32 $0x0;
	[sflag:s10] =	ssyncadd.s32 @!p1 $0xFFFFE000  }
.LBB2_27:
0x4dc: {  	s10 =	sshll.u32 s25, $0x7  }
0x4dd: {  	s10 =	sand.u32 $0x3FFFFF80, s10  }
0x4de: {  	v53 =	vld [tilespmem:s10+$0x1E00];
	_ =	sdelay $0x3  }
0x4df: {  	s29 =	simm.s32 $0x0  }
0x4e0: {  	s17 =	sshll.u32 s25, $0x4;
	v55 =	vadd.s32 s29, v53  }
0x4e1: {  	v46 =	vor.u32 s17, v0;
	v17 =	vadd.s32 v0, v55  }
0x4e2: {  	v48 =	vshll.u32 v46, $0x7;
	v18 =	vand.u32 $0xFFFFFF80, v17  }
0x4e3: {  	v17 =	vand.u32 $0x7F, v17;
	v18 =	vadd.s32 v48, v18  }
0x4e4: {  	v17 =	vor.u32 v17, v18;
	_ =	sdelay $0x3  }
0x4e5: {  	v18 =	vmov s29  }
0x4e6: {  	v47 =	vshll.u32 v18, $0x7;
	v18 =	vadd.s32 v25, v55;
	v17 =	vld.idx.msk [tilespmem:v17+s30+$0x0], $0xffff  }
0x4e7: {  	v19 =	vor.u32 v16, v47;
	v20 =	vand.u32 $0xFFFFFF80, v18  }
0x4e8: {  	v18 =	vand.u32 $0x7F, v18;
	v19 =	vadd.s32 v46, v19;
	v20 =	vadd.s32 v48, v20  }
0x4e9: {  	v18 =	vor.u32 v18, v20;
	_ =	sdelay $0x1  }
0x4ea: {  	v17 =	vmul.f32 $8.000000000e+00, v17;
	_ =	sdelay $0x1  }
0x4eb: {  	[tilespmem:v19+s7+$0x0] =	vst.idx.msk $0xffff, v17  }
0x4ec: {  	v17 =	vadd.s32 v26, v55;
	v18 =	vld.idx.msk [tilespmem:v18+s30+$0x0], $0xffff  }
0x4ed: {  	v19 =	vor.u32 v15, v47;
	v20 =	vand.u32 $0xFFFFFF80, v17  }
0x4ee: {  	v19 =	vadd.s32 v46, v19;
	v17 =	vand.u32 $0x7F, v17;
	v20 =	vadd.s32 v48, v20  }
0x4ef: {  	v17 =	vor.u32 v17, v20;
	_ =	sdelay $0x1  }
0x4f0: {  	v18 =	vmul.f32 $8.000000000e+00, v18;
	_ =	sdelay $0x1  }
0x4f1: {  	[tilespmem:v19+s7+$0x0] =	vst.idx.msk $0xffff, v18  }
0x4f2: {  	v18 =	vadd.s32 v27, v55;
	v17 =	vld.idx.msk [tilespmem:v17+s30+$0x0], $0xffff  }
0x4f3: {  	v19 =	vor.u32 v14, v47;
	v20 =	vand.u32 $0xFFFFFF80, v18  }
0x4f4: {  	v19 =	vadd.s32 v46, v19;
	v18 =	vand.u32 $0x7F, v18;
	v20 =	vadd.s32 v48, v20  }
0x4f5: {  	v18 =	vor.u32 v18, v20;
	_ =	sdelay $0x1  }
0x4f6: {  	v17 =	vmul.f32 $8.000000000e+00, v17;
	_ =	sdelay $0x1  }
0x4f7: {  	[tilespmem:v19+s7+$0x0] =	vst.idx.msk $0xffff, v17  }
0x4f8: {  	v17 =	vadd.s32 v28, v55;
	v18 =	vld.idx.msk [tilespmem:v18+s30+$0x0], $0xffff  }
0x4f9: {  	v19 =	vor.u32 v13, v47;
	v20 =	vand.u32 $0xFFFFFF80, v17  }
0x4fa: {  	v19 =	vadd.s32 v46, v19;
	v17 =	vand.u32 $0x7F, v17;
	v20 =	vadd.s32 v48, v20  }
0x4fb: {  	v17 =	vor.u32 v17, v20  }
0x4fc: {  	s29 =	simm.s32 $0x10  }
0x4fd: {  	v50 =	vadd.s32 s29, v53;
	v18 =	vmul.f32 $8.000000000e+00, v18  }
0x4fe: {  	v20 =	vadd.s32 v0, v50  }
0x4ff: {  	[tilespmem:v19+s7+$0x0] =	vst.idx.msk $0xffff, v18;
	v18 =	vand.u32 $0xFFFFFF80, v20  }
0x500: {  	v19 =	vadd.s32 v36, v55;
	v20 =	vand.u32 $0x7F, v20;
	v17 =	vld.idx.msk [tilespmem:v17+s30+$0x0], $0xffff;
	v18 =	vadd.s32 v48, v18  }
0x501: {  	v21 =	vor.u32 v12, v47;
	v22 =	vand.u32 $0xFFFFFF80, v19;
	v18 =	vor.u32 v20, v18  }
0x502: {  	v19 =	vand.u32 $0x7F, v19;
	v20 =	vadd.s32 v46, v21;
	v62 =	vadd.s32 v48, v22  }
0x503: {  	v19 =	vor.u32 v19, v62;
	_ =	sdelay $0x1  }
0x504: {  	v63 =	vmov s29;
	v17 =	vmul.f32 $8.000000000e+00, v17  }
0x505: {  	v49 =	vshll.u32 v63, $0x7;
	v32 =	vadd.s32 v25, v50;
	v18 =	vld.idx.msk [tilespmem:v18+s30+$0x0], $0xffff  }
0x506: {  	v51 =	vadd.s32 v37, v55;
	[tilespmem:v20+s7+$0x0] =	vst.idx.msk $0xffff, v17;
	v17 =	vor.u32 v16, v49;
	v20 =	vand.u32 $0xFFFFFF80, v32  }
0x507: {  	v21 =	vand.u32 $0x7F, v32;
	v19 =	vld.idx.msk [tilespmem:v19+s30+$0x0], $0xffff;
	v17 =	vadd.s32 v46, v17;
	v20 =	vadd.s32 v48, v20  }
0x508: {  	v24 =	vand.u32 $0xFFFFFF80, v51;
	v23 =	vor.u32 v11, v47;
	v20 =	vor.u32 v21, v20  }
0x509: {  	v52 =	vand.u32 $0x7F, v51;
	v56 =	vadd.s32 v48, v24;
	v54 =	vadd.s32 v46, v23  }
0x50a: {  	v21 =	vor.u32 v52, v56;
	v18 =	vmul.f32 $8.000000000e+00, v18;
	_ =	sdelay $0x1  }
0x50b: {  	v19 =	vmul.f32 $8.000000000e+00, v19;
	[tilespmem:v17+s7+$0x0] =	vst.idx.msk $0xffff, v18  }
0x50c: {  	v17 =	vadd.s32 v26, v50;
	v18 =	vld.idx.msk [tilespmem:v20+s30+$0x0], $0xffff  }
0x50d: {  	v20 =	vadd.s32 v38, v55;
	v57 =	vand.u32 $0xFFFFFF80, v17;
	[tilespmem:v54+s7+$0x0] =	vst.idx.msk $0xffff, v19;
	v19 =	vor.u32 v15, v49  }
0x50e: {  	v17 =	vand.u32 $0x7F, v17;
	v22 =	vadd.s32 v48, v57;
	v21 =	vld.idx.msk [tilespmem:v21+s30+$0x0], $0xffff;
	v19 =	vadd.s32 v46, v19  }
0x50f: {  	v58 =	vor.u32 v10, v47;
	v24 =	vand.u32 $0xFFFFFF80, v20;
	v17 =	vor.u32 v17, v22  }
0x510: {  	v59 =	vadd.s32 v46, v58;
	v20 =	vand.u32 $0x7F, v20;
	v60 =	vadd.s32 v48, v24  }
0x511: {  	v20 =	vor.u32 v20, v60;
	v18 =	vmul.f32 $8.000000000e+00, v18;
	_ =	sdelay $0x1  }
0x512: {  	v21 =	vmul.f32 $8.000000000e+00, v21;
	[tilespmem:v19+s7+$0x0] =	vst.idx.msk $0xffff, v18  }
0x513: {  	v18 =	vadd.s32 v27, v50;
	v17 =	vld.idx.msk [tilespmem:v17+s30+$0x0], $0xffff  }
0x514: {  	v61 =	vor.u32 v14, v49;
	v19 =	vadd.s32 v35, v55;
	v62 =	vand.u32 $0xFFFFFF80, v18;
	[tilespmem:v59+s7+$0x0] =	vst.idx.msk $0xffff, v21  }
0x515: {  	v18 =	vand.u32 $0x7F, v18;
	v21 =	vadd.s32 v46, v61;
	v22 =	vadd.s32 v48, v62;
	v20 =	vld.idx.msk [tilespmem:v20+s30+$0x0], $0xffff  }
0x516: {  	v63 =	vor.u32 v9, v47;
	v24 =	vand.u32 $0xFFFFFF80, v19;
	v18 =	vor.u32 v18, v22  }
0x517: {  	v32 =	vadd.s32 v46, v63;
	v19 =	vand.u32 $0x7F, v19;
	v51 =	vadd.s32 v48, v24  }
0x518: {  	v19 =	vor.u32 v19, v51;
	v17 =	vmul.f32 $8.000000000e+00, v17;
	_ =	sdelay $0x1  }
0x519: {  	v20 =	vmul.f32 $8.000000000e+00, v20;
	[tilespmem:v21+s7+$0x0] =	vst.idx.msk $0xffff, v17  }
0x51a: {  	v31 =	vadd.s32 v36, v50;
	v52 =	vadd.s32 v39, v55;
	v17 =	vadd.s32 v28, v50;
	v18 =	vld.idx.msk [tilespmem:v18+s30+$0x0], $0xffff  }
0x51b: {  	v56 =	vor.u32 v8, v47;
	v54 =	vand.u32 $0xFFFFFF80, v17;
	[tilespmem:v32+s7+$0x0] =	vst.idx.msk $0xffff, v20;
	v20 =	vor.u32 v13, v49  }
0x51c: {  	v17 =	vand.u32 $0x7F, v17;
	v22 =	vadd.s32 v48, v54;
	v19 =	vld.idx.msk [tilespmem:v19+s30+$0x0], $0xffff;
	v20 =	vadd.s32 v46, v20  }
0x51d: {  	v57 =	vadd.s32 v46, v56;
	v24 =	vand.u32 $0xFFFFFF80, v52;
	v17 =	vor.u32 v17, v22  }
0x51e: {  	s10 =	simm.s32 $0x20;
	v60 =	vand.u32 $0xFFFFFF80, v31;
	v58 =	vadd.s32 v48, v24;
	v21 =	vand.u32 $0x7F, v52  }
0x51f: {  	v59 =	vmov s10;
	v21 =	vor.u32 v21, v58;
	v18 =	vmul.f32 $8.000000000e+00, v18  }
0x520: {  	v61 =	vor.u32 v7, v47;
	v62 =	vadd.s32 v41, v55;
	v51 =	vadd.s32 s10, v53  }
0x521: {  	v24 =	vadd.s32 v40, v55;
	v32 =	vadd.s32 v0, v51;
	v19 =	vmul.f32 $8.000000000e+00, v19;
	[tilespmem:v20+s7+$0x0] =	vst.idx.msk $0xffff, v18  }
0x522: {  	v63 =	vadd.s32 v25, v51;
	v52 =	vand.u32 $0x7F, v31;
	v18 =	vand.u32 $0xFFFFFF80, v32;
	v17 =	vld.idx.msk [tilespmem:v17+s30+$0x0], $0xffff  }
0x523: {  	v20 =	vor.u32 v12, v49;
	v18 =	vadd.s32 v48, v18;
	[tilespmem:v57+s7+$0x0] =	vst.idx.msk $0xffff, v19;
	v19 =	vand.u32 $0x7F, v32  }
0x524: {  	v21 =	vld.idx.msk [tilespmem:v21+s30+$0x0], $0xffff;
	v18 =	vor.u32 v19, v18;
	v19 =	vadd.s32 v46, v20;
	v20 =	vadd.s32 v48, v60  }
0x525: {  	v23 =	vand.u32 $0x7F, v63;
	v31 =	vand.u32 $0xFFFFFF80, v24;
	v20 =	vor.u32 v52, v20  }
0x526: {  	v24 =	vand.u32 $0x7F, v24;
	v31 =	vadd.s32 v48, v31;
	v22 =	vadd.s32 v46, v61  }
0x527: {  	v24 =	vor.u32 v24, v31;
	v31 =	vadd.s32 v37, v50;
	v17 =	vmul.f32 $8.000000000e+00, v17  }
0x528: {  	v54 =	vor.u32 v11, v49;
	v56 =	vand.u32 $0x7F, v31;
	v31 =	vand.u32 $0xFFFFFF80, v31  }
0x529: {  	v31 =	vadd.s32 v48, v31;
	v52 =	vshll.u32 v59, $0x7;
	v21 =	vmul.f32 $8.000000000e+00, v21;
	v18 =	vld.idx.msk [tilespmem:v18+s30+$0x0], $0xffff;
	[tilespmem:v19+s7+$0x0] =	vst.idx.msk $0xffff, v17  }
0x52a: {  	v61 =	vadd.s32 v38, v50;
	v31 =	vor.u32 v56, v31;
	v58 =	vor.u32 v16, v52;
	v20 =	vld.idx.msk [tilespmem:v20+s30+$0x0], $0xffff  }
0x52b: {  	v32 =	vand.u32 $0xFFFFFF80, v62;
	v60 =	vadd.s32 v46, v54;
	[tilespmem:v22+s7+$0x0] =	vst.idx.msk $0xffff, v21;
	v21 =	vadd.s32 v46, v58  }
0x52c: {  	v59 =	vand.u32 $0xFFFFFF80, v63;
	v17 =	vor.u32 v6, v47;
	v19 =	vand.u32 $0x7F, v62  }
0x52d: {  	v62 =	vand.u32 $0xFFFFFF80, v61;
	v54 =	vadd.s32 v46, v17;
	v22 =	vadd.s32 v48, v59;
	v24 =	vld.idx.msk [tilespmem:v24+s30+$0x0], $0xffff  }
0x52e: {  	v17 =	vadd.s32 v48, v32;
	v22 =	vor.u32 v23, v22;
	v18 =	vmul.f32 $8.000000000e+00, v18  }
0x52f: {  	v32 =	vor.u32 v19, v17;
	v19 =	vadd.s32 v42, v55;
	v17 =	vmul.f32 $8.000000000e+00, v20  }
0x530: {  	v58 =	vand.u32 $0x7F, v19;
	v23 =	vadd.s32 v48, v62;
	v20 =	vadd.s32 v26, v51;
	[tilespmem:v21+s7+$0x0] =	vst.idx.msk $0xffff, v18  }
0x531: {  	v19 =	vand.u32 $0xFFFFFF80, v19;
	v18 =	vand.u32 $0x7F, v61;
	[tilespmem:v60+s7+$0x0] =	vst.idx.msk $0xffff, v17;
	v17 =	vand.u32 $0xFFFFFF80, v20  }
0x532: {  	v21 =	vmul.f32 $8.000000000e+00, v24;
	v20 =	vand.u32 $0x7F, v20;
	v17 =	vadd.s32 v48, v17  }
0x533: {  	v22 =	vld.idx.msk [tilespmem:v22+s30+$0x0], $0xffff;
	v61 =	vor.u32 v18, v23;
	v17 =	vor.u32 v20, v17;
	v20 =	vor.u32 v15, v52  }
0x534: {  	v31 =	vld.idx.msk [tilespmem:v31+s30+$0x0], $0xffff;
	[tilespmem:v54+s7+$0x0] =	vst.idx.msk $0xffff, v21;
	v18 =	vadd.s32 v46, v20;
	v20 =	vadd.s32 v48, v19  }
0x535: {  	v63 =	vor.u32 v10, v49;
	v56 =	vor.u32 v58, v20;
	v58 =	vld.idx.msk [tilespmem:v32+s30+$0x0], $0xffff  }
0x536: {  	v62 =	vadd.s32 v46, v63;
	v24 =	vor.u32 v5, v47  }
0x537: {  	v57 =	vadd.s32 v46, v24  }
0x538: {  	v59 =	vadd.s32 v45, v55;
	v19 =	vmul.f32 $8.000000000e+00, v22  }
0x539: {  	v54 =	vadd.s32 v44, v55;
	v55 =	vadd.s32 v43, v55;
	v63 =	vmul.f32 $8.000000000e+00, v31  }
.LBB2_28:
0x53a: {  	s10 =	sadd.s32 $0x10, s10;
	[tilespmem:v18+s7+$0x0] =	vst.idx.msk $0xffff, v19;
	v18 =	vadd.s32 v27, v51;
	v19 =	vadd.s32 v35, v50;
	v20 =	vmul.f32 $8.000000000e+00, v58  }
0x53b: {  	v22 =	vor.u32 v4, v47;
	v23 =	vand.u32 $0x7F, v59;
	v21 =	vmov s10;
	p1 =	slt.u32 s10, $0x30;
	v17 =	vld.idx.msk [tilespmem:v17+s30+$0x0], $0xffff;
	[tilespmem:v62+s7+$0x0] =	vst.idx.msk $0xffff, v63  }
0x53c: {  	v31 =	vor.u32 v9, v49;
	v32 =	vand.u32 $0x7F, v19;
	v24 =	vld.idx.msk [tilespmem:v61+s30+$0x0], $0xffff;
	[tilespmem:v57+s7+$0x0] =	vst.idx.msk $0xffff, v20;
	v20 =	vand.u32 $0xFFFFFF80, v59  }
0x53d: {  	v58 =	vand.u32 $0xFFFFFF80, v18;
	v19 =	vand.u32 $0xFFFFFF80, v19;
	v57 =	vor.u32 v14, v52;
	v56 =	vld.idx.msk [tilespmem:v56+s30+$0x0], $0xffff  }
0x53e: {  	v18 =	vand.u32 $0x7F, v18;
	v58 =	vadd.s32 v48, v58;
	v57 =	vadd.s32 v46, v57  }
0x53f: {  	v31 =	vadd.s32 v46, v31;
	v19 =	vadd.s32 v48, v19;
	v18 =	vor.u32 v18, v58  }
0x540: {  	v22 =	vadd.s32 v46, v22;
	v19 =	vor.u32 v32, v19;
	v20 =	vadd.s32 v48, v20  }
0x541: {  	v32 =	vadd.s32 v41, v50;
	v20 =	vor.u32 v23, v20;
	v17 =	vmul.f32 $8.000000000e+00, v17  }
0x542: {  	v58 =	vadd.s32 v40, v50;
	v23 =	vmul.f32 $8.000000000e+00, v24;
	v24 =	vadd.s32 v39, v50  }
0x543: {  	v56 =	vmul.f32 $8.000000000e+00, v56;
	[tilespmem:v57+s7+$0x0] =	vst.idx.msk $0xffff, v17;
	v17 =	vadd.s32 v28, v51;
	v57 =	vadd.s32 v37, v51  }
0x544: {  	v60 =	vadd.s32 s10, v53;
	v18 =	vld.idx.msk [tilespmem:v18+s30+$0x0], $0xffff;
	[tilespmem:v31+s7+$0x0] =	vst.idx.msk $0xffff, v23;
	v23 =	vor.u32 v3, v47;
	v31 =	vand.u32 $0x7F, v55  }
0x545: {  	v59 =	vor.u32 v8, v49;
	v61 =	vand.u32 $0x7F, v24;
	v19 =	vld.idx.msk [tilespmem:v19+s30+$0x0], $0xffff;
	[tilespmem:v22+s7+$0x0] =	vst.idx.msk $0xffff, v56;
	v22 =	vand.u32 $0xFFFFFF80, v55  }
0x546: {  	v24 =	vand.u32 $0xFFFFFF80, v24;
	v55 =	vor.u32 v13, v52;
	v56 =	vand.u32 $0xFFFFFF80, v17;
	v20 =	vld.idx.msk [tilespmem:v20+s30+$0x0], $0xffff  }
0x547: {  	v17 =	vand.u32 $0x7F, v17;
	v55 =	vadd.s32 v46, v55;
	v56 =	vadd.s32 v48, v56  }
0x548: {  	v24 =	vadd.s32 v48, v24;
	v17 =	vor.u32 v17, v56;
	v56 =	vadd.s32 v46, v59  }
0x549: {  	v24 =	vor.u32 v61, v24;
	v23 =	vadd.s32 v46, v23;
	v22 =	vadd.s32 v48, v22  }
0x54a: {  	v59 =	vadd.s32 v36, v51;
	v22 =	vor.u32 v31, v22;
	v18 =	vmul.f32 $8.000000000e+00, v18  }
0x54b: {  	v61 =	vand.u32 $0x7F, v54;
	v31 =	vadd.s32 v0, v60;
	v19 =	vmul.f32 $8.000000000e+00, v19  }
0x54c: {  	v54 =	vand.u32 $0xFFFFFF80, v54;
	[tilespmem:v55+s7+$0x0] =	vst.idx.msk $0xffff, v18;
	v18 =	vmul.f32 $8.000000000e+00, v20;
	v20 =	vor.u32 v2, v47  }
0x54d: {  	v55 =	vand.u32 $0xFFFFFF80, v58;
	v17 =	vld.idx.msk [tilespmem:v17+s30+$0x0], $0xffff;
	[tilespmem:v56+s7+$0x0] =	vst.idx.msk $0xffff, v19;
	v19 =	vor.u32 v7, v49;
	v56 =	vand.u32 $0x7F, v58  }
0x54e: {  	v62 =	vor.u32 v12, v52;
	v63 =	vand.u32 $0x7F, v59;
	v58 =	vand.u32 $0xFFFFFF80, v31;
	v24 =	vld.idx.msk [tilespmem:v24+s30+$0x0], $0xffff;
	[tilespmem:v23+s7+$0x0] =	vst.idx.msk $0xffff, v18  }
0x54f: {  	v18 =	vand.u32 $0x7F, v31;
	v23 =	vadd.s32 v48, v58;
	v31 =	vand.u32 $0xFFFFFF80, v59;
	v22 =	vld.idx.msk [tilespmem:v22+s30+$0x0], $0xffff  }
0x550: {  	v18 =	vor.u32 v18, v23;
	v23 =	vadd.s32 v46, v62;
	v31 =	vadd.s32 v48, v31  }
0x551: {  	v55 =	vadd.s32 v48, v55;
	v19 =	vadd.s32 v46, v19;
	v31 =	vor.u32 v63, v31  }
0x552: {  	v54 =	vadd.s32 v48, v54;
	v20 =	vadd.s32 v46, v20;
	v55 =	vor.u32 v56, v55  }
0x553: {  	v21 =	vshll.u32 v21, $0x7;
	v54 =	vor.u32 v61, v54;
	v17 =	vmul.f32 $8.000000000e+00, v17  }
0x554: {  	v56 =	vadd.s32 v25, v60;
	v58 =	vor.u32 v1, v47;
	v47 =	vmovc v49;
	v49 =	vmovc v52;
	v24 =	vmul.f32 $8.000000000e+00, v24  }
0x555: {  	v22 =	vmul.f32 $8.000000000e+00, v22;
	v18 =	vld.idx.msk [tilespmem:v18+s30+$0x0], $0xffff;
	[tilespmem:v23+s7+$0x0] =	vst.idx.msk $0xffff, v17;
	v17 =	vor.u32 v6, v47;
	v23 =	vand.u32 $0x7F, v32  }
0x556: {  	v61 =	vand.u32 $0x7F, v57;
	v59 =	vor.u32 v11, v49;
	v31 =	vld.idx.msk [tilespmem:v31+s30+$0x0], $0xffff;
	[tilespmem:v19+s7+$0x0] =	vst.idx.msk $0xffff, v24;
	v19 =	vand.u32 $0xFFFFFF80, v32  }
0x557: {  	v57 =	vand.u32 $0xFFFFFF80, v57;
	v24 =	vor.u32 v16, v21;
	v32 =	vand.u32 $0xFFFFFF80, v56;
	v55 =	vld.idx.msk [tilespmem:v55+s30+$0x0], $0xffff;
	[tilespmem:v20+s7+$0x0] =	vst.idx.msk $0xffff, v22  }
0x558: {  	v52 =	vmovc v21;
	v20 =	vadd.s32 v46, v24;
	v22 =	vand.u32 $0x7F, v56;
	v24 =	vadd.s32 v48, v32;
	v32 =	vld.idx.msk [tilespmem:v54+s30+$0x0], $0xffff  }
0x559: {  	v21 =	vor.u32 v22, v24;
	v22 =	vadd.s32 v46, v59;
	v24 =	vadd.s32 v48, v57  }
0x55a: {  	v17 =	vadd.s32 v46, v17;
	v19 =	vadd.s32 v48, v19;
	v24 =	vor.u32 v61, v24  }
0x55b: {  	v19 =	vor.u32 v23, v19;
	v23 =	vadd.s32 v46, v58;
	v18 =	vmul.f32 $8.000000000e+00, v18  }
0x55c: {  	v54 =	vadd.s32 v42, v50;
	v31 =	vmul.f32 $8.000000000e+00, v31  }
0x55d: {  	v55 =	vmul.f32 $8.000000000e+00, v55;
	[tilespmem:v20+s7+$0x0] =	vst.idx.msk $0xffff, v18;
	v20 =	vadd.s32 v26, v60;
	v18 =	vadd.s32 v38, v51  }
0x55e: {  	v32 =	vmul.f32 $8.000000000e+00, v32;
	v21 =	vld.idx.msk [tilespmem:v21+s30+$0x0], $0xffff;
	[tilespmem:v22+s7+$0x0] =	vst.idx.msk $0xffff, v31;
	v22 =	vor.u32 v5, v47;
	v31 =	vand.u32 $0x7F, v54  }
0x55f: {  	v56 =	vor.u32 v10, v49;
	v57 =	vand.u32 $0x7F, v18;
	v54 =	vand.u32 $0xFFFFFF80, v54;
	v24 =	vld.idx.msk [tilespmem:v24+s30+$0x0], $0xffff;
	[tilespmem:v17+s7+$0x0] =	vst.idx.msk $0xffff, v55  }
0x560: {  	v59 =	vand.u32 $0xFFFFFF80, v18;
	v17 =	vor.u32 v15, v52;
	v55 =	vand.u32 $0xFFFFFF80, v20;
	v58 =	vld.idx.msk [tilespmem:v19+s30+$0x0], $0xffff;
	[tilespmem:v23+s7+$0x0] =	vst.idx.msk $0xffff, v32  }
.Ltmp16:
0x561: {  	v18 =	vadd.s32 v46, v17;
	v17 =	vand.u32 $0x7F, v20;
	v19 =	vadd.s32 v48, v55;
	(pc) =	sbr.rel @p1 .LBB2_28-.Ltmp16, $4  }
0x562: {  	v62 =	vadd.s32 v46, v56;
	v17 =	vor.u32 v17, v19;
	v19 =	vadd.s32 v48, v59  }
0x563: {  	v20 =	vadd.s32 v48, v54;
	v61 =	vor.u32 v57, v19;
	v57 =	vadd.s32 v46, v22  }
0x564: {  	v54 =	vadd.s32 v44, v50;
	v56 =	vor.u32 v31, v20;
	v19 =	vmul.f32 $8.000000000e+00, v21  }
0x565: {  	v55 =	vadd.s32 v43, v50;
	v59 =	vadd.s32 v45, v50;
	v50 =	vmovc v51;
	v51 =	vmovc v60;
	v63 =	vmul.f32 $8.000000000e+00, v24  }
0x566: {  	_ =	sdelay $0x3  }
0x567: {  	[tilespmem:v18+s7+$0x0] =	vst.idx.msk $0xffff, v19  }
0x568: {  	v18 =	vadd.s32 v27, v51;
	v17 =	vld.idx.msk [tilespmem:v17+s30+$0x0], $0xffff  }
0x569: {  	v19 =	vor.u32 v14, v52;
	v20 =	vand.u32 $0xFFFFFF80, v18  }
0x56a: {  	v19 =	vadd.s32 v46, v19;
	v18 =	vand.u32 $0x7F, v18;
	v20 =	vadd.s32 v48, v20  }
0x56b: {  	v18 =	vor.u32 v18, v20;
	_ =	sdelay $0x1  }
0x56c: {  	v17 =	vmul.f32 $8.000000000e+00, v17;
	_ =	sdelay $0x1  }
0x56d: {  	[tilespmem:v19+s7+$0x0] =	vst.idx.msk $0xffff, v17  }
0x56e: {  	v17 =	vadd.s32 v28, v51;
	v18 =	vld.idx.msk [tilespmem:v18+s30+$0x0], $0xffff  }
0x56f: {  	v19 =	vor.u32 v13, v52;
	v53 =	vand.u32 $0xFFFFFF80, v17  }
0x570: {  	v19 =	vadd.s32 v46, v19;
	v17 =	vand.u32 $0x7F, v17;
	v20 =	vadd.s32 v48, v53  }
0x571: {  	v17 =	vor.u32 v17, v20;
	_ =	sdelay $0x1  }
0x572: {  	v18 =	vmul.f32 $8.000000000e+00, v18;
	_ =	sdelay $0x1  }
0x573: {  	[tilespmem:v19+s7+$0x0] =	vst.idx.msk $0xffff, v18  }
0x574: {  	v18 =	vadd.s32 v36, v51;
	v17 =	vld.idx.msk [tilespmem:v17+s30+$0x0], $0xffff  }
0x575: {  	v19 =	vor.u32 v12, v52;
	v60 =	vand.u32 $0xFFFFFF80, v18  }
0x576: {  	v18 =	vand.u32 $0x7F, v18;
	v19 =	vadd.s32 v46, v19;
	v20 =	vadd.s32 v48, v60  }
0x577: {  	v18 =	vor.u32 v18, v20;
	_ =	sdelay $0x1  }
0x578: {  	v17 =	vmul.f32 $8.000000000e+00, v17;
	_ =	sdelay $0x1  }
0x579: {  	[tilespmem:v19+s7+$0x0] =	vst.idx.msk $0xffff, v17  }
0x57a: {  	v17 =	vadd.s32 v37, v51;
	v18 =	vld.idx.msk [tilespmem:v18+s30+$0x0], $0xffff  }
0x57b: {  	v19 =	vor.u32 v11, v52;
	v32 =	vand.u32 $0xFFFFFF80, v17  }
0x57c: {  	v17 =	vand.u32 $0x7F, v17;
	v19 =	vadd.s32 v46, v19;
	v20 =	vadd.s32 v48, v32  }
0x57d: {  	v17 =	vor.u32 v17, v20;
	_ =	sdelay $0x1  }
0x57e: {  	v18 =	vmul.f32 $8.000000000e+00, v18;
	_ =	sdelay $0x1  }
0x57f: {  	[tilespmem:v19+s7+$0x0] =	vst.idx.msk $0xffff, v18  }
0x580: {  	v18 =	vadd.s32 v38, v51;
	v17 =	vld.idx.msk [tilespmem:v17+s30+$0x0], $0xffff  }
0x581: {  	v19 =	vor.u32 v10, v52;
	v53 =	vand.u32 $0xFFFFFF80, v18  }
0x582: {  	v18 =	vand.u32 $0x7F, v18;
	v19 =	vadd.s32 v46, v19;
	v20 =	vadd.s32 v48, v53  }
0x583: {  	v18 =	vor.u32 v18, v20;
	_ =	sdelay $0x1  }
0x584: {  	v17 =	vmul.f32 $8.000000000e+00, v17  }
0x585: {  	v22 =	vor.u32 v9, v49;
	[tilespmem:v62+s7+$0x0] =	vst.idx.msk $0xffff, v63;
	v62 =	vadd.s32 v35, v51  }
0x586: {  	v63 =	vor.u32 v9, v52;
	v21 =	vld.idx.msk [tilespmem:v61+s30+$0x0], $0xffff;
	v60 =	vadd.s32 v35, v50;
	[tilespmem:v19+s7+$0x0] =	vst.idx.msk $0xffff, v17  }
0x587: {  	v23 =	vand.u32 $0x7F, v60;
	v32 =	vand.u32 $0xFFFFFF80, v62;
	v20 =	vand.u32 $0xFFFFFF80, v60;
	v18 =	vld.idx.msk [tilespmem:v18+s30+$0x0], $0xffff  }
0x588: {  	v17 =	vadd.s32 v46, v22;
	v19 =	vadd.s32 v48, v20;
	v20 =	vand.u32 $0x7F, v62  }
0x589: {  	v22 =	vadd.s32 v46, v63;
	v19 =	vor.u32 v23, v19;
	v23 =	vadd.s32 v48, v32  }
0x58a: {  	v20 =	vor.u32 v20, v23  }
0x58b: {  	v21 =	vmul.f32 $8.000000000e+00, v21  }
0x58c: {  	v18 =	vmul.f32 $8.000000000e+00, v18  }
0x58d: {  	v61 =	vadd.s32 v39, v51;
	v53 =	vadd.s32 v39, v50;
	[tilespmem:v17+s7+$0x0] =	vst.idx.msk $0xffff, v21  }
0x58e: {  	v60 =	vand.u32 $0x7F, v53;
	v62 =	vor.u32 v8, v52;
	v17 =	vld.idx.msk [tilespmem:v19+s30+$0x0], $0xffff;
	[tilespmem:v22+s7+$0x0] =	vst.idx.msk $0xffff, v18  }
0x58f: {  	v63 =	vand.u32 $0xFFFFFF80, v61;
	v23 =	vand.u32 $0xFFFFFF80, v53;
	v19 =	vor.u32 v8, v49;
	v20 =	vld.idx.msk [tilespmem:v20+s30+$0x0], $0xffff  }
0x590: {  	v21 =	vadd.s32 v46, v62;
	v18 =	vadd.s32 v46, v19;
	v19 =	vadd.s32 v48, v23  }
0x591: {  	v22 =	vand.u32 $0x7F, v61;
	v23 =	vadd.s32 v48, v63;
	v19 =	vor.u32 v60, v19  }
0x592: {  	v22 =	vor.u32 v22, v23  }
0x593: {  	v17 =	vmul.f32 $8.000000000e+00, v17  }
0x594: {  	v20 =	vmul.f32 $8.000000000e+00, v20  }
0x595: {  	v32 =	vadd.s32 v40, v50;
	v53 =	vadd.s32 v40, v51;
	[tilespmem:v18+s7+$0x0] =	vst.idx.msk $0xffff, v17  }
0x596: {  	v61 =	vand.u32 $0xFFFFFF80, v53;
	v18 =	vand.u32 $0xFFFFFF80, v32;
	v19 =	vld.idx.msk [tilespmem:v19+s30+$0x0], $0xffff;
	[tilespmem:v21+s7+$0x0] =	vst.idx.msk $0xffff, v20  }
0x597: {  	v23 =	vand.u32 $0x7F, v32;
	v17 =	vor.u32 v7, v49;
	v18 =	vadd.s32 v48, v18;
	v21 =	vld.idx.msk [tilespmem:v22+s30+$0x0], $0xffff  }
0x598: {  	v60 =	vor.u32 v7, v52;
	v17 =	vadd.s32 v46, v17;
	v18 =	vor.u32 v23, v18  }
0x599: {  	v23 =	vadd.s32 v48, v61;
	v20 =	vand.u32 $0x7F, v53;
	v22 =	vadd.s32 v46, v60  }
0x59a: {  	v20 =	vor.u32 v20, v23  }
0x59b: {  	v19 =	vmul.f32 $8.000000000e+00, v19  }
0x59c: {  	v21 =	vmul.f32 $8.000000000e+00, v21  }
0x59d: {  	v62 =	vadd.s32 v41, v50;
	v32 =	vadd.s32 v41, v51;
	[tilespmem:v17+s7+$0x0] =	vst.idx.msk $0xffff, v19  }
0x59e: {  	v53 =	vor.u32 v6, v52;
	v23 =	vand.u32 $0xFFFFFF80, v62;
	v18 =	vld.idx.msk [tilespmem:v18+s30+$0x0], $0xffff;
	[tilespmem:v22+s7+$0x0] =	vst.idx.msk $0xffff, v21  }
0x59f: {  	v60 =	vand.u32 $0xFFFFFF80, v32;
	v63 =	vadd.s32 v48, v23;
	v17 =	vor.u32 v6, v49;
	v20 =	vld.idx.msk [tilespmem:v20+s30+$0x0], $0xffff  }
0x5a0: {  	v23 =	vadd.s32 v48, v60;
	v19 =	vand.u32 $0x7F, v62;
	v17 =	vadd.s32 v46, v17  }
0x5a1: {  	v19 =	vor.u32 v19, v63;
	v22 =	vand.u32 $0x7F, v32;
	v21 =	vadd.s32 v46, v53  }
0x5a2: {  	v22 =	vor.u32 v22, v23  }
0x5a3: {  	v18 =	vmul.f32 $8.000000000e+00, v18  }
0x5a4: {  	v20 =	vmul.f32 $8.000000000e+00, v20  }
0x5a5: {  	v61 =	vadd.s32 v42, v50;
	v63 =	vadd.s32 v42, v51;
	[tilespmem:v17+s7+$0x0] =	vst.idx.msk $0xffff, v18  }
0x5a6: {  	v24 =	vmul.f32 $8.000000000e+00, v58;
	v32 =	vor.u32 v5, v52;
	v23 =	vand.u32 $0xFFFFFF80, v61;
	v19 =	vld.idx.msk [tilespmem:v19+s30+$0x0], $0xffff;
	[tilespmem:v21+s7+$0x0] =	vst.idx.msk $0xffff, v20  }
0x5a7: {  	v53 =	vand.u32 $0xFFFFFF80, v63;
	v62 =	vadd.s32 v48, v23;
	v17 =	vor.u32 v5, v49;
	v22 =	vld.idx.msk [tilespmem:v22+s30+$0x0], $0xffff  }
0x5a8: {  	v23 =	vadd.s32 v48, v53;
	v18 =	vand.u32 $0x7F, v61;
	v17 =	vadd.s32 v46, v17  }
0x5a9: {  	v18 =	vor.u32 v18, v62;
	v21 =	vand.u32 $0x7F, v63;
	v20 =	vadd.s32 v46, v32  }
0x5aa: {  	v31 =	vor.u32 v4, v47;
	v58 =	vand.u32 $0x7F, v59;
	v21 =	vor.u32 v21, v23  }
0x5ab: {  	[tilespmem:v57+s7+$0x0] =	vst.idx.msk $0xffff, v24;
	v24 =	vadd.s32 v46, v31;
	v32 =	vand.u32 $0xFFFFFF80, v59;
	v19 =	vmul.f32 $8.000000000e+00, v19  }
0x5ac: {  	v53 =	vor.u32 v3, v47;
	v31 =	vadd.s32 v48, v32;
	v22 =	vmul.f32 $8.000000000e+00, v22  }
0x5ad: {  	v59 =	vld.idx.msk [tilespmem:v56+s30+$0x0], $0xffff;
	v23 =	vor.u32 v58, v31;
	v31 =	vadd.s32 v45, v50;
	[tilespmem:v17+s7+$0x0] =	vst.idx.msk $0xffff, v19  }
0x5ae: {  	v61 =	vadd.s32 v45, v51;
	v19 =	vand.u32 $0x7F, v31;
	v31 =	vand.u32 $0xFFFFFF80, v31;
	v18 =	vld.idx.msk [tilespmem:v18+s30+$0x0], $0xffff;
	[tilespmem:v20+s7+$0x0] =	vst.idx.msk $0xffff, v22  }
0x5af: {  	v62 =	vor.u32 v4, v52;
	v17 =	vor.u32 v4, v49;
	v60 =	vadd.s32 v48, v31;
	v21 =	vld.idx.msk [tilespmem:v21+s30+$0x0], $0xffff  }
0x5b0: {  	v17 =	vadd.s32 v46, v17;
	v31 =	vand.u32 $0xFFFFFF80, v61;
	v19 =	vor.u32 v19, v60  }
0x5b1: {  	v31 =	vadd.s32 v48, v31;
	v22 =	vand.u32 $0x7F, v61;
	v20 =	vadd.s32 v46, v62  }
0x5b2: {  	v56 =	vadd.s32 v43, v50;
	v32 =	vmul.f32 $8.000000000e+00, v59;
	v22 =	vor.u32 v22, v31  }
0x5b3: {  	v58 =	vadd.s32 v43, v51;
	v59 =	vor.u32 v3, v52;
	v18 =	vmul.f32 $8.000000000e+00, v18  }
0x5b4: {  	[tilespmem:v24+s7+$0x0] =	vst.idx.msk $0xffff, v32;
	v24 =	vadd.s32 v46, v53;
	v32 =	vand.u32 $0xFFFFFF80, v56;
	v21 =	vmul.f32 $8.000000000e+00, v21  }
0x5b5: {  	v60 =	vand.u32 $0xFFFFFF80, v58;
	v23 =	vld.idx.msk [tilespmem:v23+s30+$0x0], $0xffff;
	v57 =	vadd.s32 v48, v32;
	[tilespmem:v17+s7+$0x0] =	vst.idx.msk $0xffff, v18  }
0x5b6: {  	v63 =	vand.u32 $0xFFFFFF80, v55;
	v32 =	vadd.s32 v48, v60;
	v61 =	vand.u32 $0x7F, v54;
	v19 =	vld.idx.msk [tilespmem:v19+s30+$0x0], $0xffff;
	[tilespmem:v20+s7+$0x0] =	vst.idx.msk $0xffff, v21  }
0x5b7: {  	v31 =	vand.u32 $0x7F, v55;
	v55 =	vadd.s32 v48, v63;
	v17 =	vor.u32 v3, v49;
	v22 =	vld.idx.msk [tilespmem:v22+s30+$0x0], $0xffff  }
0x5b8: {  	v31 =	vor.u32 v31, v55;
	v18 =	vand.u32 $0x7F, v56;
	v17 =	vadd.s32 v46, v17  }
0x5b9: {  	v18 =	vor.u32 v18, v57;
	v21 =	vand.u32 $0x7F, v58;
	v20 =	vadd.s32 v46, v59  }
0x5ba: {  	v62 =	vor.u32 v2, v47;
	v23 =	vmul.f32 $8.000000000e+00, v23;
	v21 =	vor.u32 v21, v32  }
0x5bb: {  	v60 =	vor.u32 v2, v52;
	v63 =	vand.u32 $0xFFFFFF80, v54;
	v19 =	vmul.f32 $8.000000000e+00, v19  }
0x5bc: {  	v56 =	vadd.s32 v46, v62;
	[tilespmem:v24+s7+$0x0] =	vst.idx.msk $0xffff, v23;
	v24 =	vadd.s32 v48, v63;
	v22 =	vmul.f32 $8.000000000e+00, v22  }
0x5bd: {  	v57 =	vadd.s32 v44, v50;
	v31 =	vld.idx.msk [tilespmem:v31+s30+$0x0], $0xffff;
	v24 =	vor.u32 v61, v24;
	[tilespmem:v17+s7+$0x0] =	vst.idx.msk $0xffff, v19  }
0x5be: {  	v59 =	vadd.s32 v44, v51;
	v32 =	vand.u32 $0xFFFFFF80, v57;
	v18 =	vld.idx.msk [tilespmem:v18+s30+$0x0], $0xffff;
	[tilespmem:v20+s7+$0x0] =	vst.idx.msk $0xffff, v22  }
0x5bf: {  	v61 =	vand.u32 $0xFFFFFF80, v59;
	v58 =	vadd.s32 v48, v32;
	v19 =	vor.u32 v2, v49;
	v21 =	vld.idx.msk [tilespmem:v21+s30+$0x0], $0xffff  }
0x5c0: {  	v32 =	vadd.s32 v48, v61;
	v17 =	vand.u32 $0x7F, v57;
	v19 =	vadd.s32 v46, v19  }
0x5c1: {  	v17 =	vor.u32 v17, v58;
	v22 =	vand.u32 $0x7F, v59;
	v20 =	vadd.s32 v46, v60  }
0x5c2: {  	v31 =	vmul.f32 $8.000000000e+00, v31;
	v22 =	vor.u32 v22, v32  }
0x5c3: {  	v18 =	vmul.f32 $8.000000000e+00, v18  }
0x5c4: {  	[tilespmem:v56+s7+$0x0] =	vst.idx.msk $0xffff, v31;
	v21 =	vmul.f32 $8.000000000e+00, v21  }
0x5c5: {  	v23 =	vld.idx.msk [tilespmem:v24+s30+$0x0], $0xffff;
	[tilespmem:v19+s7+$0x0] =	vst.idx.msk $0xffff, v18  }
0x5c6: {  	v18 =	vor.u32 v1, v47;
	v17 =	vld.idx.msk [tilespmem:v17+s30+$0x0], $0xffff;
	[tilespmem:v20+s7+$0x0] =	vst.idx.msk $0xffff, v21  }
0x5c7: {  	v19 =	vor.u32 v1, v49;
	v18 =	vadd.s32 v46, v18;
	v20 =	vld.idx.msk [tilespmem:v22+s30+$0x0], $0xffff  }
0x5c8: {  	s25 =	sadd.s32 $0x1, s25;
	v62 =	vor.u32 v1, v52;
	v19 =	vadd.s32 v46, v19  }
0x5c9: {  	p1 =	sne.s32 s25, $0x8;
	v21 =	vadd.s32 v46, v62  }
.Ltmp17:
0x5ca: {  	v63 =	vmul.f32 $8.000000000e+00, v23;
	(pc) =	sbr.rel @p1 .LBB2_27-.Ltmp17, $4  }
0x5cb: {  	v17 =	vmul.f32 $8.000000000e+00, v17  }
0x5cc: {  	[tilespmem:v18+s7+$0x0] =	vst.idx.msk $0xffff, v63;
	v18 =	vmul.f32 $8.000000000e+00, v20  }
0x5cd: {  	[tilespmem:v19+s7+$0x0] =	vst.idx.msk $0xffff, v17  }
0x5ce: {  	[tilespmem:v21+s7+$0x0] =	vst.idx.msk $0xffff, v18  }
.Ltmp18:
0x5cf: {  	(pc) =	sbr.rel @p0 .LBB2_32-.Ltmp18, $3  }
0x5d0: {  	_ =	sdelay $0x1  }
0x5d1: {  	s10 =	sadd.s32 $0x180, s22  }
0x5d2: {  	[hbm4b:s10+s14] =	stream.strided.scatter [tilespmem:s7], [sflag:$0xC], $0x2000, s0, s14, $0x38;
	[tilespmem:$0x1A200] =	vst v63  }
0x5d3: {  	s10 =	sadd.s32 $0x4, s19  }
0x5d4: {  	s17 =	sand.u32 $0x380, s10  }
0x5d5: {  	p0 =	slt.u32 s19, $0x7C;
	p1 =	sne.s32 s17, $0x0  }
0x5d6: {  	p0 =	por !p0, !p1  }
0x5d7: {  	_ =	swait.ge [sflag:s28], $0x400;
	s17 =	simm.s32 $0x1;
	p0 =	por !p0, !p0  }
0x5d8: {  	s29 =	sshrl.u32 s10, $0xA;
	v23 =	vld [tilespmem:$0x1FFA0];
	s17 =	simm.s32 @!p0 $0x0  }
.Ltmp19:
0x5d9: {  	v21 =	vld [tilespmem:$0x1FFB0];
	s17 =	ssub.s32 s17, s29;
	(pc) =	sbr.rel .LBB2_2-.Ltmp19, $4  }
0x5da: {  	v22 =	vld [tilespmem:$0x1FFC0];
	s17 =	sshll.u32 s17, $0xC  }
0x5db: {  	s10 =	sand.u32 $0x7FFFFF80, s10;
	v24 =	vld [tilespmem:$0x1FFD0];
	s17 =	sshra.s32 s17, $0x2  }
0x5dc: {  	[sflag:s28] =	ssyncset.done $0x0;
	v31 =	vld [tilespmem:$0x1FFE0];
	s10 =	sadd.s32 s10, s17  }
0x5dd: {  	v32 =	vld [tilespmem:$0x1FFF0];
	[sflag:s28] =	ssyncadd.s32 $0xFFFFFC00;
	s10 =	sadd.s32 $0xC00, s10  }
.LBB2_33:
0x5de: {  	_ =	sfence.sel $0x180000  }
0x5df: {  	[bflag:$0x0] =	sbarrier.arrive $0xFFFF  }
0x5e0: {  	_ =	strace $0x90000047  }
0x5e1: {  	s0 =	stileid.u32;
	[bflag:$0x2] =	sbarrier.arrive $0xFFFF  }
0x5e2: {  	p0 =	sne.s32 s0, $0x0;
	s0 =	rddreg [dreg:$0x3]  }
0x5e3: {  	s0 =	sadd.s32 @!p0 $0x100000, s0  }
0x5e4: {  	[sflag:s0] =	ssyncadd.tile.s32 @!p0 $0x1;
	_ =	shalt  }
.Lfunc_end2:
_tile_overlayer_lowered:
.L_overlay_start_2:
0x5e5: {  	(tag) =	ssettag $0x2  }
0x5e6: {  	s0 =	rddreg [dreg:$0x0];
	s2 =	stileid.u32  }
0x5e7: {  	s1 =	rddreg [dreg:$0x1];
	p0 =	sne.s32 s2, $0x0  }
0x5e8: {  	s3 =	rddreg [dreg:$0x2];
	[bflag:$0x3] =	sbarrier.arrive $0xFFFF;
	s2 =	simm.s32 @!p0 $0x1C0D  }
0x5e9: {  	[timem:s3], [sflag:s2] =	dma.local @!p0 [hbm:s0], s1  }
0x5ea: {  	s0 =	simm.s32 @!p0 $0xD  }
0x5eb: {  	_ =	swait.ge @!p0 [sflag:s0], s1  }
0x5ec: {  	s1 =	ssub.s32 @!p0 $0x0, s1;
	[sflag:s0] =	ssyncset.done @!p0 $0x0  }
0x5ed: {  	[sflag:s0] =	ssyncadd.s32 @!p0 s1  }
0x5ee: {  	[bflag:$0x3] =	sbarrier.arrive $0xFFFF  }
0x5ef: {  	_ =	shalt  }

</sc_bundles>
